<compile_context>
chip_gen: v7x
topology: tpu7x:2x2x1
jax: 0.10.2.dev20260603
libtpu: 0.0.44.dev20260713+nightly
codegen_flags: <defaults>
</compile_context>

<pallas_src>
import jax
import jax.numpy as jnp
from jax import lax
from jax.experimental import pallas as pl
from jax.experimental.pallas import tpu as pltpu
from jax.experimental.pallas import tpu_sc as plsc

N_NODES = 10000
N_EDGES = 320000
D = 128
HID = 128

NC, NS, NL = 2, 16, 16
NW = NC * NS
EPW = N_EDGES // NW
K = 80
STEPS = EPW // K
NBUF = 3
UNROLL = 2


def _tab_body(hs_ref, hd_ref, rel_ref, w1_ref, b1_ref,
              ag_ref, bg_ref, sd_ref, hdt_ref):
    w1a = w1_ref[0:D, :]
    w1b = w1_ref[D:2 * D, :]
    w1c = w1_ref[2 * D:3 * D, :]
    rel = rel_ref[:]
    c = jnp.dot(rel, w1c, preferred_element_type=jnp.float32) + b1_ref[:]
    hs = hs_ref[:]
    hd = hd_ref[:]
    ag_ref[:] = jnp.dot(hs, w1a, preferred_element_type=jnp.float32) + c
    bg_ref[:] = jnp.dot(hd, w1b, preferred_element_type=jnp.float32)
    sd_ref[:] = hs * rel
    hdt_ref[:] = hd


def _build_tables(h_src, h_dst, rel2d, W1, b1_2d):
    blk = 1000
    grid = (N_NODES // blk,)
    return pl.pallas_call(
        _tab_body,
        grid=grid,
        in_specs=[
            pl.BlockSpec((blk, D), lambda i: (i, 0)),
            pl.BlockSpec((blk, D), lambda i: (i, 0)),
            pl.BlockSpec((1, D), lambda i: (0, 0)),
            pl.BlockSpec((3 * D, D), lambda i: (0, 0)),
            pl.BlockSpec((1, D), lambda i: (0, 0)),
        ],
        out_specs=[pl.BlockSpec((blk, D), lambda i: (i, 0))] * 4,
        out_shape=[jax.ShapeDtypeStruct((N_NODES, D), jnp.float32)] * 4,
    )(h_src, h_dst, rel2d, W1, b1_2d)


def _edge_body(src_idx_hbm, dst_idx_hbm, ag_hbm, bg_hbm, sd_hbm, hd_hbm,
               w2_hbm, b2_hbm, out_hbm, sidx, didx, zbuf, ubuf, vbuf,
               w2v, b2v, obuf,
               semp0, semp1, semp2, sema0, sema1, sema2,
               osem0, osem1, osem2):
    wid = lax.axis_index("s") * NC + lax.axis_index("c")
    base = wid * EPW
    semp = (semp0, semp1, semp2)
    sema = (sema0, sema1, sema2)
    osems = (osem0, osem1, osem2)

    pltpu.sync_copy(w2_hbm, w2v)
    pltpu.sync_copy(b2_hbm, b2v)
    pltpu.sync_copy(src_idx_hbm.at[pl.ds(base, EPW)], sidx)
    pltpu.sync_copy(dst_idx_hbm.at[pl.ds(base, EPW)], didx)

    w2r = [w2v[pl.ds(NL * k, NL)] for k in range(HID // NL)]
    b2r = b2v[...]
    iota = lax.iota(jnp.int32, NL)
    zero = jnp.zeros((NL,), jnp.float32)
    lo8 = iota < 8
    ix8, ix4, ix2, ix1 = iota ^ 8, iota ^ 4, iota ^ 2, iota ^ 1
    ior8, iand7 = iota | 8, iota & 7

    def plain_issue(s, b):
        i = pl.ds(s * K, K)
        pltpu.async_copy(ag_hbm.at[sidx.at[i]], zbuf.at[b], semp[b])
        pltpu.async_copy(sd_hbm.at[sidx.at[i]], ubuf.at[b], semp[b])
        pltpu.async_copy(hd_hbm.at[didx.at[i]], vbuf.at[b], semp[b])

    def plain_wait(b):
        i = pl.ds(0, K)
        pltpu.make_async_copy(ag_hbm.at[sidx.at[i]], zbuf.at[b],
                              semp[b]).wait()
        pltpu.make_async_copy(sd_hbm.at[sidx.at[i]], ubuf.at[b],
                              semp[b]).wait()
        pltpu.make_async_copy(hd_hbm.at[didx.at[i]], vbuf.at[b],
                              semp[b]).wait()

    def add_issue(s, b):
        pltpu.async_copy(bg_hbm.at[didx.at[pl.ds(s * K, K)]], zbuf.at[b],
                         sema[b], add=True)

    def add_wait(b):
        pltpu.make_async_copy(bg_hbm.at[didx.at[pl.ds(0, K)]], zbuf.at[b],
                              sema[b]).wait()

    def _perm(v, idx):
        return v.at[idx].get(mode="promise_in_bounds")

    def hsum_joint(acc_g, acc_p):
        t = jnp.where(lo8, acc_g + _perm(acc_g, ix8),
                      acc_p + _perm(acc_p, ix8))
        t = t + _perm(t, ix4)
        t = t + _perm(t, ix2)
        t = t + _perm(t, ix1)
        return _perm(t, iand7), _perm(t, ior8)

    def edge_work(b, jj):
        acc_g = None
        acc_p = None
        for k in range(D // NL):
            z = zbuf[b, jj, pl.ds(NL * k, NL)]
            u = ubuf[b, jj, pl.ds(NL * k, NL)]
            v = vbuf[b, jj, pl.ds(NL * k, NL)]
            lh = jnp.maximum(z, 0.2 * z)
            gterm = lh * w2r[k]
            pterm = u * v
            acc_g = gterm if acc_g is None else acc_g + gterm
            acc_p = pterm if acc_p is None else acc_p + pterm
        return hsum_joint(acc_g, acc_p)

    def compute(s, b):
        eb = base + s * K

        @pl.when(s >= NBUF)
        def _():
            pltpu.make_async_copy(obuf.at[b], out_hbm.at[pl.ds(base, K)],
                                  osems[b]).wait()

        def group(g, _):
            def edge2(j2, carry):
                gvec, pvec = carry
                for u in range(UNROLL):
                    j = j2 * UNROLL + u
                    gs, ps = edge_work(b, g * NL + j)
                    m = iota == j
                    gvec = jnp.where(m, gs, gvec)
                    pvec = jnp.where(m, ps, pvec)
                return gvec, pvec

            gvec, pvec = lax.fori_loop(0, NL // UNROLL, edge2, (zero, zero))
            gate = 1.0 / (1.0 + jnp.exp(-(gvec + b2r)))
            obuf[b, pl.ds(g * NL, NL)] = gate * pvec
            return 0

        lax.fori_loop(0, K // NL, group, 0)
        pltpu.async_copy(obuf.at[b], out_hbm.at[pl.ds(eb, K)], osems[b])

    plain_issue(0, 0)
    plain_issue(1, 1)
    plain_wait(0)
    add_issue(0, 0)

    def triple(s3, _):
        for db in range(NBUF):
            s = NBUF * s3 + db
            b1 = (db + 1) % NBUF
            b2 = (db + 2) % NBUF
            plain_wait(b1)
            add_issue(s + 1, b1)
            plain_issue(s + 2, b2)
            add_wait(db)
            compute(s, db)
        return 0

    lax.fori_loop(0, (STEPS - 2) // NBUF, triple, 0)

    s = STEPS - 2
    plain_wait(1)
    add_issue(s + 1, 1)
    add_wait(0)
    compute(s, 0)
    add_wait(1)
    compute(s + 1, 1)

    for ob in (2, 0, 1):
        pltpu.make_async_copy(obuf.at[ob], out_hbm.at[pl.ds(base, K)],
                              osems[ob]).wait()


def _edge_kernel(src_idx, dst_idx, ag, bg, sd, hd, w2, b2vec):
    mesh = plsc.VectorSubcoreMesh(core_axis_name="c", subcore_axis_name="s")
    return pl.kernel(
        _edge_body,
        out_type=jax.ShapeDtypeStruct((N_EDGES,), jnp.float32),
        mesh=mesh,
        scratch_types=[
            pltpu.VMEM((EPW,), jnp.int32),
            pltpu.VMEM((EPW,), jnp.int32),
            pltpu.VMEM((NBUF, K, D), jnp.float32),
            pltpu.VMEM((NBUF, K, D), jnp.float32),
            pltpu.VMEM((NBUF, K, D), jnp.float32),
            pltpu.VMEM((HID,), jnp.float32),
            pltpu.VMEM((NL,), jnp.float32),
            pltpu.VMEM((NBUF, K), jnp.float32),
        ] + [pltpu.SemaphoreType.DMA] * 9,
    )(src_idx, dst_idx, ag, bg, sd, hd, w2, b2vec)


def kernel(edge_index, h_src, h_dst, rel_weight, W1, b1, W2, b2):
    src_idx = edge_index[0].astype(jnp.int32)
    dst_idx = edge_index[1].astype(jnp.int32)
    rel2d = rel_weight.reshape(1, D)
    b1_2d = b1.reshape(1, D)
    ag, bg, sd, hd = _build_tables(h_src, h_dst, rel2d, W1, b1_2d)
    w2 = W2.reshape(HID)
    b2vec = jnp.broadcast_to(b2.reshape(()), (NL,))
    return _edge_kernel(src_idx, dst_idx, ag, bg, sd, hd, w2, b2vec)

# --- scband reference (transcript-rebuilt; emitter-appended) ---
"""Pipeline reference for scband-enhanced-predictor-50483045597789 (READ-ONLY COPY).

The authoritative reference and input builder live on the scoring server;
editing this copy changes nothing except your own understanding.
"""

import jax, jax.numpy as jnp
import numpy as np

N_NODES = 10000
N_EDGES = 320000
D = 128
HID = 128

def setup_inputs(seed: int = 0) -> dict:
    key = jax.random.key(seed)
    ks = jax.random.split(key, 8)
    edge_index = jax.random.randint(ks[0], (2, N_EDGES), 0, N_NODES)
    h_src = jax.random.normal(ks[1], (N_NODES, D), dtype=jnp.float32)
    h_dst = jax.random.normal(ks[2], (N_NODES, D), dtype=jnp.float32)
    rel_weight = jax.random.normal(ks[3], (D,), dtype=jnp.float32) * (1.0 / np.sqrt(D))
    W1 = jax.random.normal(ks[4], (3 * D, HID), dtype=jnp.float32) * (1.0 / np.sqrt(3 * D))
    b1 = jnp.zeros((HID,), dtype=jnp.float32)
    W2 = jax.random.normal(ks[5], (HID, 1), dtype=jnp.float32) * (1.0 / np.sqrt(HID))
    b2 = jnp.zeros((1,), dtype=jnp.float32)
    return {"edge_index": edge_index, "h_src": h_src, "h_dst": h_dst,
            "rel_weight": rel_weight, "W1": W1, "b1": b1, "W2": W2, "b2": b2}

def reference(edge_index, h_src, h_dst, rel_weight, W1, b1, W2, b2):
    # gather source / destination node features per edge
    src_features = jnp.take(h_src, edge_index[0], axis=0)   # [E, D]
    dst_features = jnp.take(h_dst, edge_index[1], axis=0)   # [E, D]
    rel = jnp.broadcast_to(rel_weight, src_features.shape)  # [E, D]
    interaction = jnp.concatenate([src_features, dst_features, rel], axis=-1)  # [E, 3D]
    # gate MLP: Linear(3D,128) -> LeakyReLU(0.2) -> (Dropout eval=identity) -> Linear(128,1) -> Sigmoid
    h = interaction @ W1 + b1
    h = jnp.where(h >= 0, h, 0.2 * h)
    gate_value = jax.nn.sigmoid(h @ W2 + b2)  # [E, 1]
    out = (gate_value * (src_features * dst_features * rel_weight)).sum(axis=-1)  # [E]
    return out

if __name__ == "__main__":
    import jax
    _d = setup_inputs()
    print(jax.jit(kernel)(*tuple(_d.values())))

</pallas_src>

<mosaic_0001>
#map = affine_map<(d0, d1) -> (0)>
#map1 = affine_map<(d0, d1) -> (0, 0)>
module attributes {stable_mosaic.version = 14 : i64} {
  func.func @_edge_body(%arg0: i32, %arg1: i32, %arg2: memref<320000xi32, #tpu.memory_space<hbm>>, %arg3: memref<320000xi32, #tpu.memory_space<hbm>>, %arg4: memref<10000x128xf32, #tpu.memory_space<hbm>>, %arg5: memref<10000x128xf32, #tpu.memory_space<hbm>>, %arg6: memref<10000x128xf32, #tpu.memory_space<hbm>>, %arg7: memref<10000x128xf32, #tpu.memory_space<hbm>>, %arg8: memref<128xf32, #tpu.memory_space<hbm>>, %arg9: memref<16xf32, #tpu.memory_space<hbm>>, %arg10: memref<320000xf32, #tpu.memory_space<hbm>>, %arg11: memref<10000xi32, #tpu.memory_space<vmem>>, %arg12: memref<10000xi32, #tpu.memory_space<vmem>>, %arg13: memref<3x80x128xf32, #tpu.memory_space<vmem>>, %arg14: memref<3x80x128xf32, #tpu.memory_space<vmem>>, %arg15: memref<3x80x128xf32, #tpu.memory_space<vmem>>, %arg16: memref<128xf32, #tpu.memory_space<vmem>>, %arg17: memref<16xf32, #tpu.memory_space<vmem>>, %arg18: memref<3x80xf32, #tpu.memory_space<vmem>>, %arg19: memref<!tpu.dma_semaphore, #tpu.memory_space<semaphore_mem>>, %arg20: memref<!tpu.dma_semaphore, #tpu.memory_space<semaphore_mem>>, %arg21: memref<!tpu.dma_semaphore, #tpu.memory_space<semaphore_mem>>, %arg22: memref<!tpu.dma_semaphore, #tpu.memory_space<semaphore_mem>>, %arg23: memref<!tpu.dma_semaphore, #tpu.memory_space<semaphore_mem>>, %arg24: memref<!tpu.dma_semaphore, #tpu.memory_space<semaphore_mem>>, %arg25: memref<!tpu.dma_semaphore, #tpu.memory_space<semaphore_mem>>, %arg26: memref<!tpu.dma_semaphore, #tpu.memory_space<semaphore_mem>>, %arg27: memref<!tpu.dma_semaphore, #tpu.memory_space<semaphore_mem>>) attributes {dimension_semantics = [#tpu.dimension_semantics<core_parallel>, #tpu.dimension_semantics<subcore_parallel>], iteration_bounds = array<i64: 2, 16>, scalar_prefetch = 0 : i64, scratch_operands = 17 : i64, tpu.core_type = #tpu.core_type<sc_vector_subcore>, window_params = [{transform_indices = #map}, {transform_indices = #map}, {transform_indices = #map1}, {transform_indices = #map1}, {transform_indices = #map1}, {transform_indices = #map1}, {transform_indices = #map}, {transform_indices = #map}, {transform_indices = #map}]} {
    %mul3A = arith.constant 2 : i32
    %mul3A_0 = arith.muli %arg1, %mul3A : i32
    %add3A = arith.addi %mul3A_0, %arg0 : i32
    %mul3A_1 = arith.constant 10000 : i32
    %mul3A_2 = arith.muli %add3A, %mul3A_1 : i32
    "tpu.region"() ({
      %run_scoped3A = tpu.sem_alloc : memref<!tpu.dma_semaphore, #tpu.memory_space<semaphore_mem>>
      tpu.enqueue_dma source(%arg8 : memref<128xf32, #tpu.memory_space<hbm>>) target(%arg16 : memref<128xf32, #tpu.memory_space<vmem>>) target_semaphore(%run_scoped3A : memref<!tpu.dma_semaphore, #tpu.memory_space<semaphore_mem>>)
      tpu.wait_dma2 semaphore(%run_scoped3A : memref<!tpu.dma_semaphore, #tpu.memory_space<semaphore_mem>>) src(%arg8 : memref<128xf32, #tpu.memory_space<hbm>>) dst(%arg16 : memref<128xf32, #tpu.memory_space<vmem>>)
      tpu.yield
    }) : () -> ()
    "tpu.region"() ({
      %run_scoped3A = tpu.sem_alloc : memref<!tpu.dma_semaphore, #tpu.memory_space<semaphore_mem>>
      tpu.enqueue_dma source(%arg9 : memref<16xf32, #tpu.memory_space<hbm>>) target(%arg17 : memref<16xf32, #tpu.memory_space<vmem>>) target_semaphore(%run_scoped3A : memref<!tpu.dma_semaphore, #tpu.memory_space<semaphore_mem>>)
      tpu.wait_dma2 semaphore(%run_scoped3A : memref<!tpu.dma_semaphore, #tpu.memory_space<semaphore_mem>>) src(%arg9 : memref<16xf32, #tpu.memory_space<hbm>>) dst(%arg17 : memref<16xf32, #tpu.memory_space<vmem>>)
      tpu.yield
    }) : () -> ()
    "tpu.region"() ({
      %run_scoped3A = tpu.sem_alloc : memref<!tpu.dma_semaphore, #tpu.memory_space<semaphore_mem>>
      %dma_start3A_292 = tpu.memref_slice %arg2[%mul3A_2] : memref<320000xi32, #tpu.memory_space<hbm>> -> memref<10000xi32, #tpu.memory_space<hbm>>
      %dma_start3A_293 = tpu.memref_slice %arg2[%mul3A_2] : memref<320000xi32, #tpu.memory_space<hbm>> -> memref<10000xi32, #tpu.memory_space<hbm>>
      tpu.enqueue_dma source(%dma_start3A_293 : memref<10000xi32, #tpu.memory_space<hbm>>) target(%arg11 : memref<10000xi32, #tpu.memory_space<vmem>>) target_semaphore(%run_scoped3A : memref<!tpu.dma_semaphore, #tpu.memory_space<semaphore_mem>>)
      %dma_wait3A_294 = tpu.memref_slice %arg2[%mul3A_2] : memref<320000xi32, #tpu.memory_space<hbm>> -> memref<10000xi32, #tpu.memory_space<hbm>>
      %dma_wait3A_295 = tpu.memref_slice %arg2[%mul3A_2] : memref<320000xi32, #tpu.memory_space<hbm>> -> memref<10000xi32, #tpu.memory_space<hbm>>
      tpu.wait_dma2 semaphore(%run_scoped3A : memref<!tpu.dma_semaphore, #tpu.memory_space<semaphore_mem>>) src(%dma_wait3A_295 : memref<10000xi32, #tpu.memory_space<hbm>>) dst(%arg11 : memref<10000xi32, #tpu.memory_space<vmem>>)
      tpu.yield
    }) : () -> ()
    "tpu.region"() ({
      %run_scoped3A = tpu.sem_alloc : memref<!tpu.dma_semaphore, #tpu.memory_space<semaphore_mem>>
      %dma_start3A_292 = tpu.memref_slice %arg3[%mul3A_2] : memref<320000xi32, #tpu.memory_space<hbm>> -> memref<10000xi32, #tpu.memory_space<hbm>>
      %dma_start3A_293 = tpu.memref_slice %arg3[%mul3A_2] : memref<320000xi32, #tpu.memory_space<hbm>> -> memref<10000xi32, #tpu.memory_space<hbm>>
      tpu.enqueue_dma source(%dma_start3A_293 : memref<10000xi32, #tpu.memory_space<hbm>>) target(%arg12 : memref<10000xi32, #tpu.memory_space<vmem>>) target_semaphore(%run_scoped3A : memref<!tpu.dma_semaphore, #tpu.memory_space<semaphore_mem>>)
      %dma_wait3A_294 = tpu.memref_slice %arg3[%mul3A_2] : memref<320000xi32, #tpu.memory_space<hbm>> -> memref<10000xi32, #tpu.memory_space<hbm>>
      %dma_wait3A_295 = tpu.memref_slice %arg3[%mul3A_2] : memref<320000xi32, #tpu.memory_space<hbm>> -> memref<10000xi32, #tpu.memory_space<hbm>>
      tpu.wait_dma2 semaphore(%run_scoped3A : memref<!tpu.dma_semaphore, #tpu.memory_space<semaphore_mem>>) src(%dma_wait3A_295 : memref<10000xi32, #tpu.memory_space<hbm>>) dst(%arg12 : memref<10000xi32, #tpu.memory_space<vmem>>)
      tpu.yield
    }) : () -> ()
    %get3A = arith.constant 0 : index
    %get3A_3 = tpu.vector_load %arg16[%get3A] {strides = array<i32>} : memref<128xf32, #tpu.memory_space<vmem>>, vector<16xf32>,
    %get3A_4 = vector.shape_cast %get3A_3 : vector<16xf32> to vector<16xf32>
    %get3A_5 = arith.constant 16 : index
    %get3A_6 = tpu.vector_load %arg16[%get3A_5] {strides = array<i32>} : memref<128xf32, #tpu.memory_space<vmem>>, vector<16xf32>,
    %get3A_7 = vector.shape_cast %get3A_6 : vector<16xf32> to vector<16xf32>
    %get3A_8 = arith.constant 32 : index
    %get3A_9 = tpu.vector_load %arg16[%get3A_8] {strides = array<i32>} : memref<128xf32, #tpu.memory_space<vmem>>, vector<16xf32>,
    %get3A_10 = vector.shape_cast %get3A_9 : vector<16xf32> to vector<16xf32>
    %get3A_11 = arith.constant 48 : index
    %get3A_12 = tpu.vector_load %arg16[%get3A_11] {strides = array<i32>} : memref<128xf32, #tpu.memory_space<vmem>>, vector<16xf32>,
    %get3A_13 = vector.shape_cast %get3A_12 : vector<16xf32> to vector<16xf32>
    %get3A_14 = arith.constant 64 : index
    %get3A_15 = tpu.vector_load %arg16[%get3A_14] {strides = array<i32>} : memref<128xf32, #tpu.memory_space<vmem>>, vector<16xf32>,
    %get3A_16 = vector.shape_cast %get3A_15 : vector<16xf32> to vector<16xf32>
    %get3A_17 = arith.constant 80 : index
    %get3A_18 = tpu.vector_load %arg16[%get3A_17] {strides = array<i32>} : memref<128xf32, #tpu.memory_space<vmem>>, vector<16xf32>,
    %get3A_19 = vector.shape_cast %get3A_18 : vector<16xf32> to vector<16xf32>
    %get3A_20 = arith.constant 96 : index
    %get3A_21 = tpu.vector_load %arg16[%get3A_20] {strides = array<i32>} : memref<128xf32, #tpu.memory_space<vmem>>, vector<16xf32>,
    %get3A_22 = vector.shape_cast %get3A_21 : vector<16xf32> to vector<16xf32>
    %get3A_23 = arith.constant 112 : index
    %get3A_24 = tpu.vector_load %arg16[%get3A_23] {strides = array<i32>} : memref<128xf32, #tpu.memory_space<vmem>>, vector<16xf32>,
    %get3A_25 = vector.shape_cast %get3A_24 : vector<16xf32> to vector<16xf32>
    %get3A_26 = arith.constant 0 : index
    %get3A_27 = tpu.vector_load %arg17[%get3A_26] {strides = array<i32>} : memref<16xf32, #tpu.memory_space<vmem>>, vector<16xf32>,
    %get3A_28 = vector.shape_cast %get3A_27 : vector<16xf32> to vector<16xf32>
    %iota3A = tpu.iota {dimensions = array<i32: 0>} : vector<16xi32>
    %broadcast_in_dim3A = arith.constant 0.000000e+00 : f32
    %broadcast_in_dim3A_29 = vector.broadcast %broadcast_in_dim3A : f32 to vector<16xf32>
    %lt3A = arith.constant 8 : i32
    %lt3A_30 = vector.broadcast %lt3A : i32 to vector<16xi32>
    %lt3A_31 = arith.cmpi slt, %iota3A, %lt3A_30 : vector<16xi32>
    %xor3A = arith.constant 8 : i32
    %xor3A_32 = vector.broadcast %xor3A : i32 to vector<16xi32>
    %xor3A_33 = arith.xori %iota3A, %xor3A_32 : vector<16xi32>
    %xor3A_34 = arith.constant 4 : i32
    %xor3A_35 = vector.broadcast %xor3A_34 : i32 to vector<16xi32>
    %xor3A_36 = arith.xori %iota3A, %xor3A_35 : vector<16xi32>
    %xor3A_37 = arith.constant 2 : i32
    %xor3A_38 = vector.broadcast %xor3A_37 : i32 to vector<16xi32>
    %xor3A_39 = arith.xori %iota3A, %xor3A_38 : vector<16xi32>
    %xor3A_40 = arith.constant 1 : i32
    %xor3A_41 = vector.broadcast %xor3A_40 : i32 to vector<16xi32>
    %xor3A_42 = arith.xori %iota3A, %xor3A_41 : vector<16xi32>
    %or3A = arith.constant 8 : i32
    %or3A_43 = vector.broadcast %or3A : i32 to vector<16xi32>
    %or3A_44 = arith.ori %iota3A, %or3A_43 : vector<16xi32>
    %and3A = arith.constant 7 : i32
    %and3A_45 = vector.broadcast %and3A : i32 to vector<16xi32>
    %and3A_46 = arith.andi %iota3A, %and3A_45 : vector<16xi32>
    %dma_start3A = arith.constant 0 : i32
    %dma_start3A_47 = arith.constant 0 : i32
    %dma_start3A_48 = arith.constant 0 : i32
    %dma_start3A_49 = tpu.memref_slice %arg13[%dma_start3A, %dma_start3A_47, %dma_start3A_48] : memref<3x80x128xf32, #tpu.memory_space<vmem>> -> memref<1x80x128xf32, #tpu.memory_space<vmem>>
    %dma_start3A_50 = tpu.memref_squeeze %dma_start3A_49 : memref<1x80x128xf32, #tpu.memory_space<vmem>> -> memref<80x128xf32, #tpu.memory_space<vmem>>
    %dma_start3A_51 = arith.constant 0 : i32
    %dma_start3A_52 = tpu.memref_slice %arg11[%dma_start3A_51] : memref<10000xi32, #tpu.memory_space<vmem>> -> memref<80xi32, #tpu.memory_space<vmem>>
    %dma_start3A_53 = arith.constant 0 : i32
    %dma_start3A_54 = arith.constant 0 : i32
    %dma_start3A_55 = tpu.memref_slice %arg4[%dma_start3A_53, %dma_start3A_54] : memref<10000x128xf32, #tpu.memory_space<hbm>> -> memref<10000x128xf32, #tpu.memory_space<hbm>>
    tpu.enqueue_indirect_dma source(%dma_start3A_55 : memref<10000x128xf32, #tpu.memory_space<hbm>>) target(%dma_start3A_50 : memref<80x128xf32, #tpu.memory_space<vmem>>) offsets(%dma_start3A_52 : memref<80xi32, #tpu.memory_space<vmem>>) semaphore(%arg19 : memref<!tpu.dma_semaphore, #tpu.memory_space<semaphore_mem>>)
    %dma_start3A_56 = arith.constant 0 : i32
    %dma_start3A_57 = arith.constant 0 : i32
    %dma_start3A_58 = arith.constant 0 : i32
    %dma_start3A_59 = tpu.memref_slice %arg14[%dma_start3A_56, %dma_start3A_57, %dma_start3A_58] : memref<3x80x128xf32, #tpu.memory_space<vmem>> -> memref<1x80x128xf32, #tpu.memory_space<vmem>>
    %dma_start3A_60 = tpu.memref_squeeze %dma_start3A_59 : memref<1x80x128xf32, #tpu.memory_space<vmem>> -> memref<80x128xf32, #tpu.memory_space<vmem>>
    %dma_start3A_61 = arith.constant 0 : i32
    %dma_start3A_62 = tpu.memref_slice %arg11[%dma_start3A_61] : memref<10000xi32, #tpu.memory_space<vmem>> -> memref<80xi32, #tpu.memory_space<vmem>>
    %dma_start3A_63 = arith.constant 0 : i32
    %dma_start3A_64 = arith.constant 0 : i32
    %dma_start3A_65 = tpu.memref_slice %arg6[%dma_start3A_63, %dma_start3A_64] : memref<10000x128xf32, #tpu.memory_space<hbm>> -> memref<10000x128xf32, #tpu.memory_space<hbm>>
    tpu.enqueue_indirect_dma source(%dma_start3A_65 : memref<10000x128xf32, #tpu.memory_space<hbm>>) target(%dma_start3A_60 : memref<80x128xf32, #tpu.memory_space<vmem>>) offsets(%dma_start3A_62 : memref<80xi32, #tpu.memory_space<vmem>>) semaphore(%arg19 : memref<!tpu.dma_semaphore, #tpu.memory_space<semaphore_mem>>)
    %dma_start3A_66 = arith.constant 0 : i32
    %dma_start3A_67 = arith.constant 0 : i32
    %dma_start3A_68 = arith.constant 0 : i32
    %dma_start3A_69 = tpu.memref_slice %arg15[%dma_start3A_66, %dma_start3A_67, %dma_start3A_68] : memref<3x80x128xf32, #tpu.memory_space<vmem>> -> memref<1x80x128xf32, #tpu.memory_space<vmem>>
    %dma_start3A_70 = tpu.memref_squeeze %dma_start3A_69 : memref<1x80x128xf32, #tpu.memory_space<vmem>> -> memref<80x128xf32, #tpu.memory_space<vmem>>
    %dma_start3A_71 = arith.constant 0 : i32
    %dma_start3A_72 = tpu.memref_slice %arg12[%dma_start3A_71] : memref<10000xi32, #tpu.memory_space<vmem>> -> memref<80xi32, #tpu.memory_space<vmem>>
    %dma_start3A_73 = arith.constant 0 : i32
    %dma_start3A_74 = arith.constant 0 : i32
    %dma_start3A_75 = tpu.memref_slice %arg7[%dma_start3A_73, %dma_start3A_74] : memref<10000x128xf32, #tpu.memory_space<hbm>> -> memref<10000x128xf32, #tpu.memory_space<hbm>>
    tpu.enqueue_indirect_dma source(%dma_start3A_75 : memref<10000x128xf32, #tpu.memory_space<hbm>>) target(%dma_start3A_70 : memref<80x128xf32, #tpu.memory_space<vmem>>) offsets(%dma_start3A_72 : memref<80xi32, #tpu.memory_space<vmem>>) semaphore(%arg19 : memref<!tpu.dma_semaphore, #tpu.memory_space<semaphore_mem>>)
    %dma_start3A_76 = arith.constant 1 : i32
    %dma_start3A_77 = arith.constant 0 : i32
    %dma_start3A_78 = arith.constant 0 : i32
    %dma_start3A_79 = tpu.memref_slice %arg13[%dma_start3A_76, %dma_start3A_77, %dma_start3A_78] : memref<3x80x128xf32, #tpu.memory_space<vmem>> -> memref<1x80x128xf32, #tpu.memory_space<vmem>>
    %dma_start3A_80 = tpu.memref_squeeze %dma_start3A_79 : memref<1x80x128xf32, #tpu.memory_space<vmem>> -> memref<80x128xf32, #tpu.memory_space<vmem>>
    %dma_start3A_81 = arith.constant 80 : i32
    %dma_start3A_82 = tpu.memref_slice %arg11[%dma_start3A_81] : memref<10000xi32, #tpu.memory_space<vmem>> -> memref<80xi32, #tpu.memory_space<vmem>>
    %dma_start3A_83 = arith.constant 0 : i32
    %dma_start3A_84 = arith.constant 0 : i32
    %dma_start3A_85 = tpu.memref_slice %arg4[%dma_start3A_83, %dma_start3A_84] : memref<10000x128xf32, #tpu.memory_space<hbm>> -> memref<10000x128xf32, #tpu.memory_space<hbm>>
    tpu.enqueue_indirect_dma source(%dma_start3A_85 : memref<10000x128xf32, #tpu.memory_space<hbm>>) target(%dma_start3A_80 : memref<80x128xf32, #tpu.memory_space<vmem>>) offsets(%dma_start3A_82 : memref<80xi32, #tpu.memory_space<vmem>>) semaphore(%arg20 : memref<!tpu.dma_semaphore, #tpu.memory_space<semaphore_mem>>)
    %dma_start3A_86 = arith.constant 1 : i32
    %dma_start3A_87 = arith.constant 0 : i32
    %dma_start3A_88 = arith.constant 0 : i32
    %dma_start3A_89 = tpu.memref_slice %arg14[%dma_start3A_86, %dma_start3A_87, %dma_start3A_88] : memref<3x80x128xf32, #tpu.memory_space<vmem>> -> memref<1x80x128xf32, #tpu.memory_space<vmem>>
    %dma_start3A_90 = tpu.memref_squeeze %dma_start3A_89 : memref<1x80x128xf32, #tpu.memory_space<vmem>> -> memref<80x128xf32, #tpu.memory_space<vmem>>
    %dma_start3A_91 = arith.constant 80 : i32
    %dma_start3A_92 = tpu.memref_slice %arg11[%dma_start3A_91] : memref<10000xi32, #tpu.memory_space<vmem>> -> memref<80xi32, #tpu.memory_space<vmem>>
    %dma_start3A_93 = arith.constant 0 : i32
    %dma_start3A_94 = arith.constant 0 : i32
    %dma_start3A_95 = tpu.memref_slice %arg6[%dma_start3A_93, %dma_start3A_94] : memref<10000x128xf32, #tpu.memory_space<hbm>> -> memref<10000x128xf32, #tpu.memory_space<hbm>>
    tpu.enqueue_indirect_dma source(%dma_start3A_95 : memref<10000x128xf32, #tpu.memory_space<hbm>>) target(%dma_start3A_90 : memref<80x128xf32, #tpu.memory_space<vmem>>) offsets(%dma_start3A_92 : memref<80xi32, #tpu.memory_space<vmem>>) semaphore(%arg20 : memref<!tpu.dma_semaphore, #tpu.memory_space<semaphore_mem>>)
    %dma_start3A_96 = arith.constant 1 : i32
    %dma_start3A_97 = arith.constant 0 : i32
    %dma_start3A_98 = arith.constant 0 : i32
    %dma_start3A_99 = tpu.memref_slice %arg15[%dma_start3A_96, %dma_start3A_97, %dma_start3A_98] : memref<3x80x128xf32, #tpu.memory_space<vmem>> -> memref<1x80x128xf32, #tpu.memory_space<vmem>>
    %dma_start3A_100 = tpu.memref_squeeze %dma_start3A_99 : memref<1x80x128xf32, #tpu.memory_space<vmem>> -> memref<80x128xf32, #tpu.memory_space<vmem>>
    %dma_start3A_101 = arith.constant 80 : i32
    %dma_start3A_102 = tpu.memref_slice %arg12[%dma_start3A_101] : memref<10000xi32, #tpu.memory_space<vmem>> -> memref<80xi32, #tpu.memory_space<vmem>>
    %dma_start3A_103 = arith.constant 0 : i32
    %dma_start3A_104 = arith.constant 0 : i32
    %dma_start3A_105 = tpu.memref_slice %arg7[%dma_start3A_103, %dma_start3A_104] : memref<10000x128xf32, #tpu.memory_space<hbm>> -> memref<10000x128xf32, #tpu.memory_space<hbm>>
    tpu.enqueue_indirect_dma source(%dma_start3A_105 : memref<10000x128xf32, #tpu.memory_space<hbm>>) target(%dma_start3A_100 : memref<80x128xf32, #tpu.memory_space<vmem>>) offsets(%dma_start3A_102 : memref<80xi32, #tpu.memory_space<vmem>>) semaphore(%arg20 : memref<!tpu.dma_semaphore, #tpu.memory_space<semaphore_mem>>)
    %dma_wait3A = arith.constant 0 : i32
    %dma_wait3A_106 = arith.constant 0 : i32
    %dma_wait3A_107 = arith.constant 0 : i32
    %dma_wait3A_108 = tpu.memref_slice %arg13[%dma_wait3A, %dma_wait3A_106, %dma_wait3A_107] : memref<3x80x128xf32, #tpu.memory_space<vmem>> -> memref<1x80x128xf32, #tpu.memory_space<vmem>>
    %dma_wait3A_109 = tpu.memref_squeeze %dma_wait3A_108 : memref<1x80x128xf32, #tpu.memory_space<vmem>> -> memref<80x128xf32, #tpu.memory_space<vmem>>
    %dma_wait3A_110 = arith.constant 0 : i32
    %dma_wait3A_111 = tpu.memref_slice %arg11[%dma_wait3A_110] : memref<10000xi32, #tpu.memory_space<vmem>> -> memref<80xi32, #tpu.memory_space<vmem>>
    %dma_wait3A_112 = arith.constant 0 : i32
    %dma_wait3A_113 = arith.constant 0 : i32
    %dma_wait3A_114 = tpu.memref_slice %arg4[%dma_wait3A_112, %dma_wait3A_113] : memref<10000x128xf32, #tpu.memory_space<hbm>> -> memref<10000x128xf32, #tpu.memory_space<hbm>>
    tpu.wait_indirect_dma semaphore(%arg19 : memref<!tpu.dma_semaphore, #tpu.memory_space<semaphore_mem>>) src(%dma_wait3A_114 : memref<10000x128xf32, #tpu.memory_space<hbm>>) dst(%dma_wait3A_109 : memref<80x128xf32, #tpu.memory_space<vmem>>)
    %dma_wait3A_115 = arith.constant 0 : i32
    %dma_wait3A_116 = arith.constant 0 : i32
    %dma_wait3A_117 = arith.constant 0 : i32
    %dma_wait3A_118 = tpu.memref_slice %arg14[%dma_wait3A_115, %dma_wait3A_116, %dma_wait3A_117] : memref<3x80x128xf32, #tpu.memory_space<vmem>> -> memref<1x80x128xf32, #tpu.memory_space<vmem>>
    %dma_wait3A_119 = tpu.memref_squeeze %dma_wait3A_118 : memref<1x80x128xf32, #tpu.memory_space<vmem>> -> memref<80x128xf32, #tpu.memory_space<vmem>>
    %dma_wait3A_120 = arith.constant 0 : i32
    %dma_wait3A_121 = tpu.memref_slice %arg11[%dma_wait3A_120] : memref<10000xi32, #tpu.memory_space<vmem>> -> memref<80xi32, #tpu.memory_space<vmem>>
    %dma_wait3A_122 = arith.constant 0 : i32
    %dma_wait3A_123 = arith.constant 0 : i32
    %dma_wait3A_124 = tpu.memref_slice %arg6[%dma_wait3A_122, %dma_wait3A_123] : memref<10000x128xf32, #tpu.memory_space<hbm>> -> memref<10000x128xf32, #tpu.memory_space<hbm>>
    tpu.wait_indirect_dma semaphore(%arg19 : memref<!tpu.dma_semaphore, #tpu.memory_space<semaphore_mem>>) src(%dma_wait3A_124 : memref<10000x128xf32, #tpu.memory_space<hbm>>) dst(%dma_wait3A_119 : memref<80x128xf32, #tpu.memory_space<vmem>>)
    %dma_wait3A_125 = arith.constant 0 : i32
    %dma_wait3A_126 = arith.constant 0 : i32
    %dma_wait3A_127 = arith.constant 0 : i32
    %dma_wait3A_128 = tpu.memref_slice %arg15[%dma_wait3A_125, %dma_wait3A_126, %dma_wait3A_127] : memref<3x80x128xf32, #tpu.memory_space<vmem>> -> memref<1x80x128xf32, #tpu.memory_space<vmem>>
    %dma_wait3A_129 = tpu.memref_squeeze %dma_wait3A_128 : memref<1x80x128xf32, #tpu.memory_space<vmem>> -> memref<80x128xf32, #tpu.memory_space<vmem>>
    %dma_wait3A_130 = arith.constant 0 : i32
    %dma_wait3A_131 = tpu.memref_slice %arg12[%dma_wait3A_130] : memref<10000xi32, #tpu.memory_space<vmem>> -> memref<80xi32, #tpu.memory_space<vmem>>
    %dma_wait3A_132 = arith.constant 0 : i32
    %dma_wait3A_133 = arith.constant 0 : i32
    %dma_wait3A_134 = tpu.memref_slice %arg7[%dma_wait3A_132, %dma_wait3A_133] : memref<10000x128xf32, #tpu.memory_space<hbm>> -> memref<10000x128xf32, #tpu.memory_space<hbm>>
    tpu.wait_indirect_dma semaphore(%arg19 : memref<!tpu.dma_semaphore, #tpu.memory_space<semaphore_mem>>) src(%dma_wait3A_134 : memref<10000x128xf32, #tpu.memory_space<hbm>>) dst(%dma_wait3A_129 : memref<80x128xf32, #tpu.memory_space<vmem>>)
    %dma_start3A_135 = arith.constant 0 : i32
    %dma_start3A_136 = arith.constant 0 : i32
    %dma_start3A_137 = arith.constant 0 : i32
    %dma_start3A_138 = tpu.memref_slice %arg13[%dma_start3A_135, %dma_start3A_136, %dma_start3A_137] : memref<3x80x128xf32, #tpu.memory_space<vmem>> -> memref<1x80x128xf32, #tpu.memory_space<vmem>>
    %dma_start3A_139 = tpu.memref_squeeze %dma_start3A_138 : memref<1x80x128xf32, #tpu.memory_space<vmem>> -> memref<80x128xf32, #tpu.memory_space<vmem>>
    %dma_start3A_140 = arith.constant 0 : i32
    %dma_start3A_141 = tpu.memref_slice %arg12[%dma_start3A_140] : memref<10000xi32, #tpu.memory_space<vmem>> -> memref<80xi32, #tpu.memory_space<vmem>>
    %dma_start3A_142 = arith.constant 0 : i32
    %dma_start3A_143 = arith.constant 0 : i32
    %dma_start3A_144 = tpu.memref_slice %arg5[%dma_start3A_142, %dma_start3A_143] : memref<10000x128xf32, #tpu.memory_space<hbm>> -> memref<10000x128xf32, #tpu.memory_space<hbm>>
    tpu.enqueue_indirect_dma source(%dma_start3A_144 : memref<10000x128xf32, #tpu.memory_space<hbm>>) target(%dma_start3A_139 : memref<80x128xf32, #tpu.memory_space<vmem>>) offsets(%dma_start3A_141 : memref<80xi32, #tpu.memory_space<vmem>>) semaphore(%arg22 : memref<!tpu.dma_semaphore, #tpu.memory_space<semaphore_mem>>) {add = true}
    %scan3A = arith.constant 0 : i32
    %scan3A_145 = arith.constant 0 : i32
    %scan3A_146 = arith.constant 41 : i32
    %scan3A_147 = arith.addi %scan3A_145, %scan3A_146 : i32
    %scan3A_148 = arith.constant 1 : i32
    %scan3A_149 = scf.for %scan3A_292 = %scan3A_145 to %scan3A_147 step %scan3A_148 iter_args(%scan3A_293 = %scan3A) -> (i32)  : i32 {
      %mul3A_294 = arith.constant 3 : i32
      %mul3A_295 = arith.muli %mul3A_294, %scan3A_292 : i32
      %add3A_296 = arith.constant 0 : i32
      %add3A_297 = arith.addi %mul3A_295, %add3A_296 : i32
      %dma_wait3A_298 = arith.constant 1 : i32
      %dma_wait3A_299 = arith.constant 0 : i32
      %dma_wait3A_300 = arith.constant 0 : i32
      %dma_wait3A_301 = tpu.memref_slice %arg13[%dma_wait3A_298, %dma_wait3A_299, %dma_wait3A_300] : memref<3x80x128xf32, #tpu.memory_space<vmem>> -> memref<1x80x128xf32, #tpu.memory_space<vmem>>
      %dma_wait3A_302 = tpu.memref_squeeze %dma_wait3A_301 : memref<1x80x128xf32, #tpu.memory_space<vmem>> -> memref<80x128xf32, #tpu.memory_space<vmem>>
      %dma_wait3A_303 = arith.constant 0 : i32
      %dma_wait3A_304 = tpu.memref_slice %arg11[%dma_wait3A_303] : memref<10000xi32, #tpu.memory_space<vmem>> -> memref<80xi32, #tpu.memory_space<vmem>>
      %dma_wait3A_305 = arith.constant 0 : i32
      %dma_wait3A_306 = arith.constant 0 : i32
      %dma_wait3A_307 = tpu.memref_slice %arg4[%dma_wait3A_305, %dma_wait3A_306] : memref<10000x128xf32, #tpu.memory_space<hbm>> -> memref<10000x128xf32, #tpu.memory_space<hbm>>
      tpu.wait_indirect_dma semaphore(%arg20 : memref<!tpu.dma_semaphore, #tpu.memory_space<semaphore_mem>>) src(%dma_wait3A_307 : memref<10000x128xf32, #tpu.memory_space<hbm>>) dst(%dma_wait3A_302 : memref<80x128xf32, #tpu.memory_space<vmem>>)
      %dma_wait3A_308 = arith.constant 1 : i32
      %dma_wait3A_309 = arith.constant 0 : i32
      %dma_wait3A_310 = arith.constant 0 : i32
      %dma_wait3A_311 = tpu.memref_slice %arg14[%dma_wait3A_308, %dma_wait3A_309, %dma_wait3A_310] : memref<3x80x128xf32, #tpu.memory_space<vmem>> -> memref<1x80x128xf32, #tpu.memory_space<vmem>>
      %dma_wait3A_312 = tpu.memref_squeeze %dma_wait3A_311 : memref<1x80x128xf32, #tpu.memory_space<vmem>> -> memref<80x128xf32, #tpu.memory_space<vmem>>
      %dma_wait3A_313 = arith.constant 0 : i32
      %dma_wait3A_314 = tpu.memref_slice %arg11[%dma_wait3A_313] : memref<10000xi32, #tpu.memory_space<vmem>> -> memref<80xi32, #tpu.memory_space<vmem>>
      %dma_wait3A_315 = arith.constant 0 : i32
      %dma_wait3A_316 = arith.constant 0 : i32
      %dma_wait3A_317 = tpu.memref_slice %arg6[%dma_wait3A_315, %dma_wait3A_316] : memref<10000x128xf32, #tpu.memory_space<hbm>> -> memref<10000x128xf32, #tpu.memory_space<hbm>>
      tpu.wait_indirect_dma semaphore(%arg20 : memref<!tpu.dma_semaphore, #tpu.memory_space<semaphore_mem>>) src(%dma_wait3A_317 : memref<10000x128xf32, #tpu.memory_space<hbm>>) dst(%dma_wait3A_312 : memref<80x128xf32, #tpu.memory_space<vmem>>)
      %dma_wait3A_318 = arith.constant 1 : i32
      %dma_wait3A_319 = arith.constant 0 : i32
      %dma_wait3A_320 = arith.constant 0 : i32
      %dma_wait3A_321 = tpu.memref_slice %arg15[%dma_wait3A_318, %dma_wait3A_319, %dma_wait3A_320] : memref<3x80x128xf32, #tpu.memory_space<vmem>> -> memref<1x80x128xf32, #tpu.memory_space<vmem>>
      %dma_wait3A_322 = tpu.memref_squeeze %dma_wait3A_321 : memref<1x80x128xf32, #tpu.memory_space<vmem>> -> memref<80x128xf32, #tpu.memory_space<vmem>>
      %dma_wait3A_323 = arith.constant 0 : i32
      %dma_wait3A_324 = tpu.memref_slice %arg12[%dma_wait3A_323] : memref<10000xi32, #tpu.memory_space<vmem>> -> memref<80xi32, #tpu.memory_space<vmem>>
      %dma_wait3A_325 = arith.constant 0 : i32
      %dma_wait3A_326 = arith.constant 0 : i32
      %dma_wait3A_327 = tpu.memref_slice %arg7[%dma_wait3A_325, %dma_wait3A_326] : memref<10000x128xf32, #tpu.memory_space<hbm>> -> memref<10000x128xf32, #tpu.memory_space<hbm>>
      tpu.wait_indirect_dma semaphore(%arg20 : memref<!tpu.dma_semaphore, #tpu.memory_space<semaphore_mem>>) src(%dma_wait3A_327 : memref<10000x128xf32, #tpu.memory_space<hbm>>) dst(%dma_wait3A_322 : memref<80x128xf32, #tpu.memory_space<vmem>>)
      %add3A_328 = arith.constant 1 : i32
      %add3A_329 = arith.addi %add3A_297, %add3A_328 : i32
      %mul3A_330 = arith.constant 80 : i32
      %mul3A_331 = arith.muli %add3A_329, %mul3A_330 : i32
      %dma_start3A_332 = arith.constant 1 : i32
      %dma_start3A_333 = arith.constant 0 : i32
      %dma_start3A_334 = arith.constant 0 : i32
      %dma_start3A_335 = tpu.memref_slice %arg13[%dma_start3A_332, %dma_start3A_333, %dma_start3A_334] : memref<3x80x128xf32, #tpu.memory_space<vmem>> -> memref<1x80x128xf32, #tpu.memory_space<vmem>>
      %dma_start3A_336 = tpu.memref_squeeze %dma_start3A_335 : memref<1x80x128xf32, #tpu.memory_space<vmem>> -> memref<80x128xf32, #tpu.memory_space<vmem>>
      %dma_start3A_337 = tpu.memref_slice %arg12[%mul3A_331] : memref<10000xi32, #tpu.memory_space<vmem>> -> memref<80xi32, #tpu.memory_space<vmem>>
      %dma_start3A_338 = arith.constant 0 : i32
      %dma_start3A_339 = arith.constant 0 : i32
      %dma_start3A_340 = tpu.memref_slice %arg5[%dma_start3A_338, %dma_start3A_339] : memref<10000x128xf32, #tpu.memory_space<hbm>> -> memref<10000x128xf32, #tpu.memory_space<hbm>>
      tpu.enqueue_indirect_dma source(%dma_start3A_340 : memref<10000x128xf32, #tpu.memory_space<hbm>>) target(%dma_start3A_336 : memref<80x128xf32, #tpu.memory_space<vmem>>) offsets(%dma_start3A_337 : memref<80xi32, #tpu.memory_space<vmem>>) semaphore(%arg23 : memref<!tpu.dma_semaphore, #tpu.memory_space<semaphore_mem>>) {add = true}
      %add3A_341 = arith.constant 2 : i32
      %add3A_342 = arith.addi %add3A_297, %add3A_341 : i32
      %mul3A_343 = arith.constant 80 : i32
      %mul3A_344 = arith.muli %add3A_342, %mul3A_343 : i32
      %dma_start3A_345 = arith.constant 2 : i32
      %dma_start3A_346 = arith.constant 0 : i32
      %dma_start3A_347 = arith.constant 0 : i32
      %dma_start3A_348 = tpu.memref_slice %arg13[%dma_start3A_345, %dma_start3A_346, %dma_start3A_347] : memref<3x80x128xf32, #tpu.memory_space<vmem>> -> memref<1x80x128xf32, #tpu.memory_space<vmem>>
      %dma_start3A_349 = tpu.memref_squeeze %dma_start3A_348 : memref<1x80x128xf32, #tpu.memory_space<vmem>> -> memref<80x128xf32, #tpu.memory_space<vmem>>
      %dma_start3A_350 = tpu.memref_slice %arg11[%mul3A_344] : memref<10000xi32, #tpu.memory_space<vmem>> -> memref<80xi32, #tpu.memory_space<vmem>>
      %dma_start3A_351 = arith.constant 0 : i32
      %dma_start3A_352 = arith.constant 0 : i32
      %dma_start3A_353 = tpu.memref_slice %arg4[%dma_start3A_351, %dma_start3A_352] : memref<10000x128xf32, #tpu.memory_space<hbm>> -> memref<10000x128xf32, #tpu.memory_space<hbm>>
      tpu.enqueue_indirect_dma source(%dma_start3A_353 : memref<10000x128xf32, #tpu.memory_space<hbm>>) target(%dma_start3A_349 : memref<80x128xf32, #tpu.memory_space<vmem>>) offsets(%dma_start3A_350 : memref<80xi32, #tpu.memory_space<vmem>>) semaphore(%arg21 : memref<!tpu.dma_semaphore, #tpu.memory_space<semaphore_mem>>)
      %dma_start3A_354 = arith.constant 2 : i32
      %dma_start3A_355 = arith.constant 0 : i32
      %dma_start3A_356 = arith.constant 0 : i32
      %dma_start3A_357 = tpu.memref_slice %arg14[%dma_start3A_354, %dma_start3A_355, %dma_start3A_356] : memref<3x80x128xf32, #tpu.memory_space<vmem>> -> memref<1x80x128xf32, #tpu.memory_space<vmem>>
      %dma_start3A_358 = tpu.memref_squeeze %dma_start3A_357 : memref<1x80x128xf32, #tpu.memory_space<vmem>> -> memref<80x128xf32, #tpu.memory_space<vmem>>
      %dma_start3A_359 = tpu.memref_slice %arg11[%mul3A_344] : memref<10000xi32, #tpu.memory_space<vmem>> -> memref<80xi32, #tpu.memory_space<vmem>>
      %dma_start3A_360 = arith.constant 0 : i32
      %dma_start3A_361 = arith.constant 0 : i32
      %dma_start3A_362 = tpu.memref_slice %arg6[%dma_start3A_360, %dma_start3A_361] : memref<10000x128xf32, #tpu.memory_space<hbm>> -> memref<10000x128xf32, #tpu.memory_space<hbm>>
      tpu.enqueue_indirect_dma source(%dma_start3A_362 : memref<10000x128xf32, #tpu.memory_space<hbm>>) target(%dma_start3A_358 : memref<80x128xf32, #tpu.memory_space<vmem>>) offsets(%dma_start3A_359 : memref<80xi32, #tpu.memory_space<vmem>>) semaphore(%arg21 : memref<!tpu.dma_semaphore, #tpu.memory_space<semaphore_mem>>)
      %dma_start3A_363 = arith.constant 2 : i32
      %dma_start3A_364 = arith.constant 0 : i32
      %dma_start3A_365 = arith.constant 0 : i32
      %dma_start3A_366 = tpu.memref_slice %arg15[%dma_start3A_363, %dma_start3A_364, %dma_start3A_365] : memref<3x80x128xf32, #tpu.memory_space<vmem>> -> memref<1x80x128xf32, #tpu.memory_space<vmem>>
      %dma_start3A_367 = tpu.memref_squeeze %dma_start3A_366 : memref<1x80x128xf32, #tpu.memory_space<vmem>> -> memref<80x128xf32, #tpu.memory_space<vmem>>
      %dma_start3A_368 = tpu.memref_slice %arg12[%mul3A_344] : memref<10000xi32, #tpu.memory_space<vmem>> -> memref<80xi32, #tpu.memory_space<vmem>>
      %dma_start3A_369 = arith.constant 0 : i32
      %dma_start3A_370 = arith.constant 0 : i32
      %dma_start3A_371 = tpu.memref_slice %arg7[%dma_start3A_369, %dma_start3A_370] : memref<10000x128xf32, #tpu.memory_space<hbm>> -> memref<10000x128xf32, #tpu.memory_space<hbm>>
      tpu.enqueue_indirect_dma source(%dma_start3A_371 : memref<10000x128xf32, #tpu.memory_space<hbm>>) target(%dma_start3A_367 : memref<80x128xf32, #tpu.memory_space<vmem>>) offsets(%dma_start3A_368 : memref<80xi32, #tpu.memory_space<vmem>>) semaphore(%arg21 : memref<!tpu.dma_semaphore, #tpu.memory_space<semaphore_mem>>)
      %dma_wait3A_372 = arith.constant 0 : i32
      %dma_wait3A_373 = arith.constant 0 : i32
      %dma_wait3A_374 = arith.constant 0 : i32
      %dma_wait3A_375 = tpu.memref_slice %arg13[%dma_wait3A_372, %dma_wait3A_373, %dma_wait3A_374] : memref<3x80x128xf32, #tpu.memory_space<vmem>> -> memref<1x80x128xf32, #tpu.memory_space<vmem>>
      %dma_wait3A_376 = tpu.memref_squeeze %dma_wait3A_375 : memref<1x80x128xf32, #tpu.memory_space<vmem>> -> memref<80x128xf32, #tpu.memory_space<vmem>>
      %dma_wait3A_377 = arith.constant 0 : i32
      %dma_wait3A_378 = tpu.memref_slice %arg12[%dma_wait3A_377] : memref<10000xi32, #tpu.memory_space<vmem>> -> memref<80xi32, #tpu.memory_space<vmem>>
      %dma_wait3A_379 = arith.constant 0 : i32
      %dma_wait3A_380 = arith.constant 0 : i32
      %dma_wait3A_381 = tpu.memref_slice %arg5[%dma_wait3A_379, %dma_wait3A_380] : memref<10000x128xf32, #tpu.memory_space<hbm>> -> memref<10000x128xf32, #tpu.memory_space<hbm>>
      tpu.wait_indirect_dma semaphore(%arg22 : memref<!tpu.dma_semaphore, #tpu.memory_space<semaphore_mem>>) src(%dma_wait3A_381 : memref<10000x128xf32, #tpu.memory_space<hbm>>) dst(%dma_wait3A_376 : memref<80x128xf32, #tpu.memory_space<vmem>>)
      %mul3A_382 = arith.constant 80 : i32
      %mul3A_383 = arith.muli %add3A_297, %mul3A_382 : i32
      %add3A_384 = arith.addi %mul3A_2, %mul3A_383 : i32
      %ge3A = arith.constant 3 : i32
      %ge3A_385 = arith.cmpi sge, %add3A_297, %ge3A : i32
      %convert_element_type3A = arith.extui %ge3A_385 : i1 to i32
      %cond3A = arith.constant 0 : i32
      %cond3A_386 = arith.cmpi ne, %convert_element_type3A, %cond3A : i32
      scf.if %cond3A_386 {
        %dma_wait3A_628 = arith.constant 0 : i32
        %dma_wait3A_629 = arith.constant 0 : i32
        %dma_wait3A_630 = tpu.memref_slice %arg18[%dma_wait3A_628, %dma_wait3A_629] : memref<3x80xf32, #tpu.memory_space<vmem>> -> memref<1x80xf32, #tpu.memory_space<vmem>>
        %dma_wait3A_631 = tpu.memref_squeeze %dma_wait3A_630 : memref<1x80xf32, #tpu.memory_space<vmem>> -> memref<80xf32, #tpu.memory_space<vmem>>
        %dma_wait3A_632 = tpu.memref_slice %arg10[%mul3A_2] : memref<320000xf32, #tpu.memory_space<hbm>> -> memref<80xf32, #tpu.memory_space<hbm>>
        %dma_wait3A_633 = tpu.memref_slice %arg10[%mul3A_2] : memref<320000xf32, #tpu.memory_space<hbm>> -> memref<80xf32, #tpu.memory_space<hbm>>
        %dma_wait3A_634 = arith.constant 0 : i32
        %dma_wait3A_635 = tpu.memref_slice %arg18[%dma_wait3A_628, %dma_wait3A_634] : memref<3x80xf32, #tpu.memory_space<vmem>> -> memref<1x80xf32, #tpu.memory_space<vmem>>
        %dma_wait3A_636 = tpu.memref_squeeze %dma_wait3A_635 : memref<1x80xf32, #tpu.memory_space<vmem>> -> memref<80xf32, #tpu.memory_space<vmem>>
        tpu.wait_dma2 semaphore(%arg25 : memref<!tpu.dma_semaphore, #tpu.memory_space<semaphore_mem>>) src(%dma_wait3A_636 : memref<80xf32, #tpu.memory_space<vmem>>) dst(%dma_wait3A_633 : memref<80xf32, #tpu.memory_space<hbm>>)
      } else {
      }
      %scan3A_387 = arith.constant 0 : i32
      %scan3A_388 = arith.constant 0 : i32
      %scan3A_389 = arith.constant 5 : i32
      %scan3A_390 = arith.addi %scan3A_388, %scan3A_389 : i32
      %scan3A_391 = arith.constant 1 : i32
      %scan3A_392 = scf.for %scan3A_628 = %scan3A_388 to %scan3A_390 step %scan3A_391 iter_args(%scan3A_629 = %scan3A_387) -> (i32)  : i32 {
        %scan3A_630 = arith.constant 0 : i32
        %scan3A_631 = arith.constant 8 : i32
        %scan3A_632 = arith.addi %scan3A_630, %scan3A_631 : i32
        %scan3A_633 = arith.constant 1 : i32
        %scan3A_634:2 = scf.for %scan3A_653 = %scan3A_630 to %scan3A_632 step %scan3A_633 iter_args(%scan3A_654 = %broadcast_in_dim3A_29, %scan3A_655 = %broadcast_in_dim3A_29) -> (vector<16xf32>, vector<16xf32>)  : i32 {
          %mul3A_656 = arith.constant 2 : i32
          %mul3A_657 = arith.muli %scan3A_653, %mul3A_656 : i32
          %add3A_658 = arith.constant 0 : i32
          %add3A_659 = arith.addi %mul3A_657, %add3A_658 : i32
          %mul3A_660 = arith.constant 16 : i32
          %mul3A_661 = arith.muli %scan3A_628, %mul3A_660 : i32
          %add3A_662 = arith.addi %mul3A_661, %add3A_659 : i32
          %get3A_663 = arith.constant 0 : i32
          %get3A_664 = arith.index_cast %get3A_663 : i32 to index
          %get3A_665 = arith.index_cast %add3A_662 : i32 to index
          %get3A_666 = arith.constant 0 : index
          %get3A_667 = tpu.vector_load %arg13[%get3A_664, %get3A_665, %get3A_666] {strides = array<i32>} : memref<3x80x128xf32, #tpu.memory_space<vmem>>, vector<1x1x16xf32>,
          %get3A_668 = vector.shape_cast %get3A_667 : vector<1x1x16xf32> to vector<16xf32>
          %get3A_669 = arith.constant 0 : i32
          %get3A_670 = arith.index_cast %get3A_669 : i32 to index
          %get3A_671 = arith.index_cast %add3A_662 : i32 to index
          %get3A_672 = arith.constant 0 : index
          %get3A_673 = tpu.vector_load %arg14[%get3A_670, %get3A_671, %get3A_672] {strides = array<i32>} : memref<3x80x128xf32, #tpu.memory_space<vmem>>, vector<1x1x16xf32>,
          %get3A_674 = vector.shape_cast %get3A_673 : vector<1x1x16xf32> to vector<16xf32>
          %get3A_675 = arith.constant 0 : i32
          %get3A_676 = arith.index_cast %get3A_675 : i32 to index
          %get3A_677 = arith.index_cast %add3A_662 : i32 to index
          %get3A_678 = arith.constant 0 : index
          %get3A_679 = tpu.vector_load %arg15[%get3A_676, %get3A_677, %get3A_678] {strides = array<i32>} : memref<3x80x128xf32, #tpu.memory_space<vmem>>, vector<1x1x16xf32>,
          %get3A_680 = vector.shape_cast %get3A_679 : vector<1x1x16xf32> to vector<16xf32>
          %mul3A_681 = arith.constant 2.000000e-01 : f32
          %mul3A_682 = vector.broadcast %mul3A_681 : f32 to vector<16xf32>
          %mul3A_683 = arith.mulf %mul3A_682, %get3A_668 : vector<16xf32>
          %max3A = arith.maximumf %get3A_668, %mul3A_683 : vector<16xf32>
          %mul3A_684 = arith.mulf %max3A, %get3A_4 : vector<16xf32>
          %mul3A_685 = arith.mulf %get3A_674, %get3A_680 : vector<16xf32>
          %get3A_686 = arith.constant 0 : i32
          %get3A_687 = arith.index_cast %get3A_686 : i32 to index
          %get3A_688 = arith.index_cast %add3A_662 : i32 to index
          %get3A_689 = arith.constant 16 : index
          %get3A_690 = tpu.vector_load %arg13[%get3A_687, %get3A_688, %get3A_689] {strides = array<i32>} : memref<3x80x128xf32, #tpu.memory_space<vmem>>, vector<1x1x16xf32>,
          %get3A_691 = vector.shape_cast %get3A_690 : vector<1x1x16xf32> to vector<16xf32>
          %get3A_692 = arith.constant 0 : i32
          %get3A_693 = arith.index_cast %get3A_692 : i32 to index
          %get3A_694 = arith.index_cast %add3A_662 : i32 to index
          %get3A_695 = arith.constant 16 : index
          %get3A_696 = tpu.vector_load %arg14[%get3A_693, %get3A_694, %get3A_695] {strides = array<i32>} : memref<3x80x128xf32, #tpu.memory_space<vmem>>, vector<1x1x16xf32>,
          %get3A_697 = vector.shape_cast %get3A_696 : vector<1x1x16xf32> to vector<16xf32>
          %get3A_698 = arith.constant 0 : i32
          %get3A_699 = arith.index_cast %get3A_698 : i32 to index
          %get3A_700 = arith.index_cast %add3A_662 : i32 to index
          %get3A_701 = arith.constant 16 : index
          %get3A_702 = tpu.vector_load %arg15[%get3A_699, %get3A_700, %get3A_701] {strides = array<i32>} : memref<3x80x128xf32, #tpu.memory_space<vmem>>, vector<1x1x16xf32>,
          %get3A_703 = vector.shape_cast %get3A_702 : vector<1x1x16xf32> to vector<16xf32>
          %mul3A_704 = arith.constant 2.000000e-01 : f32
          %mul3A_705 = vector.broadcast %mul3A_704 : f32 to vector<16xf32>
          %mul3A_706 = arith.mulf %mul3A_705, %get3A_691 : vector<16xf32>
          %max3A_707 = arith.maximumf %get3A_691, %mul3A_706 : vector<16xf32>
          %mul3A_708 = arith.mulf %max3A_707, %get3A_7 : vector<16xf32>
          %mul3A_709 = arith.mulf %get3A_697, %get3A_703 : vector<16xf32>
          %add3A_710 = arith.addf %mul3A_684, %mul3A_708 : vector<16xf32>
          %add3A_711 = arith.addf %mul3A_685, %mul3A_709 : vector<16xf32>
          %get3A_712 = arith.constant 0 : i32
          %get3A_713 = arith.index_cast %get3A_712 : i32 to index
          %get3A_714 = arith.index_cast %add3A_662 : i32 to index
          %get3A_715 = arith.constant 32 : index
          %get3A_716 = tpu.vector_load %arg13[%get3A_713, %get3A_714, %get3A_715] {strides = array<i32>} : memref<3x80x128xf32, #tpu.memory_space<vmem>>, vector<1x1x16xf32>,
          %get3A_717 = vector.shape_cast %get3A_716 : vector<1x1x16xf32> to vector<16xf32>
          %get3A_718 = arith.constant 0 : i32
          %get3A_719 = arith.index_cast %get3A_718 : i32 to index
          %get3A_720 = arith.index_cast %add3A_662 : i32 to index
          %get3A_721 = arith.constant 32 : index
          %get3A_722 = tpu.vector_load %arg14[%get3A_719, %get3A_720, %get3A_721] {strides = array<i32>} : memref<3x80x128xf32, #tpu.memory_space<vmem>>, vector<1x1x16xf32>,
          %get3A_723 = vector.shape_cast %get3A_722 : vector<1x1x16xf32> to vector<16xf32>
          %get3A_724 = arith.constant 0 : i32
          %get3A_725 = arith.index_cast %get3A_724 : i32 to index
          %get3A_726 = arith.index_cast %add3A_662 : i32 to index
          %get3A_727 = arith.constant 32 : index
          %get3A_728 = tpu.vector_load %arg15[%get3A_725, %get3A_726, %get3A_727] {strides = array<i32>} : memref<3x80x128xf32, #tpu.memory_space<vmem>>, vector<1x1x16xf32>,
          %get3A_729 = vector.shape_cast %get3A_728 : vector<1x1x16xf32> to vector<16xf32>
          %mul3A_730 = arith.constant 2.000000e-01 : f32
          %mul3A_731 = vector.broadcast %mul3A_730 : f32 to vector<16xf32>
          %mul3A_732 = arith.mulf %mul3A_731, %get3A_717 : vector<16xf32>
          %max3A_733 = arith.maximumf %get3A_717, %mul3A_732 : vector<16xf32>
          %mul3A_734 = arith.mulf %max3A_733, %get3A_10 : vector<16xf32>
          %mul3A_735 = arith.mulf %get3A_723, %get3A_729 : vector<16xf32>
          %add3A_736 = arith.addf %add3A_710, %mul3A_734 : vector<16xf32>
          %add3A_737 = arith.addf %add3A_711, %mul3A_735 : vector<16xf32>
          %get3A_738 = arith.constant 0 : i32
          %get3A_739 = arith.index_cast %get3A_738 : i32 to index
          %get3A_740 = arith.index_cast %add3A_662 : i32 to index
          %get3A_741 = arith.constant 48 : index
          %get3A_742 = tpu.vector_load %arg13[%get3A_739, %get3A_740, %get3A_741] {strides = array<i32>} : memref<3x80x128xf32, #tpu.memory_space<vmem>>, vector<1x1x16xf32>,
          %get3A_743 = vector.shape_cast %get3A_742 : vector<1x1x16xf32> to vector<16xf32>
          %get3A_744 = arith.constant 0 : i32
          %get3A_745 = arith.index_cast %get3A_744 : i32 to index
          %get3A_746 = arith.index_cast %add3A_662 : i32 to index
          %get3A_747 = arith.constant 48 : index
          %get3A_748 = tpu.vector_load %arg14[%get3A_745, %get3A_746, %get3A_747] {strides = array<i32>} : memref<3x80x128xf32, #tpu.memory_space<vmem>>, vector<1x1x16xf32>,
          %get3A_749 = vector.shape_cast %get3A_748 : vector<1x1x16xf32> to vector<16xf32>
          %get3A_750 = arith.constant 0 : i32
          %get3A_751 = arith.index_cast %get3A_750 : i32 to index
          %get3A_752 = arith.index_cast %add3A_662 : i32 to index
          %get3A_753 = arith.constant 48 : index
          %get3A_754 = tpu.vector_load %arg15[%get3A_751, %get3A_752, %get3A_753] {strides = array<i32>} : memref<3x80x128xf32, #tpu.memory_space<vmem>>, vector<1x1x16xf32>,
          %get3A_755 = vector.shape_cast %get3A_754 : vector<1x1x16xf32> to vector<16xf32>
          %mul3A_756 = arith.constant 2.000000e-01 : f32
          %mul3A_757 = vector.broadcast %mul3A_756 : f32 to vector<16xf32>
          %mul3A_758 = arith.mulf %mul3A_757, %get3A_743 : vector<16xf32>
          %max3A_759 = arith.maximumf %get3A_743, %mul3A_758 : vector<16xf32>
          %mul3A_760 = arith.mulf %max3A_759, %get3A_13 : vector<16xf32>
          %mul3A_761 = arith.mulf %get3A_749, %get3A_755 : vector<16xf32>
          %add3A_762 = arith.addf %add3A_736, %mul3A_760 : vector<16xf32>
          %add3A_763 = arith.addf %add3A_737, %mul3A_761 : vector<16xf32>
          %get3A_764 = arith.constant 0 : i32
          %get3A_765 = arith.index_cast %get3A_764 : i32 to index
          %get3A_766 = arith.index_cast %add3A_662 : i32 to index
          %get3A_767 = arith.constant 64 : index
          %get3A_768 = tpu.vector_load %arg13[%get3A_765, %get3A_766, %get3A_767] {strides = array<i32>} : memref<3x80x128xf32, #tpu.memory_space<vmem>>, vector<1x1x16xf32>,
          %get3A_769 = vector.shape_cast %get3A_768 : vector<1x1x16xf32> to vector<16xf32>
          %get3A_770 = arith.constant 0 : i32
          %get3A_771 = arith.index_cast %get3A_770 : i32 to index
          %get3A_772 = arith.index_cast %add3A_662 : i32 to index
          %get3A_773 = arith.constant 64 : index
          %get3A_774 = tpu.vector_load %arg14[%get3A_771, %get3A_772, %get3A_773] {strides = array<i32>} : memref<3x80x128xf32, #tpu.memory_space<vmem>>, vector<1x1x16xf32>,
          %get3A_775 = vector.shape_cast %get3A_774 : vector<1x1x16xf32> to vector<16xf32>
          %get3A_776 = arith.constant 0 : i32
          %get3A_777 = arith.index_cast %get3A_776 : i32 to index
          %get3A_778 = arith.index_cast %add3A_662 : i32 to index
          %get3A_779 = arith.constant 64 : index
          %get3A_780 = tpu.vector_load %arg15[%get3A_777, %get3A_778, %get3A_779] {strides = array<i32>} : memref<3x80x128xf32, #tpu.memory_space<vmem>>, vector<1x1x16xf32>,
          %get3A_781 = vector.shape_cast %get3A_780 : vector<1x1x16xf32> to vector<16xf32>
          %mul3A_782 = arith.constant 2.000000e-01 : f32
          %mul3A_783 = vector.broadcast %mul3A_782 : f32 to vector<16xf32>
          %mul3A_784 = arith.mulf %mul3A_783, %get3A_769 : vector<16xf32>
          %max3A_785 = arith.maximumf %get3A_769, %mul3A_784 : vector<16xf32>
          %mul3A_786 = arith.mulf %max3A_785, %get3A_16 : vector<16xf32>
          %mul3A_787 = arith.mulf %get3A_775, %get3A_781 : vector<16xf32>
          %add3A_788 = arith.addf %add3A_762, %mul3A_786 : vector<16xf32>
          %add3A_789 = arith.addf %add3A_763, %mul3A_787 : vector<16xf32>
          %get3A_790 = arith.constant 0 : i32
          %get3A_791 = arith.index_cast %get3A_790 : i32 to index
          %get3A_792 = arith.index_cast %add3A_662 : i32 to index
          %get3A_793 = arith.constant 80 : index
          %get3A_794 = tpu.vector_load %arg13[%get3A_791, %get3A_792, %get3A_793] {strides = array<i32>} : memref<3x80x128xf32, #tpu.memory_space<vmem>>, vector<1x1x16xf32>,
          %get3A_795 = vector.shape_cast %get3A_794 : vector<1x1x16xf32> to vector<16xf32>
          %get3A_796 = arith.constant 0 : i32
          %get3A_797 = arith.index_cast %get3A_796 : i32 to index
          %get3A_798 = arith.index_cast %add3A_662 : i32 to index
          %get3A_799 = arith.constant 80 : index
          %get3A_800 = tpu.vector_load %arg14[%get3A_797, %get3A_798, %get3A_799] {strides = array<i32>} : memref<3x80x128xf32, #tpu.memory_space<vmem>>, vector<1x1x16xf32>,
          %get3A_801 = vector.shape_cast %get3A_800 : vector<1x1x16xf32> to vector<16xf32>
          %get3A_802 = arith.constant 0 : i32
          %get3A_803 = arith.index_cast %get3A_802 : i32 to index
          %get3A_804 = arith.index_cast %add3A_662 : i32 to index
          %get3A_805 = arith.constant 80 : index
          %get3A_806 = tpu.vector_load %arg15[%get3A_803, %get3A_804, %get3A_805] {strides = array<i32>} : memref<3x80x128xf32, #tpu.memory_space<vmem>>, vector<1x1x16xf32>,
          %get3A_807 = vector.shape_cast %get3A_806 : vector<1x1x16xf32> to vector<16xf32>
          %mul3A_808 = arith.constant 2.000000e-01 : f32
          %mul3A_809 = vector.broadcast %mul3A_808 : f32 to vector<16xf32>
          %mul3A_810 = arith.mulf %mul3A_809, %get3A_795 : vector<16xf32>
          %max3A_811 = arith.maximumf %get3A_795, %mul3A_810 : vector<16xf32>
          %mul3A_812 = arith.mulf %max3A_811, %get3A_19 : vector<16xf32>
          %mul3A_813 = arith.mulf %get3A_801, %get3A_807 : vector<16xf32>
          %add3A_814 = arith.addf %add3A_788, %mul3A_812 : vector<16xf32>
          %add3A_815 = arith.addf %add3A_789, %mul3A_813 : vector<16xf32>
          %get3A_816 = arith.constant 0 : i32
          %get3A_817 = arith.index_cast %get3A_816 : i32 to index
          %get3A_818 = arith.index_cast %add3A_662 : i32 to index
          %get3A_819 = arith.constant 96 : index
          %get3A_820 = tpu.vector_load %arg13[%get3A_817, %get3A_818, %get3A_819] {strides = array<i32>} : memref<3x80x128xf32, #tpu.memory_space<vmem>>, vector<1x1x16xf32>,
          %get3A_821 = vector.shape_cast %get3A_820 : vector<1x1x16xf32> to vector<16xf32>
          %get3A_822 = arith.constant 0 : i32
          %get3A_823 = arith.index_cast %get3A_822 : i32 to index
          %get3A_824 = arith.index_cast %add3A_662 : i32 to index
          %get3A_825 = arith.constant 96 : index
          %get3A_826 = tpu.vector_load %arg14[%get3A_823, %get3A_824, %get3A_825] {strides = array<i32>} : memref<3x80x128xf32, #tpu.memory_space<vmem>>, vector<1x1x16xf32>,
          %get3A_827 = vector.shape_cast %get3A_826 : vector<1x1x16xf32> to vector<16xf32>
          %get3A_828 = arith.constant 0 : i32
          %get3A_829 = arith.index_cast %get3A_828 : i32 to index
          %get3A_830 = arith.index_cast %add3A_662 : i32 to index
          %get3A_831 = arith.constant 96 : index
          %get3A_832 = tpu.vector_load %arg15[%get3A_829, %get3A_830, %get3A_831] {strides = array<i32>} : memref<3x80x128xf32, #tpu.memory_space<vmem>>, vector<1x1x16xf32>,
          %get3A_833 = vector.shape_cast %get3A_832 : vector<1x1x16xf32> to vector<16xf32>
          %mul3A_834 = arith.constant 2.000000e-01 : f32
          %mul3A_835 = vector.broadcast %mul3A_834 : f32 to vector<16xf32>
          %mul3A_836 = arith.mulf %mul3A_835, %get3A_821 : vector<16xf32>
          %max3A_837 = arith.maximumf %get3A_821, %mul3A_836 : vector<16xf32>
          %mul3A_838 = arith.mulf %max3A_837, %get3A_22 : vector<16xf32>
          %mul3A_839 = arith.mulf %get3A_827, %get3A_833 : vector<16xf32>
          %add3A_840 = arith.addf %add3A_814, %mul3A_838 : vector<16xf32>
          %add3A_841 = arith.addf %add3A_815, %mul3A_839 : vector<16xf32>
          %get3A_842 = arith.constant 0 : i32
          %get3A_843 = arith.index_cast %get3A_842 : i32 to index
          %get3A_844 = arith.index_cast %add3A_662 : i32 to index
          %get3A_845 = arith.constant 112 : index
          %get3A_846 = tpu.vector_load %arg13[%get3A_843, %get3A_844, %get3A_845] {strides = array<i32>} : memref<3x80x128xf32, #tpu.memory_space<vmem>>, vector<1x1x16xf32>,
          %get3A_847 = vector.shape_cast %get3A_846 : vector<1x1x16xf32> to vector<16xf32>
          %get3A_848 = arith.constant 0 : i32
          %get3A_849 = arith.index_cast %get3A_848 : i32 to index
          %get3A_850 = arith.index_cast %add3A_662 : i32 to index
          %get3A_851 = arith.constant 112 : index
          %get3A_852 = tpu.vector_load %arg14[%get3A_849, %get3A_850, %get3A_851] {strides = array<i32>} : memref<3x80x128xf32, #tpu.memory_space<vmem>>, vector<1x1x16xf32>,
          %get3A_853 = vector.shape_cast %get3A_852 : vector<1x1x16xf32> to vector<16xf32>
          %get3A_854 = arith.constant 0 : i32
          %get3A_855 = arith.index_cast %get3A_854 : i32 to index
          %get3A_856 = arith.index_cast %add3A_662 : i32 to index
          %get3A_857 = arith.constant 112 : index
          %get3A_858 = tpu.vector_load %arg15[%get3A_855, %get3A_856, %get3A_857] {strides = array<i32>} : memref<3x80x128xf32, #tpu.memory_space<vmem>>, vector<1x1x16xf32>,
          %get3A_859 = vector.shape_cast %get3A_858 : vector<1x1x16xf32> to vector<16xf32>
          %mul3A_860 = arith.constant 2.000000e-01 : f32
          %mul3A_861 = vector.broadcast %mul3A_860 : f32 to vector<16xf32>
          %mul3A_862 = arith.mulf %mul3A_861, %get3A_847 : vector<16xf32>
          %max3A_863 = arith.maximumf %get3A_847, %mul3A_862 : vector<16xf32>
          %mul3A_864 = arith.mulf %max3A_863, %get3A_25 : vector<16xf32>
          %mul3A_865 = arith.mulf %get3A_853, %get3A_859 : vector<16xf32>
          %add3A_866 = arith.addf %add3A_840, %mul3A_864 : vector<16xf32>
          %add3A_867 = arith.addf %add3A_841, %mul3A_865 : vector<16xf32>
          %lt3A_868 = arith.constant 0 : i32
          %lt3A_869 = vector.broadcast %lt3A_868 : i32 to vector<16xi32>
          %lt3A_870 = arith.cmpi slt, %xor3A_33, %lt3A_869 : vector<16xi32>
          %add3A_871 = arith.constant 16 : i32
          %add3A_872 = vector.broadcast %add3A_871 : i32 to vector<16xi32>
          %add3A_873 = arith.addi %xor3A_33, %add3A_872 : vector<16xi32>
          %select_n3A = arith.select %lt3A_870, %add3A_873, %xor3A_33 : vector<16xi1>, vector<16xi32>
          %broadcast_in_dim3A_874 = vector.shape_cast %select_n3A : vector<16xi32> to vector<16x1xi32>
          %gather3A = vector.shape_cast %broadcast_in_dim3A_874 : vector<16x1xi32> to vector<16xi32>
          %gather3A_875 = tpu.dynamic_gather %add3A_866[%gather3A] in [0] : vector<16xf32>, vector<16xi32> -> vector<16xf32>
          %add3A_876 = arith.addf %add3A_866, %gather3A_875 : vector<16xf32>
          %lt3A_877 = arith.constant 0 : i32
          %lt3A_878 = vector.broadcast %lt3A_877 : i32 to vector<16xi32>
          %lt3A_879 = arith.cmpi slt, %xor3A_33, %lt3A_878 : vector<16xi32>
          %add3A_880 = arith.constant 16 : i32
          %add3A_881 = vector.broadcast %add3A_880 : i32 to vector<16xi32>
          %add3A_882 = arith.addi %xor3A_33, %add3A_881 : vector<16xi32>
          %select_n3A_883 = arith.select %lt3A_879, %add3A_882, %xor3A_33 : vector<16xi1>, vector<16xi32>
          %broadcast_in_dim3A_884 = vector.shape_cast %select_n3A_883 : vector<16xi32> to vector<16x1xi32>
          %gather3A_885 = vector.shape_cast %broadcast_in_dim3A_884 : vector<16x1xi32> to vector<16xi32>
          %gather3A_886 = tpu.dynamic_gather %add3A_867[%gather3A_885] in [0] : vector<16xf32>, vector<16xi32> -> vector<16xf32>
          %add3A_887 = arith.addf %add3A_867, %gather3A_886 : vector<16xf32>
          %select_n3A_888 = arith.select %lt3A_31, %add3A_876, %add3A_887 : vector<16xi1>, vector<16xf32>
          %lt3A_889 = arith.constant 0 : i32
          %lt3A_890 = vector.broadcast %lt3A_889 : i32 to vector<16xi32>
          %lt3A_891 = arith.cmpi slt, %xor3A_36, %lt3A_890 : vector<16xi32>
          %add3A_892 = arith.constant 16 : i32
          %add3A_893 = vector.broadcast %add3A_892 : i32 to vector<16xi32>
          %add3A_894 = arith.addi %xor3A_36, %add3A_893 : vector<16xi32>
          %select_n3A_895 = arith.select %lt3A_891, %add3A_894, %xor3A_36 : vector<16xi1>, vector<16xi32>
          %broadcast_in_dim3A_896 = vector.shape_cast %select_n3A_895 : vector<16xi32> to vector<16x1xi32>
          %gather3A_897 = vector.shape_cast %broadcast_in_dim3A_896 : vector<16x1xi32> to vector<16xi32>
          %gather3A_898 = tpu.dynamic_gather %select_n3A_888[%gather3A_897] in [0] : vector<16xf32>, vector<16xi32> -> vector<16xf32>
          %add3A_899 = arith.addf %select_n3A_888, %gather3A_898 : vector<16xf32>
          %lt3A_900 = arith.constant 0 : i32
          %lt3A_901 = vector.broadcast %lt3A_900 : i32 to vector<16xi32>
          %lt3A_902 = arith.cmpi slt, %xor3A_39, %lt3A_901 : vector<16xi32>
          %add3A_903 = arith.constant 16 : i32
          %add3A_904 = vector.broadcast %add3A_903 : i32 to vector<16xi32>
          %add3A_905 = arith.addi %xor3A_39, %add3A_904 : vector<16xi32>
          %select_n3A_906 = arith.select %lt3A_902, %add3A_905, %xor3A_39 : vector<16xi1>, vector<16xi32>
          %broadcast_in_dim3A_907 = vector.shape_cast %select_n3A_906 : vector<16xi32> to vector<16x1xi32>
          %gather3A_908 = vector.shape_cast %broadcast_in_dim3A_907 : vector<16x1xi32> to vector<16xi32>
          %gather3A_909 = tpu.dynamic_gather %add3A_899[%gather3A_908] in [0] : vector<16xf32>, vector<16xi32> -> vector<16xf32>
          %add3A_910 = arith.addf %add3A_899, %gather3A_909 : vector<16xf32>
          %lt3A_911 = arith.constant 0 : i32
          %lt3A_912 = vector.broadcast %lt3A_911 : i32 to vector<16xi32>
          %lt3A_913 = arith.cmpi slt, %xor3A_42, %lt3A_912 : vector<16xi32>
          %add3A_914 = arith.constant 16 : i32
          %add3A_915 = vector.broadcast %add3A_914 : i32 to vector<16xi32>
          %add3A_916 = arith.addi %xor3A_42, %add3A_915 : vector<16xi32>
          %select_n3A_917 = arith.select %lt3A_913, %add3A_916, %xor3A_42 : vector<16xi1>, vector<16xi32>
          %broadcast_in_dim3A_918 = vector.shape_cast %select_n3A_917 : vector<16xi32> to vector<16x1xi32>
          %gather3A_919 = vector.shape_cast %broadcast_in_dim3A_918 : vector<16x1xi32> to vector<16xi32>
          %gather3A_920 = tpu.dynamic_gather %add3A_910[%gather3A_919] in [0] : vector<16xf32>, vector<16xi32> -> vector<16xf32>
          %add3A_921 = arith.addf %add3A_910, %gather3A_920 : vector<16xf32>
          %lt3A_922 = arith.constant 0 : i32
          %lt3A_923 = vector.broadcast %lt3A_922 : i32 to vector<16xi32>
          %lt3A_924 = arith.cmpi slt, %and3A_46, %lt3A_923 : vector<16xi32>
          %add3A_925 = arith.constant 16 : i32
          %add3A_926 = vector.broadcast %add3A_925 : i32 to vector<16xi32>
          %add3A_927 = arith.addi %and3A_46, %add3A_926 : vector<16xi32>
          %select_n3A_928 = arith.select %lt3A_924, %add3A_927, %and3A_46 : vector<16xi1>, vector<16xi32>
          %broadcast_in_dim3A_929 = vector.shape_cast %select_n3A_928 : vector<16xi32> to vector<16x1xi32>
          %gather3A_930 = vector.shape_cast %broadcast_in_dim3A_929 : vector<16x1xi32> to vector<16xi32>
          %gather3A_931 = tpu.dynamic_gather %add3A_921[%gather3A_930] in [0] : vector<16xf32>, vector<16xi32> -> vector<16xf32>
          %lt3A_932 = arith.constant 0 : i32
          %lt3A_933 = vector.broadcast %lt3A_932 : i32 to vector<16xi32>
          %lt3A_934 = arith.cmpi slt, %or3A_44, %lt3A_933 : vector<16xi32>
          %add3A_935 = arith.constant 16 : i32
          %add3A_936 = vector.broadcast %add3A_935 : i32 to vector<16xi32>
          %add3A_937 = arith.addi %or3A_44, %add3A_936 : vector<16xi32>
          %select_n3A_938 = arith.select %lt3A_934, %add3A_937, %or3A_44 : vector<16xi1>, vector<16xi32>
          %broadcast_in_dim3A_939 = vector.shape_cast %select_n3A_938 : vector<16xi32> to vector<16x1xi32>
          %gather3A_940 = vector.shape_cast %broadcast_in_dim3A_939 : vector<16x1xi32> to vector<16xi32>
          %gather3A_941 = tpu.dynamic_gather %add3A_921[%gather3A_940] in [0] : vector<16xf32>, vector<16xi32> -> vector<16xf32>
          %eq3A = vector.broadcast %add3A_659 : i32 to vector<16xi32>
          %eq3A_942 = arith.cmpi eq, %iota3A, %eq3A : vector<16xi32>
          %select_n3A_943 = arith.select %eq3A_942, %gather3A_931, %scan3A_654 : vector<16xi1>, vector<16xf32>
          %select_n3A_944 = arith.select %eq3A_942, %gather3A_941, %scan3A_655 : vector<16xi1>, vector<16xf32>
          %mul3A_945 = arith.constant 2 : i32
          %mul3A_946 = arith.muli %scan3A_653, %mul3A_945 : i32
          %add3A_947 = arith.constant 1 : i32
          %add3A_948 = arith.addi %mul3A_946, %add3A_947 : i32
          %mul3A_949 = arith.constant 16 : i32
          %mul3A_950 = arith.muli %scan3A_628, %mul3A_949 : i32
          %add3A_951 = arith.addi %mul3A_950, %add3A_948 : i32
          %get3A_952 = arith.constant 0 : i32
          %get3A_953 = arith.index_cast %get3A_952 : i32 to index
          %get3A_954 = arith.index_cast %add3A_951 : i32 to index
          %get3A_955 = arith.constant 0 : index
          %get3A_956 = tpu.vector_load %arg13[%get3A_953, %get3A_954, %get3A_955] {strides = array<i32>} : memref<3x80x128xf32, #tpu.memory_space<vmem>>, vector<1x1x16xf32>,
          %get3A_957 = vector.shape_cast %get3A_956 : vector<1x1x16xf32> to vector<16xf32>
          %get3A_958 = arith.constant 0 : i32
          %get3A_959 = arith.index_cast %get3A_958 : i32 to index
          %get3A_960 = arith.index_cast %add3A_951 : i32 to index
          %get3A_961 = arith.constant 0 : index
          %get3A_962 = tpu.vector_load %arg14[%get3A_959, %get3A_960, %get3A_961] {strides = array<i32>} : memref<3x80x128xf32, #tpu.memory_space<vmem>>, vector<1x1x16xf32>,
          %get3A_963 = vector.shape_cast %get3A_962 : vector<1x1x16xf32> to vector<16xf32>
          %get3A_964 = arith.constant 0 : i32
          %get3A_965 = arith.index_cast %get3A_964 : i32 to index
          %get3A_966 = arith.index_cast %add3A_951 : i32 to index
          %get3A_967 = arith.constant 0 : index
          %get3A_968 = tpu.vector_load %arg15[%get3A_965, %get3A_966, %get3A_967] {strides = array<i32>} : memref<3x80x128xf32, #tpu.memory_space<vmem>>, vector<1x1x16xf32>,
          %get3A_969 = vector.shape_cast %get3A_968 : vector<1x1x16xf32> to vector<16xf32>
          %mul3A_970 = arith.constant 2.000000e-01 : f32
          %mul3A_971 = vector.broadcast %mul3A_970 : f32 to vector<16xf32>
          %mul3A_972 = arith.mulf %mul3A_971, %get3A_957 : vector<16xf32>
          %max3A_973 = arith.maximumf %get3A_957, %mul3A_972 : vector<16xf32>
          %mul3A_974 = arith.mulf %max3A_973, %get3A_4 : vector<16xf32>
          %mul3A_975 = arith.mulf %get3A_963, %get3A_969 : vector<16xf32>
          %get3A_976 = arith.constant 0 : i32
          %get3A_977 = arith.index_cast %get3A_976 : i32 to index
          %get3A_978 = arith.index_cast %add3A_951 : i32 to index
          %get3A_979 = arith.constant 16 : index
          %get3A_980 = tpu.vector_load %arg13[%get3A_977, %get3A_978, %get3A_979] {strides = array<i32>} : memref<3x80x128xf32, #tpu.memory_space<vmem>>, vector<1x1x16xf32>,
          %get3A_981 = vector.shape_cast %get3A_980 : vector<1x1x16xf32> to vector<16xf32>
          %get3A_982 = arith.constant 0 : i32
          %get3A_983 = arith.index_cast %get3A_982 : i32 to index
          %get3A_984 = arith.index_cast %add3A_951 : i32 to index
          %get3A_985 = arith.constant 16 : index
          %get3A_986 = tpu.vector_load %arg14[%get3A_983, %get3A_984, %get3A_985] {strides = array<i32>} : memref<3x80x128xf32, #tpu.memory_space<vmem>>, vector<1x1x16xf32>,
          %get3A_987 = vector.shape_cast %get3A_986 : vector<1x1x16xf32> to vector<16xf32>
          %get3A_988 = arith.constant 0 : i32
          %get3A_989 = arith.index_cast %get3A_988 : i32 to index
          %get3A_990 = arith.index_cast %add3A_951 : i32 to index
          %get3A_991 = arith.constant 16 : index
          %get3A_992 = tpu.vector_load %arg15[%get3A_989, %get3A_990, %get3A_991] {strides = array<i32>} : memref<3x80x128xf32, #tpu.memory_space<vmem>>, vector<1x1x16xf32>,
          %get3A_993 = vector.shape_cast %get3A_992 : vector<1x1x16xf32> to vector<16xf32>
          %mul3A_994 = arith.constant 2.000000e-01 : f32
          %mul3A_995 = vector.broadcast %mul3A_994 : f32 to vector<16xf32>
          %mul3A_996 = arith.mulf %mul3A_995, %get3A_981 : vector<16xf32>
          %max3A_997 = arith.maximumf %get3A_981, %mul3A_996 : vector<16xf32>
          %mul3A_998 = arith.mulf %max3A_997, %get3A_7 : vector<16xf32>
          %mul3A_999 = arith.mulf %get3A_987, %get3A_993 : vector<16xf32>
          %add3A_1000 = arith.addf %mul3A_974, %mul3A_998 : vector<16xf32>
          %add3A_1001 = arith.addf %mul3A_975, %mul3A_999 : vector<16xf32>
          %get3A_1002 = arith.constant 0 : i32
          %get3A_1003 = arith.index_cast %get3A_1002 : i32 to index
          %get3A_1004 = arith.index_cast %add3A_951 : i32 to index
          %get3A_1005 = arith.constant 32 : index
          %get3A_1006 = tpu.vector_load %arg13[%get3A_1003, %get3A_1004, %get3A_1005] {strides = array<i32>} : memref<3x80x128xf32, #tpu.memory_space<vmem>>, vector<1x1x16xf32>,
          %get3A_1007 = vector.shape_cast %get3A_1006 : vector<1x1x16xf32> to vector<16xf32>
          %get3A_1008 = arith.constant 0 : i32
          %get3A_1009 = arith.index_cast %get3A_1008 : i32 to index
          %get3A_1010 = arith.index_cast %add3A_951 : i32 to index
          %get3A_1011 = arith.constant 32 : index
          %get3A_1012 = tpu.vector_load %arg14[%get3A_1009, %get3A_1010, %get3A_1011] {strides = array<i32>} : memref<3x80x128xf32, #tpu.memory_space<vmem>>, vector<1x1x16xf32>,
          %get3A_1013 = vector.shape_cast %get3A_1012 : vector<1x1x16xf32> to vector<16xf32>
          %get3A_1014 = arith.constant 0 : i32
          %get3A_1015 = arith.index_cast %get3A_1014 : i32 to index
          %get3A_1016 = arith.index_cast %add3A_951 : i32 to index
          %get3A_1017 = arith.constant 32 : index
          %get3A_1018 = tpu.vector_load %arg15[%get3A_1015, %get3A_1016, %get3A_1017] {strides = array<i32>} : memref<3x80x128xf32, #tpu.memory_space<vmem>>, vector<1x1x16xf32>,
          %get3A_1019 = vector.shape_cast %get3A_1018 : vector<1x1x16xf32> to vector<16xf32>
          %mul3A_1020 = arith.constant 2.000000e-01 : f32
          %mul3A_1021 = vector.broadcast %mul3A_1020 : f32 to vector<16xf32>
          %mul3A_1022 = arith.mulf %mul3A_1021, %get3A_1007 : vector<16xf32>
          %max3A_1023 = arith.maximumf %get3A_1007, %mul3A_1022 : vector<16xf32>
          %mul3A_1024 = arith.mulf %max3A_1023, %get3A_10 : vector<16xf32>
          %mul3A_1025 = arith.mulf %get3A_1013, %get3A_1019 : vector<16xf32>
          %add3A_1026 = arith.addf %add3A_1000, %mul3A_1024 : vector<16xf32>
          %add3A_1027 = arith.addf %add3A_1001, %mul3A_1025 : vector<16xf32>
          %get3A_1028 = arith.constant 0 : i32
          %get3A_1029 = arith.index_cast %get3A_1028 : i32 to index
          %get3A_1030 = arith.index_cast %add3A_951 : i32 to index
          %get3A_1031 = arith.constant 48 : index
          %get3A_1032 = tpu.vector_load %arg13[%get3A_1029, %get3A_1030, %get3A_1031] {strides = array<i32>} : memref<3x80x128xf32, #tpu.memory_space<vmem>>, vector<1x1x16xf32>,
          %get3A_1033 = vector.shape_cast %get3A_1032 : vector<1x1x16xf32> to vector<16xf32>
          %get3A_1034 = arith.constant 0 : i32
          %get3A_1035 = arith.index_cast %get3A_1034 : i32 to index
          %get3A_1036 = arith.index_cast %add3A_951 : i32 to index
          %get3A_1037 = arith.constant 48 : index
          %get3A_1038 = tpu.vector_load %arg14[%get3A_1035, %get3A_1036, %get3A_1037] {strides = array<i32>} : memref<3x80x128xf32, #tpu.memory_space<vmem>>, vector<1x1x16xf32>,
          %get3A_1039 = vector.shape_cast %get3A_1038 : vector<1x1x16xf32> to vector<16xf32>
          %get3A_1040 = arith.constant 0 : i32
          %get3A_1041 = arith.index_cast %get3A_1040 : i32 to index
          %get3A_1042 = arith.index_cast %add3A_951 : i32 to index
          %get3A_1043 = arith.constant 48 : index
          %get3A_1044 = tpu.vector_load %arg15[%get3A_1041, %get3A_1042, %get3A_1043] {strides = array<i32>} : memref<3x80x128xf32, #tpu.memory_space<vmem>>, vector<1x1x16xf32>,
          %get3A_1045 = vector.shape_cast %get3A_1044 : vector<1x1x16xf32> to vector<16xf32>
          %mul3A_1046 = arith.constant 2.000000e-01 : f32
          %mul3A_1047 = vector.broadcast %mul3A_1046 : f32 to vector<16xf32>
          %mul3A_1048 = arith.mulf %mul3A_1047, %get3A_1033 : vector<16xf32>
          %max3A_1049 = arith.maximumf %get3A_1033, %mul3A_1048 : vector<16xf32>
          %mul3A_1050 = arith.mulf %max3A_1049, %get3A_13 : vector<16xf32>
          %mul3A_1051 = arith.mulf %get3A_1039, %get3A_1045 : vector<16xf32>
          %add3A_1052 = arith.addf %add3A_1026, %mul3A_1050 : vector<16xf32>
          %add3A_1053 = arith.addf %add3A_1027, %mul3A_1051 : vector<16xf32>
          %get3A_1054 = arith.constant 0 : i32
          %get3A_1055 = arith.index_cast %get3A_1054 : i32 to index
          %get3A_1056 = arith.index_cast %add3A_951 : i32 to index
          %get3A_1057 = arith.constant 64 : index
          %get3A_1058 = tpu.vector_load %arg13[%get3A_1055, %get3A_1056, %get3A_1057] {strides = array<i32>} : memref<3x80x128xf32, #tpu.memory_space<vmem>>, vector<1x1x16xf32>,
          %get3A_1059 = vector.shape_cast %get3A_1058 : vector<1x1x16xf32> to vector<16xf32>
          %get3A_1060 = arith.constant 0 : i32
          %get3A_1061 = arith.index_cast %get3A_1060 : i32 to index
          %get3A_1062 = arith.index_cast %add3A_951 : i32 to index
          %get3A_1063 = arith.constant 64 : index
          %get3A_1064 = tpu.vector_load %arg14[%get3A_1061, %get3A_1062, %get3A_1063] {strides = array<i32>} : memref<3x80x128xf32, #tpu.memory_space<vmem>>, vector<1x1x16xf32>,
          %get3A_1065 = vector.shape_cast %get3A_1064 : vector<1x1x16xf32> to vector<16xf32>
          %get3A_1066 = arith.constant 0 : i32
          %get3A_1067 = arith.index_cast %get3A_1066 : i32 to index
          %get3A_1068 = arith.index_cast %add3A_951 : i32 to index
          %get3A_1069 = arith.constant 64 : index
          %get3A_1070 = tpu.vector_load %arg15[%get3A_1067, %get3A_1068, %get3A_1069] {strides = array<i32>} : memref<3x80x128xf32, #tpu.memory_space<vmem>>, vector<1x1x16xf32>,
          %get3A_1071 = vector.shape_cast %get3A_1070 : vector<1x1x16xf32> to vector<16xf32>
          %mul3A_1072 = arith.constant 2.000000e-01 : f32
          %mul3A_1073 = vector.broadcast %mul3A_1072 : f32 to vector<16xf32>
          %mul3A_1074 = arith.mulf %mul3A_1073, %get3A_1059 : vector<16xf32>
          %max3A_1075 = arith.maximumf %get3A_1059, %mul3A_1074 : vector<16xf32>
          %mul3A_1076 = arith.mulf %max3A_1075, %get3A_16 : vector<16xf32>
          %mul3A_1077 = arith.mulf %get3A_1065, %get3A_1071 : vector<16xf32>
          %add3A_1078 = arith.addf %add3A_1052, %mul3A_1076 : vector<16xf32>
          %add3A_1079 = arith.addf %add3A_1053, %mul3A_1077 : vector<16xf32>
          %get3A_1080 = arith.constant 0 : i32
          %get3A_1081 = arith.index_cast %get3A_1080 : i32 to index
          %get3A_1082 = arith.index_cast %add3A_951 : i32 to index
          %get3A_1083 = arith.constant 80 : index
          %get3A_1084 = tpu.vector_load %arg13[%get3A_1081, %get3A_1082, %get3A_1083] {strides = array<i32>} : memref<3x80x128xf32, #tpu.memory_space<vmem>>, vector<1x1x16xf32>,
          %get3A_1085 = vector.shape_cast %get3A_1084 : vector<1x1x16xf32> to vector<16xf32>
          %get3A_1086 = arith.constant 0 : i32
          %get3A_1087 = arith.index_cast %get3A_1086 : i32 to index
          %get3A_1088 = arith.index_cast %add3A_951 : i32 to index
          %get3A_1089 = arith.constant 80 : index
          %get3A_1090 = tpu.vector_load %arg14[%get3A_1087, %get3A_1088, %get3A_1089] {strides = array<i32>} : memref<3x80x128xf32, #tpu.memory_space<vmem>>, vector<1x1x16xf32>,
          %get3A_1091 = vector.shape_cast %get3A_1090 : vector<1x1x16xf32> to vector<16xf32>
          %get3A_1092 = arith.constant 0 : i32
          %get3A_1093 = arith.index_cast %get3A_1092 : i32 to index
          %get3A_1094 = arith.index_cast %add3A_951 : i32 to index
          %get3A_1095 = arith.constant 80 : index
          %get3A_1096 = tpu.vector_load %arg15[%get3A_1093, %get3A_1094, %get3A_1095] {strides = array<i32>} : memref<3x80x128xf32, #tpu.memory_space<vmem>>, vector<1x1x16xf32>,
          %get3A_1097 = vector.shape_cast %get3A_1096 : vector<1x1x16xf32> to vector<16xf32>
          %mul3A_1098 = arith.constant 2.000000e-01 : f32
          %mul3A_1099 = vector.broadcast %mul3A_1098 : f32 to vector<16xf32>
          %mul3A_1100 = arith.mulf %mul3A_1099, %get3A_1085 : vector<16xf32>
          %max3A_1101 = arith.maximumf %get3A_1085, %mul3A_1100 : vector<16xf32>
          %mul3A_1102 = arith.mulf %max3A_1101, %get3A_19 : vector<16xf32>
          %mul3A_1103 = arith.mulf %get3A_1091, %get3A_1097 : vector<16xf32>
          %add3A_1104 = arith.addf %add3A_1078, %mul3A_1102 : vector<16xf32>
          %add3A_1105 = arith.addf %add3A_1079, %mul3A_1103 : vector<16xf32>
          %get3A_1106 = arith.constant 0 : i32
          %get3A_1107 = arith.index_cast %get3A_1106 : i32 to index
          %get3A_1108 = arith.index_cast %add3A_951 : i32 to index
          %get3A_1109 = arith.constant 96 : index
          %get3A_1110 = tpu.vector_load %arg13[%get3A_1107, %get3A_1108, %get3A_1109] {strides = array<i32>} : memref<3x80x128xf32, #tpu.memory_space<vmem>>, vector<1x1x16xf32>,
          %get3A_1111 = vector.shape_cast %get3A_1110 : vector<1x1x16xf32> to vector<16xf32>
          %get3A_1112 = arith.constant 0 : i32
          %get3A_1113 = arith.index_cast %get3A_1112 : i32 to index
          %get3A_1114 = arith.index_cast %add3A_951 : i32 to index
          %get3A_1115 = arith.constant 96 : index
          %get3A_1116 = tpu.vector_load %arg14[%get3A_1113, %get3A_1114, %get3A_1115] {strides = array<i32>} : memref<3x80x128xf32, #tpu.memory_space<vmem>>, vector<1x1x16xf32>,
          %get3A_1117 = vector.shape_cast %get3A_1116 : vector<1x1x16xf32> to vector<16xf32>
          %get3A_1118 = arith.constant 0 : i32
          %get3A_1119 = arith.index_cast %get3A_1118 : i32 to index
          %get3A_1120 = arith.index_cast %add3A_951 : i32 to index
          %get3A_1121 = arith.constant 96 : index
          %get3A_1122 = tpu.vector_load %arg15[%get3A_1119, %get3A_1120, %get3A_1121] {strides = array<i32>} : memref<3x80x128xf32, #tpu.memory_space<vmem>>, vector<1x1x16xf32>,
          %get3A_1123 = vector.shape_cast %get3A_1122 : vector<1x1x16xf32> to vector<16xf32>
          %mul3A_1124 = arith.constant 2.000000e-01 : f32
          %mul3A_1125 = vector.broadcast %mul3A_1124 : f32 to vector<16xf32>
          %mul3A_1126 = arith.mulf %mul3A_1125, %get3A_1111 : vector<16xf32>
          %max3A_1127 = arith.maximumf %get3A_1111, %mul3A_1126 : vector<16xf32>
          %mul3A_1128 = arith.mulf %max3A_1127, %get3A_22 : vector<16xf32>
          %mul3A_1129 = arith.mulf %get3A_1117, %get3A_1123 : vector<16xf32>
          %add3A_1130 = arith.addf %add3A_1104, %mul3A_1128 : vector<16xf32>
          %add3A_1131 = arith.addf %add3A_1105, %mul3A_1129 : vector<16xf32>
          %get3A_1132 = arith.constant 0 : i32
          %get3A_1133 = arith.index_cast %get3A_1132 : i32 to index
          %get3A_1134 = arith.index_cast %add3A_951 : i32 to index
          %get3A_1135 = arith.constant 112 : index
          %get3A_1136 = tpu.vector_load %arg13[%get3A_1133, %get3A_1134, %get3A_1135] {strides = array<i32>} : memref<3x80x128xf32, #tpu.memory_space<vmem>>, vector<1x1x16xf32>,
          %get3A_1137 = vector.shape_cast %get3A_1136 : vector<1x1x16xf32> to vector<16xf32>
          %get3A_1138 = arith.constant 0 : i32
          %get3A_1139 = arith.index_cast %get3A_1138 : i32 to index
          %get3A_1140 = arith.index_cast %add3A_951 : i32 to index
          %get3A_1141 = arith.constant 112 : index
          %get3A_1142 = tpu.vector_load %arg14[%get3A_1139, %get3A_1140, %get3A_1141] {strides = array<i32>} : memref<3x80x128xf32, #tpu.memory_space<vmem>>, vector<1x1x16xf32>,
          %get3A_1143 = vector.shape_cast %get3A_1142 : vector<1x1x16xf32> to vector<16xf32>
          %get3A_1144 = arith.constant 0 : i32
          %get3A_1145 = arith.index_cast %get3A_1144 : i32 to index
          %get3A_1146 = arith.index_cast %add3A_951 : i32 to index
          %get3A_1147 = arith.constant 112 : index
          %get3A_1148 = tpu.vector_load %arg15[%get3A_1145, %get3A_1146, %get3A_1147] {strides = array<i32>} : memref<3x80x128xf32, #tpu.memory_space<vmem>>, vector<1x1x16xf32>,
          %get3A_1149 = vector.shape_cast %get3A_1148 : vector<1x1x16xf32> to vector<16xf32>
          %mul3A_1150 = arith.constant 2.000000e-01 : f32
          %mul3A_1151 = vector.broadcast %mul3A_1150 : f32 to vector<16xf32>
          %mul3A_1152 = arith.mulf %mul3A_1151, %get3A_1137 : vector<16xf32>
          %max3A_1153 = arith.maximumf %get3A_1137, %mul3A_1152 : vector<16xf32>
          %mul3A_1154 = arith.mulf %max3A_1153, %get3A_25 : vector<16xf32>
          %mul3A_1155 = arith.mulf %get3A_1143, %get3A_1149 : vector<16xf32>
          %add3A_1156 = arith.addf %add3A_1130, %mul3A_1154 : vector<16xf32>
          %add3A_1157 = arith.addf %add3A_1131, %mul3A_1155 : vector<16xf32>
          %lt3A_1158 = arith.constant 0 : i32
          %lt3A_1159 = vector.broadcast %lt3A_1158 : i32 to vector<16xi32>
          %lt3A_1160 = arith.cmpi slt, %xor3A_33, %lt3A_1159 : vector<16xi32>
          %add3A_1161 = arith.constant 16 : i32
          %add3A_1162 = vector.broadcast %add3A_1161 : i32 to vector<16xi32>
          %add3A_1163 = arith.addi %xor3A_33, %add3A_1162 : vector<16xi32>
          %select_n3A_1164 = arith.select %lt3A_1160, %add3A_1163, %xor3A_33 : vector<16xi1>, vector<16xi32>
          %broadcast_in_dim3A_1165 = vector.shape_cast %select_n3A_1164 : vector<16xi32> to vector<16x1xi32>
          %gather3A_1166 = vector.shape_cast %broadcast_in_dim3A_1165 : vector<16x1xi32> to vector<16xi32>
          %gather3A_1167 = tpu.dynamic_gather %add3A_1156[%gather3A_1166] in [0] : vector<16xf32>, vector<16xi32> -> vector<16xf32>
          %add3A_1168 = arith.addf %add3A_1156, %gather3A_1167 : vector<16xf32>
          %lt3A_1169 = arith.constant 0 : i32
          %lt3A_1170 = vector.broadcast %lt3A_1169 : i32 to vector<16xi32>
          %lt3A_1171 = arith.cmpi slt, %xor3A_33, %lt3A_1170 : vector<16xi32>
          %add3A_1172 = arith.constant 16 : i32
          %add3A_1173 = vector.broadcast %add3A_1172 : i32 to vector<16xi32>
          %add3A_1174 = arith.addi %xor3A_33, %add3A_1173 : vector<16xi32>
          %select_n3A_1175 = arith.select %lt3A_1171, %add3A_1174, %xor3A_33 : vector<16xi1>, vector<16xi32>
          %broadcast_in_dim3A_1176 = vector.shape_cast %select_n3A_1175 : vector<16xi32> to vector<16x1xi32>
          %gather3A_1177 = vector.shape_cast %broadcast_in_dim3A_1176 : vector<16x1xi32> to vector<16xi32>
          %gather3A_1178 = tpu.dynamic_gather %add3A_1157[%gather3A_1177] in [0] : vector<16xf32>, vector<16xi32> -> vector<16xf32>
          %add3A_1179 = arith.addf %add3A_1157, %gather3A_1178 : vector<16xf32>
          %select_n3A_1180 = arith.select %lt3A_31, %add3A_1168, %add3A_1179 : vector<16xi1>, vector<16xf32>
          %lt3A_1181 = arith.constant 0 : i32
          %lt3A_1182 = vector.broadcast %lt3A_1181 : i32 to vector<16xi32>
          %lt3A_1183 = arith.cmpi slt, %xor3A_36, %lt3A_1182 : vector<16xi32>
          %add3A_1184 = arith.constant 16 : i32
          %add3A_1185 = vector.broadcast %add3A_1184 : i32 to vector<16xi32>
          %add3A_1186 = arith.addi %xor3A_36, %add3A_1185 : vector<16xi32>
          %select_n3A_1187 = arith.select %lt3A_1183, %add3A_1186, %xor3A_36 : vector<16xi1>, vector<16xi32>
          %broadcast_in_dim3A_1188 = vector.shape_cast %select_n3A_1187 : vector<16xi32> to vector<16x1xi32>
          %gather3A_1189 = vector.shape_cast %broadcast_in_dim3A_1188 : vector<16x1xi32> to vector<16xi32>
          %gather3A_1190 = tpu.dynamic_gather %select_n3A_1180[%gather3A_1189] in [0] : vector<16xf32>, vector<16xi32> -> vector<16xf32>
          %add3A_1191 = arith.addf %select_n3A_1180, %gather3A_1190 : vector<16xf32>
          %lt3A_1192 = arith.constant 0 : i32
          %lt3A_1193 = vector.broadcast %lt3A_1192 : i32 to vector<16xi32>
          %lt3A_1194 = arith.cmpi slt, %xor3A_39, %lt3A_1193 : vector<16xi32>
          %add3A_1195 = arith.constant 16 : i32
          %add3A_1196 = vector.broadcast %add3A_1195 : i32 to vector<16xi32>
          %add3A_1197 = arith.addi %xor3A_39, %add3A_1196 : vector<16xi32>
          %select_n3A_1198 = arith.select %lt3A_1194, %add3A_1197, %xor3A_39 : vector<16xi1>, vector<16xi32>
          %broadcast_in_dim3A_1199 = vector.shape_cast %select_n3A_1198 : vector<16xi32> to vector<16x1xi32>
          %gather3A_1200 = vector.shape_cast %broadcast_in_dim3A_1199 : vector<16x1xi32> to vector<16xi32>
          %gather3A_1201 = tpu.dynamic_gather %add3A_1191[%gather3A_1200] in [0] : vector<16xf32>, vector<16xi32> -> vector<16xf32>
          %add3A_1202 = arith.addf %add3A_1191, %gather3A_1201 : vector<16xf32>
          %lt3A_1203 = arith.constant 0 : i32
          %lt3A_1204 = vector.broadcast %lt3A_1203 : i32 to vector<16xi32>
          %lt3A_1205 = arith.cmpi slt, %xor3A_42, %lt3A_1204 : vector<16xi32>
          %add3A_1206 = arith.constant 16 : i32
          %add3A_1207 = vector.broadcast %add3A_1206 : i32 to vector<16xi32>
          %add3A_1208 = arith.addi %xor3A_42, %add3A_1207 : vector<16xi32>
          %select_n3A_1209 = arith.select %lt3A_1205, %add3A_1208, %xor3A_42 : vector<16xi1>, vector<16xi32>
          %broadcast_in_dim3A_1210 = vector.shape_cast %select_n3A_1209 : vector<16xi32> to vector<16x1xi32>
          %gather3A_1211 = vector.shape_cast %broadcast_in_dim3A_1210 : vector<16x1xi32> to vector<16xi32>
          %gather3A_1212 = tpu.dynamic_gather %add3A_1202[%gather3A_1211] in [0] : vector<16xf32>, vector<16xi32> -> vector<16xf32>
          %add3A_1213 = arith.addf %add3A_1202, %gather3A_1212 : vector<16xf32>
          %lt3A_1214 = arith.constant 0 : i32
          %lt3A_1215 = vector.broadcast %lt3A_1214 : i32 to vector<16xi32>
          %lt3A_1216 = arith.cmpi slt, %and3A_46, %lt3A_1215 : vector<16xi32>
          %add3A_1217 = arith.constant 16 : i32
          %add3A_1218 = vector.broadcast %add3A_1217 : i32 to vector<16xi32>
          %add3A_1219 = arith.addi %and3A_46, %add3A_1218 : vector<16xi32>
          %select_n3A_1220 = arith.select %lt3A_1216, %add3A_1219, %and3A_46 : vector<16xi1>, vector<16xi32>
          %broadcast_in_dim3A_1221 = vector.shape_cast %select_n3A_1220 : vector<16xi32> to vector<16x1xi32>
          %gather3A_1222 = vector.shape_cast %broadcast_in_dim3A_1221 : vector<16x1xi32> to vector<16xi32>
          %gather3A_1223 = tpu.dynamic_gather %add3A_1213[%gather3A_1222] in [0] : vector<16xf32>, vector<16xi32> -> vector<16xf32>
          %lt3A_1224 = arith.constant 0 : i32
          %lt3A_1225 = vector.broadcast %lt3A_1224 : i32 to vector<16xi32>
          %lt3A_1226 = arith.cmpi slt, %or3A_44, %lt3A_1225 : vector<16xi32>
          %add3A_1227 = arith.constant 16 : i32
          %add3A_1228 = vector.broadcast %add3A_1227 : i32 to vector<16xi32>
          %add3A_1229 = arith.addi %or3A_44, %add3A_1228 : vector<16xi32>
          %select_n3A_1230 = arith.select %lt3A_1226, %add3A_1229, %or3A_44 : vector<16xi1>, vector<16xi32>
          %broadcast_in_dim3A_1231 = vector.shape_cast %select_n3A_1230 : vector<16xi32> to vector<16x1xi32>
          %gather3A_1232 = vector.shape_cast %broadcast_in_dim3A_1231 : vector<16x1xi32> to vector<16xi32>
          %gather3A_1233 = tpu.dynamic_gather %add3A_1213[%gather3A_1232] in [0] : vector<16xf32>, vector<16xi32> -> vector<16xf32>
          %eq3A_1234 = vector.broadcast %add3A_948 : i32 to vector<16xi32>
          %eq3A_1235 = arith.cmpi eq, %iota3A, %eq3A_1234 : vector<16xi32>
          %select_n3A_1236 = arith.select %eq3A_1235, %gather3A_1223, %select_n3A_943 : vector<16xi1>, vector<16xf32>
          %select_n3A_1237 = arith.select %eq3A_1235, %gather3A_1233, %select_n3A_944 : vector<16xi1>, vector<16xf32>
          scf.yield %select_n3A_1236, %select_n3A_1237 : vector<16xf32>, vector<16xf32>
        }
        %scan3A_635 = arith.constant 8 : i32
        %add3A_636 = arith.addf %scan3A_634#0, %get3A_28 : vector<16xf32>
        %neg3A = arith.constant 0.000000e+00 : f32
        %neg3A_637 = vector.broadcast %neg3A : f32 to vector<16xf32>
        %neg3A_638 = arith.subf %neg3A_637, %add3A_636 : vector<16xf32>
        %exp3A = math.exp %neg3A_638 : vector<16xf32>
        %add3A_639 = arith.constant 1.000000e+00 : f32
        %add3A_640 = vector.broadcast %add3A_639 : f32 to vector<16xf32>
        %add3A_641 = arith.addf %add3A_640, %exp3A : vector<16xf32>
        %div3A = arith.constant 1.000000e+00 : f32
        %div3A_642 = vector.broadcast %div3A : f32 to vector<16xf32>
        %div3A_643 = arith.divf %div3A_642, %add3A_641 : vector<16xf32>
        %mul3A_644 = arith.mulf %div3A_643, %scan3A_634#1 : vector<16xf32>
        %mul3A_645 = arith.constant 16 : i32
        %mul3A_646 = arith.muli %scan3A_628, %mul3A_645 : i32
        %swap3A = arith.constant 0 : i32
        %swap3A_647 = arith.index_cast %swap3A : i32 to index
        %swap3A_648 = arith.index_cast %mul3A_646 : i32 to index
        %swap3A_649 = tpu.vector_load %arg18[%swap3A_647, %swap3A_648] {strides = array<i32>} : memref<3x80xf32, #tpu.memory_space<vmem>>, vector<1x16xf32>,
        %swap3A_650 = vector.shape_cast %swap3A_649 : vector<1x16xf32> to vector<16xf32>
        %swap3A_651 = vector.shape_cast %mul3A_644 : vector<16xf32> to vector<1x16xf32>
        tpu.vector_store %arg18[%swap3A_647, %swap3A_648], %swap3A_651 {strides = array<i32>} : memref<3x80xf32, #tpu.memory_space<vmem>>, vector<1x16xf32>,
        %scan3A_652 = arith.constant 0 : i32
        scf.yield %scan3A_652 : i32
      }
      %scan3A_393 = arith.constant 5 : i32
      %dma_start3A_394 = arith.constant 0 : i32
      %dma_start3A_395 = arith.constant 0 : i32
      %dma_start3A_396 = tpu.memref_slice %arg18[%dma_start3A_394, %dma_start3A_395] : memref<3x80xf32, #tpu.memory_space<vmem>> -> memref<1x80xf32, #tpu.memory_space<vmem>>
      %dma_start3A_397 = tpu.memref_squeeze %dma_start3A_396 : memref<1x80xf32, #tpu.memory_space<vmem>> -> memref<80xf32, #tpu.memory_space<vmem>>
      %dma_start3A_398 = tpu.memref_slice %arg10[%add3A_384] : memref<320000xf32, #tpu.memory_space<hbm>> -> memref<80xf32, #tpu.memory_space<hbm>>
      %dma_start3A_399 = tpu.memref_slice %arg10[%add3A_384] : memref<320000xf32, #tpu.memory_space<hbm>> -> memref<80xf32, #tpu.memory_space<hbm>>
      %dma_start3A_400 = arith.constant 0 : i32
      %dma_start3A_401 = tpu.memref_slice %arg18[%dma_start3A_394, %dma_start3A_400] : memref<3x80xf32, #tpu.memory_space<vmem>> -> memref<1x80xf32, #tpu.memory_space<vmem>>
      %dma_start3A_402 = tpu.memref_squeeze %dma_start3A_401 : memref<1x80xf32, #tpu.memory_space<vmem>> -> memref<80xf32, #tpu.memory_space<vmem>>
      tpu.enqueue_dma source(%dma_start3A_402 : memref<80xf32, #tpu.memory_space<vmem>>) target(%dma_start3A_399 : memref<80xf32, #tpu.memory_space<hbm>>) target_semaphore(%arg25 : memref<!tpu.dma_semaphore, #tpu.memory_space<semaphore_mem>>)
      %mul3A_403 = arith.constant 3 : i32
      %mul3A_404 = arith.muli %mul3A_403, %scan3A_292 : i32
      %add3A_405 = arith.constant 1 : i32
      %add3A_406 = arith.addi %mul3A_404, %add3A_405 : i32
      %dma_wait3A_407 = arith.constant 2 : i32
      %dma_wait3A_408 = arith.constant 0 : i32
      %dma_wait3A_409 = arith.constant 0 : i32
      %dma_wait3A_410 = tpu.memref_slice %arg13[%dma_wait3A_407, %dma_wait3A_408, %dma_wait3A_409] : memref<3x80x128xf32, #tpu.memory_space<vmem>> -> memref<1x80x128xf32, #tpu.memory_space<vmem>>
      %dma_wait3A_411 = tpu.memref_squeeze %dma_wait3A_410 : memref<1x80x128xf32, #tpu.memory_space<vmem>> -> memref<80x128xf32, #tpu.memory_space<vmem>>
      %dma_wait3A_412 = arith.constant 0 : i32
      %dma_wait3A_413 = tpu.memref_slice %arg11[%dma_wait3A_412] : memref<10000xi32, #tpu.memory_space<vmem>> -> memref<80xi32, #tpu.memory_space<vmem>>
      %dma_wait3A_414 = arith.constant 0 : i32
      %dma_wait3A_415 = arith.constant 0 : i32
      %dma_wait3A_416 = tpu.memref_slice %arg4[%dma_wait3A_414, %dma_wait3A_415] : memref<10000x128xf32, #tpu.memory_space<hbm>> -> memref<10000x128xf32, #tpu.memory_space<hbm>>
      tpu.wait_indirect_dma semaphore(%arg21 : memref<!tpu.dma_semaphore, #tpu.memory_space<semaphore_mem>>) src(%dma_wait3A_416 : memref<10000x128xf32, #tpu.memory_space<hbm>>) dst(%dma_wait3A_411 : memref<80x128xf32, #tpu.memory_space<vmem>>)
      %dma_wait3A_417 = arith.constant 2 : i32
      %dma_wait3A_418 = arith.constant 0 : i32
      %dma_wait3A_419 = arith.constant 0 : i32
      %dma_wait3A_420 = tpu.memref_slice %arg14[%dma_wait3A_417, %dma_wait3A_418, %dma_wait3A_419] : memref<3x80x128xf32, #tpu.memory_space<vmem>> -> memref<1x80x128xf32, #tpu.memory_space<vmem>>
      %dma_wait3A_421 = tpu.memref_squeeze %dma_wait3A_420 : memref<1x80x128xf32, #tpu.memory_space<vmem>> -> memref<80x128xf32, #tpu.memory_space<vmem>>
      %dma_wait3A_422 = arith.constant 0 : i32
      %dma_wait3A_423 = tpu.memref_slice %arg11[%dma_wait3A_422] : memref<10000xi32, #tpu.memory_space<vmem>> -> memref<80xi32, #tpu.memory_space<vmem>>
      %dma_wait3A_424 = arith.constant 0 : i32
      %dma_wait3A_425 = arith.constant 0 : i32
      %dma_wait3A_426 = tpu.memref_slice %arg6[%dma_wait3A_424, %dma_wait3A_425] : memref<10000x128xf32, #tpu.memory_space<hbm>> -> memref<10000x128xf32, #tpu.memory_space<hbm>>
      tpu.wait_indirect_dma semaphore(%arg21 : memref<!tpu.dma_semaphore, #tpu.memory_space<semaphore_mem>>) src(%dma_wait3A_426 : memref<10000x128xf32, #tpu.memory_space<hbm>>) dst(%dma_wait3A_421 : memref<80x128xf32, #tpu.memory_space<vmem>>)
      %dma_wait3A_427 = arith.constant 2 : i32
      %dma_wait3A_428 = arith.constant 0 : i32
      %dma_wait3A_429 = arith.constant 0 : i32
      %dma_wait3A_430 = tpu.memref_slice %arg15[%dma_wait3A_427, %dma_wait3A_428, %dma_wait3A_429] : memref<3x80x128xf32, #tpu.memory_space<vmem>> -> memref<1x80x128xf32, #tpu.memory_space<vmem>>
      %dma_wait3A_431 = tpu.memref_squeeze %dma_wait3A_430 : memref<1x80x128xf32, #tpu.memory_space<vmem>> -> memref<80x128xf32, #tpu.memory_space<vmem>>
      %dma_wait3A_432 = arith.constant 0 : i32
      %dma_wait3A_433 = tpu.memref_slice %arg12[%dma_wait3A_432] : memref<10000xi32, #tpu.memory_space<vmem>> -> memref<80xi32, #tpu.memory_space<vmem>>
      %dma_wait3A_434 = arith.constant 0 : i32
      %dma_wait3A_435 = arith.constant 0 : i32
      %dma_wait3A_436 = tpu.memref_slice %arg7[%dma_wait3A_434, %dma_wait3A_435] : memref<10000x128xf32, #tpu.memory_space<hbm>> -> memref<10000x128xf32, #tpu.memory_space<hbm>>
      tpu.wait_indirect_dma semaphore(%arg21 : memref<!tpu.dma_semaphore, #tpu.memory_space<semaphore_mem>>) src(%dma_wait3A_436 : memref<10000x128xf32, #tpu.memory_space<hbm>>) dst(%dma_wait3A_431 : memref<80x128xf32, #tpu.memory_space<vmem>>)
      %add3A_437 = arith.constant 1 : i32
      %add3A_438 = arith.addi %add3A_406, %add3A_437 : i32
      %mul3A_439 = arith.constant 80 : i32
      %mul3A_440 = arith.muli %add3A_438, %mul3A_439 : i32
      %dma_start3A_441 = arith.constant 2 : i32
      %dma_start3A_442 = arith.constant 0 : i32
      %dma_start3A_443 = arith.constant 0 : i32
      %dma_start3A_444 = tpu.memref_slice %arg13[%dma_start3A_441, %dma_start3A_442, %dma_start3A_443] : memref<3x80x128xf32, #tpu.memory_space<vmem>> -> memref<1x80x128xf32, #tpu.memory_space<vmem>>
      %dma_start3A_445 = tpu.memref_squeeze %dma_start3A_444 : memref<1x80x128xf32, #tpu.memory_space<vmem>> -> memref<80x128xf32, #tpu.memory_space<vmem>>
      %dma_start3A_446 = tpu.memref_slice %arg12[%mul3A_440] : memref<10000xi32, #tpu.memory_space<vmem>> -> memref<80xi32, #tpu.memory_space<vmem>>
      %dma_start3A_447 = arith.constant 0 : i32
      %dma_start3A_448 = arith.constant 0 : i32
      %dma_start3A_449 = tpu.memref_slice %arg5[%dma_start3A_447, %dma_start3A_448] : memref<10000x128xf32, #tpu.memory_space<hbm>> -> memref<10000x128xf32, #tpu.memory_space<hbm>>
      tpu.enqueue_indirect_dma source(%dma_start3A_449 : memref<10000x128xf32, #tpu.memory_space<hbm>>) target(%dma_start3A_445 : memref<80x128xf32, #tpu.memory_space<vmem>>) offsets(%dma_start3A_446 : memref<80xi32, #tpu.memory_space<vmem>>) semaphore(%arg24 : memref<!tpu.dma_semaphore, #tpu.memory_space<semaphore_mem>>) {add = true}
      %add3A_450 = arith.constant 2 : i32
      %add3A_451 = arith.addi %add3A_406, %add3A_450 : i32
      %mul3A_452 = arith.constant 80 : i32
      %mul3A_453 = arith.muli %add3A_451, %mul3A_452 : i32
      %dma_start3A_454 = arith.constant 0 : i32
      %dma_start3A_455 = arith.constant 0 : i32
      %dma_start3A_456 = arith.constant 0 : i32
      %dma_start3A_457 = tpu.memref_slice %arg13[%dma_start3A_454, %dma_start3A_455, %dma_start3A_456] : memref<3x80x128xf32, #tpu.memory_space<vmem>> -> memref<1x80x128xf32, #tpu.memory_space<vmem>>
      %dma_start3A_458 = tpu.memref_squeeze %dma_start3A_457 : memref<1x80x128xf32, #tpu.memory_space<vmem>> -> memref<80x128xf32, #tpu.memory_space<vmem>>
      %dma_start3A_459 = tpu.memref_slice %arg11[%mul3A_453] : memref<10000xi32, #tpu.memory_space<vmem>> -> memref<80xi32, #tpu.memory_space<vmem>>
      %dma_start3A_460 = arith.constant 0 : i32
      %dma_start3A_461 = arith.constant 0 : i32
      %dma_start3A_462 = tpu.memref_slice %arg4[%dma_start3A_460, %dma_start3A_461] : memref<10000x128xf32, #tpu.memory_space<hbm>> -> memref<10000x128xf32, #tpu.memory_space<hbm>>
      tpu.enqueue_indirect_dma source(%dma_start3A_462 : memref<10000x128xf32, #tpu.memory_space<hbm>>) target(%dma_start3A_458 : memref<80x128xf32, #tpu.memory_space<vmem>>) offsets(%dma_start3A_459 : memref<80xi32, #tpu.memory_space<vmem>>) semaphore(%arg19 : memref<!tpu.dma_semaphore, #tpu.memory_space<semaphore_mem>>)
      %dma_start3A_463 = arith.constant 0 : i32
      %dma_start3A_464 = arith.constant 0 : i32
      %dma_start3A_465 = arith.constant 0 : i32
      %dma_start3A_466 = tpu.memref_slice %arg14[%dma_start3A_463, %dma_start3A_464, %dma_start3A_465] : memref<3x80x128xf32, #tpu.memory_space<vmem>> -> memref<1x80x128xf32, #tpu.memory_space<vmem>>
      %dma_start3A_467 = tpu.memref_squeeze %dma_start3A_466 : memref<1x80x128xf32, #tpu.memory_space<vmem>> -> memref<80x128xf32, #tpu.memory_space<vmem>>
      %dma_start3A_468 = tpu.memref_slice %arg11[%mul3A_453] : memref<10000xi32, #tpu.memory_space<vmem>> -> memref<80xi32, #tpu.memory_space<vmem>>
      %dma_start3A_469 = arith.constant 0 : i32
      %dma_start3A_470 = arith.constant 0 : i32
      %dma_start3A_471 = tpu.memref_slice %arg6[%dma_start3A_469, %dma_start3A_470] : memref<10000x128xf32, #tpu.memory_space<hbm>> -> memref<10000x128xf32, #tpu.memory_space<hbm>>
      tpu.enqueue_indirect_dma source(%dma_start3A_471 : memref<10000x128xf32, #tpu.memory_space<hbm>>) target(%dma_start3A_467 : memref<80x128xf32, #tpu.memory_space<vmem>>) offsets(%dma_start3A_468 : memref<80xi32, #tpu.memory_space<vmem>>) semaphore(%arg19 : memref<!tpu.dma_semaphore, #tpu.memory_space<semaphore_mem>>)
      %dma_start3A_472 = arith.constant 0 : i32
      %dma_start3A_473 = arith.constant 0 : i32
      %dma_start3A_474 = arith.constant 0 : i32
      %dma_start3A_475 = tpu.memref_slice %arg15[%dma_start3A_472, %dma_start3A_473, %dma_start3A_474] : memref<3x80x128xf32, #tpu.memory_space<vmem>> -> memref<1x80x128xf32, #tpu.memory_space<vmem>>
      %dma_start3A_476 = tpu.memref_squeeze %dma_start3A_475 : memref<1x80x128xf32, #tpu.memory_space<vmem>> -> memref<80x128xf32, #tpu.memory_space<vmem>>
      %dma_start3A_477 = tpu.memref_slice %arg12[%mul3A_453] : memref<10000xi32, #tpu.memory_space<vmem>> -> memref<80xi32, #tpu.memory_space<vmem>>
      %dma_start3A_478 = arith.constant 0 : i32
      %dma_start3A_479 = arith.constant 0 : i32
      %dma_start3A_480 = tpu.memref_slice %arg7[%dma_start3A_478, %dma_start3A_479] : memref<10000x128xf32, #tpu.memory_space<hbm>> -> memref<10000x128xf32, #tpu.memory_space<hbm>>
      tpu.enqueue_indirect_dma source(%dma_start3A_480 : memref<10000x128xf32, #tpu.memory_space<hbm>>) target(%dma_start3A_476 : memref<80x128xf32, #tpu.memory_space<vmem>>) offsets(%dma_start3A_477 : memref<80xi32, #tpu.memory_space<vmem>>) semaphore(%arg19 : memref<!tpu.dma_semaphore, #tpu.memory_space<semaphore_mem>>)
      %dma_wait3A_481 = arith.constant 1 : i32
      %dma_wait3A_482 = arith.constant 0 : i32
      %dma_wait3A_483 = arith.constant 0 : i32
      %dma_wait3A_484 = tpu.memref_slice %arg13[%dma_wait3A_481, %dma_wait3A_482, %dma_wait3A_483] : memref<3x80x128xf32, #tpu.memory_space<vmem>> -> memref<1x80x128xf32, #tpu.memory_space<vmem>>
      %dma_wait3A_485 = tpu.memref_squeeze %dma_wait3A_484 : memref<1x80x128xf32, #tpu.memory_space<vmem>> -> memref<80x128xf32, #tpu.memory_space<vmem>>
      %dma_wait3A_486 = arith.constant 0 : i32
      %dma_wait3A_487 = tpu.memref_slice %arg12[%dma_wait3A_486] : memref<10000xi32, #tpu.memory_space<vmem>> -> memref<80xi32, #tpu.memory_space<vmem>>
      %dma_wait3A_488 = arith.constant 0 : i32
      %dma_wait3A_489 = arith.constant 0 : i32
      %dma_wait3A_490 = tpu.memref_slice %arg5[%dma_wait3A_488, %dma_wait3A_489] : memref<10000x128xf32, #tpu.memory_space<hbm>> -> memref<10000x128xf32, #tpu.memory_space<hbm>>
      tpu.wait_indirect_dma semaphore(%arg23 : memref<!tpu.dma_semaphore, #tpu.memory_space<semaphore_mem>>) src(%dma_wait3A_490 : memref<10000x128xf32, #tpu.memory_space<hbm>>) dst(%dma_wait3A_485 : memref<80x128xf32, #tpu.memory_space<vmem>>)
      %mul3A_491 = arith.constant 80 : i32
      %mul3A_492 = arith.muli %add3A_406, %mul3A_491 : i32
      %add3A_493 = arith.addi %mul3A_2, %mul3A_492 : i32
      %ge3A_494 = arith.constant 3 : i32
      %ge3A_495 = arith.cmpi sge, %add3A_406, %ge3A_494 : i32
      %convert_element_type3A_496 = arith.extui %ge3A_495 : i1 to i32
      %cond3A_497 = arith.constant 0 : i32
      %cond3A_498 = arith.cmpi ne, %convert_element_type3A_496, %cond3A_497 : i32
      scf.if %cond3A_498 {
        %dma_wait3A_628 = arith.constant 1 : i32
        %dma_wait3A_629 = arith.constant 0 : i32
        %dma_wait3A_630 = tpu.memref_slice %arg18[%dma_wait3A_628, %dma_wait3A_629] : memref<3x80xf32, #tpu.memory_space<vmem>> -> memref<1x80xf32, #tpu.memory_space<vmem>>
        %dma_wait3A_631 = tpu.memref_squeeze %dma_wait3A_630 : memref<1x80xf32, #tpu.memory_space<vmem>> -> memref<80xf32, #tpu.memory_space<vmem>>
        %dma_wait3A_632 = tpu.memref_slice %arg10[%mul3A_2] : memref<320000xf32, #tpu.memory_space<hbm>> -> memref<80xf32, #tpu.memory_space<hbm>>
        %dma_wait3A_633 = tpu.memref_slice %arg10[%mul3A_2] : memref<320000xf32, #tpu.memory_space<hbm>> -> memref<80xf32, #tpu.memory_space<hbm>>
        %dma_wait3A_634 = arith.constant 0 : i32
        %dma_wait3A_635 = tpu.memref_slice %arg18[%dma_wait3A_628, %dma_wait3A_634] : memref<3x80xf32, #tpu.memory_space<vmem>> -> memref<1x80xf32, #tpu.memory_space<vmem>>
        %dma_wait3A_636 = tpu.memref_squeeze %dma_wait3A_635 : memref<1x80xf32, #tpu.memory_space<vmem>> -> memref<80xf32, #tpu.memory_space<vmem>>
        tpu.wait_dma2 semaphore(%arg26 : memref<!tpu.dma_semaphore, #tpu.memory_space<semaphore_mem>>) src(%dma_wait3A_636 : memref<80xf32, #tpu.memory_space<vmem>>) dst(%dma_wait3A_633 : memref<80xf32, #tpu.memory_space<hbm>>)
      } else {
      }
      %scan3A_499 = arith.constant 0 : i32
      %scan3A_500 = arith.constant 0 : i32
      %scan3A_501 = arith.constant 5 : i32
      %scan3A_502 = arith.addi %scan3A_500, %scan3A_501 : i32
      %scan3A_503 = arith.constant 1 : i32
      %scan3A_504 = scf.for %scan3A_628 = %scan3A_500 to %scan3A_502 step %scan3A_503 iter_args(%scan3A_629 = %scan3A_499) -> (i32)  : i32 {
        %scan3A_630 = arith.constant 0 : i32
        %scan3A_631 = arith.constant 8 : i32
        %scan3A_632 = arith.addi %scan3A_630, %scan3A_631 : i32
        %scan3A_633 = arith.constant 1 : i32
        %scan3A_634:2 = scf.for %scan3A_653 = %scan3A_630 to %scan3A_632 step %scan3A_633 iter_args(%scan3A_654 = %broadcast_in_dim3A_29, %scan3A_655 = %broadcast_in_dim3A_29) -> (vector<16xf32>, vector<16xf32>)  : i32 {
          %mul3A_656 = arith.constant 2 : i32
          %mul3A_657 = arith.muli %scan3A_653, %mul3A_656 : i32
          %add3A_658 = arith.constant 0 : i32
          %add3A_659 = arith.addi %mul3A_657, %add3A_658 : i32
          %mul3A_660 = arith.constant 16 : i32
          %mul3A_661 = arith.muli %scan3A_628, %mul3A_660 : i32
          %add3A_662 = arith.addi %mul3A_661, %add3A_659 : i32
          %get3A_663 = arith.constant 1 : i32
          %get3A_664 = arith.index_cast %get3A_663 : i32 to index
          %get3A_665 = arith.index_cast %add3A_662 : i32 to index
          %get3A_666 = arith.constant 0 : index
          %get3A_667 = tpu.vector_load %arg13[%get3A_664, %get3A_665, %get3A_666] {strides = array<i32>} : memref<3x80x128xf32, #tpu.memory_space<vmem>>, vector<1x1x16xf32>,
          %get3A_668 = vector.shape_cast %get3A_667 : vector<1x1x16xf32> to vector<16xf32>
          %get3A_669 = arith.constant 1 : i32
          %get3A_670 = arith.index_cast %get3A_669 : i32 to index
          %get3A_671 = arith.index_cast %add3A_662 : i32 to index
          %get3A_672 = arith.constant 0 : index
          %get3A_673 = tpu.vector_load %arg14[%get3A_670, %get3A_671, %get3A_672] {strides = array<i32>} : memref<3x80x128xf32, #tpu.memory_space<vmem>>, vector<1x1x16xf32>,
          %get3A_674 = vector.shape_cast %get3A_673 : vector<1x1x16xf32> to vector<16xf32>
          %get3A_675 = arith.constant 1 : i32
          %get3A_676 = arith.index_cast %get3A_675 : i32 to index
          %get3A_677 = arith.index_cast %add3A_662 : i32 to index
          %get3A_678 = arith.constant 0 : index
          %get3A_679 = tpu.vector_load %arg15[%get3A_676, %get3A_677, %get3A_678] {strides = array<i32>} : memref<3x80x128xf32, #tpu.memory_space<vmem>>, vector<1x1x16xf32>,
          %get3A_680 = vector.shape_cast %get3A_679 : vector<1x1x16xf32> to vector<16xf32>
          %mul3A_681 = arith.constant 2.000000e-01 : f32
          %mul3A_682 = vector.broadcast %mul3A_681 : f32 to vector<16xf32>
          %mul3A_683 = arith.mulf %mul3A_682, %get3A_668 : vector<16xf32>
          %max3A = arith.maximumf %get3A_668, %mul3A_683 : vector<16xf32>
          %mul3A_684 = arith.mulf %max3A, %get3A_4 : vector<16xf32>
          %mul3A_685 = arith.mulf %get3A_674, %get3A_680 : vector<16xf32>
          %get3A_686 = arith.constant 1 : i32
          %get3A_687 = arith.index_cast %get3A_686 : i32 to index
          %get3A_688 = arith.index_cast %add3A_662 : i32 to index
          %get3A_689 = arith.constant 16 : index
          %get3A_690 = tpu.vector_load %arg13[%get3A_687, %get3A_688, %get3A_689] {strides = array<i32>} : memref<3x80x128xf32, #tpu.memory_space<vmem>>, vector<1x1x16xf32>,
          %get3A_691 = vector.shape_cast %get3A_690 : vector<1x1x16xf32> to vector<16xf32>
          %get3A_692 = arith.constant 1 : i32
          %get3A_693 = arith.index_cast %get3A_692 : i32 to index
          %get3A_694 = arith.index_cast %add3A_662 : i32 to index
          %get3A_695 = arith.constant 16 : index
          %get3A_696 = tpu.vector_load %arg14[%get3A_693, %get3A_694, %get3A_695] {strides = array<i32>} : memref<3x80x128xf32, #tpu.memory_space<vmem>>, vector<1x1x16xf32>,
          %get3A_697 = vector.shape_cast %get3A_696 : vector<1x1x16xf32> to vector<16xf32>
          %get3A_698 = arith.constant 1 : i32
          %get3A_699 = arith.index_cast %get3A_698 : i32 to index
          %get3A_700 = arith.index_cast %add3A_662 : i32 to index
          %get3A_701 = arith.constant 16 : index
          %get3A_702 = tpu.vector_load %arg15[%get3A_699, %get3A_700, %get3A_701] {strides = array<i32>} : memref<3x80x128xf32, #tpu.memory_space<vmem>>, vector<1x1x16xf32>,
          %get3A_703 = vector.shape_cast %get3A_702 : vector<1x1x16xf32> to vector<16xf32>
          %mul3A_704 = arith.constant 2.000000e-01 : f32
          %mul3A_705 = vector.broadcast %mul3A_704 : f32 to vector<16xf32>
          %mul3A_706 = arith.mulf %mul3A_705, %get3A_691 : vector<16xf32>
          %max3A_707 = arith.maximumf %get3A_691, %mul3A_706 : vector<16xf32>
          %mul3A_708 = arith.mulf %max3A_707, %get3A_7 : vector<16xf32>
          %mul3A_709 = arith.mulf %get3A_697, %get3A_703 : vector<16xf32>
          %add3A_710 = arith.addf %mul3A_684, %mul3A_708 : vector<16xf32>
          %add3A_711 = arith.addf %mul3A_685, %mul3A_709 : vector<16xf32>
          %get3A_712 = arith.constant 1 : i32
          %get3A_713 = arith.index_cast %get3A_712 : i32 to index
          %get3A_714 = arith.index_cast %add3A_662 : i32 to index
          %get3A_715 = arith.constant 32 : index
          %get3A_716 = tpu.vector_load %arg13[%get3A_713, %get3A_714, %get3A_715] {strides = array<i32>} : memref<3x80x128xf32, #tpu.memory_space<vmem>>, vector<1x1x16xf32>,
          %get3A_717 = vector.shape_cast %get3A_716 : vector<1x1x16xf32> to vector<16xf32>
          %get3A_718 = arith.constant 1 : i32
          %get3A_719 = arith.index_cast %get3A_718 : i32 to index
          %get3A_720 = arith.index_cast %add3A_662 : i32 to index
          %get3A_721 = arith.constant 32 : index
          %get3A_722 = tpu.vector_load %arg14[%get3A_719, %get3A_720, %get3A_721] {strides = array<i32>} : memref<3x80x128xf32, #tpu.memory_space<vmem>>, vector<1x1x16xf32>,
          %get3A_723 = vector.shape_cast %get3A_722 : vector<1x1x16xf32> to vector<16xf32>
          %get3A_724 = arith.constant 1 : i32
          %get3A_725 = arith.index_cast %get3A_724 : i32 to index
          %get3A_726 = arith.index_cast %add3A_662 : i32 to index
          %get3A_727 = arith.constant 32 : index
          %get3A_728 = tpu.vector_load %arg15[%get3A_725, %get3A_726, %get3A_727] {strides = array<i32>} : memref<3x80x128xf32, #tpu.memory_space<vmem>>, vector<1x1x16xf32>,
          %get3A_729 = vector.shape_cast %get3A_728 : vector<1x1x16xf32> to vector<16xf32>
          %mul3A_730 = arith.constant 2.000000e-01 : f32
          %mul3A_731 = vector.broadcast %mul3A_730 : f32 to vector<16xf32>
          %mul3A_732 = arith.mulf %mul3A_731, %get3A_717 : vector<16xf32>
          %max3A_733 = arith.maximumf %get3A_717, %mul3A_732 : vector<16xf32>
          %mul3A_734 = arith.mulf %max3A_733, %get3A_10 : vector<16xf32>
          %mul3A_735 = arith.mulf %get3A_723, %get3A_729 : vector<16xf32>
          %add3A_736 = arith.addf %add3A_710, %mul3A_734 : vector<16xf32>
          %add3A_737 = arith.addf %add3A_711, %mul3A_735 : vector<16xf32>
          %get3A_738 = arith.constant 1 : i32
          %get3A_739 = arith.index_cast %get3A_738 : i32 to index
          %get3A_740 = arith.index_cast %add3A_662 : i32 to index
          %get3A_741 = arith.constant 48 : index
          %get3A_742 = tpu.vector_load %arg13[%get3A_739, %get3A_740, %get3A_741] {strides = array<i32>} : memref<3x80x128xf32, #tpu.memory_space<vmem>>, vector<1x1x16xf32>,
          %get3A_743 = vector.shape_cast %get3A_742 : vector<1x1x16xf32> to vector<16xf32>
          %get3A_744 = arith.constant 1 : i32
          %get3A_745 = arith.index_cast %get3A_744 : i32 to index
          %get3A_746 = arith.index_cast %add3A_662 : i32 to index
          %get3A_747 = arith.constant 48 : index
          %get3A_748 = tpu.vector_load %arg14[%get3A_745, %get3A_746, %get3A_747] {strides = array<i32>} : memref<3x80x128xf32, #tpu.memory_space<vmem>>, vector<1x1x16xf32>,
          %get3A_749 = vector.shape_cast %get3A_748 : vector<1x1x16xf32> to vector<16xf32>
          %get3A_750 = arith.constant 1 : i32
          %get3A_751 = arith.index_cast %get3A_750 : i32 to index
          %get3A_752 = arith.index_cast %add3A_662 : i32 to index
          %get3A_753 = arith.constant 48 : index
          %get3A_754 = tpu.vector_load %arg15[%get3A_751, %get3A_752, %get3A_753] {strides = array<i32>} : memref<3x80x128xf32, #tpu.memory_space<vmem>>, vector<1x1x16xf32>,
          %get3A_755 = vector.shape_cast %get3A_754 : vector<1x1x16xf32> to vector<16xf32>
          %mul3A_756 = arith.constant 2.000000e-01 : f32
          %mul3A_757 = vector.broadcast %mul3A_756 : f32 to vector<16xf32>
          %mul3A_758 = arith.mulf %mul3A_757, %get3A_743 : vector<16xf32>
          %max3A_759 = arith.maximumf %get3A_743, %mul3A_758 : vector<16xf32>
          %mul3A_760 = arith.mulf %max3A_759, %get3A_13 : vector<16xf32>
          %mul3A_761 = arith.mulf %get3A_749, %get3A_755 : vector<16xf32>
          %add3A_762 = arith.addf %add3A_736, %mul3A_760 : vector<16xf32>
          %add3A_763 = arith.addf %add3A_737, %mul3A_761 : vector<16xf32>
          %get3A_764 = arith.constant 1 : i32
          %get3A_765 = arith.index_cast %get3A_764 : i32 to index
          %get3A_766 = arith.index_cast %add3A_662 : i32 to index
          %get3A_767 = arith.constant 64 : index
          %get3A_768 = tpu.vector_load %arg13[%get3A_765, %get3A_766, %get3A_767] {strides = array<i32>} : memref<3x80x128xf32, #tpu.memory_space<vmem>>, vector<1x1x16xf32>,
          %get3A_769 = vector.shape_cast %get3A_768 : vector<1x1x16xf32> to vector<16xf32>
          %get3A_770 = arith.constant 1 : i32
          %get3A_771 = arith.index_cast %get3A_770 : i32 to index
          %get3A_772 = arith.index_cast %add3A_662 : i32 to index
          %get3A_773 = arith.constant 64 : index
          %get3A_774 = tpu.vector_load %arg14[%get3A_771, %get3A_772, %get3A_773] {strides = array<i32>} : memref<3x80x128xf32, #tpu.memory_space<vmem>>, vector<1x1x16xf32>,
          %get3A_775 = vector.shape_cast %get3A_774 : vector<1x1x16xf32> to vector<16xf32>
          %get3A_776 = arith.constant 1 : i32
          %get3A_777 = arith.index_cast %get3A_776 : i32 to index
          %get3A_778 = arith.index_cast %add3A_662 : i32 to index
          %get3A_779 = arith.constant 64 : index
          %get3A_780 = tpu.vector_load %arg15[%get3A_777, %get3A_778, %get3A_779] {strides = array<i32>} : memref<3x80x128xf32, #tpu.memory_space<vmem>>, vector<1x1x16xf32>,
          %get3A_781 = vector.shape_cast %get3A_780 : vector<1x1x16xf32> to vector<16xf32>
          %mul3A_782 = arith.constant 2.000000e-01 : f32
          %mul3A_783 = vector.broadcast %mul3A_782 : f32 to vector<16xf32>
          %mul3A_784 = arith.mulf %mul3A_783, %get3A_769 : vector<16xf32>
          %max3A_785 = arith.maximumf %get3A_769, %mul3A_784 : vector<16xf32>
          %mul3A_786 = arith.mulf %max3A_785, %get3A_16 : vector<16xf32>
          %mul3A_787 = arith.mulf %get3A_775, %get3A_781 : vector<16xf32>
          %add3A_788 = arith.addf %add3A_762, %mul3A_786 : vector<16xf32>
          %add3A_789 = arith.addf %add3A_763, %mul3A_787 : vector<16xf32>
          %get3A_790 = arith.constant 1 : i32
          %get3A_791 = arith.index_cast %get3A_790 : i32 to index
          %get3A_792 = arith.index_cast %add3A_662 : i32 to index
          %get3A_793 = arith.constant 80 : index
          %get3A_794 = tpu.vector_load %arg13[%get3A_791, %get3A_792, %get3A_793] {strides = array<i32>} : memref<3x80x128xf32, #tpu.memory_space<vmem>>, vector<1x1x16xf32>,
          %get3A_795 = vector.shape_cast %get3A_794 : vector<1x1x16xf32> to vector<16xf32>
          %get3A_796 = arith.constant 1 : i32
          %get3A_797 = arith.index_cast %get3A_796 : i32 to index
          %get3A_798 = arith.index_cast %add3A_662 : i32 to index
          %get3A_799 = arith.constant 80 : index
          %get3A_800 = tpu.vector_load %arg14[%get3A_797, %get3A_798, %get3A_799] {strides = array<i32>} : memref<3x80x128xf32, #tpu.memory_space<vmem>>, vector<1x1x16xf32>,
          %get3A_801 = vector.shape_cast %get3A_800 : vector<1x1x16xf32> to vector<16xf32>
          %get3A_802 = arith.constant 1 : i32
          %get3A_803 = arith.index_cast %get3A_802 : i32 to index
          %get3A_804 = arith.index_cast %add3A_662 : i32 to index
          %get3A_805 = arith.constant 80 : index
          %get3A_806 = tpu.vector_load %arg15[%get3A_803, %get3A_804, %get3A_805] {strides = array<i32>} : memref<3x80x128xf32, #tpu.memory_space<vmem>>, vector<1x1x16xf32>,
          %get3A_807 = vector.shape_cast %get3A_806 : vector<1x1x16xf32> to vector<16xf32>
          %mul3A_808 = arith.constant 2.000000e-01 : f32
          %mul3A_809 = vector.broadcast %mul3A_808 : f32 to vector<16xf32>
          %mul3A_810 = arith.mulf %mul3A_809, %get3A_795 : vector<16xf32>
          %max3A_811 = arith.maximumf %get3A_795, %mul3A_810 : vector<16xf32>
          %mul3A_812 = arith.mulf %max3A_811, %get3A_19 : vector<16xf32>
          %mul3A_813 = arith.mulf %get3A_801, %get3A_807 : vector<16xf32>
          %add3A_814 = arith.addf %add3A_788, %mul3A_812 : vector<16xf32>
          %add3A_815 = arith.addf %add3A_789, %mul3A_813 : vector<16xf32>
          %get3A_816 = arith.constant 1 : i32
          %get3A_817 = arith.index_cast %get3A_816 : i32 to index
          %get3A_818 = arith.index_cast %add3A_662 : i32 to index
          %get3A_819 = arith.constant 96 : index
          %get3A_820 = tpu.vector_load %arg13[%get3A_817, %get3A_818, %get3A_819] {strides = array<i32>} : memref<3x80x128xf32, #tpu.memory_space<vmem>>, vector<1x1x16xf32>,
          %get3A_821 = vector.shape_cast %get3A_820 : vector<1x1x16xf32> to vector<16xf32>
          %get3A_822 = arith.constant 1 : i32
          %get3A_823 = arith.index_cast %get3A_822 : i32 to index
          %get3A_824 = arith.index_cast %add3A_662 : i32 to index
          %get3A_825 = arith.constant 96 : index
          %get3A_826 = tpu.vector_load %arg14[%get3A_823, %get3A_824, %get3A_825] {strides = array<i32>} : memref<3x80x128xf32, #tpu.memory_space<vmem>>, vector<1x1x16xf32>,
          %get3A_827 = vector.shape_cast %get3A_826 : vector<1x1x16xf32> to vector<16xf32>
          %get3A_828 = arith.constant 1 : i32
          %get3A_829 = arith.index_cast %get3A_828 : i32 to index
          %get3A_830 = arith.index_cast %add3A_662 : i32 to index
          %get3A_831 = arith.constant 96 : index
          %get3A_832 = tpu.vector_load %arg15[%get3A_829, %get3A_830, %get3A_831] {strides = array<i32>} : memref<3x80x128xf32, #tpu.memory_space<vmem>>, vector<1x1x16xf32>,
          %get3A_833 = vector.shape_cast %get3A_832 : vector<1x1x16xf32> to vector<16xf32>
          %mul3A_834 = arith.constant 2.000000e-01 : f32
          %mul3A_835 = vector.broadcast %mul3A_834 : f32 to vector<16xf32>
          %mul3A_836 = arith.mulf %mul3A_835, %get3A_821 : vector<16xf32>
          %max3A_837 = arith.maximumf %get3A_821, %mul3A_836 : vector<16xf32>
          %mul3A_838 = arith.mulf %max3A_837, %get3A_22 : vector<16xf32>
          %mul3A_839 = arith.mulf %get3A_827, %get3A_833 : vector<16xf32>
          %add3A_840 = arith.addf %add3A_814, %mul3A_838 : vector<16xf32>
          %add3A_841 = arith.addf %add3A_815, %mul3A_839 : vector<16xf32>
          %get3A_842 = arith.constant 1 : i32
          %get3A_843 = arith.index_cast %get3A_842 : i32 to index
          %get3A_844 = arith.index_cast %add3A_662 : i32 to index
          %get3A_845 = arith.constant 112 : index
          %get3A_846 = tpu.vector_load %arg13[%get3A_843, %get3A_844, %get3A_845] {strides = array<i32>} : memref<3x80x128xf32, #tpu.memory_space<vmem>>, vector<1x1x16xf32>,
          %get3A_847 = vector.shape_cast %get3A_846 : vector<1x1x16xf32> to vector<16xf32>
          %get3A_848 = arith.constant 1 : i32
          %get3A_849 = arith.index_cast %get3A_848 : i32 to index
          %get3A_850 = arith.index_cast %add3A_662 : i32 to index
          %get3A_851 = arith.constant 112 : index
          %get3A_852 = tpu.vector_load %arg14[%get3A_849, %get3A_850, %get3A_851] {strides = array<i32>} : memref<3x80x128xf32, #tpu.memory_space<vmem>>, vector<1x1x16xf32>,
          %get3A_853 = vector.shape_cast %get3A_852 : vector<1x1x16xf32> to vector<16xf32>
          %get3A_854 = arith.constant 1 : i32
          %get3A_855 = arith.index_cast %get3A_854 : i32 to index
          %get3A_856 = arith.index_cast %add3A_662 : i32 to index
          %get3A_857 = arith.constant 112 : index
          %get3A_858 = tpu.vector_load %arg15[%get3A_855, %get3A_856, %get3A_857] {strides = array<i32>} : memref<3x80x128xf32, #tpu.memory_space<vmem>>, vector<1x1x16xf32>,
          %get3A_859 = vector.shape_cast %get3A_858 : vector<1x1x16xf32> to vector<16xf32>
          %mul3A_860 = arith.constant 2.000000e-01 : f32
          %mul3A_861 = vector.broadcast %mul3A_860 : f32 to vector<16xf32>
          %mul3A_862 = arith.mulf %mul3A_861, %get3A_847 : vector<16xf32>
          %max3A_863 = arith.maximumf %get3A_847, %mul3A_862 : vector<16xf32>
          %mul3A_864 = arith.mulf %max3A_863, %get3A_25 : vector<16xf32>
          %mul3A_865 = arith.mulf %get3A_853, %get3A_859 : vector<16xf32>
          %add3A_866 = arith.addf %add3A_840, %mul3A_864 : vector<16xf32>
          %add3A_867 = arith.addf %add3A_841, %mul3A_865 : vector<16xf32>
          %lt3A_868 = arith.constant 0 : i32
          %lt3A_869 = vector.broadcast %lt3A_868 : i32 to vector<16xi32>
          %lt3A_870 = arith.cmpi slt, %xor3A_33, %lt3A_869 : vector<16xi32>
          %add3A_871 = arith.constant 16 : i32
          %add3A_872 = vector.broadcast %add3A_871 : i32 to vector<16xi32>
          %add3A_873 = arith.addi %xor3A_33, %add3A_872 : vector<16xi32>
          %select_n3A = arith.select %lt3A_870, %add3A_873, %xor3A_33 : vector<16xi1>, vector<16xi32>
          %broadcast_in_dim3A_874 = vector.shape_cast %select_n3A : vector<16xi32> to vector<16x1xi32>
          %gather3A = vector.shape_cast %broadcast_in_dim3A_874 : vector<16x1xi32> to vector<16xi32>
          %gather3A_875 = tpu.dynamic_gather %add3A_866[%gather3A] in [0] : vector<16xf32>, vector<16xi32> -> vector<16xf32>
          %add3A_876 = arith.addf %add3A_866, %gather3A_875 : vector<16xf32>
          %lt3A_877 = arith.constant 0 : i32
          %lt3A_878 = vector.broadcast %lt3A_877 : i32 to vector<16xi32>
          %lt3A_879 = arith.cmpi slt, %xor3A_33, %lt3A_878 : vector<16xi32>
          %add3A_880 = arith.constant 16 : i32
          %add3A_881 = vector.broadcast %add3A_880 : i32 to vector<16xi32>
          %add3A_882 = arith.addi %xor3A_33, %add3A_881 : vector<16xi32>
          %select_n3A_883 = arith.select %lt3A_879, %add3A_882, %xor3A_33 : vector<16xi1>, vector<16xi32>
          %broadcast_in_dim3A_884 = vector.shape_cast %select_n3A_883 : vector<16xi32> to vector<16x1xi32>
          %gather3A_885 = vector.shape_cast %broadcast_in_dim3A_884 : vector<16x1xi32> to vector<16xi32>
          %gather3A_886 = tpu.dynamic_gather %add3A_867[%gather3A_885] in [0] : vector<16xf32>, vector<16xi32> -> vector<16xf32>
          %add3A_887 = arith.addf %add3A_867, %gather3A_886 : vector<16xf32>
          %select_n3A_888 = arith.select %lt3A_31, %add3A_876, %add3A_887 : vector<16xi1>, vector<16xf32>
          %lt3A_889 = arith.constant 0 : i32
          %lt3A_890 = vector.broadcast %lt3A_889 : i32 to vector<16xi32>
          %lt3A_891 = arith.cmpi slt, %xor3A_36, %lt3A_890 : vector<16xi32>
          %add3A_892 = arith.constant 16 : i32
          %add3A_893 = vector.broadcast %add3A_892 : i32 to vector<16xi32>
          %add3A_894 = arith.addi %xor3A_36, %add3A_893 : vector<16xi32>
          %select_n3A_895 = arith.select %lt3A_891, %add3A_894, %xor3A_36 : vector<16xi1>, vector<16xi32>
          %broadcast_in_dim3A_896 = vector.shape_cast %select_n3A_895 : vector<16xi32> to vector<16x1xi32>
          %gather3A_897 = vector.shape_cast %broadcast_in_dim3A_896 : vector<16x1xi32> to vector<16xi32>
          %gather3A_898 = tpu.dynamic_gather %select_n3A_888[%gather3A_897] in [0] : vector<16xf32>, vector<16xi32> -> vector<16xf32>
          %add3A_899 = arith.addf %select_n3A_888, %gather3A_898 : vector<16xf32>
          %lt3A_900 = arith.constant 0 : i32
          %lt3A_901 = vector.broadcast %lt3A_900 : i32 to vector<16xi32>
          %lt3A_902 = arith.cmpi slt, %xor3A_39, %lt3A_901 : vector<16xi32>
          %add3A_903 = arith.constant 16 : i32
          %add3A_904 = vector.broadcast %add3A_903 : i32 to vector<16xi32>
          %add3A_905 = arith.addi %xor3A_39, %add3A_904 : vector<16xi32>
          %select_n3A_906 = arith.select %lt3A_902, %add3A_905, %xor3A_39 : vector<16xi1>, vector<16xi32>
          %broadcast_in_dim3A_907 = vector.shape_cast %select_n3A_906 : vector<16xi32> to vector<16x1xi32>
          %gather3A_908 = vector.shape_cast %broadcast_in_dim3A_907 : vector<16x1xi32> to vector<16xi32>
          %gather3A_909 = tpu.dynamic_gather %add3A_899[%gather3A_908] in [0] : vector<16xf32>, vector<16xi32> -> vector<16xf32>
          %add3A_910 = arith.addf %add3A_899, %gather3A_909 : vector<16xf32>
          %lt3A_911 = arith.constant 0 : i32
          %lt3A_912 = vector.broadcast %lt3A_911 : i32 to vector<16xi32>
          %lt3A_913 = arith.cmpi slt, %xor3A_42, %lt3A_912 : vector<16xi32>
          %add3A_914 = arith.constant 16 : i32
          %add3A_915 = vector.broadcast %add3A_914 : i32 to vector<16xi32>
          %add3A_916 = arith.addi %xor3A_42, %add3A_915 : vector<16xi32>
          %select_n3A_917 = arith.select %lt3A_913, %add3A_916, %xor3A_42 : vector<16xi1>, vector<16xi32>
          %broadcast_in_dim3A_918 = vector.shape_cast %select_n3A_917 : vector<16xi32> to vector<16x1xi32>
          %gather3A_919 = vector.shape_cast %broadcast_in_dim3A_918 : vector<16x1xi32> to vector<16xi32>
          %gather3A_920 = tpu.dynamic_gather %add3A_910[%gather3A_919] in [0] : vector<16xf32>, vector<16xi32> -> vector<16xf32>
          %add3A_921 = arith.addf %add3A_910, %gather3A_920 : vector<16xf32>
          %lt3A_922 = arith.constant 0 : i32
          %lt3A_923 = vector.broadcast %lt3A_922 : i32 to vector<16xi32>
          %lt3A_924 = arith.cmpi slt, %and3A_46, %lt3A_923 : vector<16xi32>
          %add3A_925 = arith.constant 16 : i32
          %add3A_926 = vector.broadcast %add3A_925 : i32 to vector<16xi32>
          %add3A_927 = arith.addi %and3A_46, %add3A_926 : vector<16xi32>
          %select_n3A_928 = arith.select %lt3A_924, %add3A_927, %and3A_46 : vector<16xi1>, vector<16xi32>
          %broadcast_in_dim3A_929 = vector.shape_cast %select_n3A_928 : vector<16xi32> to vector<16x1xi32>
          %gather3A_930 = vector.shape_cast %broadcast_in_dim3A_929 : vector<16x1xi32> to vector<16xi32>
          %gather3A_931 = tpu.dynamic_gather %add3A_921[%gather3A_930] in [0] : vector<16xf32>, vector<16xi32> -> vector<16xf32>
          %lt3A_932 = arith.constant 0 : i32
          %lt3A_933 = vector.broadcast %lt3A_932 : i32 to vector<16xi32>
          %lt3A_934 = arith.cmpi slt, %or3A_44, %lt3A_933 : vector<16xi32>
          %add3A_935 = arith.constant 16 : i32
          %add3A_936 = vector.broadcast %add3A_935 : i32 to vector<16xi32>
          %add3A_937 = arith.addi %or3A_44, %add3A_936 : vector<16xi32>
          %select_n3A_938 = arith.select %lt3A_934, %add3A_937, %or3A_44 : vector<16xi1>, vector<16xi32>
          %broadcast_in_dim3A_939 = vector.shape_cast %select_n3A_938 : vector<16xi32> to vector<16x1xi32>
          %gather3A_940 = vector.shape_cast %broadcast_in_dim3A_939 : vector<16x1xi32> to vector<16xi32>
          %gather3A_941 = tpu.dynamic_gather %add3A_921[%gather3A_940] in [0] : vector<16xf32>, vector<16xi32> -> vector<16xf32>
          %eq3A = vector.broadcast %add3A_659 : i32 to vector<16xi32>
          %eq3A_942 = arith.cmpi eq, %iota3A, %eq3A : vector<16xi32>
          %select_n3A_943 = arith.select %eq3A_942, %gather3A_931, %scan3A_654 : vector<16xi1>, vector<16xf32>
          %select_n3A_944 = arith.select %eq3A_942, %gather3A_941, %scan3A_655 : vector<16xi1>, vector<16xf32>
          %mul3A_945 = arith.constant 2 : i32
          %mul3A_946 = arith.muli %scan3A_653, %mul3A_945 : i32
          %add3A_947 = arith.constant 1 : i32
          %add3A_948 = arith.addi %mul3A_946, %add3A_947 : i32
          %mul3A_949 = arith.constant 16 : i32
          %mul3A_950 = arith.muli %scan3A_628, %mul3A_949 : i32
          %add3A_951 = arith.addi %mul3A_950, %add3A_948 : i32
          %get3A_952 = arith.constant 1 : i32
          %get3A_953 = arith.index_cast %get3A_952 : i32 to index
          %get3A_954 = arith.index_cast %add3A_951 : i32 to index
          %get3A_955 = arith.constant 0 : index
          %get3A_956 = tpu.vector_load %arg13[%get3A_953, %get3A_954, %get3A_955] {strides = array<i32>} : memref<3x80x128xf32, #tpu.memory_space<vmem>>, vector<1x1x16xf32>,
          %get3A_957 = vector.shape_cast %get3A_956 : vector<1x1x16xf32> to vector<16xf32>
          %get3A_958 = arith.constant 1 : i32
          %get3A_959 = arith.index_cast %get3A_958 : i32 to index
          %get3A_960 = arith.index_cast %add3A_951 : i32 to index
          %get3A_961 = arith.constant 0 : index
          %get3A_962 = tpu.vector_load %arg14[%get3A_959, %get3A_960, %get3A_961] {strides = array<i32>} : memref<3x80x128xf32, #tpu.memory_space<vmem>>, vector<1x1x16xf32>,
          %get3A_963 = vector.shape_cast %get3A_962 : vector<1x1x16xf32> to vector<16xf32>
          %get3A_964 = arith.constant 1 : i32
          %get3A_965 = arith.index_cast %get3A_964 : i32 to index
          %get3A_966 = arith.index_cast %add3A_951 : i32 to index
          %get3A_967 = arith.constant 0 : index
          %get3A_968 = tpu.vector_load %arg15[%get3A_965, %get3A_966, %get3A_967] {strides = array<i32>} : memref<3x80x128xf32, #tpu.memory_space<vmem>>, vector<1x1x16xf32>,
          %get3A_969 = vector.shape_cast %get3A_968 : vector<1x1x16xf32> to vector<16xf32>
          %mul3A_970 = arith.constant 2.000000e-01 : f32
          %mul3A_971 = vector.broadcast %mul3A_970 : f32 to vector<16xf32>
          %mul3A_972 = arith.mulf %mul3A_971, %get3A_957 : vector<16xf32>
          %max3A_973 = arith.maximumf %get3A_957, %mul3A_972 : vector<16xf32>
          %mul3A_974 = arith.mulf %max3A_973, %get3A_4 : vector<16xf32>
          %mul3A_975 = arith.mulf %get3A_963, %get3A_969 : vector<16xf32>
          %get3A_976 = arith.constant 1 : i32
          %get3A_977 = arith.index_cast %get3A_976 : i32 to index
          %get3A_978 = arith.index_cast %add3A_951 : i32 to index
          %get3A_979 = arith.constant 16 : index
          %get3A_980 = tpu.vector_load %arg13[%get3A_977, %get3A_978, %get3A_979] {strides = array<i32>} : memref<3x80x128xf32, #tpu.memory_space<vmem>>, vector<1x1x16xf32>,
          %get3A_981 = vector.shape_cast %get3A_980 : vector<1x1x16xf32> to vector<16xf32>
          %get3A_982 = arith.constant 1 : i32
          %get3A_983 = arith.index_cast %get3A_982 : i32 to index
          %get3A_984 = arith.index_cast %add3A_951 : i32 to index
          %get3A_985 = arith.constant 16 : index
          %get3A_986 = tpu.vector_load %arg14[%get3A_983, %get3A_984, %get3A_985] {strides = array<i32>} : memref<3x80x128xf32, #tpu.memory_space<vmem>>, vector<1x1x16xf32>,
          %get3A_987 = vector.shape_cast %get3A_986 : vector<1x1x16xf32> to vector<16xf32>
          %get3A_988 = arith.constant 1 : i32
          %get3A_989 = arith.index_cast %get3A_988 : i32 to index
          %get3A_990 = arith.index_cast %add3A_951 : i32 to index
          %get3A_991 = arith.constant 16 : index
          %get3A_992 = tpu.vector_load %arg15[%get3A_989, %get3A_990, %get3A_991] {strides = array<i32>} : memref<3x80x128xf32, #tpu.memory_space<vmem>>, vector<1x1x16xf32>,
          %get3A_993 = vector.shape_cast %get3A_992 : vector<1x1x16xf32> to vector<16xf32>
          %mul3A_994 = arith.constant 2.000000e-01 : f32
          %mul3A_995 = vector.broadcast %mul3A_994 : f32 to vector<16xf32>
          %mul3A_996 = arith.mulf %mul3A_995, %get3A_981 : vector<16xf32>
          %max3A_997 = arith.maximumf %get3A_981, %mul3A_996 : vector<16xf32>
          %mul3A_998 = arith.mulf %max3A_997, %get3A_7 : vector<16xf32>
          %mul3A_999 = arith.mulf %get3A_987, %get3A_993 : vector<16xf32>
          %add3A_1000 = arith.addf %mul3A_974, %mul3A_998 : vector<16xf32>
          %add3A_1001 = arith.addf %mul3A_975, %mul3A_999 : vector<16xf32>
          %get3A_1002 = arith.constant 1 : i32
          %get3A_1003 = arith.index_cast %get3A_1002 : i32 to index
          %get3A_1004 = arith.index_cast %add3A_951 : i32 to index
          %get3A_1005 = arith.constant 32 : index
          %get3A_1006 = tpu.vector_load %arg13[%get3A_1003, %get3A_1004, %get3A_1005] {strides = array<i32>} : memref<3x80x128xf32, #tpu.memory_space<vmem>>, vector<1x1x16xf32>,
          %get3A_1007 = vector.shape_cast %get3A_1006 : vector<1x1x16xf32> to vector<16xf32>
          %get3A_1008 = arith.constant 1 : i32
          %get3A_1009 = arith.index_cast %get3A_1008 : i32 to index
          %get3A_1010 = arith.index_cast %add3A_951 : i32 to index
          %get3A_1011 = arith.constant 32 : index
          %get3A_1012 = tpu.vector_load %arg14[%get3A_1009, %get3A_1010, %get3A_1011] {strides = array<i32>} : memref<3x80x128xf32, #tpu.memory_space<vmem>>, vector<1x1x16xf32>,
          %get3A_1013 = vector.shape_cast %get3A_1012 : vector<1x1x16xf32> to vector<16xf32>
          %get3A_1014 = arith.constant 1 : i32
          %get3A_1015 = arith.index_cast %get3A_1014 : i32 to index
          %get3A_1016 = arith.index_cast %add3A_951 : i32 to index
          %get3A_1017 = arith.constant 32 : index
          %get3A_1018 = tpu.vector_load %arg15[%get3A_1015, %get3A_1016, %get3A_1017] {strides = array<i32>} : memref<3x80x128xf32, #tpu.memory_space<vmem>>, vector<1x1x16xf32>,
          %get3A_1019 = vector.shape_cast %get3A_1018 : vector<1x1x16xf32> to vector<16xf32>
          %mul3A_1020 = arith.constant 2.000000e-01 : f32
          %mul3A_1021 = vector.broadcast %mul3A_1020 : f32 to vector<16xf32>
          %mul3A_1022 = arith.mulf %mul3A_1021, %get3A_1007 : vector<16xf32>
          %max3A_1023 = arith.maximumf %get3A_1007, %mul3A_1022 : vector<16xf32>
          %mul3A_1024 = arith.mulf %max3A_1023, %get3A_10 : vector<16xf32>
          %mul3A_1025 = arith.mulf %get3A_1013, %get3A_1019 : vector<16xf32>
          %add3A_1026 = arith.addf %add3A_1000, %mul3A_1024 : vector<16xf32>
          %add3A_1027 = arith.addf %add3A_1001, %mul3A_1025 : vector<16xf32>
          %get3A_1028 = arith.constant 1 : i32
          %get3A_1029 = arith.index_cast %get3A_1028 : i32 to index
          %get3A_1030 = arith.index_cast %add3A_951 : i32 to index
          %get3A_1031 = arith.constant 48 : index
          %get3A_1032 = tpu.vector_load %arg13[%get3A_1029, %get3A_1030, %get3A_1031] {strides = array<i32>} : memref<3x80x128xf32, #tpu.memory_space<vmem>>, vector<1x1x16xf32>,
          %get3A_1033 = vector.shape_cast %get3A_1032 : vector<1x1x16xf32> to vector<16xf32>
          %get3A_1034 = arith.constant 1 : i32
          %get3A_1035 = arith.index_cast %get3A_1034 : i32 to index
          %get3A_1036 = arith.index_cast %add3A_951 : i32 to index
          %get3A_1037 = arith.constant 48 : index
          %get3A_1038 = tpu.vector_load %arg14[%get3A_1035, %get3A_1036, %get3A_1037] {strides = array<i32>} : memref<3x80x128xf32, #tpu.memory_space<vmem>>, vector<1x1x16xf32>,
          %get3A_1039 = vector.shape_cast %get3A_1038 : vector<1x1x16xf32> to vector<16xf32>
          %get3A_1040 = arith.constant 1 : i32
          %get3A_1041 = arith.index_cast %get3A_1040 : i32 to index
          %get3A_1042 = arith.index_cast %add3A_951 : i32 to index
          %get3A_1043 = arith.constant 48 : index
          %get3A_1044 = tpu.vector_load %arg15[%get3A_1041, %get3A_1042, %get3A_1043] {strides = array<i32>} : memref<3x80x128xf32, #tpu.memory_space<vmem>>, vector<1x1x16xf32>,
          %get3A_1045 = vector.shape_cast %get3A_1044 : vector<1x1x16xf32> to vector<16xf32>
          %mul3A_1046 = arith.constant 2.000000e-01 : f32
          %mul3A_1047 = vector.broadcast %mul3A_1046 : f32 to vector<16xf32>
          %mul3A_1048 = arith.mulf %mul3A_1047, %get3A_1033 : vector<16xf32>
          %max3A_1049 = arith.maximumf %get3A_1033, %mul3A_1048 : vector<16xf32>
          %mul3A_1050 = arith.mulf %max3A_1049, %get3A_13 : vector<16xf32>
          %mul3A_1051 = arith.mulf %get3A_1039, %get3A_1045 : vector<16xf32>
          %add3A_1052 = arith.addf %add3A_1026, %mul3A_1050 : vector<16xf32>
          %add3A_1053 = arith.addf %add3A_1027, %mul3A_1051 : vector<16xf32>
          %get3A_1054 = arith.constant 1 : i32
          %get3A_1055 = arith.index_cast %get3A_1054 : i32 to index
          %get3A_1056 = arith.index_cast %add3A_951 : i32 to index
          %get3A_1057 = arith.constant 64 : index
          %get3A_1058 = tpu.vector_load %arg13[%get3A_1055, %get3A_1056, %get3A_1057] {strides = array<i32>} : memref<3x80x128xf32, #tpu.memory_space<vmem>>, vector<1x1x16xf32>,
          %get3A_1059 = vector.shape_cast %get3A_1058 : vector<1x1x16xf32> to vector<16xf32>
          %get3A_1060 = arith.constant 1 : i32
          %get3A_1061 = arith.index_cast %get3A_1060 : i32 to index
          %get3A_1062 = arith.index_cast %add3A_951 : i32 to index
          %get3A_1063 = arith.constant 64 : index
          %get3A_1064 = tpu.vector_load %arg14[%get3A_1061, %get3A_1062, %get3A_1063] {strides = array<i32>} : memref<3x80x128xf32, #tpu.memory_space<vmem>>, vector<1x1x16xf32>,
          %get3A_1065 = vector.shape_cast %get3A_1064 : vector<1x1x16xf32> to vector<16xf32>
          %get3A_1066 = arith.constant 1 : i32
          %get3A_1067 = arith.index_cast %get3A_1066 : i32 to index
          %get3A_1068 = arith.index_cast %add3A_951 : i32 to index
          %get3A_1069 = arith.constant 64 : index
          %get3A_1070 = tpu.vector_load %arg15[%get3A_1067, %get3A_1068, %get3A_1069] {strides = array<i32>} : memref<3x80x128xf32, #tpu.memory_space<vmem>>, vector<1x1x16xf32>,
          %get3A_1071 = vector.shape_cast %get3A_1070 : vector<1x1x16xf32> to vector<16xf32>
          %mul3A_1072 = arith.constant 2.000000e-01 : f32
          %mul3A_1073 = vector.broadcast %mul3A_1072 : f32 to vector<16xf32>
          %mul3A_1074 = arith.mulf %mul3A_1073, %get3A_1059 : vector<16xf32>
          %max3A_1075 = arith.maximumf %get3A_1059, %mul3A_1074 : vector<16xf32>
          %mul3A_1076 = arith.mulf %max3A_1075, %get3A_16 : vector<16xf32>
          %mul3A_1077 = arith.mulf %get3A_1065, %get3A_1071 : vector<16xf32>
          %add3A_1078 = arith.addf %add3A_1052, %mul3A_1076 : vector<16xf32>
          %add3A_1079 = arith.addf %add3A_1053, %mul3A_1077 : vector<16xf32>
          %get3A_1080 = arith.constant 1 : i32
          %get3A_1081 = arith.index_cast %get3A_1080 : i32 to index
          %get3A_1082 = arith.index_cast %add3A_951 : i32 to index
          %get3A_1083 = arith.constant 80 : index
          %get3A_1084 = tpu.vector_load %arg13[%get3A_1081, %get3A_1082, %get3A_1083] {strides = array<i32>} : memref<3x80x128xf32, #tpu.memory_space<vmem>>, vector<1x1x16xf32>,
          %get3A_1085 = vector.shape_cast %get3A_1084 : vector<1x1x16xf32> to vector<16xf32>
          %get3A_1086 = arith.constant 1 : i32
          %get3A_1087 = arith.index_cast %get3A_1086 : i32 to index
          %get3A_1088 = arith.index_cast %add3A_951 : i32 to index
          %get3A_1089 = arith.constant 80 : index
          %get3A_1090 = tpu.vector_load %arg14[%get3A_1087, %get3A_1088, %get3A_1089] {strides = array<i32>} : memref<3x80x128xf32, #tpu.memory_space<vmem>>, vector<1x1x16xf32>,
          %get3A_1091 = vector.shape_cast %get3A_1090 : vector<1x1x16xf32> to vector<16xf32>
          %get3A_1092 = arith.constant 1 : i32
          %get3A_1093 = arith.index_cast %get3A_1092 : i32 to index
          %get3A_1094 = arith.index_cast %add3A_951 : i32 to index
          %get3A_1095 = arith.constant 80 : index
          %get3A_1096 = tpu.vector_load %arg15[%get3A_1093, %get3A_1094, %get3A_1095] {strides = array<i32>} : memref<3x80x128xf32, #tpu.memory_space<vmem>>, vector<1x1x16xf32>,
          %get3A_1097 = vector.shape_cast %get3A_1096 : vector<1x1x16xf32> to vector<16xf32>
          %mul3A_1098 = arith.constant 2.000000e-01 : f32
          %mul3A_1099 = vector.broadcast %mul3A_1098 : f32 to vector<16xf32>
          %mul3A_1100 = arith.mulf %mul3A_1099, %get3A_1085 : vector<16xf32>
          %max3A_1101 = arith.maximumf %get3A_1085, %mul3A_1100 : vector<16xf32>
          %mul3A_1102 = arith.mulf %max3A_1101, %get3A_19 : vector<16xf32>
          %mul3A_1103 = arith.mulf %get3A_1091, %get3A_1097 : vector<16xf32>
          %add3A_1104 = arith.addf %add3A_1078, %mul3A_1102 : vector<16xf32>
          %add3A_1105 = arith.addf %add3A_1079, %mul3A_1103 : vector<16xf32>
          %get3A_1106 = arith.constant 1 : i32
          %get3A_1107 = arith.index_cast %get3A_1106 : i32 to index
          %get3A_1108 = arith.index_cast %add3A_951 : i32 to index
          %get3A_1109 = arith.constant 96 : index
          %get3A_1110 = tpu.vector_load %arg13[%get3A_1107, %get3A_1108, %get3A_1109] {strides = array<i32>} : memref<3x80x128xf32, #tpu.memory_space<vmem>>, vector<1x1x16xf32>,
          %get3A_1111 = vector.shape_cast %get3A_1110 : vector<1x1x16xf32> to vector<16xf32>
          %get3A_1112 = arith.constant 1 : i32
          %get3A_1113 = arith.index_cast %get3A_1112 : i32 to index
          %get3A_1114 = arith.index_cast %add3A_951 : i32 to index
          %get3A_1115 = arith.constant 96 : index
          %get3A_1116 = tpu.vector_load %arg14[%get3A_1113, %get3A_1114, %get3A_1115] {strides = array<i32>} : memref<3x80x128xf32, #tpu.memory_space<vmem>>, vector<1x1x16xf32>,
          %get3A_1117 = vector.shape_cast %get3A_1116 : vector<1x1x16xf32> to vector<16xf32>
          %get3A_1118 = arith.constant 1 : i32
          %get3A_1119 = arith.index_cast %get3A_1118 : i32 to index
          %get3A_1120 = arith.index_cast %add3A_951 : i32 to index
          %get3A_1121 = arith.constant 96 : index
          %get3A_1122 = tpu.vector_load %arg15[%get3A_1119, %get3A_1120, %get3A_1121] {strides = array<i32>} : memref<3x80x128xf32, #tpu.memory_space<vmem>>, vector<1x1x16xf32>,
          %get3A_1123 = vector.shape_cast %get3A_1122 : vector<1x1x16xf32> to vector<16xf32>
          %mul3A_1124 = arith.constant 2.000000e-01 : f32
          %mul3A_1125 = vector.broadcast %mul3A_1124 : f32 to vector<16xf32>
          %mul3A_1126 = arith.mulf %mul3A_1125, %get3A_1111 : vector<16xf32>
          %max3A_1127 = arith.maximumf %get3A_1111, %mul3A_1126 : vector<16xf32>
          %mul3A_1128 = arith.mulf %max3A_1127, %get3A_22 : vector<16xf32>
          %mul3A_1129 = arith.mulf %get3A_1117, %get3A_1123 : vector<16xf32>
          %add3A_1130 = arith.addf %add3A_1104, %mul3A_1128 : vector<16xf32>
          %add3A_1131 = arith.addf %add3A_1105, %mul3A_1129 : vector<16xf32>
          %get3A_1132 = arith.constant 1 : i32
          %get3A_1133 = arith.index_cast %get3A_1132 : i32 to index
          %get3A_1134 = arith.index_cast %add3A_951 : i32 to index
          %get3A_1135 = arith.constant 112 : index
          %get3A_1136 = tpu.vector_load %arg13[%get3A_1133, %get3A_1134, %get3A_1135] {strides = array<i32>} : memref<3x80x128xf32, #tpu.memory_space<vmem>>, vector<1x1x16xf32>,
          %get3A_1137 = vector.shape_cast %get3A_1136 : vector<1x1x16xf32> to vector<16xf32>
          %get3A_1138 = arith.constant 1 : i32
          %get3A_1139 = arith.index_cast %get3A_1138 : i32 to index
          %get3A_1140 = arith.index_cast %add3A_951 : i32 to index
          %get3A_1141 = arith.constant 112 : index
          %get3A_1142 = tpu.vector_load %arg14[%get3A_1139, %get3A_1140, %get3A_1141] {strides = array<i32>} : memref<3x80x128xf32, #tpu.memory_space<vmem>>, vector<1x1x16xf32>,
          %get3A_1143 = vector.shape_cast %get3A_1142 : vector<1x1x16xf32> to vector<16xf32>
          %get3A_1144 = arith.constant 1 : i32
          %get3A_1145 = arith.index_cast %get3A_1144 : i32 to index
          %get3A_1146 = arith.index_cast %add3A_951 : i32 to index
          %get3A_1147 = arith.constant 112 : index
          %get3A_1148 = tpu.vector_load %arg15[%get3A_1145, %get3A_1146, %get3A_1147] {strides = array<i32>} : memref<3x80x128xf32, #tpu.memory_space<vmem>>, vector<1x1x16xf32>,
          %get3A_1149 = vector.shape_cast %get3A_1148 : vector<1x1x16xf32> to vector<16xf32>
          %mul3A_1150 = arith.constant 2.000000e-01 : f32
          %mul3A_1151 = vector.broadcast %mul3A_1150 : f32 to vector<16xf32>
          %mul3A_1152 = arith.mulf %mul3A_1151, %get3A_1137 : vector<16xf32>
          %max3A_1153 = arith.maximumf %get3A_1137, %mul3A_1152 : vector<16xf32>
          %mul3A_1154 = arith.mulf %max3A_1153, %get3A_25 : vector<16xf32>
          %mul3A_1155 = arith.mulf %get3A_1143, %get3A_1149 : vector<16xf32>
          %add3A_1156 = arith.addf %add3A_1130, %mul3A_1154 : vector<16xf32>
          %add3A_1157 = arith.addf %add3A_1131, %mul3A_1155 : vector<16xf32>
          %lt3A_1158 = arith.constant 0 : i32
          %lt3A_1159 = vector.broadcast %lt3A_1158 : i32 to vector<16xi32>
          %lt3A_1160 = arith.cmpi slt, %xor3A_33, %lt3A_1159 : vector<16xi32>
          %add3A_1161 = arith.constant 16 : i32
          %add3A_1162 = vector.broadcast %add3A_1161 : i32 to vector<16xi32>
          %add3A_1163 = arith.addi %xor3A_33, %add3A_1162 : vector<16xi32>
          %select_n3A_1164 = arith.select %lt3A_1160, %add3A_1163, %xor3A_33 : vector<16xi1>, vector<16xi32>
          %broadcast_in_dim3A_1165 = vector.shape_cast %select_n3A_1164 : vector<16xi32> to vector<16x1xi32>
          %gather3A_1166 = vector.shape_cast %broadcast_in_dim3A_1165 : vector<16x1xi32> to vector<16xi32>
          %gather3A_1167 = tpu.dynamic_gather %add3A_1156[%gather3A_1166] in [0] : vector<16xf32>, vector<16xi32> -> vector<16xf32>
          %add3A_1168 = arith.addf %add3A_1156, %gather3A_1167 : vector<16xf32>
          %lt3A_1169 = arith.constant 0 : i32
          %lt3A_1170 = vector.broadcast %lt3A_1169 : i32 to vector<16xi32>
          %lt3A_1171 = arith.cmpi slt, %xor3A_33, %lt3A_1170 : vector<16xi32>
          %add3A_1172 = arith.constant 16 : i32
          %add3A_1173 = vector.broadcast %add3A_1172 : i32 to vector<16xi32>
          %add3A_1174 = arith.addi %xor3A_33, %add3A_1173 : vector<16xi32>
          %select_n3A_1175 = arith.select %lt3A_1171, %add3A_1174, %xor3A_33 : vector<16xi1>, vector<16xi32>
          %broadcast_in_dim3A_1176 = vector.shape_cast %select_n3A_1175 : vector<16xi32> to vector<16x1xi32>
          %gather3A_1177 = vector.shape_cast %broadcast_in_dim3A_1176 : vector<16x1xi32> to vector<16xi32>
          %gather3A_1178 = tpu.dynamic_gather %add3A_1157[%gather3A_1177] in [0] : vector<16xf32>, vector<16xi32> -> vector<16xf32>
          %add3A_1179 = arith.addf %add3A_1157, %gather3A_1178 : vector<16xf32>
          %select_n3A_1180 = arith.select %lt3A_31, %add3A_1168, %add3A_1179 : vector<16xi1>, vector<16xf32>
          %lt3A_1181 = arith.constant 0 : i32
          %lt3A_1182 = vector.broadcast %lt3A_1181 : i32 to vector<16xi32>
          %lt3A_1183 = arith.cmpi slt, %xor3A_36, %lt3A_1182 : vector<16xi32>
          %add3A_1184 = arith.constant 16 : i32
          %add3A_1185 = vector.broadcast %add3A_1184 : i32 to vector<16xi32>
          %add3A_1186 = arith.addi %xor3A_36, %add3A_1185 : vector<16xi32>
          %select_n3A_1187 = arith.select %lt3A_1183, %add3A_1186, %xor3A_36 : vector<16xi1>, vector<16xi32>
          %broadcast_in_dim3A_1188 = vector.shape_cast %select_n3A_1187 : vector<16xi32> to vector<16x1xi32>
          %gather3A_1189 = vector.shape_cast %broadcast_in_dim3A_1188 : vector<16x1xi32> to vector<16xi32>
          %gather3A_1190 = tpu.dynamic_gather %select_n3A_1180[%gather3A_1189] in [0] : vector<16xf32>, vector<16xi32> -> vector<16xf32>
          %add3A_1191 = arith.addf %select_n3A_1180, %gather3A_1190 : vector<16xf32>
          %lt3A_1192 = arith.constant 0 : i32
          %lt3A_1193 = vector.broadcast %lt3A_1192 : i32 to vector<16xi32>
          %lt3A_1194 = arith.cmpi slt, %xor3A_39, %lt3A_1193 : vector<16xi32>
          %add3A_1195 = arith.constant 16 : i32
          %add3A_1196 = vector.broadcast %add3A_1195 : i32 to vector<16xi32>
          %add3A_1197 = arith.addi %xor3A_39, %add3A_1196 : vector<16xi32>
          %select_n3A_1198 = arith.select %lt3A_1194, %add3A_1197, %xor3A_39 : vector<16xi1>, vector<16xi32>
          %broadcast_in_dim3A_1199 = vector.shape_cast %select_n3A_1198 : vector<16xi32> to vector<16x1xi32>
          %gather3A_1200 = vector.shape_cast %broadcast_in_dim3A_1199 : vector<16x1xi32> to vector<16xi32>
          %gather3A_1201 = tpu.dynamic_gather %add3A_1191[%gather3A_1200] in [0] : vector<16xf32>, vector<16xi32> -> vector<16xf32>
          %add3A_1202 = arith.addf %add3A_1191, %gather3A_1201 : vector<16xf32>
          %lt3A_1203 = arith.constant 0 : i32
          %lt3A_1204 = vector.broadcast %lt3A_1203 : i32 to vector<16xi32>
          %lt3A_1205 = arith.cmpi slt, %xor3A_42, %lt3A_1204 : vector<16xi32>
          %add3A_1206 = arith.constant 16 : i32
          %add3A_1207 = vector.broadcast %add3A_1206 : i32 to vector<16xi32>
          %add3A_1208 = arith.addi %xor3A_42, %add3A_1207 : vector<16xi32>
          %select_n3A_1209 = arith.select %lt3A_1205, %add3A_1208, %xor3A_42 : vector<16xi1>, vector<16xi32>
          %broadcast_in_dim3A_1210 = vector.shape_cast %select_n3A_1209 : vector<16xi32> to vector<16x1xi32>
          %gather3A_1211 = vector.shape_cast %broadcast_in_dim3A_1210 : vector<16x1xi32> to vector<16xi32>
          %gather3A_1212 = tpu.dynamic_gather %add3A_1202[%gather3A_1211] in [0] : vector<16xf32>, vector<16xi32> -> vector<16xf32>
          %add3A_1213 = arith.addf %add3A_1202, %gather3A_1212 : vector<16xf32>
          %lt3A_1214 = arith.constant 0 : i32
          %lt3A_1215 = vector.broadcast %lt3A_1214 : i32 to vector<16xi32>
          %lt3A_1216 = arith.cmpi slt, %and3A_46, %lt3A_1215 : vector<16xi32>
          %add3A_1217 = arith.constant 16 : i32
          %add3A_1218 = vector.broadcast %add3A_1217 : i32 to vector<16xi32>
          %add3A_1219 = arith.addi %and3A_46, %add3A_1218 : vector<16xi32>
          %select_n3A_1220 = arith.select %lt3A_1216, %add3A_1219, %and3A_46 : vector<16xi1>, vector<16xi32>
          %broadcast_in_dim3A_1221 = vector.shape_cast %select_n3A_1220 : vector<16xi32> to vector<16x1xi32>
          %gather3A_1222 = vector.shape_cast %broadcast_in_dim3A_1221 : vector<16x1xi32> to vector<16xi32>
          %gather3A_1223 = tpu.dynamic_gather %add3A_1213[%gather3A_1222] in [0] : vector<16xf32>, vector<16xi32> -> vector<16xf32>
          %lt3A_1224 = arith.constant 0 : i32
          %lt3A_1225 = vector.broadcast %lt3A_1224 : i32 to vector<16xi32>
          %lt3A_1226 = arith.cmpi slt, %or3A_44, %lt3A_1225 : vector<16xi32>
          %add3A_1227 = arith.constant 16 : i32
          %add3A_1228 = vector.broadcast %add3A_1227 : i32 to vector<16xi32>
          %add3A_1229 = arith.addi %or3A_44, %add3A_1228 : vector<16xi32>
          %select_n3A_1230 = arith.select %lt3A_1226, %add3A_1229, %or3A_44 : vector<16xi1>, vector<16xi32>
          %broadcast_in_dim3A_1231 = vector.shape_cast %select_n3A_1230 : vector<16xi32> to vector<16x1xi32>
          %gather3A_1232 = vector.shape_cast %broadcast_in_dim3A_1231 : vector<16x1xi32> to vector<16xi32>
          %gather3A_1233 = tpu.dynamic_gather %add3A_1213[%gather3A_1232] in [0] : vector<16xf32>, vector<16xi32> -> vector<16xf32>
          %eq3A_1234 = vector.broadcast %add3A_948 : i32 to vector<16xi32>
          %eq3A_1235 = arith.cmpi eq, %iota3A, %eq3A_1234 : vector<16xi32>
          %select_n3A_1236 = arith.select %eq3A_1235, %gather3A_1223, %select_n3A_943 : vector<16xi1>, vector<16xf32>
          %select_n3A_1237 = arith.select %eq3A_1235, %gather3A_1233, %select_n3A_944 : vector<16xi1>, vector<16xf32>
          scf.yield %select_n3A_1236, %select_n3A_1237 : vector<16xf32>, vector<16xf32>
        }
        %scan3A_635 = arith.constant 8 : i32
        %add3A_636 = arith.addf %scan3A_634#0, %get3A_28 : vector<16xf32>
        %neg3A = arith.constant 0.000000e+00 : f32
        %neg3A_637 = vector.broadcast %neg3A : f32 to vector<16xf32>
        %neg3A_638 = arith.subf %neg3A_637, %add3A_636 : vector<16xf32>
        %exp3A = math.exp %neg3A_638 : vector<16xf32>
        %add3A_639 = arith.constant 1.000000e+00 : f32
        %add3A_640 = vector.broadcast %add3A_639 : f32 to vector<16xf32>
        %add3A_641 = arith.addf %add3A_640, %exp3A : vector<16xf32>
        %div3A = arith.constant 1.000000e+00 : f32
        %div3A_642 = vector.broadcast %div3A : f32 to vector<16xf32>
        %div3A_643 = arith.divf %div3A_642, %add3A_641 : vector<16xf32>
        %mul3A_644 = arith.mulf %div3A_643, %scan3A_634#1 : vector<16xf32>
        %mul3A_645 = arith.constant 16 : i32
        %mul3A_646 = arith.muli %scan3A_628, %mul3A_645 : i32
        %swap3A = arith.constant 1 : i32
        %swap3A_647 = arith.index_cast %swap3A : i32 to index
        %swap3A_648 = arith.index_cast %mul3A_646 : i32 to index
        %swap3A_649 = tpu.vector_load %arg18[%swap3A_647, %swap3A_648] {strides = array<i32>} : memref<3x80xf32, #tpu.memory_space<vmem>>, vector<1x16xf32>,
        %swap3A_650 = vector.shape_cast %swap3A_649 : vector<1x16xf32> to vector<16xf32>
        %swap3A_651 = vector.shape_cast %mul3A_644 : vector<16xf32> to vector<1x16xf32>
        tpu.vector_store %arg18[%swap3A_647, %swap3A_648], %swap3A_651 {strides = array<i32>} : memref<3x80xf32, #tpu.memory_space<vmem>>, vector<1x16xf32>,
        %scan3A_652 = arith.constant 0 : i32
        scf.yield %scan3A_652 : i32
      }
      %scan3A_505 = arith.constant 5 : i32
      %dma_start3A_506 = arith.constant 1 : i32
      %dma_start3A_507 = arith.constant 0 : i32
      %dma_start3A_508 = tpu.memref_slice %arg18[%dma_start3A_506, %dma_start3A_507] : memref<3x80xf32, #tpu.memory_space<vmem>> -> memref<1x80xf32, #tpu.memory_space<vmem>>
      %dma_start3A_509 = tpu.memref_squeeze %dma_start3A_508 : memref<1x80xf32, #tpu.memory_space<vmem>> -> memref<80xf32, #tpu.memory_space<vmem>>
      %dma_start3A_510 = tpu.memref_slice %arg10[%add3A_493] : memref<320000xf32, #tpu.memory_space<hbm>> -> memref<80xf32, #tpu.memory_space<hbm>>
      %dma_start3A_511 = tpu.memref_slice %arg10[%add3A_493] : memref<320000xf32, #tpu.memory_space<hbm>> -> memref<80xf32, #tpu.memory_space<hbm>>
      %dma_start3A_512 = arith.constant 0 : i32
      %dma_start3A_513 = tpu.memref_slice %arg18[%dma_start3A_506, %dma_start3A_512] : memref<3x80xf32, #tpu.memory_space<vmem>> -> memref<1x80xf32, #tpu.memory_space<vmem>>
      %dma_start3A_514 = tpu.memref_squeeze %dma_start3A_513 : memref<1x80xf32, #tpu.memory_space<vmem>> -> memref<80xf32, #tpu.memory_space<vmem>>
      tpu.enqueue_dma source(%dma_start3A_514 : memref<80xf32, #tpu.memory_space<vmem>>) target(%dma_start3A_511 : memref<80xf32, #tpu.memory_space<hbm>>) target_semaphore(%arg26 : memref<!tpu.dma_semaphore, #tpu.memory_space<semaphore_mem>>)
      %mul3A_515 = arith.constant 3 : i32
      %mul3A_516 = arith.muli %mul3A_515, %scan3A_292 : i32
      %add3A_517 = arith.constant 2 : i32
      %add3A_518 = arith.addi %mul3A_516, %add3A_517 : i32
      %dma_wait3A_519 = arith.constant 0 : i32
      %dma_wait3A_520 = arith.constant 0 : i32
      %dma_wait3A_521 = arith.constant 0 : i32
      %dma_wait3A_522 = tpu.memref_slice %arg13[%dma_wait3A_519, %dma_wait3A_520, %dma_wait3A_521] : memref<3x80x128xf32, #tpu.memory_space<vmem>> -> memref<1x80x128xf32, #tpu.memory_space<vmem>>
      %dma_wait3A_523 = tpu.memref_squeeze %dma_wait3A_522 : memref<1x80x128xf32, #tpu.memory_space<vmem>> -> memref<80x128xf32, #tpu.memory_space<vmem>>
      %dma_wait3A_524 = arith.constant 0 : i32
      %dma_wait3A_525 = tpu.memref_slice %arg11[%dma_wait3A_524] : memref<10000xi32, #tpu.memory_space<vmem>> -> memref<80xi32, #tpu.memory_space<vmem>>
      %dma_wait3A_526 = arith.constant 0 : i32
      %dma_wait3A_527 = arith.constant 0 : i32
      %dma_wait3A_528 = tpu.memref_slice %arg4[%dma_wait3A_526, %dma_wait3A_527] : memref<10000x128xf32, #tpu.memory_space<hbm>> -> memref<10000x128xf32, #tpu.memory_space<hbm>>
      tpu.wait_indirect_dma semaphore(%arg19 : memref<!tpu.dma_semaphore, #tpu.memory_space<semaphore_mem>>) src(%dma_wait3A_528 : memref<10000x128xf32, #tpu.memory_space<hbm>>) dst(%dma_wait3A_523 : memref<80x128xf32, #tpu.memory_space<vmem>>)
      %dma_wait3A_529 = arith.constant 0 : i32
      %dma_wait3A_530 = arith.constant 0 : i32
      %dma_wait3A_531 = arith.constant 0 : i32
      %dma_wait3A_532 = tpu.memref_slice %arg14[%dma_wait3A_529, %dma_wait3A_530, %dma_wait3A_531] : memref<3x80x128xf32, #tpu.memory_space<vmem>> -> memref<1x80x128xf32, #tpu.memory_space<vmem>>
      %dma_wait3A_533 = tpu.memref_squeeze %dma_wait3A_532 : memref<1x80x128xf32, #tpu.memory_space<vmem>> -> memref<80x128xf32, #tpu.memory_space<vmem>>
      %dma_wait3A_534 = arith.constant 0 : i32
      %dma_wait3A_535 = tpu.memref_slice %arg11[%dma_wait3A_534] : memref<10000xi32, #tpu.memory_space<vmem>> -> memref<80xi32, #tpu.memory_space<vmem>>
      %dma_wait3A_536 = arith.constant 0 : i32
      %dma_wait3A_537 = arith.constant 0 : i32
      %dma_wait3A_538 = tpu.memref_slice %arg6[%dma_wait3A_536, %dma_wait3A_537] : memref<10000x128xf32, #tpu.memory_space<hbm>> -> memref<10000x128xf32, #tpu.memory_space<hbm>>
      tpu.wait_indirect_dma semaphore(%arg19 : memref<!tpu.dma_semaphore, #tpu.memory_space<semaphore_mem>>) src(%dma_wait3A_538 : memref<10000x128xf32, #tpu.memory_space<hbm>>) dst(%dma_wait3A_533 : memref<80x128xf32, #tpu.memory_space<vmem>>)
      %dma_wait3A_539 = arith.constant 0 : i32
      %dma_wait3A_540 = arith.constant 0 : i32
      %dma_wait3A_541 = arith.constant 0 : i32
      %dma_wait3A_542 = tpu.memref_slice %arg15[%dma_wait3A_539, %dma_wait3A_540, %dma_wait3A_541] : memref<3x80x128xf32, #tpu.memory_space<vmem>> -> memref<1x80x128xf32, #tpu.memory_space<vmem>>
      %dma_wait3A_543 = tpu.memref_squeeze %dma_wait3A_542 : memref<1x80x128xf32, #tpu.memory_space<vmem>> -> memref<80x128xf32, #tpu.memory_space<vmem>>
      %dma_wait3A_544 = arith.constant 0 : i32
      %dma_wait3A_545 = tpu.memref_slice %arg12[%dma_wait3A_544] : memref<10000xi32, #tpu.memory_space<vmem>> -> memref<80xi32, #tpu.memory_space<vmem>>
      %dma_wait3A_546 = arith.constant 0 : i32
      %dma_wait3A_547 = arith.constant 0 : i32
      %dma_wait3A_548 = tpu.memref_slice %arg7[%dma_wait3A_546, %dma_wait3A_547] : memref<10000x128xf32, #tpu.memory_space<hbm>> -> memref<10000x128xf32, #tpu.memory_space<hbm>>
      tpu.wait_indirect_dma semaphore(%arg19 : memref<!tpu.dma_semaphore, #tpu.memory_space<semaphore_mem>>) src(%dma_wait3A_548 : memref<10000x128xf32, #tpu.memory_space<hbm>>) dst(%dma_wait3A_543 : memref<80x128xf32, #tpu.memory_space<vmem>>)
      %add3A_549 = arith.constant 1 : i32
      %add3A_550 = arith.addi %add3A_518, %add3A_549 : i32
      %mul3A_551 = arith.constant 80 : i32
      %mul3A_552 = arith.muli %add3A_550, %mul3A_551 : i32
      %dma_start3A_553 = arith.constant 0 : i32
      %dma_start3A_554 = arith.constant 0 : i32
      %dma_start3A_555 = arith.constant 0 : i32
      %dma_start3A_556 = tpu.memref_slice %arg13[%dma_start3A_553, %dma_start3A_554, %dma_start3A_555] : memref<3x80x128xf32, #tpu.memory_space<vmem>> -> memref<1x80x128xf32, #tpu.memory_space<vmem>>
      %dma_start3A_557 = tpu.memref_squeeze %dma_start3A_556 : memref<1x80x128xf32, #tpu.memory_space<vmem>> -> memref<80x128xf32, #tpu.memory_space<vmem>>
      %dma_start3A_558 = tpu.memref_slice %arg12[%mul3A_552] : memref<10000xi32, #tpu.memory_space<vmem>> -> memref<80xi32, #tpu.memory_space<vmem>>
      %dma_start3A_559 = arith.constant 0 : i32
      %dma_start3A_560 = arith.constant 0 : i32
      %dma_start3A_561 = tpu.memref_slice %arg5[%dma_start3A_559, %dma_start3A_560] : memref<10000x128xf32, #tpu.memory_space<hbm>> -> memref<10000x128xf32, #tpu.memory_space<hbm>>
      tpu.enqueue_indirect_dma source(%dma_start3A_561 : memref<10000x128xf32, #tpu.memory_space<hbm>>) target(%dma_start3A_557 : memref<80x128xf32, #tpu.memory_space<vmem>>) offsets(%dma_start3A_558 : memref<80xi32, #tpu.memory_space<vmem>>) semaphore(%arg22 : memref<!tpu.dma_semaphore, #tpu.memory_space<semaphore_mem>>) {add = true}
      %add3A_562 = arith.constant 2 : i32
      %add3A_563 = arith.addi %add3A_518, %add3A_562 : i32
      %mul3A_564 = arith.constant 80 : i32
      %mul3A_565 = arith.muli %add3A_563, %mul3A_564 : i32
      %dma_start3A_566 = arith.constant 1 : i32
      %dma_start3A_567 = arith.constant 0 : i32
      %dma_start3A_568 = arith.constant 0 : i32
      %dma_start3A_569 = tpu.memref_slice %arg13[%dma_start3A_566, %dma_start3A_567, %dma_start3A_568] : memref<3x80x128xf32, #tpu.memory_space<vmem>> -> memref<1x80x128xf32, #tpu.memory_space<vmem>>
      %dma_start3A_570 = tpu.memref_squeeze %dma_start3A_569 : memref<1x80x128xf32, #tpu.memory_space<vmem>> -> memref<80x128xf32, #tpu.memory_space<vmem>>
      %dma_start3A_571 = tpu.memref_slice %arg11[%mul3A_565] : memref<10000xi32, #tpu.memory_space<vmem>> -> memref<80xi32, #tpu.memory_space<vmem>>
      %dma_start3A_572 = arith.constant 0 : i32
      %dma_start3A_573 = arith.constant 0 : i32
      %dma_start3A_574 = tpu.memref_slice %arg4[%dma_start3A_572, %dma_start3A_573] : memref<10000x128xf32, #tpu.memory_space<hbm>> -> memref<10000x128xf32, #tpu.memory_space<hbm>>
      tpu.enqueue_indirect_dma source(%dma_start3A_574 : memref<10000x128xf32, #tpu.memory_space<hbm>>) target(%dma_start3A_570 : memref<80x128xf32, #tpu.memory_space<vmem>>) offsets(%dma_start3A_571 : memref<80xi32, #tpu.memory_space<vmem>>) semaphore(%arg20 : memref<!tpu.dma_semaphore, #tpu.memory_space<semaphore_mem>>)
      %dma_start3A_575 = arith.constant 1 : i32
      %dma_start3A_576 = arith.constant 0 : i32
      %dma_start3A_577 = arith.constant 0 : i32
      %dma_start3A_578 = tpu.memref_slice %arg14[%dma_start3A_575, %dma_start3A_576, %dma_start3A_577] : memref<3x80x128xf32, #tpu.memory_space<vmem>> -> memref<1x80x128xf32, #tpu.memory_space<vmem>>
      %dma_start3A_579 = tpu.memref_squeeze %dma_start3A_578 : memref<1x80x128xf32, #tpu.memory_space<vmem>> -> memref<80x128xf32, #tpu.memory_space<vmem>>
      %dma_start3A_580 = tpu.memref_slice %arg11[%mul3A_565] : memref<10000xi32, #tpu.memory_space<vmem>> -> memref<80xi32, #tpu.memory_space<vmem>>
      %dma_start3A_581 = arith.constant 0 : i32
      %dma_start3A_582 = arith.constant 0 : i32
      %dma_start3A_583 = tpu.memref_slice %arg6[%dma_start3A_581, %dma_start3A_582] : memref<10000x128xf32, #tpu.memory_space<hbm>> -> memref<10000x128xf32, #tpu.memory_space<hbm>>
      tpu.enqueue_indirect_dma source(%dma_start3A_583 : memref<10000x128xf32, #tpu.memory_space<hbm>>) target(%dma_start3A_579 : memref<80x128xf32, #tpu.memory_space<vmem>>) offsets(%dma_start3A_580 : memref<80xi32, #tpu.memory_space<vmem>>) semaphore(%arg20 : memref<!tpu.dma_semaphore, #tpu.memory_space<semaphore_mem>>)
      %dma_start3A_584 = arith.constant 1 : i32
      %dma_start3A_585 = arith.constant 0 : i32
      %dma_start3A_586 = arith.constant 0 : i32
      %dma_start3A_587 = tpu.memref_slice %arg15[%dma_start3A_584, %dma_start3A_585, %dma_start3A_586] : memref<3x80x128xf32, #tpu.memory_space<vmem>> -> memref<1x80x128xf32, #tpu.memory_space<vmem>>
      %dma_start3A_588 = tpu.memref_squeeze %dma_start3A_587 : memref<1x80x128xf32, #tpu.memory_space<vmem>> -> memref<80x128xf32, #tpu.memory_space<vmem>>
      %dma_start3A_589 = tpu.memref_slice %arg12[%mul3A_565] : memref<10000xi32, #tpu.memory_space<vmem>> -> memref<80xi32, #tpu.memory_space<vmem>>
      %dma_start3A_590 = arith.constant 0 : i32
      %dma_start3A_591 = arith.constant 0 : i32
      %dma_start3A_592 = tpu.memref_slice %arg7[%dma_start3A_590, %dma_start3A_591] : memref<10000x128xf32, #tpu.memory_space<hbm>> -> memref<10000x128xf32, #tpu.memory_space<hbm>>
      tpu.enqueue_indirect_dma source(%dma_start3A_592 : memref<10000x128xf32, #tpu.memory_space<hbm>>) target(%dma_start3A_588 : memref<80x128xf32, #tpu.memory_space<vmem>>) offsets(%dma_start3A_589 : memref<80xi32, #tpu.memory_space<vmem>>) semaphore(%arg20 : memref<!tpu.dma_semaphore, #tpu.memory_space<semaphore_mem>>)
      %dma_wait3A_593 = arith.constant 2 : i32
      %dma_wait3A_594 = arith.constant 0 : i32
      %dma_wait3A_595 = arith.constant 0 : i32
      %dma_wait3A_596 = tpu.memref_slice %arg13[%dma_wait3A_593, %dma_wait3A_594, %dma_wait3A_595] : memref<3x80x128xf32, #tpu.memory_space<vmem>> -> memref<1x80x128xf32, #tpu.memory_space<vmem>>
      %dma_wait3A_597 = tpu.memref_squeeze %dma_wait3A_596 : memref<1x80x128xf32, #tpu.memory_space<vmem>> -> memref<80x128xf32, #tpu.memory_space<vmem>>
      %dma_wait3A_598 = arith.constant 0 : i32
      %dma_wait3A_599 = tpu.memref_slice %arg12[%dma_wait3A_598] : memref<10000xi32, #tpu.memory_space<vmem>> -> memref<80xi32, #tpu.memory_space<vmem>>
      %dma_wait3A_600 = arith.constant 0 : i32
      %dma_wait3A_601 = arith.constant 0 : i32
      %dma_wait3A_602 = tpu.memref_slice %arg5[%dma_wait3A_600, %dma_wait3A_601] : memref<10000x128xf32, #tpu.memory_space<hbm>> -> memref<10000x128xf32, #tpu.memory_space<hbm>>
      tpu.wait_indirect_dma semaphore(%arg24 : memref<!tpu.dma_semaphore, #tpu.memory_space<semaphore_mem>>) src(%dma_wait3A_602 : memref<10000x128xf32, #tpu.memory_space<hbm>>) dst(%dma_wait3A_597 : memref<80x128xf32, #tpu.memory_space<vmem>>)
      %mul3A_603 = arith.constant 80 : i32
      %mul3A_604 = arith.muli %add3A_518, %mul3A_603 : i32
      %add3A_605 = arith.addi %mul3A_2, %mul3A_604 : i32
      %ge3A_606 = arith.constant 3 : i32
      %ge3A_607 = arith.cmpi sge, %add3A_518, %ge3A_606 : i32
      %convert_element_type3A_608 = arith.extui %ge3A_607 : i1 to i32
      %cond3A_609 = arith.constant 0 : i32
      %cond3A_610 = arith.cmpi ne, %convert_element_type3A_608, %cond3A_609 : i32
      scf.if %cond3A_610 {
        %dma_wait3A_628 = arith.constant 2 : i32
        %dma_wait3A_629 = arith.constant 0 : i32
        %dma_wait3A_630 = tpu.memref_slice %arg18[%dma_wait3A_628, %dma_wait3A_629] : memref<3x80xf32, #tpu.memory_space<vmem>> -> memref<1x80xf32, #tpu.memory_space<vmem>>
        %dma_wait3A_631 = tpu.memref_squeeze %dma_wait3A_630 : memref<1x80xf32, #tpu.memory_space<vmem>> -> memref<80xf32, #tpu.memory_space<vmem>>
        %dma_wait3A_632 = tpu.memref_slice %arg10[%mul3A_2] : memref<320000xf32, #tpu.memory_space<hbm>> -> memref<80xf32, #tpu.memory_space<hbm>>
        %dma_wait3A_633 = tpu.memref_slice %arg10[%mul3A_2] : memref<320000xf32, #tpu.memory_space<hbm>> -> memref<80xf32, #tpu.memory_space<hbm>>
        %dma_wait3A_634 = arith.constant 0 : i32
        %dma_wait3A_635 = tpu.memref_slice %arg18[%dma_wait3A_628, %dma_wait3A_634] : memref<3x80xf32, #tpu.memory_space<vmem>> -> memref<1x80xf32, #tpu.memory_space<vmem>>
        %dma_wait3A_636 = tpu.memref_squeeze %dma_wait3A_635 : memref<1x80xf32, #tpu.memory_space<vmem>> -> memref<80xf32, #tpu.memory_space<vmem>>
        tpu.wait_dma2 semaphore(%arg27 : memref<!tpu.dma_semaphore, #tpu.memory_space<semaphore_mem>>) src(%dma_wait3A_636 : memref<80xf32, #tpu.memory_space<vmem>>) dst(%dma_wait3A_633 : memref<80xf32, #tpu.memory_space<hbm>>)
      } else {
      }
      %scan3A_611 = arith.constant 0 : i32
      %scan3A_612 = arith.constant 0 : i32
      %scan3A_613 = arith.constant 5 : i32
      %scan3A_614 = arith.addi %scan3A_612, %scan3A_613 : i32
      %scan3A_615 = arith.constant 1 : i32
      %scan3A_616 = scf.for %scan3A_628 = %scan3A_612 to %scan3A_614 step %scan3A_615 iter_args(%scan3A_629 = %scan3A_611) -> (i32)  : i32 {
        %scan3A_630 = arith.constant 0 : i32
        %scan3A_631 = arith.constant 8 : i32
        %scan3A_632 = arith.addi %scan3A_630, %scan3A_631 : i32
        %scan3A_633 = arith.constant 1 : i32
        %scan3A_634:2 = scf.for %scan3A_653 = %scan3A_630 to %scan3A_632 step %scan3A_633 iter_args(%scan3A_654 = %broadcast_in_dim3A_29, %scan3A_655 = %broadcast_in_dim3A_29) -> (vector<16xf32>, vector<16xf32>)  : i32 {
          %mul3A_656 = arith.constant 2 : i32
          %mul3A_657 = arith.muli %scan3A_653, %mul3A_656 : i32
          %add3A_658 = arith.constant 0 : i32
          %add3A_659 = arith.addi %mul3A_657, %add3A_658 : i32
          %mul3A_660 = arith.constant 16 : i32
          %mul3A_661 = arith.muli %scan3A_628, %mul3A_660 : i32
          %add3A_662 = arith.addi %mul3A_661, %add3A_659 : i32
          %get3A_663 = arith.constant 2 : i32
          %get3A_664 = arith.index_cast %get3A_663 : i32 to index
          %get3A_665 = arith.index_cast %add3A_662 : i32 to index
          %get3A_666 = arith.constant 0 : index
          %get3A_667 = tpu.vector_load %arg13[%get3A_664, %get3A_665, %get3A_666] {strides = array<i32>} : memref<3x80x128xf32, #tpu.memory_space<vmem>>, vector<1x1x16xf32>,
          %get3A_668 = vector.shape_cast %get3A_667 : vector<1x1x16xf32> to vector<16xf32>
          %get3A_669 = arith.constant 2 : i32
          %get3A_670 = arith.index_cast %get3A_669 : i32 to index
          %get3A_671 = arith.index_cast %add3A_662 : i32 to index
          %get3A_672 = arith.constant 0 : index
          %get3A_673 = tpu.vector_load %arg14[%get3A_670, %get3A_671, %get3A_672] {strides = array<i32>} : memref<3x80x128xf32, #tpu.memory_space<vmem>>, vector<1x1x16xf32>,
          %get3A_674 = vector.shape_cast %get3A_673 : vector<1x1x16xf32> to vector<16xf32>
          %get3A_675 = arith.constant 2 : i32
          %get3A_676 = arith.index_cast %get3A_675 : i32 to index
          %get3A_677 = arith.index_cast %add3A_662 : i32 to index
          %get3A_678 = arith.constant 0 : index
          %get3A_679 = tpu.vector_load %arg15[%get3A_676, %get3A_677, %get3A_678] {strides = array<i32>} : memref<3x80x128xf32, #tpu.memory_space<vmem>>, vector<1x1x16xf32>,
          %get3A_680 = vector.shape_cast %get3A_679 : vector<1x1x16xf32> to vector<16xf32>
          %mul3A_681 = arith.constant 2.000000e-01 : f32
          %mul3A_682 = vector.broadcast %mul3A_681 : f32 to vector<16xf32>
          %mul3A_683 = arith.mulf %mul3A_682, %get3A_668 : vector<16xf32>
          %max3A = arith.maximumf %get3A_668, %mul3A_683 : vector<16xf32>
          %mul3A_684 = arith.mulf %max3A, %get3A_4 : vector<16xf32>
          %mul3A_685 = arith.mulf %get3A_674, %get3A_680 : vector<16xf32>
          %get3A_686 = arith.constant 2 : i32
          %get3A_687 = arith.index_cast %get3A_686 : i32 to index
          %get3A_688 = arith.index_cast %add3A_662 : i32 to index
          %get3A_689 = arith.constant 16 : index
          %get3A_690 = tpu.vector_load %arg13[%get3A_687, %get3A_688, %get3A_689] {strides = array<i32>} : memref<3x80x128xf32, #tpu.memory_space<vmem>>, vector<1x1x16xf32>,
          %get3A_691 = vector.shape_cast %get3A_690 : vector<1x1x16xf32> to vector<16xf32>
          %get3A_692 = arith.constant 2 : i32
          %get3A_693 = arith.index_cast %get3A_692 : i32 to index
          %get3A_694 = arith.index_cast %add3A_662 : i32 to index
          %get3A_695 = arith.constant 16 : index
          %get3A_696 = tpu.vector_load %arg14[%get3A_693, %get3A_694, %get3A_695] {strides = array<i32>} : memref<3x80x128xf32, #tpu.memory_space<vmem>>, vector<1x1x16xf32>,
          %get3A_697 = vector.shape_cast %get3A_696 : vector<1x1x16xf32> to vector<16xf32>
          %get3A_698 = arith.constant 2 : i32
          %get3A_699 = arith.index_cast %get3A_698 : i32 to index
          %get3A_700 = arith.index_cast %add3A_662 : i32 to index
          %get3A_701 = arith.constant 16 : index
          %get3A_702 = tpu.vector_load %arg15[%get3A_699, %get3A_700, %get3A_701] {strides = array<i32>} : memref<3x80x128xf32, #tpu.memory_space<vmem>>, vector<1x1x16xf32>,
          %get3A_703 = vector.shape_cast %get3A_702 : vector<1x1x16xf32> to vector<16xf32>
          %mul3A_704 = arith.constant 2.000000e-01 : f32
          %mul3A_705 = vector.broadcast %mul3A_704 : f32 to vector<16xf32>
          %mul3A_706 = arith.mulf %mul3A_705, %get3A_691 : vector<16xf32>
          %max3A_707 = arith.maximumf %get3A_691, %mul3A_706 : vector<16xf32>
          %mul3A_708 = arith.mulf %max3A_707, %get3A_7 : vector<16xf32>
          %mul3A_709 = arith.mulf %get3A_697, %get3A_703 : vector<16xf32>
          %add3A_710 = arith.addf %mul3A_684, %mul3A_708 : vector<16xf32>
          %add3A_711 = arith.addf %mul3A_685, %mul3A_709 : vector<16xf32>
          %get3A_712 = arith.constant 2 : i32
          %get3A_713 = arith.index_cast %get3A_712 : i32 to index
          %get3A_714 = arith.index_cast %add3A_662 : i32 to index
          %get3A_715 = arith.constant 32 : index
          %get3A_716 = tpu.vector_load %arg13[%get3A_713, %get3A_714, %get3A_715] {strides = array<i32>} : memref<3x80x128xf32, #tpu.memory_space<vmem>>, vector<1x1x16xf32>,
          %get3A_717 = vector.shape_cast %get3A_716 : vector<1x1x16xf32> to vector<16xf32>
          %get3A_718 = arith.constant 2 : i32
          %get3A_719 = arith.index_cast %get3A_718 : i32 to index
          %get3A_720 = arith.index_cast %add3A_662 : i32 to index
          %get3A_721 = arith.constant 32 : index
          %get3A_722 = tpu.vector_load %arg14[%get3A_719, %get3A_720, %get3A_721] {strides = array<i32>} : memref<3x80x128xf32, #tpu.memory_space<vmem>>, vector<1x1x16xf32>,
          %get3A_723 = vector.shape_cast %get3A_722 : vector<1x1x16xf32> to vector<16xf32>
          %get3A_724 = arith.constant 2 : i32
          %get3A_725 = arith.index_cast %get3A_724 : i32 to index
          %get3A_726 = arith.index_cast %add3A_662 : i32 to index
          %get3A_727 = arith.constant 32 : index
          %get3A_728 = tpu.vector_load %arg15[%get3A_725, %get3A_726, %get3A_727] {strides = array<i32>} : memref<3x80x128xf32, #tpu.memory_space<vmem>>, vector<1x1x16xf32>,
          %get3A_729 = vector.shape_cast %get3A_728 : vector<1x1x16xf32> to vector<16xf32>
          %mul3A_730 = arith.constant 2.000000e-01 : f32
          %mul3A_731 = vector.broadcast %mul3A_730 : f32 to vector<16xf32>
          %mul3A_732 = arith.mulf %mul3A_731, %get3A_717 : vector<16xf32>
          %max3A_733 = arith.maximumf %get3A_717, %mul3A_732 : vector<16xf32>
          %mul3A_734 = arith.mulf %max3A_733, %get3A_10 : vector<16xf32>
          %mul3A_735 = arith.mulf %get3A_723, %get3A_729 : vector<16xf32>
          %add3A_736 = arith.addf %add3A_710, %mul3A_734 : vector<16xf32>
          %add3A_737 = arith.addf %add3A_711, %mul3A_735 : vector<16xf32>
          %get3A_738 = arith.constant 2 : i32
          %get3A_739 = arith.index_cast %get3A_738 : i32 to index
          %get3A_740 = arith.index_cast %add3A_662 : i32 to index
          %get3A_741 = arith.constant 48 : index
          %get3A_742 = tpu.vector_load %arg13[%get3A_739, %get3A_740, %get3A_741] {strides = array<i32>} : memref<3x80x128xf32, #tpu.memory_space<vmem>>, vector<1x1x16xf32>,
          %get3A_743 = vector.shape_cast %get3A_742 : vector<1x1x16xf32> to vector<16xf32>
          %get3A_744 = arith.constant 2 : i32
          %get3A_745 = arith.index_cast %get3A_744 : i32 to index
          %get3A_746 = arith.index_cast %add3A_662 : i32 to index
          %get3A_747 = arith.constant 48 : index
          %get3A_748 = tpu.vector_load %arg14[%get3A_745, %get3A_746, %get3A_747] {strides = array<i32>} : memref<3x80x128xf32, #tpu.memory_space<vmem>>, vector<1x1x16xf32>,
          %get3A_749 = vector.shape_cast %get3A_748 : vector<1x1x16xf32> to vector<16xf32>
          %get3A_750 = arith.constant 2 : i32
          %get3A_751 = arith.index_cast %get3A_750 : i32 to index
          %get3A_752 = arith.index_cast %add3A_662 : i32 to index
          %get3A_753 = arith.constant 48 : index
          %get3A_754 = tpu.vector_load %arg15[%get3A_751, %get3A_752, %get3A_753] {strides = array<i32>} : memref<3x80x128xf32, #tpu.memory_space<vmem>>, vector<1x1x16xf32>,
          %get3A_755 = vector.shape_cast %get3A_754 : vector<1x1x16xf32> to vector<16xf32>
          %mul3A_756 = arith.constant 2.000000e-01 : f32
          %mul3A_757 = vector.broadcast %mul3A_756 : f32 to vector<16xf32>
          %mul3A_758 = arith.mulf %mul3A_757, %get3A_743 : vector<16xf32>
          %max3A_759 = arith.maximumf %get3A_743, %mul3A_758 : vector<16xf32>
          %mul3A_760 = arith.mulf %max3A_759, %get3A_13 : vector<16xf32>
          %mul3A_761 = arith.mulf %get3A_749, %get3A_755 : vector<16xf32>
          %add3A_762 = arith.addf %add3A_736, %mul3A_760 : vector<16xf32>
          %add3A_763 = arith.addf %add3A_737, %mul3A_761 : vector<16xf32>
          %get3A_764 = arith.constant 2 : i32
          %get3A_765 = arith.index_cast %get3A_764 : i32 to index
          %get3A_766 = arith.index_cast %add3A_662 : i32 to index
          %get3A_767 = arith.constant 64 : index
          %get3A_768 = tpu.vector_load %arg13[%get3A_765, %get3A_766, %get3A_767] {strides = array<i32>} : memref<3x80x128xf32, #tpu.memory_space<vmem>>, vector<1x1x16xf32>,
          %get3A_769 = vector.shape_cast %get3A_768 : vector<1x1x16xf32> to vector<16xf32>
          %get3A_770 = arith.constant 2 : i32
          %get3A_771 = arith.index_cast %get3A_770 : i32 to index
          %get3A_772 = arith.index_cast %add3A_662 : i32 to index
          %get3A_773 = arith.constant 64 : index
          %get3A_774 = tpu.vector_load %arg14[%get3A_771, %get3A_772, %get3A_773] {strides = array<i32>} : memref<3x80x128xf32, #tpu.memory_space<vmem>>, vector<1x1x16xf32>,
          %get3A_775 = vector.shape_cast %get3A_774 : vector<1x1x16xf32> to vector<16xf32>
          %get3A_776 = arith.constant 2 : i32
          %get3A_777 = arith.index_cast %get3A_776 : i32 to index
          %get3A_778 = arith.index_cast %add3A_662 : i32 to index
          %get3A_779 = arith.constant 64 : index
          %get3A_780 = tpu.vector_load %arg15[%get3A_777, %get3A_778, %get3A_779] {strides = array<i32>} : memref<3x80x128xf32, #tpu.memory_space<vmem>>, vector<1x1x16xf32>,
          %get3A_781 = vector.shape_cast %get3A_780 : vector<1x1x16xf32> to vector<16xf32>
          %mul3A_782 = arith.constant 2.000000e-01 : f32
          %mul3A_783 = vector.broadcast %mul3A_782 : f32 to vector<16xf32>
          %mul3A_784 = arith.mulf %mul3A_783, %get3A_769 : vector<16xf32>
          %max3A_785 = arith.maximumf %get3A_769, %mul3A_784 : vector<16xf32>
          %mul3A_786 = arith.mulf %max3A_785, %get3A_16 : vector<16xf32>
          %mul3A_787 = arith.mulf %get3A_775, %get3A_781 : vector<16xf32>
          %add3A_788 = arith.addf %add3A_762, %mul3A_786 : vector<16xf32>
          %add3A_789 = arith.addf %add3A_763, %mul3A_787 : vector<16xf32>
          %get3A_790 = arith.constant 2 : i32
          %get3A_791 = arith.index_cast %get3A_790 : i32 to index
          %get3A_792 = arith.index_cast %add3A_662 : i32 to index
          %get3A_793 = arith.constant 80 : index
          %get3A_794 = tpu.vector_load %arg13[%get3A_791, %get3A_792, %get3A_793] {strides = array<i32>} : memref<3x80x128xf32, #tpu.memory_space<vmem>>, vector<1x1x16xf32>,
          %get3A_795 = vector.shape_cast %get3A_794 : vector<1x1x16xf32> to vector<16xf32>
          %get3A_796 = arith.constant 2 : i32
          %get3A_797 = arith.index_cast %get3A_796 : i32 to index
          %get3A_798 = arith.index_cast %add3A_662 : i32 to index
          %get3A_799 = arith.constant 80 : index
          %get3A_800 = tpu.vector_load %arg14[%get3A_797, %get3A_798, %get3A_799] {strides = array<i32>} : memref<3x80x128xf32, #tpu.memory_space<vmem>>, vector<1x1x16xf32>,
          %get3A_801 = vector.shape_cast %get3A_800 : vector<1x1x16xf32> to vector<16xf32>
          %get3A_802 = arith.constant 2 : i32
          %get3A_803 = arith.index_cast %get3A_802 : i32 to index
          %get3A_804 = arith.index_cast %add3A_662 : i32 to index
          %get3A_805 = arith.constant 80 : index
          %get3A_806 = tpu.vector_load %arg15[%get3A_803, %get3A_804, %get3A_805] {strides = array<i32>} : memref<3x80x128xf32, #tpu.memory_space<vmem>>, vector<1x1x16xf32>,
          %get3A_807 = vector.shape_cast %get3A_806 : vector<1x1x16xf32> to vector<16xf32>
          %mul3A_808 = arith.constant 2.000000e-01 : f32
          %mul3A_809 = vector.broadcast %mul3A_808 : f32 to vector<16xf32>
          %mul3A_810 = arith.mulf %mul3A_809, %get3A_795 : vector<16xf32>
          %max3A_811 = arith.maximumf %get3A_795, %mul3A_810 : vector<16xf32>
          %mul3A_812 = arith.mulf %max3A_811, %get3A_19 : vector<16xf32>
          %mul3A_813 = arith.mulf %get3A_801, %get3A_807 : vector<16xf32>
          %add3A_814 = arith.addf %add3A_788, %mul3A_812 : vector<16xf32>
          %add3A_815 = arith.addf %add3A_789, %mul3A_813 : vector<16xf32>
          %get3A_816 = arith.constant 2 : i32
          %get3A_817 = arith.index_cast %get3A_816 : i32 to index
          %get3A_818 = arith.index_cast %add3A_662 : i32 to index
          %get3A_819 = arith.constant 96 : index
          %get3A_820 = tpu.vector_load %arg13[%get3A_817, %get3A_818, %get3A_819] {strides = array<i32>} : memref<3x80x128xf32, #tpu.memory_space<vmem>>, vector<1x1x16xf32>,
          %get3A_821 = vector.shape_cast %get3A_820 : vector<1x1x16xf32> to vector<16xf32>
          %get3A_822 = arith.constant 2 : i32
          %get3A_823 = arith.index_cast %get3A_822 : i32 to index
          %get3A_824 = arith.index_cast %add3A_662 : i32 to index
          %get3A_825 = arith.constant 96 : index
          %get3A_826 = tpu.vector_load %arg14[%get3A_823, %get3A_824, %get3A_825] {strides = array<i32>} : memref<3x80x128xf32, #tpu.memory_space<vmem>>, vector<1x1x16xf32>,
          %get3A_827 = vector.shape_cast %get3A_826 : vector<1x1x16xf32> to vector<16xf32>
          %get3A_828 = arith.constant 2 : i32
          %get3A_829 = arith.index_cast %get3A_828 : i32 to index
          %get3A_830 = arith.index_cast %add3A_662 : i32 to index
          %get3A_831 = arith.constant 96 : index
          %get3A_832 = tpu.vector_load %arg15[%get3A_829, %get3A_830, %get3A_831] {strides = array<i32>} : memref<3x80x128xf32, #tpu.memory_space<vmem>>, vector<1x1x16xf32>,
          %get3A_833 = vector.shape_cast %get3A_832 : vector<1x1x16xf32> to vector<16xf32>
          %mul3A_834 = arith.constant 2.000000e-01 : f32
          %mul3A_835 = vector.broadcast %mul3A_834 : f32 to vector<16xf32>
          %mul3A_836 = arith.mulf %mul3A_835, %get3A_821 : vector<16xf32>
          %max3A_837 = arith.maximumf %get3A_821, %mul3A_836 : vector<16xf32>
          %mul3A_838 = arith.mulf %max3A_837, %get3A_22 : vector<16xf32>
          %mul3A_839 = arith.mulf %get3A_827, %get3A_833 : vector<16xf32>
          %add3A_840 = arith.addf %add3A_814, %mul3A_838 : vector<16xf32>
          %add3A_841 = arith.addf %add3A_815, %mul3A_839 : vector<16xf32>
          %get3A_842 = arith.constant 2 : i32
          %get3A_843 = arith.index_cast %get3A_842 : i32 to index
          %get3A_844 = arith.index_cast %add3A_662 : i32 to index
          %get3A_845 = arith.constant 112 : index
          %get3A_846 = tpu.vector_load %arg13[%get3A_843, %get3A_844, %get3A_845] {strides = array<i32>} : memref<3x80x128xf32, #tpu.memory_space<vmem>>, vector<1x1x16xf32>,
          %get3A_847 = vector.shape_cast %get3A_846 : vector<1x1x16xf32> to vector<16xf32>
          %get3A_848 = arith.constant 2 : i32
          %get3A_849 = arith.index_cast %get3A_848 : i32 to index
          %get3A_850 = arith.index_cast %add3A_662 : i32 to index
          %get3A_851 = arith.constant 112 : index
          %get3A_852 = tpu.vector_load %arg14[%get3A_849, %get3A_850, %get3A_851] {strides = array<i32>} : memref<3x80x128xf32, #tpu.memory_space<vmem>>, vector<1x1x16xf32>,
          %get3A_853 = vector.shape_cast %get3A_852 : vector<1x1x16xf32> to vector<16xf32>
          %get3A_854 = arith.constant 2 : i32
          %get3A_855 = arith.index_cast %get3A_854 : i32 to index
          %get3A_856 = arith.index_cast %add3A_662 : i32 to index
          %get3A_857 = arith.constant 112 : index
          %get3A_858 = tpu.vector_load %arg15[%get3A_855, %get3A_856, %get3A_857] {strides = array<i32>} : memref<3x80x128xf32, #tpu.memory_space<vmem>>, vector<1x1x16xf32>,
          %get3A_859 = vector.shape_cast %get3A_858 : vector<1x1x16xf32> to vector<16xf32>
          %mul3A_860 = arith.constant 2.000000e-01 : f32
          %mul3A_861 = vector.broadcast %mul3A_860 : f32 to vector<16xf32>
          %mul3A_862 = arith.mulf %mul3A_861, %get3A_847 : vector<16xf32>
          %max3A_863 = arith.maximumf %get3A_847, %mul3A_862 : vector<16xf32>
          %mul3A_864 = arith.mulf %max3A_863, %get3A_25 : vector<16xf32>
          %mul3A_865 = arith.mulf %get3A_853, %get3A_859 : vector<16xf32>
          %add3A_866 = arith.addf %add3A_840, %mul3A_864 : vector<16xf32>
          %add3A_867 = arith.addf %add3A_841, %mul3A_865 : vector<16xf32>
          %lt3A_868 = arith.constant 0 : i32
          %lt3A_869 = vector.broadcast %lt3A_868 : i32 to vector<16xi32>
          %lt3A_870 = arith.cmpi slt, %xor3A_33, %lt3A_869 : vector<16xi32>
          %add3A_871 = arith.constant 16 : i32
          %add3A_872 = vector.broadcast %add3A_871 : i32 to vector<16xi32>
          %add3A_873 = arith.addi %xor3A_33, %add3A_872 : vector<16xi32>
          %select_n3A = arith.select %lt3A_870, %add3A_873, %xor3A_33 : vector<16xi1>, vector<16xi32>
          %broadcast_in_dim3A_874 = vector.shape_cast %select_n3A : vector<16xi32> to vector<16x1xi32>
          %gather3A = vector.shape_cast %broadcast_in_dim3A_874 : vector<16x1xi32> to vector<16xi32>
          %gather3A_875 = tpu.dynamic_gather %add3A_866[%gather3A] in [0] : vector<16xf32>, vector<16xi32> -> vector<16xf32>
          %add3A_876 = arith.addf %add3A_866, %gather3A_875 : vector<16xf32>
          %lt3A_877 = arith.constant 0 : i32
          %lt3A_878 = vector.broadcast %lt3A_877 : i32 to vector<16xi32>
          %lt3A_879 = arith.cmpi slt, %xor3A_33, %lt3A_878 : vector<16xi32>
          %add3A_880 = arith.constant 16 : i32
          %add3A_881 = vector.broadcast %add3A_880 : i32 to vector<16xi32>
          %add3A_882 = arith.addi %xor3A_33, %add3A_881 : vector<16xi32>
          %select_n3A_883 = arith.select %lt3A_879, %add3A_882, %xor3A_33 : vector<16xi1>, vector<16xi32>
          %broadcast_in_dim3A_884 = vector.shape_cast %select_n3A_883 : vector<16xi32> to vector<16x1xi32>
          %gather3A_885 = vector.shape_cast %broadcast_in_dim3A_884 : vector<16x1xi32> to vector<16xi32>
          %gather3A_886 = tpu.dynamic_gather %add3A_867[%gather3A_885] in [0] : vector<16xf32>, vector<16xi32> -> vector<16xf32>
          %add3A_887 = arith.addf %add3A_867, %gather3A_886 : vector<16xf32>
          %select_n3A_888 = arith.select %lt3A_31, %add3A_876, %add3A_887 : vector<16xi1>, vector<16xf32>
          %lt3A_889 = arith.constant 0 : i32
          %lt3A_890 = vector.broadcast %lt3A_889 : i32 to vector<16xi32>
          %lt3A_891 = arith.cmpi slt, %xor3A_36, %lt3A_890 : vector<16xi32>
          %add3A_892 = arith.constant 16 : i32
          %add3A_893 = vector.broadcast %add3A_892 : i32 to vector<16xi32>
          %add3A_894 = arith.addi %xor3A_36, %add3A_893 : vector<16xi32>
          %select_n3A_895 = arith.select %lt3A_891, %add3A_894, %xor3A_36 : vector<16xi1>, vector<16xi32>
          %broadcast_in_dim3A_896 = vector.shape_cast %select_n3A_895 : vector<16xi32> to vector<16x1xi32>
          %gather3A_897 = vector.shape_cast %broadcast_in_dim3A_896 : vector<16x1xi32> to vector<16xi32>
          %gather3A_898 = tpu.dynamic_gather %select_n3A_888[%gather3A_897] in [0] : vector<16xf32>, vector<16xi32> -> vector<16xf32>
          %add3A_899 = arith.addf %select_n3A_888, %gather3A_898 : vector<16xf32>
          %lt3A_900 = arith.constant 0 : i32
          %lt3A_901 = vector.broadcast %lt3A_900 : i32 to vector<16xi32>
          %lt3A_902 = arith.cmpi slt, %xor3A_39, %lt3A_901 : vector<16xi32>
          %add3A_903 = arith.constant 16 : i32
          %add3A_904 = vector.broadcast %add3A_903 : i32 to vector<16xi32>
          %add3A_905 = arith.addi %xor3A_39, %add3A_904 : vector<16xi32>
          %select_n3A_906 = arith.select %lt3A_902, %add3A_905, %xor3A_39 : vector<16xi1>, vector<16xi32>
          %broadcast_in_dim3A_907 = vector.shape_cast %select_n3A_906 : vector<16xi32> to vector<16x1xi32>
          %gather3A_908 = vector.shape_cast %broadcast_in_dim3A_907 : vector<16x1xi32> to vector<16xi32>
          %gather3A_909 = tpu.dynamic_gather %add3A_899[%gather3A_908] in [0] : vector<16xf32>, vector<16xi32> -> vector<16xf32>
          %add3A_910 = arith.addf %add3A_899, %gather3A_909 : vector<16xf32>
          %lt3A_911 = arith.constant 0 : i32
          %lt3A_912 = vector.broadcast %lt3A_911 : i32 to vector<16xi32>
          %lt3A_913 = arith.cmpi slt, %xor3A_42, %lt3A_912 : vector<16xi32>
          %add3A_914 = arith.constant 16 : i32
          %add3A_915 = vector.broadcast %add3A_914 : i32 to vector<16xi32>
          %add3A_916 = arith.addi %xor3A_42, %add3A_915 : vector<16xi32>
          %select_n3A_917 = arith.select %lt3A_913, %add3A_916, %xor3A_42 : vector<16xi1>, vector<16xi32>
          %broadcast_in_dim3A_918 = vector.shape_cast %select_n3A_917 : vector<16xi32> to vector<16x1xi32>
          %gather3A_919 = vector.shape_cast %broadcast_in_dim3A_918 : vector<16x1xi32> to vector<16xi32>
          %gather3A_920 = tpu.dynamic_gather %add3A_910[%gather3A_919] in [0] : vector<16xf32>, vector<16xi32> -> vector<16xf32>
          %add3A_921 = arith.addf %add3A_910, %gather3A_920 : vector<16xf32>
          %lt3A_922 = arith.constant 0 : i32
          %lt3A_923 = vector.broadcast %lt3A_922 : i32 to vector<16xi32>
          %lt3A_924 = arith.cmpi slt, %and3A_46, %lt3A_923 : vector<16xi32>
          %add3A_925 = arith.constant 16 : i32
          %add3A_926 = vector.broadcast %add3A_925 : i32 to vector<16xi32>
          %add3A_927 = arith.addi %and3A_46, %add3A_926 : vector<16xi32>
          %select_n3A_928 = arith.select %lt3A_924, %add3A_927, %and3A_46 : vector<16xi1>, vector<16xi32>
          %broadcast_in_dim3A_929 = vector.shape_cast %select_n3A_928 : vector<16xi32> to vector<16x1xi32>
          %gather3A_930 = vector.shape_cast %broadcast_in_dim3A_929 : vector<16x1xi32> to vector<16xi32>
          %gather3A_931 = tpu.dynamic_gather %add3A_921[%gather3A_930] in [0] : vector<16xf32>, vector<16xi32> -> vector<16xf32>
          %lt3A_932 = arith.constant 0 : i32
          %lt3A_933 = vector.broadcast %lt3A_932 : i32 to vector<16xi32>
          %lt3A_934 = arith.cmpi slt, %or3A_44, %lt3A_933 : vector<16xi32>
          %add3A_935 = arith.constant 16 : i32
          %add3A_936 = vector.broadcast %add3A_935 : i32 to vector<16xi32>
          %add3A_937 = arith.addi %or3A_44, %add3A_936 : vector<16xi32>
          %select_n3A_938 = arith.select %lt3A_934, %add3A_937, %or3A_44 : vector<16xi1>, vector<16xi32>
          %broadcast_in_dim3A_939 = vector.shape_cast %select_n3A_938 : vector<16xi32> to vector<16x1xi32>
          %gather3A_940 = vector.shape_cast %broadcast_in_dim3A_939 : vector<16x1xi32> to vector<16xi32>
          %gather3A_941 = tpu.dynamic_gather %add3A_921[%gather3A_940] in [0] : vector<16xf32>, vector<16xi32> -> vector<16xf32>
          %eq3A = vector.broadcast %add3A_659 : i32 to vector<16xi32>
          %eq3A_942 = arith.cmpi eq, %iota3A, %eq3A : vector<16xi32>
          %select_n3A_943 = arith.select %eq3A_942, %gather3A_931, %scan3A_654 : vector<16xi1>, vector<16xf32>
          %select_n3A_944 = arith.select %eq3A_942, %gather3A_941, %scan3A_655 : vector<16xi1>, vector<16xf32>
          %mul3A_945 = arith.constant 2 : i32
          %mul3A_946 = arith.muli %scan3A_653, %mul3A_945 : i32
          %add3A_947 = arith.constant 1 : i32
          %add3A_948 = arith.addi %mul3A_946, %add3A_947 : i32
          %mul3A_949 = arith.constant 16 : i32
          %mul3A_950 = arith.muli %scan3A_628, %mul3A_949 : i32
          %add3A_951 = arith.addi %mul3A_950, %add3A_948 : i32
          %get3A_952 = arith.constant 2 : i32
          %get3A_953 = arith.index_cast %get3A_952 : i32 to index
          %get3A_954 = arith.index_cast %add3A_951 : i32 to index
          %get3A_955 = arith.constant 0 : index
          %get3A_956 = tpu.vector_load %arg13[%get3A_953, %get3A_954, %get3A_955] {strides = array<i32>} : memref<3x80x128xf32, #tpu.memory_space<vmem>>, vector<1x1x16xf32>,
          %get3A_957 = vector.shape_cast %get3A_956 : vector<1x1x16xf32> to vector<16xf32>
          %get3A_958 = arith.constant 2 : i32
          %get3A_959 = arith.index_cast %get3A_958 : i32 to index
          %get3A_960 = arith.index_cast %add3A_951 : i32 to index
          %get3A_961 = arith.constant 0 : index
          %get3A_962 = tpu.vector_load %arg14[%get3A_959, %get3A_960, %get3A_961] {strides = array<i32>} : memref<3x80x128xf32, #tpu.memory_space<vmem>>, vector<1x1x16xf32>,
          %get3A_963 = vector.shape_cast %get3A_962 : vector<1x1x16xf32> to vector<16xf32>
          %get3A_964 = arith.constant 2 : i32
          %get3A_965 = arith.index_cast %get3A_964 : i32 to index
          %get3A_966 = arith.index_cast %add3A_951 : i32 to index
          %get3A_967 = arith.constant 0 : index
          %get3A_968 = tpu.vector_load %arg15[%get3A_965, %get3A_966, %get3A_967] {strides = array<i32>} : memref<3x80x128xf32, #tpu.memory_space<vmem>>, vector<1x1x16xf32>,
          %get3A_969 = vector.shape_cast %get3A_968 : vector<1x1x16xf32> to vector<16xf32>
          %mul3A_970 = arith.constant 2.000000e-01 : f32
          %mul3A_971 = vector.broadcast %mul3A_970 : f32 to vector<16xf32>
          %mul3A_972 = arith.mulf %mul3A_971, %get3A_957 : vector<16xf32>
          %max3A_973 = arith.maximumf %get3A_957, %mul3A_972 : vector<16xf32>
          %mul3A_974 = arith.mulf %max3A_973, %get3A_4 : vector<16xf32>
          %mul3A_975 = arith.mulf %get3A_963, %get3A_969 : vector<16xf32>
          %get3A_976 = arith.constant 2 : i32
          %get3A_977 = arith.index_cast %get3A_976 : i32 to index
          %get3A_978 = arith.index_cast %add3A_951 : i32 to index
          %get3A_979 = arith.constant 16 : index
          %get3A_980 = tpu.vector_load %arg13[%get3A_977, %get3A_978, %get3A_979] {strides = array<i32>} : memref<3x80x128xf32, #tpu.memory_space<vmem>>, vector<1x1x16xf32>,
          %get3A_981 = vector.shape_cast %get3A_980 : vector<1x1x16xf32> to vector<16xf32>
          %get3A_982 = arith.constant 2 : i32
          %get3A_983 = arith.index_cast %get3A_982 : i32 to index
          %get3A_984 = arith.index_cast %add3A_951 : i32 to index
          %get3A_985 = arith.constant 16 : index
          %get3A_986 = tpu.vector_load %arg14[%get3A_983, %get3A_984, %get3A_985] {strides = array<i32>} : memref<3x80x128xf32, #tpu.memory_space<vmem>>, vector<1x1x16xf32>,
          %get3A_987 = vector.shape_cast %get3A_986 : vector<1x1x16xf32> to vector<16xf32>
          %get3A_988 = arith.constant 2 : i32
          %get3A_989 = arith.index_cast %get3A_988 : i32 to index
          %get3A_990 = arith.index_cast %add3A_951 : i32 to index
          %get3A_991 = arith.constant 16 : index
          %get3A_992 = tpu.vector_load %arg15[%get3A_989, %get3A_990, %get3A_991] {strides = array<i32>} : memref<3x80x128xf32, #tpu.memory_space<vmem>>, vector<1x1x16xf32>,
          %get3A_993 = vector.shape_cast %get3A_992 : vector<1x1x16xf32> to vector<16xf32>
          %mul3A_994 = arith.constant 2.000000e-01 : f32
          %mul3A_995 = vector.broadcast %mul3A_994 : f32 to vector<16xf32>
          %mul3A_996 = arith.mulf %mul3A_995, %get3A_981 : vector<16xf32>
          %max3A_997 = arith.maximumf %get3A_981, %mul3A_996 : vector<16xf32>
          %mul3A_998 = arith.mulf %max3A_997, %get3A_7 : vector<16xf32>
          %mul3A_999 = arith.mulf %get3A_987, %get3A_993 : vector<16xf32>
          %add3A_1000 = arith.addf %mul3A_974, %mul3A_998 : vector<16xf32>
          %add3A_1001 = arith.addf %mul3A_975, %mul3A_999 : vector<16xf32>
          %get3A_1002 = arith.constant 2 : i32
          %get3A_1003 = arith.index_cast %get3A_1002 : i32 to index
          %get3A_1004 = arith.index_cast %add3A_951 : i32 to index
          %get3A_1005 = arith.constant 32 : index
          %get3A_1006 = tpu.vector_load %arg13[%get3A_1003, %get3A_1004, %get3A_1005] {strides = array<i32>} : memref<3x80x128xf32, #tpu.memory_space<vmem>>, vector<1x1x16xf32>,
          %get3A_1007 = vector.shape_cast %get3A_1006 : vector<1x1x16xf32> to vector<16xf32>
          %get3A_1008 = arith.constant 2 : i32
          %get3A_1009 = arith.index_cast %get3A_1008 : i32 to index
          %get3A_1010 = arith.index_cast %add3A_951 : i32 to index
          %get3A_1011 = arith.constant 32 : index
          %get3A_1012 = tpu.vector_load %arg14[%get3A_1009, %get3A_1010, %get3A_1011] {strides = array<i32>} : memref<3x80x128xf32, #tpu.memory_space<vmem>>, vector<1x1x16xf32>,
          %get3A_1013 = vector.shape_cast %get3A_1012 : vector<1x1x16xf32> to vector<16xf32>
          %get3A_1014 = arith.constant 2 : i32
          %get3A_1015 = arith.index_cast %get3A_1014 : i32 to index
          %get3A_1016 = arith.index_cast %add3A_951 : i32 to index
          %get3A_1017 = arith.constant 32 : index
          %get3A_1018 = tpu.vector_load %arg15[%get3A_1015, %get3A_1016, %get3A_1017] {strides = array<i32>} : memref<3x80x128xf32, #tpu.memory_space<vmem>>, vector<1x1x16xf32>,
          %get3A_1019 = vector.shape_cast %get3A_1018 : vector<1x1x16xf32> to vector<16xf32>
          %mul3A_1020 = arith.constant 2.000000e-01 : f32
          %mul3A_1021 = vector.broadcast %mul3A_1020 : f32 to vector<16xf32>
          %mul3A_1022 = arith.mulf %mul3A_1021, %get3A_1007 : vector<16xf32>
          %max3A_1023 = arith.maximumf %get3A_1007, %mul3A_1022 : vector<16xf32>
          %mul3A_1024 = arith.mulf %max3A_1023, %get3A_10 : vector<16xf32>
          %mul3A_1025 = arith.mulf %get3A_1013, %get3A_1019 : vector<16xf32>
          %add3A_1026 = arith.addf %add3A_1000, %mul3A_1024 : vector<16xf32>
          %add3A_1027 = arith.addf %add3A_1001, %mul3A_1025 : vector<16xf32>
          %get3A_1028 = arith.constant 2 : i32
          %get3A_1029 = arith.index_cast %get3A_1028 : i32 to index
          %get3A_1030 = arith.index_cast %add3A_951 : i32 to index
          %get3A_1031 = arith.constant 48 : index
          %get3A_1032 = tpu.vector_load %arg13[%get3A_1029, %get3A_1030, %get3A_1031] {strides = array<i32>} : memref<3x80x128xf32, #tpu.memory_space<vmem>>, vector<1x1x16xf32>,
          %get3A_1033 = vector.shape_cast %get3A_1032 : vector<1x1x16xf32> to vector<16xf32>
          %get3A_1034 = arith.constant 2 : i32
          %get3A_1035 = arith.index_cast %get3A_1034 : i32 to index
          %get3A_1036 = arith.index_cast %add3A_951 : i32 to index
          %get3A_1037 = arith.constant 48 : index
          %get3A_1038 = tpu.vector_load %arg14[%get3A_1035, %get3A_1036, %get3A_1037] {strides = array<i32>} : memref<3x80x128xf32, #tpu.memory_space<vmem>>, vector<1x1x16xf32>,
          %get3A_1039 = vector.shape_cast %get3A_1038 : vector<1x1x16xf32> to vector<16xf32>
          %get3A_1040 = arith.constant 2 : i32
          %get3A_1041 = arith.index_cast %get3A_1040 : i32 to index
          %get3A_1042 = arith.index_cast %add3A_951 : i32 to index
          %get3A_1043 = arith.constant 48 : index
          %get3A_1044 = tpu.vector_load %arg15[%get3A_1041, %get3A_1042, %get3A_1043] {strides = array<i32>} : memref<3x80x128xf32, #tpu.memory_space<vmem>>, vector<1x1x16xf32>,
          %get3A_1045 = vector.shape_cast %get3A_1044 : vector<1x1x16xf32> to vector<16xf32>
          %mul3A_1046 = arith.constant 2.000000e-01 : f32
          %mul3A_1047 = vector.broadcast %mul3A_1046 : f32 to vector<16xf32>
          %mul3A_1048 = arith.mulf %mul3A_1047, %get3A_1033 : vector<16xf32>
          %max3A_1049 = arith.maximumf %get3A_1033, %mul3A_1048 : vector<16xf32>
          %mul3A_1050 = arith.mulf %max3A_1049, %get3A_13 : vector<16xf32>
          %mul3A_1051 = arith.mulf %get3A_1039, %get3A_1045 : vector<16xf32>
          %add3A_1052 = arith.addf %add3A_1026, %mul3A_1050 : vector<16xf32>
          %add3A_1053 = arith.addf %add3A_1027, %mul3A_1051 : vector<16xf32>
          %get3A_1054 = arith.constant 2 : i32
          %get3A_1055 = arith.index_cast %get3A_1054 : i32 to index
          %get3A_1056 = arith.index_cast %add3A_951 : i32 to index
          %get3A_1057 = arith.constant 64 : index
          %get3A_1058 = tpu.vector_load %arg13[%get3A_1055, %get3A_1056, %get3A_1057] {strides = array<i32>} : memref<3x80x128xf32, #tpu.memory_space<vmem>>, vector<1x1x16xf32>,
          %get3A_1059 = vector.shape_cast %get3A_1058 : vector<1x1x16xf32> to vector<16xf32>
          %get3A_1060 = arith.constant 2 : i32
          %get3A_1061 = arith.index_cast %get3A_1060 : i32 to index
          %get3A_1062 = arith.index_cast %add3A_951 : i32 to index
          %get3A_1063 = arith.constant 64 : index
          %get3A_1064 = tpu.vector_load %arg14[%get3A_1061, %get3A_1062, %get3A_1063] {strides = array<i32>} : memref<3x80x128xf32, #tpu.memory_space<vmem>>, vector<1x1x16xf32>,
          %get3A_1065 = vector.shape_cast %get3A_1064 : vector<1x1x16xf32> to vector<16xf32>
          %get3A_1066 = arith.constant 2 : i32
          %get3A_1067 = arith.index_cast %get3A_1066 : i32 to index
          %get3A_1068 = arith.index_cast %add3A_951 : i32 to index
          %get3A_1069 = arith.constant 64 : index
          %get3A_1070 = tpu.vector_load %arg15[%get3A_1067, %get3A_1068, %get3A_1069] {strides = array<i32>} : memref<3x80x128xf32, #tpu.memory_space<vmem>>, vector<1x1x16xf32>,
          %get3A_1071 = vector.shape_cast %get3A_1070 : vector<1x1x16xf32> to vector<16xf32>
          %mul3A_1072 = arith.constant 2.000000e-01 : f32
          %mul3A_1073 = vector.broadcast %mul3A_1072 : f32 to vector<16xf32>
          %mul3A_1074 = arith.mulf %mul3A_1073, %get3A_1059 : vector<16xf32>
          %max3A_1075 = arith.maximumf %get3A_1059, %mul3A_1074 : vector<16xf32>
          %mul3A_1076 = arith.mulf %max3A_1075, %get3A_16 : vector<16xf32>
          %mul3A_1077 = arith.mulf %get3A_1065, %get3A_1071 : vector<16xf32>
          %add3A_1078 = arith.addf %add3A_1052, %mul3A_1076 : vector<16xf32>
          %add3A_1079 = arith.addf %add3A_1053, %mul3A_1077 : vector<16xf32>
          %get3A_1080 = arith.constant 2 : i32
          %get3A_1081 = arith.index_cast %get3A_1080 : i32 to index
          %get3A_1082 = arith.index_cast %add3A_951 : i32 to index
          %get3A_1083 = arith.constant 80 : index
          %get3A_1084 = tpu.vector_load %arg13[%get3A_1081, %get3A_1082, %get3A_1083] {strides = array<i32>} : memref<3x80x128xf32, #tpu.memory_space<vmem>>, vector<1x1x16xf32>,
          %get3A_1085 = vector.shape_cast %get3A_1084 : vector<1x1x16xf32> to vector<16xf32>
          %get3A_1086 = arith.constant 2 : i32
          %get3A_1087 = arith.index_cast %get3A_1086 : i32 to index
          %get3A_1088 = arith.index_cast %add3A_951 : i32 to index
          %get3A_1089 = arith.constant 80 : index
          %get3A_1090 = tpu.vector_load %arg14[%get3A_1087, %get3A_1088, %get3A_1089] {strides = array<i32>} : memref<3x80x128xf32, #tpu.memory_space<vmem>>, vector<1x1x16xf32>,
          %get3A_1091 = vector.shape_cast %get3A_1090 : vector<1x1x16xf32> to vector<16xf32>
          %get3A_1092 = arith.constant 2 : i32
          %get3A_1093 = arith.index_cast %get3A_1092 : i32 to index
          %get3A_1094 = arith.index_cast %add3A_951 : i32 to index
          %get3A_1095 = arith.constant 80 : index
          %get3A_1096 = tpu.vector_load %arg15[%get3A_1093, %get3A_1094, %get3A_1095] {strides = array<i32>} : memref<3x80x128xf32, #tpu.memory_space<vmem>>, vector<1x1x16xf32>,
          %get3A_1097 = vector.shape_cast %get3A_1096 : vector<1x1x16xf32> to vector<16xf32>
          %mul3A_1098 = arith.constant 2.000000e-01 : f32
          %mul3A_1099 = vector.broadcast %mul3A_1098 : f32 to vector<16xf32>
          %mul3A_1100 = arith.mulf %mul3A_1099, %get3A_1085 : vector<16xf32>
          %max3A_1101 = arith.maximumf %get3A_1085, %mul3A_1100 : vector<16xf32>
          %mul3A_1102 = arith.mulf %max3A_1101, %get3A_19 : vector<16xf32>
          %mul3A_1103 = arith.mulf %get3A_1091, %get3A_1097 : vector<16xf32>
          %add3A_1104 = arith.addf %add3A_1078, %mul3A_1102 : vector<16xf32>
          %add3A_1105 = arith.addf %add3A_1079, %mul3A_1103 : vector<16xf32>
          %get3A_1106 = arith.constant 2 : i32
          %get3A_1107 = arith.index_cast %get3A_1106 : i32 to index
          %get3A_1108 = arith.index_cast %add3A_951 : i32 to index
          %get3A_1109 = arith.constant 96 : index
          %get3A_1110 = tpu.vector_load %arg13[%get3A_1107, %get3A_1108, %get3A_1109] {strides = array<i32>} : memref<3x80x128xf32, #tpu.memory_space<vmem>>, vector<1x1x16xf32>,
          %get3A_1111 = vector.shape_cast %get3A_1110 : vector<1x1x16xf32> to vector<16xf32>
          %get3A_1112 = arith.constant 2 : i32
          %get3A_1113 = arith.index_cast %get3A_1112 : i32 to index
          %get3A_1114 = arith.index_cast %add3A_951 : i32 to index
          %get3A_1115 = arith.constant 96 : index
          %get3A_1116 = tpu.vector_load %arg14[%get3A_1113, %get3A_1114, %get3A_1115] {strides = array<i32>} : memref<3x80x128xf32, #tpu.memory_space<vmem>>, vector<1x1x16xf32>,
          %get3A_1117 = vector.shape_cast %get3A_1116 : vector<1x1x16xf32> to vector<16xf32>
          %get3A_1118 = arith.constant 2 : i32
          %get3A_1119 = arith.index_cast %get3A_1118 : i32 to index
          %get3A_1120 = arith.index_cast %add3A_951 : i32 to index
          %get3A_1121 = arith.constant 96 : index
          %get3A_1122 = tpu.vector_load %arg15[%get3A_1119, %get3A_1120, %get3A_1121] {strides = array<i32>} : memref<3x80x128xf32, #tpu.memory_space<vmem>>, vector<1x1x16xf32>,
          %get3A_1123 = vector.shape_cast %get3A_1122 : vector<1x1x16xf32> to vector<16xf32>
          %mul3A_1124 = arith.constant 2.000000e-01 : f32
          %mul3A_1125 = vector.broadcast %mul3A_1124 : f32 to vector<16xf32>
          %mul3A_1126 = arith.mulf %mul3A_1125, %get3A_1111 : vector<16xf32>
          %max3A_1127 = arith.maximumf %get3A_1111, %mul3A_1126 : vector<16xf32>
          %mul3A_1128 = arith.mulf %max3A_1127, %get3A_22 : vector<16xf32>
          %mul3A_1129 = arith.mulf %get3A_1117, %get3A_1123 : vector<16xf32>
          %add3A_1130 = arith.addf %add3A_1104, %mul3A_1128 : vector<16xf32>
          %add3A_1131 = arith.addf %add3A_1105, %mul3A_1129 : vector<16xf32>
          %get3A_1132 = arith.constant 2 : i32
          %get3A_1133 = arith.index_cast %get3A_1132 : i32 to index
          %get3A_1134 = arith.index_cast %add3A_951 : i32 to index
          %get3A_1135 = arith.constant 112 : index
          %get3A_1136 = tpu.vector_load %arg13[%get3A_1133, %get3A_1134, %get3A_1135] {strides = array<i32>} : memref<3x80x128xf32, #tpu.memory_space<vmem>>, vector<1x1x16xf32>,
          %get3A_1137 = vector.shape_cast %get3A_1136 : vector<1x1x16xf32> to vector<16xf32>
          %get3A_1138 = arith.constant 2 : i32
          %get3A_1139 = arith.index_cast %get3A_1138 : i32 to index
          %get3A_1140 = arith.index_cast %add3A_951 : i32 to index
          %get3A_1141 = arith.constant 112 : index
          %get3A_1142 = tpu.vector_load %arg14[%get3A_1139, %get3A_1140, %get3A_1141] {strides = array<i32>} : memref<3x80x128xf32, #tpu.memory_space<vmem>>, vector<1x1x16xf32>,
          %get3A_1143 = vector.shape_cast %get3A_1142 : vector<1x1x16xf32> to vector<16xf32>
          %get3A_1144 = arith.constant 2 : i32
          %get3A_1145 = arith.index_cast %get3A_1144 : i32 to index
          %get3A_1146 = arith.index_cast %add3A_951 : i32 to index
          %get3A_1147 = arith.constant 112 : index
          %get3A_1148 = tpu.vector_load %arg15[%get3A_1145, %get3A_1146, %get3A_1147] {strides = array<i32>} : memref<3x80x128xf32, #tpu.memory_space<vmem>>, vector<1x1x16xf32>,
          %get3A_1149 = vector.shape_cast %get3A_1148 : vector<1x1x16xf32> to vector<16xf32>
          %mul3A_1150 = arith.constant 2.000000e-01 : f32
          %mul3A_1151 = vector.broadcast %mul3A_1150 : f32 to vector<16xf32>
          %mul3A_1152 = arith.mulf %mul3A_1151, %get3A_1137 : vector<16xf32>
          %max3A_1153 = arith.maximumf %get3A_1137, %mul3A_1152 : vector<16xf32>
          %mul3A_1154 = arith.mulf %max3A_1153, %get3A_25 : vector<16xf32>
          %mul3A_1155 = arith.mulf %get3A_1143, %get3A_1149 : vector<16xf32>
          %add3A_1156 = arith.addf %add3A_1130, %mul3A_1154 : vector<16xf32>
          %add3A_1157 = arith.addf %add3A_1131, %mul3A_1155 : vector<16xf32>
          %lt3A_1158 = arith.constant 0 : i32
          %lt3A_1159 = vector.broadcast %lt3A_1158 : i32 to vector<16xi32>
          %lt3A_1160 = arith.cmpi slt, %xor3A_33, %lt3A_1159 : vector<16xi32>
          %add3A_1161 = arith.constant 16 : i32
          %add3A_1162 = vector.broadcast %add3A_1161 : i32 to vector<16xi32>
          %add3A_1163 = arith.addi %xor3A_33, %add3A_1162 : vector<16xi32>
          %select_n3A_1164 = arith.select %lt3A_1160, %add3A_1163, %xor3A_33 : vector<16xi1>, vector<16xi32>
          %broadcast_in_dim3A_1165 = vector.shape_cast %select_n3A_1164 : vector<16xi32> to vector<16x1xi32>
          %gather3A_1166 = vector.shape_cast %broadcast_in_dim3A_1165 : vector<16x1xi32> to vector<16xi32>
          %gather3A_1167 = tpu.dynamic_gather %add3A_1156[%gather3A_1166] in [0] : vector<16xf32>, vector<16xi32> -> vector<16xf32>
          %add3A_1168 = arith.addf %add3A_1156, %gather3A_1167 : vector<16xf32>
          %lt3A_1169 = arith.constant 0 : i32
          %lt3A_1170 = vector.broadcast %lt3A_1169 : i32 to vector<16xi32>
          %lt3A_1171 = arith.cmpi slt, %xor3A_33, %lt3A_1170 : vector<16xi32>
          %add3A_1172 = arith.constant 16 : i32
          %add3A_1173 = vector.broadcast %add3A_1172 : i32 to vector<16xi32>
          %add3A_1174 = arith.addi %xor3A_33, %add3A_1173 : vector<16xi32>
          %select_n3A_1175 = arith.select %lt3A_1171, %add3A_1174, %xor3A_33 : vector<16xi1>, vector<16xi32>
          %broadcast_in_dim3A_1176 = vector.shape_cast %select_n3A_1175 : vector<16xi32> to vector<16x1xi32>
          %gather3A_1177 = vector.shape_cast %broadcast_in_dim3A_1176 : vector<16x1xi32> to vector<16xi32>
          %gather3A_1178 = tpu.dynamic_gather %add3A_1157[%gather3A_1177] in [0] : vector<16xf32>, vector<16xi32> -> vector<16xf32>
          %add3A_1179 = arith.addf %add3A_1157, %gather3A_1178 : vector<16xf32>
          %select_n3A_1180 = arith.select %lt3A_31, %add3A_1168, %add3A_1179 : vector<16xi1>, vector<16xf32>
          %lt3A_1181 = arith.constant 0 : i32
          %lt3A_1182 = vector.broadcast %lt3A_1181 : i32 to vector<16xi32>
          %lt3A_1183 = arith.cmpi slt, %xor3A_36, %lt3A_1182 : vector<16xi32>
          %add3A_1184 = arith.constant 16 : i32
          %add3A_1185 = vector.broadcast %add3A_1184 : i32 to vector<16xi32>
          %add3A_1186 = arith.addi %xor3A_36, %add3A_1185 : vector<16xi32>
          %select_n3A_1187 = arith.select %lt3A_1183, %add3A_1186, %xor3A_36 : vector<16xi1>, vector<16xi32>
          %broadcast_in_dim3A_1188 = vector.shape_cast %select_n3A_1187 : vector<16xi32> to vector<16x1xi32>
          %gather3A_1189 = vector.shape_cast %broadcast_in_dim3A_1188 : vector<16x1xi32> to vector<16xi32>
          %gather3A_1190 = tpu.dynamic_gather %select_n3A_1180[%gather3A_1189] in [0] : vector<16xf32>, vector<16xi32> -> vector<16xf32>
          %add3A_1191 = arith.addf %select_n3A_1180, %gather3A_1190 : vector<16xf32>
          %lt3A_1192 = arith.constant 0 : i32
          %lt3A_1193 = vector.broadcast %lt3A_1192 : i32 to vector<16xi32>
          %lt3A_1194 = arith.cmpi slt, %xor3A_39, %lt3A_1193 : vector<16xi32>
          %add3A_1195 = arith.constant 16 : i32
          %add3A_1196 = vector.broadcast %add3A_1195 : i32 to vector<16xi32>
          %add3A_1197 = arith.addi %xor3A_39, %add3A_1196 : vector<16xi32>
          %select_n3A_1198 = arith.select %lt3A_1194, %add3A_1197, %xor3A_39 : vector<16xi1>, vector<16xi32>
          %broadcast_in_dim3A_1199 = vector.shape_cast %select_n3A_1198 : vector<16xi32> to vector<16x1xi32>
          %gather3A_1200 = vector.shape_cast %broadcast_in_dim3A_1199 : vector<16x1xi32> to vector<16xi32>
          %gather3A_1201 = tpu.dynamic_gather %add3A_1191[%gather3A_1200] in [0] : vector<16xf32>, vector<16xi32> -> vector<16xf32>
          %add3A_1202 = arith.addf %add3A_1191, %gather3A_1201 : vector<16xf32>
          %lt3A_1203 = arith.constant 0 : i32
          %lt3A_1204 = vector.broadcast %lt3A_1203 : i32 to vector<16xi32>
          %lt3A_1205 = arith.cmpi slt, %xor3A_42, %lt3A_1204 : vector<16xi32>
          %add3A_1206 = arith.constant 16 : i32
          %add3A_1207 = vector.broadcast %add3A_1206 : i32 to vector<16xi32>
          %add3A_1208 = arith.addi %xor3A_42, %add3A_1207 : vector<16xi32>
          %select_n3A_1209 = arith.select %lt3A_1205, %add3A_1208, %xor3A_42 : vector<16xi1>, vector<16xi32>
          %broadcast_in_dim3A_1210 = vector.shape_cast %select_n3A_1209 : vector<16xi32> to vector<16x1xi32>
          %gather3A_1211 = vector.shape_cast %broadcast_in_dim3A_1210 : vector<16x1xi32> to vector<16xi32>
          %gather3A_1212 = tpu.dynamic_gather %add3A_1202[%gather3A_1211] in [0] : vector<16xf32>, vector<16xi32> -> vector<16xf32>
          %add3A_1213 = arith.addf %add3A_1202, %gather3A_1212 : vector<16xf32>
          %lt3A_1214 = arith.constant 0 : i32
          %lt3A_1215 = vector.broadcast %lt3A_1214 : i32 to vector<16xi32>
          %lt3A_1216 = arith.cmpi slt, %and3A_46, %lt3A_1215 : vector<16xi32>
          %add3A_1217 = arith.constant 16 : i32
          %add3A_1218 = vector.broadcast %add3A_1217 : i32 to vector<16xi32>
          %add3A_1219 = arith.addi %and3A_46, %add3A_1218 : vector<16xi32>
          %select_n3A_1220 = arith.select %lt3A_1216, %add3A_1219, %and3A_46 : vector<16xi1>, vector<16xi32>
          %broadcast_in_dim3A_1221 = vector.shape_cast %select_n3A_1220 : vector<16xi32> to vector<16x1xi32>
          %gather3A_1222 = vector.shape_cast %broadcast_in_dim3A_1221 : vector<16x1xi32> to vector<16xi32>
          %gather3A_1223 = tpu.dynamic_gather %add3A_1213[%gather3A_1222] in [0] : vector<16xf32>, vector<16xi32> -> vector<16xf32>
          %lt3A_1224 = arith.constant 0 : i32
          %lt3A_1225 = vector.broadcast %lt3A_1224 : i32 to vector<16xi32>
          %lt3A_1226 = arith.cmpi slt, %or3A_44, %lt3A_1225 : vector<16xi32>
          %add3A_1227 = arith.constant 16 : i32
          %add3A_1228 = vector.broadcast %add3A_1227 : i32 to vector<16xi32>
          %add3A_1229 = arith.addi %or3A_44, %add3A_1228 : vector<16xi32>
          %select_n3A_1230 = arith.select %lt3A_1226, %add3A_1229, %or3A_44 : vector<16xi1>, vector<16xi32>
          %broadcast_in_dim3A_1231 = vector.shape_cast %select_n3A_1230 : vector<16xi32> to vector<16x1xi32>
          %gather3A_1232 = vector.shape_cast %broadcast_in_dim3A_1231 : vector<16x1xi32> to vector<16xi32>
          %gather3A_1233 = tpu.dynamic_gather %add3A_1213[%gather3A_1232] in [0] : vector<16xf32>, vector<16xi32> -> vector<16xf32>
          %eq3A_1234 = vector.broadcast %add3A_948 : i32 to vector<16xi32>
          %eq3A_1235 = arith.cmpi eq, %iota3A, %eq3A_1234 : vector<16xi32>
          %select_n3A_1236 = arith.select %eq3A_1235, %gather3A_1223, %select_n3A_943 : vector<16xi1>, vector<16xf32>
          %select_n3A_1237 = arith.select %eq3A_1235, %gather3A_1233, %select_n3A_944 : vector<16xi1>, vector<16xf32>
          scf.yield %select_n3A_1236, %select_n3A_1237 : vector<16xf32>, vector<16xf32>
        }
        %scan3A_635 = arith.constant 8 : i32
        %add3A_636 = arith.addf %scan3A_634#0, %get3A_28 : vector<16xf32>
        %neg3A = arith.constant 0.000000e+00 : f32
        %neg3A_637 = vector.broadcast %neg3A : f32 to vector<16xf32>
        %neg3A_638 = arith.subf %neg3A_637, %add3A_636 : vector<16xf32>
        %exp3A = math.exp %neg3A_638 : vector<16xf32>
        %add3A_639 = arith.constant 1.000000e+00 : f32
        %add3A_640 = vector.broadcast %add3A_639 : f32 to vector<16xf32>
        %add3A_641 = arith.addf %add3A_640, %exp3A : vector<16xf32>
        %div3A = arith.constant 1.000000e+00 : f32
        %div3A_642 = vector.broadcast %div3A : f32 to vector<16xf32>
        %div3A_643 = arith.divf %div3A_642, %add3A_641 : vector<16xf32>
        %mul3A_644 = arith.mulf %div3A_643, %scan3A_634#1 : vector<16xf32>
        %mul3A_645 = arith.constant 16 : i32
        %mul3A_646 = arith.muli %scan3A_628, %mul3A_645 : i32
        %swap3A = arith.constant 2 : i32
        %swap3A_647 = arith.index_cast %swap3A : i32 to index
        %swap3A_648 = arith.index_cast %mul3A_646 : i32 to index
        %swap3A_649 = tpu.vector_load %arg18[%swap3A_647, %swap3A_648] {strides = array<i32>} : memref<3x80xf32, #tpu.memory_space<vmem>>, vector<1x16xf32>,
        %swap3A_650 = vector.shape_cast %swap3A_649 : vector<1x16xf32> to vector<16xf32>
        %swap3A_651 = vector.shape_cast %mul3A_644 : vector<16xf32> to vector<1x16xf32>
        tpu.vector_store %arg18[%swap3A_647, %swap3A_648], %swap3A_651 {strides = array<i32>} : memref<3x80xf32, #tpu.memory_space<vmem>>, vector<1x16xf32>,
        %scan3A_652 = arith.constant 0 : i32
        scf.yield %scan3A_652 : i32
      }
      %scan3A_617 = arith.constant 5 : i32
      %dma_start3A_618 = arith.constant 2 : i32
      %dma_start3A_619 = arith.constant 0 : i32
      %dma_start3A_620 = tpu.memref_slice %arg18[%dma_start3A_618, %dma_start3A_619] : memref<3x80xf32, #tpu.memory_space<vmem>> -> memref<1x80xf32, #tpu.memory_space<vmem>>
      %dma_start3A_621 = tpu.memref_squeeze %dma_start3A_620 : memref<1x80xf32, #tpu.memory_space<vmem>> -> memref<80xf32, #tpu.memory_space<vmem>>
      %dma_start3A_622 = tpu.memref_slice %arg10[%add3A_605] : memref<320000xf32, #tpu.memory_space<hbm>> -> memref<80xf32, #tpu.memory_space<hbm>>
      %dma_start3A_623 = tpu.memref_slice %arg10[%add3A_605] : memref<320000xf32, #tpu.memory_space<hbm>> -> memref<80xf32, #tpu.memory_space<hbm>>
      %dma_start3A_624 = arith.constant 0 : i32
      %dma_start3A_625 = tpu.memref_slice %arg18[%dma_start3A_618, %dma_start3A_624] : memref<3x80xf32, #tpu.memory_space<vmem>> -> memref<1x80xf32, #tpu.memory_space<vmem>>
      %dma_start3A_626 = tpu.memref_squeeze %dma_start3A_625 : memref<1x80xf32, #tpu.memory_space<vmem>> -> memref<80xf32, #tpu.memory_space<vmem>>
      tpu.enqueue_dma source(%dma_start3A_626 : memref<80xf32, #tpu.memory_space<vmem>>) target(%dma_start3A_623 : memref<80xf32, #tpu.memory_space<hbm>>) target_semaphore(%arg27 : memref<!tpu.dma_semaphore, #tpu.memory_space<semaphore_mem>>)
      %scan3A_627 = arith.constant 0 : i32
      scf.yield %scan3A_627 : i32
    }
    %scan3A_150 = arith.constant 41 : i32
    %dma_wait3A_151 = arith.constant 1 : i32
    %dma_wait3A_152 = arith.constant 0 : i32
    %dma_wait3A_153 = arith.constant 0 : i32
    %dma_wait3A_154 = tpu.memref_slice %arg13[%dma_wait3A_151, %dma_wait3A_152, %dma_wait3A_153] : memref<3x80x128xf32, #tpu.memory_space<vmem>> -> memref<1x80x128xf32, #tpu.memory_space<vmem>>
    %dma_wait3A_155 = tpu.memref_squeeze %dma_wait3A_154 : memref<1x80x128xf32, #tpu.memory_space<vmem>> -> memref<80x128xf32, #tpu.memory_space<vmem>>
    %dma_wait3A_156 = arith.constant 0 : i32
    %dma_wait3A_157 = tpu.memref_slice %arg11[%dma_wait3A_156] : memref<10000xi32, #tpu.memory_space<vmem>> -> memref<80xi32, #tpu.memory_space<vmem>>
    %dma_wait3A_158 = arith.constant 0 : i32
    %dma_wait3A_159 = arith.constant 0 : i32
    %dma_wait3A_160 = tpu.memref_slice %arg4[%dma_wait3A_158, %dma_wait3A_159] : memref<10000x128xf32, #tpu.memory_space<hbm>> -> memref<10000x128xf32, #tpu.memory_space<hbm>>
    tpu.wait_indirect_dma semaphore(%arg20 : memref<!tpu.dma_semaphore, #tpu.memory_space<semaphore_mem>>) src(%dma_wait3A_160 : memref<10000x128xf32, #tpu.memory_space<hbm>>) dst(%dma_wait3A_155 : memref<80x128xf32, #tpu.memory_space<vmem>>)
    %dma_wait3A_161 = arith.constant 1 : i32
    %dma_wait3A_162 = arith.constant 0 : i32
    %dma_wait3A_163 = arith.constant 0 : i32
    %dma_wait3A_164 = tpu.memref_slice %arg14[%dma_wait3A_161, %dma_wait3A_162, %dma_wait3A_163] : memref<3x80x128xf32, #tpu.memory_space<vmem>> -> memref<1x80x128xf32, #tpu.memory_space<vmem>>
    %dma_wait3A_165 = tpu.memref_squeeze %dma_wait3A_164 : memref<1x80x128xf32, #tpu.memory_space<vmem>> -> memref<80x128xf32, #tpu.memory_space<vmem>>
    %dma_wait3A_166 = arith.constant 0 : i32
    %dma_wait3A_167 = tpu.memref_slice %arg11[%dma_wait3A_166] : memref<10000xi32, #tpu.memory_space<vmem>> -> memref<80xi32, #tpu.memory_space<vmem>>
    %dma_wait3A_168 = arith.constant 0 : i32
    %dma_wait3A_169 = arith.constant 0 : i32
    %dma_wait3A_170 = tpu.memref_slice %arg6[%dma_wait3A_168, %dma_wait3A_169] : memref<10000x128xf32, #tpu.memory_space<hbm>> -> memref<10000x128xf32, #tpu.memory_space<hbm>>
    tpu.wait_indirect_dma semaphore(%arg20 : memref<!tpu.dma_semaphore, #tpu.memory_space<semaphore_mem>>) src(%dma_wait3A_170 : memref<10000x128xf32, #tpu.memory_space<hbm>>) dst(%dma_wait3A_165 : memref<80x128xf32, #tpu.memory_space<vmem>>)
    %dma_wait3A_171 = arith.constant 1 : i32
    %dma_wait3A_172 = arith.constant 0 : i32
    %dma_wait3A_173 = arith.constant 0 : i32
    %dma_wait3A_174 = tpu.memref_slice %arg15[%dma_wait3A_171, %dma_wait3A_172, %dma_wait3A_173] : memref<3x80x128xf32, #tpu.memory_space<vmem>> -> memref<1x80x128xf32, #tpu.memory_space<vmem>>
    %dma_wait3A_175 = tpu.memref_squeeze %dma_wait3A_174 : memref<1x80x128xf32, #tpu.memory_space<vmem>> -> memref<80x128xf32, #tpu.memory_space<vmem>>
    %dma_wait3A_176 = arith.constant 0 : i32
    %dma_wait3A_177 = tpu.memref_slice %arg12[%dma_wait3A_176] : memref<10000xi32, #tpu.memory_space<vmem>> -> memref<80xi32, #tpu.memory_space<vmem>>
    %dma_wait3A_178 = arith.constant 0 : i32
    %dma_wait3A_179 = arith.constant 0 : i32
    %dma_wait3A_180 = tpu.memref_slice %arg7[%dma_wait3A_178, %dma_wait3A_179] : memref<10000x128xf32, #tpu.memory_space<hbm>> -> memref<10000x128xf32, #tpu.memory_space<hbm>>
    tpu.wait_indirect_dma semaphore(%arg20 : memref<!tpu.dma_semaphore, #tpu.memory_space<semaphore_mem>>) src(%dma_wait3A_180 : memref<10000x128xf32, #tpu.memory_space<hbm>>) dst(%dma_wait3A_175 : memref<80x128xf32, #tpu.memory_space<vmem>>)
    %dma_start3A_181 = arith.constant 1 : i32
    %dma_start3A_182 = arith.constant 0 : i32
    %dma_start3A_183 = arith.constant 0 : i32
    %dma_start3A_184 = tpu.memref_slice %arg13[%dma_start3A_181, %dma_start3A_182, %dma_start3A_183] : memref<3x80x128xf32, #tpu.memory_space<vmem>> -> memref<1x80x128xf32, #tpu.memory_space<vmem>>
    %dma_start3A_185 = tpu.memref_squeeze %dma_start3A_184 : memref<1x80x128xf32, #tpu.memory_space<vmem>> -> memref<80x128xf32, #tpu.memory_space<vmem>>
    %dma_start3A_186 = arith.constant 9920 : i32
    %dma_start3A_187 = tpu.memref_slice %arg12[%dma_start3A_186] : memref<10000xi32, #tpu.memory_space<vmem>> -> memref<80xi32, #tpu.memory_space<vmem>>
    %dma_start3A_188 = arith.constant 0 : i32
    %dma_start3A_189 = arith.constant 0 : i32
    %dma_start3A_190 = tpu.memref_slice %arg5[%dma_start3A_188, %dma_start3A_189] : memref<10000x128xf32, #tpu.memory_space<hbm>> -> memref<10000x128xf32, #tpu.memory_space<hbm>>
    tpu.enqueue_indirect_dma source(%dma_start3A_190 : memref<10000x128xf32, #tpu.memory_space<hbm>>) target(%dma_start3A_185 : memref<80x128xf32, #tpu.memory_space<vmem>>) offsets(%dma_start3A_187 : memref<80xi32, #tpu.memory_space<vmem>>) semaphore(%arg23 : memref<!tpu.dma_semaphore, #tpu.memory_space<semaphore_mem>>) {add = true}
    %dma_wait3A_191 = arith.constant 0 : i32
    %dma_wait3A_192 = arith.constant 0 : i32
    %dma_wait3A_193 = arith.constant 0 : i32
    %dma_wait3A_194 = tpu.memref_slice %arg13[%dma_wait3A_191, %dma_wait3A_192, %dma_wait3A_193] : memref<3x80x128xf32, #tpu.memory_space<vmem>> -> memref<1x80x128xf32, #tpu.memory_space<vmem>>
    %dma_wait3A_195 = tpu.memref_squeeze %dma_wait3A_194 : memref<1x80x128xf32, #tpu.memory_space<vmem>> -> memref<80x128xf32, #tpu.memory_space<vmem>>
    %dma_wait3A_196 = arith.constant 0 : i32
    %dma_wait3A_197 = tpu.memref_slice %arg12[%dma_wait3A_196] : memref<10000xi32, #tpu.memory_space<vmem>> -> memref<80xi32, #tpu.memory_space<vmem>>
    %dma_wait3A_198 = arith.constant 0 : i32
    %dma_wait3A_199 = arith.constant 0 : i32
    %dma_wait3A_200 = tpu.memref_slice %arg5[%dma_wait3A_198, %dma_wait3A_199] : memref<10000x128xf32, #tpu.memory_space<hbm>> -> memref<10000x128xf32, #tpu.memory_space<hbm>>
    tpu.wait_indirect_dma semaphore(%arg22 : memref<!tpu.dma_semaphore, #tpu.memory_space<semaphore_mem>>) src(%dma_wait3A_200 : memref<10000x128xf32, #tpu.memory_space<hbm>>) dst(%dma_wait3A_195 : memref<80x128xf32, #tpu.memory_space<vmem>>)
    %add3A_201 = arith.constant 9840 : i32
    %add3A_202 = arith.addi %mul3A_2, %add3A_201 : i32
    %dma_wait3A_203 = arith.constant 0 : i32
    %dma_wait3A_204 = arith.constant 0 : i32
    %dma_wait3A_205 = tpu.memref_slice %arg18[%dma_wait3A_203, %dma_wait3A_204] : memref<3x80xf32, #tpu.memory_space<vmem>> -> memref<1x80xf32, #tpu.memory_space<vmem>>
    %dma_wait3A_206 = tpu.memref_squeeze %dma_wait3A_205 : memref<1x80xf32, #tpu.memory_space<vmem>> -> memref<80xf32, #tpu.memory_space<vmem>>
    %dma_wait3A_207 = tpu.memref_slice %arg10[%mul3A_2] : memref<320000xf32, #tpu.memory_space<hbm>> -> memref<80xf32, #tpu.memory_space<hbm>>
    %dma_wait3A_208 = tpu.memref_slice %arg10[%mul3A_2] : memref<320000xf32, #tpu.memory_space<hbm>> -> memref<80xf32, #tpu.memory_space<hbm>>
    %dma_wait3A_209 = arith.constant 0 : i32
    %dma_wait3A_210 = tpu.memref_slice %arg18[%dma_wait3A_203, %dma_wait3A_209] : memref<3x80xf32, #tpu.memory_space<vmem>> -> memref<1x80xf32, #tpu.memory_space<vmem>>
    %dma_wait3A_211 = tpu.memref_squeeze %dma_wait3A_210 : memref<1x80xf32, #tpu.memory_space<vmem>> -> memref<80xf32, #tpu.memory_space<vmem>>
    tpu.wait_dma2 semaphore(%arg25 : memref<!tpu.dma_semaphore, #tpu.memory_space<semaphore_mem>>) src(%dma_wait3A_211 : memref<80xf32, #tpu.memory_space<vmem>>) dst(%dma_wait3A_208 : memref<80xf32, #tpu.memory_space<hbm>>)
    %scan3A_212 = arith.constant 0 : i32
    %scan3A_213 = arith.constant 0 : i32
    %scan3A_214 = arith.constant 5 : i32
    %scan3A_215 = arith.addi %scan3A_213, %scan3A_214 : i32
    %scan3A_216 = arith.constant 1 : i32
    %scan3A_217 = scf.for %scan3A_292 = %scan3A_213 to %scan3A_215 step %scan3A_216 iter_args(%scan3A_293 = %scan3A_212) -> (i32)  : i32 {
      %scan3A_294 = arith.constant 0 : i32
      %scan3A_295 = arith.constant 8 : i32
      %scan3A_296 = arith.addi %scan3A_294, %scan3A_295 : i32
      %scan3A_297 = arith.constant 1 : i32
      %scan3A_298:2 = scf.for %scan3A_317 = %scan3A_294 to %scan3A_296 step %scan3A_297 iter_args(%scan3A_318 = %broadcast_in_dim3A_29, %scan3A_319 = %broadcast_in_dim3A_29) -> (vector<16xf32>, vector<16xf32>)  : i32 {
        %mul3A_320 = arith.constant 2 : i32
        %mul3A_321 = arith.muli %scan3A_317, %mul3A_320 : i32
        %add3A_322 = arith.constant 0 : i32
        %add3A_323 = arith.addi %mul3A_321, %add3A_322 : i32
        %mul3A_324 = arith.constant 16 : i32
        %mul3A_325 = arith.muli %scan3A_292, %mul3A_324 : i32
        %add3A_326 = arith.addi %mul3A_325, %add3A_323 : i32
        %get3A_327 = arith.constant 0 : i32
        %get3A_328 = arith.index_cast %get3A_327 : i32 to index
        %get3A_329 = arith.index_cast %add3A_326 : i32 to index
        %get3A_330 = arith.constant 0 : index
        %get3A_331 = tpu.vector_load %arg13[%get3A_328, %get3A_329, %get3A_330] {strides = array<i32>} : memref<3x80x128xf32, #tpu.memory_space<vmem>>, vector<1x1x16xf32>,
        %get3A_332 = vector.shape_cast %get3A_331 : vector<1x1x16xf32> to vector<16xf32>
        %get3A_333 = arith.constant 0 : i32
        %get3A_334 = arith.index_cast %get3A_333 : i32 to index
        %get3A_335 = arith.index_cast %add3A_326 : i32 to index
        %get3A_336 = arith.constant 0 : index
        %get3A_337 = tpu.vector_load %arg14[%get3A_334, %get3A_335, %get3A_336] {strides = array<i32>} : memref<3x80x128xf32, #tpu.memory_space<vmem>>, vector<1x1x16xf32>,
        %get3A_338 = vector.shape_cast %get3A_337 : vector<1x1x16xf32> to vector<16xf32>
        %get3A_339 = arith.constant 0 : i32
        %get3A_340 = arith.index_cast %get3A_339 : i32 to index
        %get3A_341 = arith.index_cast %add3A_326 : i32 to index
        %get3A_342 = arith.constant 0 : index
        %get3A_343 = tpu.vector_load %arg15[%get3A_340, %get3A_341, %get3A_342] {strides = array<i32>} : memref<3x80x128xf32, #tpu.memory_space<vmem>>, vector<1x1x16xf32>,
        %get3A_344 = vector.shape_cast %get3A_343 : vector<1x1x16xf32> to vector<16xf32>
        %mul3A_345 = arith.constant 2.000000e-01 : f32
        %mul3A_346 = vector.broadcast %mul3A_345 : f32 to vector<16xf32>
        %mul3A_347 = arith.mulf %mul3A_346, %get3A_332 : vector<16xf32>
        %max3A = arith.maximumf %get3A_332, %mul3A_347 : vector<16xf32>
        %mul3A_348 = arith.mulf %max3A, %get3A_4 : vector<16xf32>
        %mul3A_349 = arith.mulf %get3A_338, %get3A_344 : vector<16xf32>
        %get3A_350 = arith.constant 0 : i32
        %get3A_351 = arith.index_cast %get3A_350 : i32 to index
        %get3A_352 = arith.index_cast %add3A_326 : i32 to index
        %get3A_353 = arith.constant 16 : index
        %get3A_354 = tpu.vector_load %arg13[%get3A_351, %get3A_352, %get3A_353] {strides = array<i32>} : memref<3x80x128xf32, #tpu.memory_space<vmem>>, vector<1x1x16xf32>,
        %get3A_355 = vector.shape_cast %get3A_354 : vector<1x1x16xf32> to vector<16xf32>
        %get3A_356 = arith.constant 0 : i32
        %get3A_357 = arith.index_cast %get3A_356 : i32 to index
        %get3A_358 = arith.index_cast %add3A_326 : i32 to index
        %get3A_359 = arith.constant 16 : index
        %get3A_360 = tpu.vector_load %arg14[%get3A_357, %get3A_358, %get3A_359] {strides = array<i32>} : memref<3x80x128xf32, #tpu.memory_space<vmem>>, vector<1x1x16xf32>,
        %get3A_361 = vector.shape_cast %get3A_360 : vector<1x1x16xf32> to vector<16xf32>
        %get3A_362 = arith.constant 0 : i32
        %get3A_363 = arith.index_cast %get3A_362 : i32 to index
        %get3A_364 = arith.index_cast %add3A_326 : i32 to index
        %get3A_365 = arith.constant 16 : index
        %get3A_366 = tpu.vector_load %arg15[%get3A_363, %get3A_364, %get3A_365] {strides = array<i32>} : memref<3x80x128xf32, #tpu.memory_space<vmem>>, vector<1x1x16xf32>,
        %get3A_367 = vector.shape_cast %get3A_366 : vector<1x1x16xf32> to vector<16xf32>
        %mul3A_368 = arith.constant 2.000000e-01 : f32
        %mul3A_369 = vector.broadcast %mul3A_368 : f32 to vector<16xf32>
        %mul3A_370 = arith.mulf %mul3A_369, %get3A_355 : vector<16xf32>
        %max3A_371 = arith.maximumf %get3A_355, %mul3A_370 : vector<16xf32>
        %mul3A_372 = arith.mulf %max3A_371, %get3A_7 : vector<16xf32>
        %mul3A_373 = arith.mulf %get3A_361, %get3A_367 : vector<16xf32>
        %add3A_374 = arith.addf %mul3A_348, %mul3A_372 : vector<16xf32>
        %add3A_375 = arith.addf %mul3A_349, %mul3A_373 : vector<16xf32>
        %get3A_376 = arith.constant 0 : i32
        %get3A_377 = arith.index_cast %get3A_376 : i32 to index
        %get3A_378 = arith.index_cast %add3A_326 : i32 to index
        %get3A_379 = arith.constant 32 : index
        %get3A_380 = tpu.vector_load %arg13[%get3A_377, %get3A_378, %get3A_379] {strides = array<i32>} : memref<3x80x128xf32, #tpu.memory_space<vmem>>, vector<1x1x16xf32>,
        %get3A_381 = vector.shape_cast %get3A_380 : vector<1x1x16xf32> to vector<16xf32>
        %get3A_382 = arith.constant 0 : i32
        %get3A_383 = arith.index_cast %get3A_382 : i32 to index
        %get3A_384 = arith.index_cast %add3A_326 : i32 to index
        %get3A_385 = arith.constant 32 : index
        %get3A_386 = tpu.vector_load %arg14[%get3A_383, %get3A_384, %get3A_385] {strides = array<i32>} : memref<3x80x128xf32, #tpu.memory_space<vmem>>, vector<1x1x16xf32>,
        %get3A_387 = vector.shape_cast %get3A_386 : vector<1x1x16xf32> to vector<16xf32>
        %get3A_388 = arith.constant 0 : i32
        %get3A_389 = arith.index_cast %get3A_388 : i32 to index
        %get3A_390 = arith.index_cast %add3A_326 : i32 to index
        %get3A_391 = arith.constant 32 : index
        %get3A_392 = tpu.vector_load %arg15[%get3A_389, %get3A_390, %get3A_391] {strides = array<i32>} : memref<3x80x128xf32, #tpu.memory_space<vmem>>, vector<1x1x16xf32>,
        %get3A_393 = vector.shape_cast %get3A_392 : vector<1x1x16xf32> to vector<16xf32>
        %mul3A_394 = arith.constant 2.000000e-01 : f32
        %mul3A_395 = vector.broadcast %mul3A_394 : f32 to vector<16xf32>
        %mul3A_396 = arith.mulf %mul3A_395, %get3A_381 : vector<16xf32>
        %max3A_397 = arith.maximumf %get3A_381, %mul3A_396 : vector<16xf32>
        %mul3A_398 = arith.mulf %max3A_397, %get3A_10 : vector<16xf32>
        %mul3A_399 = arith.mulf %get3A_387, %get3A_393 : vector<16xf32>
        %add3A_400 = arith.addf %add3A_374, %mul3A_398 : vector<16xf32>
        %add3A_401 = arith.addf %add3A_375, %mul3A_399 : vector<16xf32>
        %get3A_402 = arith.constant 0 : i32
        %get3A_403 = arith.index_cast %get3A_402 : i32 to index
        %get3A_404 = arith.index_cast %add3A_326 : i32 to index
        %get3A_405 = arith.constant 48 : index
        %get3A_406 = tpu.vector_load %arg13[%get3A_403, %get3A_404, %get3A_405] {strides = array<i32>} : memref<3x80x128xf32, #tpu.memory_space<vmem>>, vector<1x1x16xf32>,
        %get3A_407 = vector.shape_cast %get3A_406 : vector<1x1x16xf32> to vector<16xf32>
        %get3A_408 = arith.constant 0 : i32
        %get3A_409 = arith.index_cast %get3A_408 : i32 to index
        %get3A_410 = arith.index_cast %add3A_326 : i32 to index
        %get3A_411 = arith.constant 48 : index
        %get3A_412 = tpu.vector_load %arg14[%get3A_409, %get3A_410, %get3A_411] {strides = array<i32>} : memref<3x80x128xf32, #tpu.memory_space<vmem>>, vector<1x1x16xf32>,
        %get3A_413 = vector.shape_cast %get3A_412 : vector<1x1x16xf32> to vector<16xf32>
        %get3A_414 = arith.constant 0 : i32
        %get3A_415 = arith.index_cast %get3A_414 : i32 to index
        %get3A_416 = arith.index_cast %add3A_326 : i32 to index
        %get3A_417 = arith.constant 48 : index
        %get3A_418 = tpu.vector_load %arg15[%get3A_415, %get3A_416, %get3A_417] {strides = array<i32>} : memref<3x80x128xf32, #tpu.memory_space<vmem>>, vector<1x1x16xf32>,
        %get3A_419 = vector.shape_cast %get3A_418 : vector<1x1x16xf32> to vector<16xf32>
        %mul3A_420 = arith.constant 2.000000e-01 : f32
        %mul3A_421 = vector.broadcast %mul3A_420 : f32 to vector<16xf32>
        %mul3A_422 = arith.mulf %mul3A_421, %get3A_407 : vector<16xf32>
        %max3A_423 = arith.maximumf %get3A_407, %mul3A_422 : vector<16xf32>
        %mul3A_424 = arith.mulf %max3A_423, %get3A_13 : vector<16xf32>
        %mul3A_425 = arith.mulf %get3A_413, %get3A_419 : vector<16xf32>
        %add3A_426 = arith.addf %add3A_400, %mul3A_424 : vector<16xf32>
        %add3A_427 = arith.addf %add3A_401, %mul3A_425 : vector<16xf32>
        %get3A_428 = arith.constant 0 : i32
        %get3A_429 = arith.index_cast %get3A_428 : i32 to index
        %get3A_430 = arith.index_cast %add3A_326 : i32 to index
        %get3A_431 = arith.constant 64 : index
        %get3A_432 = tpu.vector_load %arg13[%get3A_429, %get3A_430, %get3A_431] {strides = array<i32>} : memref<3x80x128xf32, #tpu.memory_space<vmem>>, vector<1x1x16xf32>,
        %get3A_433 = vector.shape_cast %get3A_432 : vector<1x1x16xf32> to vector<16xf32>
        %get3A_434 = arith.constant 0 : i32
        %get3A_435 = arith.index_cast %get3A_434 : i32 to index
        %get3A_436 = arith.index_cast %add3A_326 : i32 to index
        %get3A_437 = arith.constant 64 : index
        %get3A_438 = tpu.vector_load %arg14[%get3A_435, %get3A_436, %get3A_437] {strides = array<i32>} : memref<3x80x128xf32, #tpu.memory_space<vmem>>, vector<1x1x16xf32>,
        %get3A_439 = vector.shape_cast %get3A_438 : vector<1x1x16xf32> to vector<16xf32>
        %get3A_440 = arith.constant 0 : i32
        %get3A_441 = arith.index_cast %get3A_440 : i32 to index
        %get3A_442 = arith.index_cast %add3A_326 : i32 to index
        %get3A_443 = arith.constant 64 : index
        %get3A_444 = tpu.vector_load %arg15[%get3A_441, %get3A_442, %get3A_443] {strides = array<i32>} : memref<3x80x128xf32, #tpu.memory_space<vmem>>, vector<1x1x16xf32>,
        %get3A_445 = vector.shape_cast %get3A_444 : vector<1x1x16xf32> to vector<16xf32>
        %mul3A_446 = arith.constant 2.000000e-01 : f32
        %mul3A_447 = vector.broadcast %mul3A_446 : f32 to vector<16xf32>
        %mul3A_448 = arith.mulf %mul3A_447, %get3A_433 : vector<16xf32>
        %max3A_449 = arith.maximumf %get3A_433, %mul3A_448 : vector<16xf32>
        %mul3A_450 = arith.mulf %max3A_449, %get3A_16 : vector<16xf32>
        %mul3A_451 = arith.mulf %get3A_439, %get3A_445 : vector<16xf32>
        %add3A_452 = arith.addf %add3A_426, %mul3A_450 : vector<16xf32>
        %add3A_453 = arith.addf %add3A_427, %mul3A_451 : vector<16xf32>
        %get3A_454 = arith.constant 0 : i32
        %get3A_455 = arith.index_cast %get3A_454 : i32 to index
        %get3A_456 = arith.index_cast %add3A_326 : i32 to index
        %get3A_457 = arith.constant 80 : index
        %get3A_458 = tpu.vector_load %arg13[%get3A_455, %get3A_456, %get3A_457] {strides = array<i32>} : memref<3x80x128xf32, #tpu.memory_space<vmem>>, vector<1x1x16xf32>,
        %get3A_459 = vector.shape_cast %get3A_458 : vector<1x1x16xf32> to vector<16xf32>
        %get3A_460 = arith.constant 0 : i32
        %get3A_461 = arith.index_cast %get3A_460 : i32 to index
        %get3A_462 = arith.index_cast %add3A_326 : i32 to index
        %get3A_463 = arith.constant 80 : index
        %get3A_464 = tpu.vector_load %arg14[%get3A_461, %get3A_462, %get3A_463] {strides = array<i32>} : memref<3x80x128xf32, #tpu.memory_space<vmem>>, vector<1x1x16xf32>,
        %get3A_465 = vector.shape_cast %get3A_464 : vector<1x1x16xf32> to vector<16xf32>
        %get3A_466 = arith.constant 0 : i32
        %get3A_467 = arith.index_cast %get3A_466 : i32 to index
        %get3A_468 = arith.index_cast %add3A_326 : i32 to index
        %get3A_469 = arith.constant 80 : index
        %get3A_470 = tpu.vector_load %arg15[%get3A_467, %get3A_468, %get3A_469] {strides = array<i32>} : memref<3x80x128xf32, #tpu.memory_space<vmem>>, vector<1x1x16xf32>,
        %get3A_471 = vector.shape_cast %get3A_470 : vector<1x1x16xf32> to vector<16xf32>
        %mul3A_472 = arith.constant 2.000000e-01 : f32
        %mul3A_473 = vector.broadcast %mul3A_472 : f32 to vector<16xf32>
        %mul3A_474 = arith.mulf %mul3A_473, %get3A_459 : vector<16xf32>
        %max3A_475 = arith.maximumf %get3A_459, %mul3A_474 : vector<16xf32>
        %mul3A_476 = arith.mulf %max3A_475, %get3A_19 : vector<16xf32>
        %mul3A_477 = arith.mulf %get3A_465, %get3A_471 : vector<16xf32>
        %add3A_478 = arith.addf %add3A_452, %mul3A_476 : vector<16xf32>
        %add3A_479 = arith.addf %add3A_453, %mul3A_477 : vector<16xf32>
        %get3A_480 = arith.constant 0 : i32
        %get3A_481 = arith.index_cast %get3A_480 : i32 to index
        %get3A_482 = arith.index_cast %add3A_326 : i32 to index
        %get3A_483 = arith.constant 96 : index
        %get3A_484 = tpu.vector_load %arg13[%get3A_481, %get3A_482, %get3A_483] {strides = array<i32>} : memref<3x80x128xf32, #tpu.memory_space<vmem>>, vector<1x1x16xf32>,
        %get3A_485 = vector.shape_cast %get3A_484 : vector<1x1x16xf32> to vector<16xf32>
        %get3A_486 = arith.constant 0 : i32
        %get3A_487 = arith.index_cast %get3A_486 : i32 to index
        %get3A_488 = arith.index_cast %add3A_326 : i32 to index
        %get3A_489 = arith.constant 96 : index
        %get3A_490 = tpu.vector_load %arg14[%get3A_487, %get3A_488, %get3A_489] {strides = array<i32>} : memref<3x80x128xf32, #tpu.memory_space<vmem>>, vector<1x1x16xf32>,
        %get3A_491 = vector.shape_cast %get3A_490 : vector<1x1x16xf32> to vector<16xf32>
        %get3A_492 = arith.constant 0 : i32
        %get3A_493 = arith.index_cast %get3A_492 : i32 to index
        %get3A_494 = arith.index_cast %add3A_326 : i32 to index
        %get3A_495 = arith.constant 96 : index
        %get3A_496 = tpu.vector_load %arg15[%get3A_493, %get3A_494, %get3A_495] {strides = array<i32>} : memref<3x80x128xf32, #tpu.memory_space<vmem>>, vector<1x1x16xf32>,
        %get3A_497 = vector.shape_cast %get3A_496 : vector<1x1x16xf32> to vector<16xf32>
        %mul3A_498 = arith.constant 2.000000e-01 : f32
        %mul3A_499 = vector.broadcast %mul3A_498 : f32 to vector<16xf32>
        %mul3A_500 = arith.mulf %mul3A_499, %get3A_485 : vector<16xf32>
        %max3A_501 = arith.maximumf %get3A_485, %mul3A_500 : vector<16xf32>
        %mul3A_502 = arith.mulf %max3A_501, %get3A_22 : vector<16xf32>
        %mul3A_503 = arith.mulf %get3A_491, %get3A_497 : vector<16xf32>
        %add3A_504 = arith.addf %add3A_478, %mul3A_502 : vector<16xf32>
        %add3A_505 = arith.addf %add3A_479, %mul3A_503 : vector<16xf32>
        %get3A_506 = arith.constant 0 : i32
        %get3A_507 = arith.index_cast %get3A_506 : i32 to index
        %get3A_508 = arith.index_cast %add3A_326 : i32 to index
        %get3A_509 = arith.constant 112 : index
        %get3A_510 = tpu.vector_load %arg13[%get3A_507, %get3A_508, %get3A_509] {strides = array<i32>} : memref<3x80x128xf32, #tpu.memory_space<vmem>>, vector<1x1x16xf32>,
        %get3A_511 = vector.shape_cast %get3A_510 : vector<1x1x16xf32> to vector<16xf32>
        %get3A_512 = arith.constant 0 : i32
        %get3A_513 = arith.index_cast %get3A_512 : i32 to index
        %get3A_514 = arith.index_cast %add3A_326 : i32 to index
        %get3A_515 = arith.constant 112 : index
        %get3A_516 = tpu.vector_load %arg14[%get3A_513, %get3A_514, %get3A_515] {strides = array<i32>} : memref<3x80x128xf32, #tpu.memory_space<vmem>>, vector<1x1x16xf32>,
        %get3A_517 = vector.shape_cast %get3A_516 : vector<1x1x16xf32> to vector<16xf32>
        %get3A_518 = arith.constant 0 : i32
        %get3A_519 = arith.index_cast %get3A_518 : i32 to index
        %get3A_520 = arith.index_cast %add3A_326 : i32 to index
        %get3A_521 = arith.constant 112 : index
        %get3A_522 = tpu.vector_load %arg15[%get3A_519, %get3A_520, %get3A_521] {strides = array<i32>} : memref<3x80x128xf32, #tpu.memory_space<vmem>>, vector<1x1x16xf32>,
        %get3A_523 = vector.shape_cast %get3A_522 : vector<1x1x16xf32> to vector<16xf32>
        %mul3A_524 = arith.constant 2.000000e-01 : f32
        %mul3A_525 = vector.broadcast %mul3A_524 : f32 to vector<16xf32>
        %mul3A_526 = arith.mulf %mul3A_525, %get3A_511 : vector<16xf32>
        %max3A_527 = arith.maximumf %get3A_511, %mul3A_526 : vector<16xf32>
        %mul3A_528 = arith.mulf %max3A_527, %get3A_25 : vector<16xf32>
        %mul3A_529 = arith.mulf %get3A_517, %get3A_523 : vector<16xf32>
        %add3A_530 = arith.addf %add3A_504, %mul3A_528 : vector<16xf32>
        %add3A_531 = arith.addf %add3A_505, %mul3A_529 : vector<16xf32>
        %lt3A_532 = arith.constant 0 : i32
        %lt3A_533 = vector.broadcast %lt3A_532 : i32 to vector<16xi32>
        %lt3A_534 = arith.cmpi slt, %xor3A_33, %lt3A_533 : vector<16xi32>
        %add3A_535 = arith.constant 16 : i32
        %add3A_536 = vector.broadcast %add3A_535 : i32 to vector<16xi32>
        %add3A_537 = arith.addi %xor3A_33, %add3A_536 : vector<16xi32>
        %select_n3A = arith.select %lt3A_534, %add3A_537, %xor3A_33 : vector<16xi1>, vector<16xi32>
        %broadcast_in_dim3A_538 = vector.shape_cast %select_n3A : vector<16xi32> to vector<16x1xi32>
        %gather3A = vector.shape_cast %broadcast_in_dim3A_538 : vector<16x1xi32> to vector<16xi32>
        %gather3A_539 = tpu.dynamic_gather %add3A_530[%gather3A] in [0] : vector<16xf32>, vector<16xi32> -> vector<16xf32>
        %add3A_540 = arith.addf %add3A_530, %gather3A_539 : vector<16xf32>
        %lt3A_541 = arith.constant 0 : i32
        %lt3A_542 = vector.broadcast %lt3A_541 : i32 to vector<16xi32>
        %lt3A_543 = arith.cmpi slt, %xor3A_33, %lt3A_542 : vector<16xi32>
        %add3A_544 = arith.constant 16 : i32
        %add3A_545 = vector.broadcast %add3A_544 : i32 to vector<16xi32>
        %add3A_546 = arith.addi %xor3A_33, %add3A_545 : vector<16xi32>
        %select_n3A_547 = arith.select %lt3A_543, %add3A_546, %xor3A_33 : vector<16xi1>, vector<16xi32>
        %broadcast_in_dim3A_548 = vector.shape_cast %select_n3A_547 : vector<16xi32> to vector<16x1xi32>
        %gather3A_549 = vector.shape_cast %broadcast_in_dim3A_548 : vector<16x1xi32> to vector<16xi32>
        %gather3A_550 = tpu.dynamic_gather %add3A_531[%gather3A_549] in [0] : vector<16xf32>, vector<16xi32> -> vector<16xf32>
        %add3A_551 = arith.addf %add3A_531, %gather3A_550 : vector<16xf32>
        %select_n3A_552 = arith.select %lt3A_31, %add3A_540, %add3A_551 : vector<16xi1>, vector<16xf32>
        %lt3A_553 = arith.constant 0 : i32
        %lt3A_554 = vector.broadcast %lt3A_553 : i32 to vector<16xi32>
        %lt3A_555 = arith.cmpi slt, %xor3A_36, %lt3A_554 : vector<16xi32>
        %add3A_556 = arith.constant 16 : i32
        %add3A_557 = vector.broadcast %add3A_556 : i32 to vector<16xi32>
        %add3A_558 = arith.addi %xor3A_36, %add3A_557 : vector<16xi32>
        %select_n3A_559 = arith.select %lt3A_555, %add3A_558, %xor3A_36 : vector<16xi1>, vector<16xi32>
        %broadcast_in_dim3A_560 = vector.shape_cast %select_n3A_559 : vector<16xi32> to vector<16x1xi32>
        %gather3A_561 = vector.shape_cast %broadcast_in_dim3A_560 : vector<16x1xi32> to vector<16xi32>
        %gather3A_562 = tpu.dynamic_gather %select_n3A_552[%gather3A_561] in [0] : vector<16xf32>, vector<16xi32> -> vector<16xf32>
        %add3A_563 = arith.addf %select_n3A_552, %gather3A_562 : vector<16xf32>
        %lt3A_564 = arith.constant 0 : i32
        %lt3A_565 = vector.broadcast %lt3A_564 : i32 to vector<16xi32>
        %lt3A_566 = arith.cmpi slt, %xor3A_39, %lt3A_565 : vector<16xi32>
        %add3A_567 = arith.constant 16 : i32
        %add3A_568 = vector.broadcast %add3A_567 : i32 to vector<16xi32>
        %add3A_569 = arith.addi %xor3A_39, %add3A_568 : vector<16xi32>
        %select_n3A_570 = arith.select %lt3A_566, %add3A_569, %xor3A_39 : vector<16xi1>, vector<16xi32>
        %broadcast_in_dim3A_571 = vector.shape_cast %select_n3A_570 : vector<16xi32> to vector<16x1xi32>
        %gather3A_572 = vector.shape_cast %broadcast_in_dim3A_571 : vector<16x1xi32> to vector<16xi32>
        %gather3A_573 = tpu.dynamic_gather %add3A_563[%gather3A_572] in [0] : vector<16xf32>, vector<16xi32> -> vector<16xf32>
        %add3A_574 = arith.addf %add3A_563, %gather3A_573 : vector<16xf32>
        %lt3A_575 = arith.constant 0 : i32
        %lt3A_576 = vector.broadcast %lt3A_575 : i32 to vector<16xi32>
        %lt3A_577 = arith.cmpi slt, %xor3A_42, %lt3A_576 : vector<16xi32>
        %add3A_578 = arith.constant 16 : i32
        %add3A_579 = vector.broadcast %add3A_578 : i32 to vector<16xi32>
        %add3A_580 = arith.addi %xor3A_42, %add3A_579 : vector<16xi32>
        %select_n3A_581 = arith.select %lt3A_577, %add3A_580, %xor3A_42 : vector<16xi1>, vector<16xi32>
        %broadcast_in_dim3A_582 = vector.shape_cast %select_n3A_581 : vector<16xi32> to vector<16x1xi32>
        %gather3A_583 = vector.shape_cast %broadcast_in_dim3A_582 : vector<16x1xi32> to vector<16xi32>
        %gather3A_584 = tpu.dynamic_gather %add3A_574[%gather3A_583] in [0] : vector<16xf32>, vector<16xi32> -> vector<16xf32>
        %add3A_585 = arith.addf %add3A_574, %gather3A_584 : vector<16xf32>
        %lt3A_586 = arith.constant 0 : i32
        %lt3A_587 = vector.broadcast %lt3A_586 : i32 to vector<16xi32>
        %lt3A_588 = arith.cmpi slt, %and3A_46, %lt3A_587 : vector<16xi32>
        %add3A_589 = arith.constant 16 : i32
        %add3A_590 = vector.broadcast %add3A_589 : i32 to vector<16xi32>
        %add3A_591 = arith.addi %and3A_46, %add3A_590 : vector<16xi32>
        %select_n3A_592 = arith.select %lt3A_588, %add3A_591, %and3A_46 : vector<16xi1>, vector<16xi32>
        %broadcast_in_dim3A_593 = vector.shape_cast %select_n3A_592 : vector<16xi32> to vector<16x1xi32>
        %gather3A_594 = vector.shape_cast %broadcast_in_dim3A_593 : vector<16x1xi32> to vector<16xi32>
        %gather3A_595 = tpu.dynamic_gather %add3A_585[%gather3A_594] in [0] : vector<16xf32>, vector<16xi32> -> vector<16xf32>
        %lt3A_596 = arith.constant 0 : i32
        %lt3A_597 = vector.broadcast %lt3A_596 : i32 to vector<16xi32>
        %lt3A_598 = arith.cmpi slt, %or3A_44, %lt3A_597 : vector<16xi32>
        %add3A_599 = arith.constant 16 : i32
        %add3A_600 = vector.broadcast %add3A_599 : i32 to vector<16xi32>
        %add3A_601 = arith.addi %or3A_44, %add3A_600 : vector<16xi32>
        %select_n3A_602 = arith.select %lt3A_598, %add3A_601, %or3A_44 : vector<16xi1>, vector<16xi32>
        %broadcast_in_dim3A_603 = vector.shape_cast %select_n3A_602 : vector<16xi32> to vector<16x1xi32>
        %gather3A_604 = vector.shape_cast %broadcast_in_dim3A_603 : vector<16x1xi32> to vector<16xi32>
        %gather3A_605 = tpu.dynamic_gather %add3A_585[%gather3A_604] in [0] : vector<16xf32>, vector<16xi32> -> vector<16xf32>
        %eq3A = vector.broadcast %add3A_323 : i32 to vector<16xi32>
        %eq3A_606 = arith.cmpi eq, %iota3A, %eq3A : vector<16xi32>
        %select_n3A_607 = arith.select %eq3A_606, %gather3A_595, %scan3A_318 : vector<16xi1>, vector<16xf32>
        %select_n3A_608 = arith.select %eq3A_606, %gather3A_605, %scan3A_319 : vector<16xi1>, vector<16xf32>
        %mul3A_609 = arith.constant 2 : i32
        %mul3A_610 = arith.muli %scan3A_317, %mul3A_609 : i32
        %add3A_611 = arith.constant 1 : i32
        %add3A_612 = arith.addi %mul3A_610, %add3A_611 : i32
        %mul3A_613 = arith.constant 16 : i32
        %mul3A_614 = arith.muli %scan3A_292, %mul3A_613 : i32
        %add3A_615 = arith.addi %mul3A_614, %add3A_612 : i32
        %get3A_616 = arith.constant 0 : i32
        %get3A_617 = arith.index_cast %get3A_616 : i32 to index
        %get3A_618 = arith.index_cast %add3A_615 : i32 to index
        %get3A_619 = arith.constant 0 : index
        %get3A_620 = tpu.vector_load %arg13[%get3A_617, %get3A_618, %get3A_619] {strides = array<i32>} : memref<3x80x128xf32, #tpu.memory_space<vmem>>, vector<1x1x16xf32>,
        %get3A_621 = vector.shape_cast %get3A_620 : vector<1x1x16xf32> to vector<16xf32>
        %get3A_622 = arith.constant 0 : i32
        %get3A_623 = arith.index_cast %get3A_622 : i32 to index
        %get3A_624 = arith.index_cast %add3A_615 : i32 to index
        %get3A_625 = arith.constant 0 : index
        %get3A_626 = tpu.vector_load %arg14[%get3A_623, %get3A_624, %get3A_625] {strides = array<i32>} : memref<3x80x128xf32, #tpu.memory_space<vmem>>, vector<1x1x16xf32>,
        %get3A_627 = vector.shape_cast %get3A_626 : vector<1x1x16xf32> to vector<16xf32>
        %get3A_628 = arith.constant 0 : i32
        %get3A_629 = arith.index_cast %get3A_628 : i32 to index
        %get3A_630 = arith.index_cast %add3A_615 : i32 to index
        %get3A_631 = arith.constant 0 : index
        %get3A_632 = tpu.vector_load %arg15[%get3A_629, %get3A_630, %get3A_631] {strides = array<i32>} : memref<3x80x128xf32, #tpu.memory_space<vmem>>, vector<1x1x16xf32>,
        %get3A_633 = vector.shape_cast %get3A_632 : vector<1x1x16xf32> to vector<16xf32>
        %mul3A_634 = arith.constant 2.000000e-01 : f32
        %mul3A_635 = vector.broadcast %mul3A_634 : f32 to vector<16xf32>
        %mul3A_636 = arith.mulf %mul3A_635, %get3A_621 : vector<16xf32>
        %max3A_637 = arith.maximumf %get3A_621, %mul3A_636 : vector<16xf32>
        %mul3A_638 = arith.mulf %max3A_637, %get3A_4 : vector<16xf32>
        %mul3A_639 = arith.mulf %get3A_627, %get3A_633 : vector<16xf32>
        %get3A_640 = arith.constant 0 : i32
        %get3A_641 = arith.index_cast %get3A_640 : i32 to index
        %get3A_642 = arith.index_cast %add3A_615 : i32 to index
        %get3A_643 = arith.constant 16 : index
        %get3A_644 = tpu.vector_load %arg13[%get3A_641, %get3A_642, %get3A_643] {strides = array<i32>} : memref<3x80x128xf32, #tpu.memory_space<vmem>>, vector<1x1x16xf32>,
        %get3A_645 = vector.shape_cast %get3A_644 : vector<1x1x16xf32> to vector<16xf32>
        %get3A_646 = arith.constant 0 : i32
        %get3A_647 = arith.index_cast %get3A_646 : i32 to index
        %get3A_648 = arith.index_cast %add3A_615 : i32 to index
        %get3A_649 = arith.constant 16 : index
        %get3A_650 = tpu.vector_load %arg14[%get3A_647, %get3A_648, %get3A_649] {strides = array<i32>} : memref<3x80x128xf32, #tpu.memory_space<vmem>>, vector<1x1x16xf32>,
        %get3A_651 = vector.shape_cast %get3A_650 : vector<1x1x16xf32> to vector<16xf32>
        %get3A_652 = arith.constant 0 : i32
        %get3A_653 = arith.index_cast %get3A_652 : i32 to index
        %get3A_654 = arith.index_cast %add3A_615 : i32 to index
        %get3A_655 = arith.constant 16 : index
        %get3A_656 = tpu.vector_load %arg15[%get3A_653, %get3A_654, %get3A_655] {strides = array<i32>} : memref<3x80x128xf32, #tpu.memory_space<vmem>>, vector<1x1x16xf32>,
        %get3A_657 = vector.shape_cast %get3A_656 : vector<1x1x16xf32> to vector<16xf32>
        %mul3A_658 = arith.constant 2.000000e-01 : f32
        %mul3A_659 = vector.broadcast %mul3A_658 : f32 to vector<16xf32>
        %mul3A_660 = arith.mulf %mul3A_659, %get3A_645 : vector<16xf32>
        %max3A_661 = arith.maximumf %get3A_645, %mul3A_660 : vector<16xf32>
        %mul3A_662 = arith.mulf %max3A_661, %get3A_7 : vector<16xf32>
        %mul3A_663 = arith.mulf %get3A_651, %get3A_657 : vector<16xf32>
        %add3A_664 = arith.addf %mul3A_638, %mul3A_662 : vector<16xf32>
        %add3A_665 = arith.addf %mul3A_639, %mul3A_663 : vector<16xf32>
        %get3A_666 = arith.constant 0 : i32
        %get3A_667 = arith.index_cast %get3A_666 : i32 to index
        %get3A_668 = arith.index_cast %add3A_615 : i32 to index
        %get3A_669 = arith.constant 32 : index
        %get3A_670 = tpu.vector_load %arg13[%get3A_667, %get3A_668, %get3A_669] {strides = array<i32>} : memref<3x80x128xf32, #tpu.memory_space<vmem>>, vector<1x1x16xf32>,
        %get3A_671 = vector.shape_cast %get3A_670 : vector<1x1x16xf32> to vector<16xf32>
        %get3A_672 = arith.constant 0 : i32
        %get3A_673 = arith.index_cast %get3A_672 : i32 to index
        %get3A_674 = arith.index_cast %add3A_615 : i32 to index
        %get3A_675 = arith.constant 32 : index
        %get3A_676 = tpu.vector_load %arg14[%get3A_673, %get3A_674, %get3A_675] {strides = array<i32>} : memref<3x80x128xf32, #tpu.memory_space<vmem>>, vector<1x1x16xf32>,
        %get3A_677 = vector.shape_cast %get3A_676 : vector<1x1x16xf32> to vector<16xf32>
        %get3A_678 = arith.constant 0 : i32
        %get3A_679 = arith.index_cast %get3A_678 : i32 to index
        %get3A_680 = arith.index_cast %add3A_615 : i32 to index
        %get3A_681 = arith.constant 32 : index
        %get3A_682 = tpu.vector_load %arg15[%get3A_679, %get3A_680, %get3A_681] {strides = array<i32>} : memref<3x80x128xf32, #tpu.memory_space<vmem>>, vector<1x1x16xf32>,
        %get3A_683 = vector.shape_cast %get3A_682 : vector<1x1x16xf32> to vector<16xf32>
        %mul3A_684 = arith.constant 2.000000e-01 : f32
        %mul3A_685 = vector.broadcast %mul3A_684 : f32 to vector<16xf32>
        %mul3A_686 = arith.mulf %mul3A_685, %get3A_671 : vector<16xf32>
        %max3A_687 = arith.maximumf %get3A_671, %mul3A_686 : vector<16xf32>
        %mul3A_688 = arith.mulf %max3A_687, %get3A_10 : vector<16xf32>
        %mul3A_689 = arith.mulf %get3A_677, %get3A_683 : vector<16xf32>
        %add3A_690 = arith.addf %add3A_664, %mul3A_688 : vector<16xf32>
        %add3A_691 = arith.addf %add3A_665, %mul3A_689 : vector<16xf32>
        %get3A_692 = arith.constant 0 : i32
        %get3A_693 = arith.index_cast %get3A_692 : i32 to index
        %get3A_694 = arith.index_cast %add3A_615 : i32 to index
        %get3A_695 = arith.constant 48 : index
        %get3A_696 = tpu.vector_load %arg13[%get3A_693, %get3A_694, %get3A_695] {strides = array<i32>} : memref<3x80x128xf32, #tpu.memory_space<vmem>>, vector<1x1x16xf32>,
        %get3A_697 = vector.shape_cast %get3A_696 : vector<1x1x16xf32> to vector<16xf32>
        %get3A_698 = arith.constant 0 : i32
        %get3A_699 = arith.index_cast %get3A_698 : i32 to index
        %get3A_700 = arith.index_cast %add3A_615 : i32 to index
        %get3A_701 = arith.constant 48 : index
        %get3A_702 = tpu.vector_load %arg14[%get3A_699, %get3A_700, %get3A_701] {strides = array<i32>} : memref<3x80x128xf32, #tpu.memory_space<vmem>>, vector<1x1x16xf32>,
        %get3A_703 = vector.shape_cast %get3A_702 : vector<1x1x16xf32> to vector<16xf32>
        %get3A_704 = arith.constant 0 : i32
        %get3A_705 = arith.index_cast %get3A_704 : i32 to index
        %get3A_706 = arith.index_cast %add3A_615 : i32 to index
        %get3A_707 = arith.constant 48 : index
        %get3A_708 = tpu.vector_load %arg15[%get3A_705, %get3A_706, %get3A_707] {strides = array<i32>} : memref<3x80x128xf32, #tpu.memory_space<vmem>>, vector<1x1x16xf32>,
        %get3A_709 = vector.shape_cast %get3A_708 : vector<1x1x16xf32> to vector<16xf32>
        %mul3A_710 = arith.constant 2.000000e-01 : f32
        %mul3A_711 = vector.broadcast %mul3A_710 : f32 to vector<16xf32>
        %mul3A_712 = arith.mulf %mul3A_711, %get3A_697 : vector<16xf32>
        %max3A_713 = arith.maximumf %get3A_697, %mul3A_712 : vector<16xf32>
        %mul3A_714 = arith.mulf %max3A_713, %get3A_13 : vector<16xf32>
        %mul3A_715 = arith.mulf %get3A_703, %get3A_709 : vector<16xf32>
        %add3A_716 = arith.addf %add3A_690, %mul3A_714 : vector<16xf32>
        %add3A_717 = arith.addf %add3A_691, %mul3A_715 : vector<16xf32>
        %get3A_718 = arith.constant 0 : i32
        %get3A_719 = arith.index_cast %get3A_718 : i32 to index
        %get3A_720 = arith.index_cast %add3A_615 : i32 to index
        %get3A_721 = arith.constant 64 : index
        %get3A_722 = tpu.vector_load %arg13[%get3A_719, %get3A_720, %get3A_721] {strides = array<i32>} : memref<3x80x128xf32, #tpu.memory_space<vmem>>, vector<1x1x16xf32>,
        %get3A_723 = vector.shape_cast %get3A_722 : vector<1x1x16xf32> to vector<16xf32>
        %get3A_724 = arith.constant 0 : i32
        %get3A_725 = arith.index_cast %get3A_724 : i32 to index
        %get3A_726 = arith.index_cast %add3A_615 : i32 to index
        %get3A_727 = arith.constant 64 : index
        %get3A_728 = tpu.vector_load %arg14[%get3A_725, %get3A_726, %get3A_727] {strides = array<i32>} : memref<3x80x128xf32, #tpu.memory_space<vmem>>, vector<1x1x16xf32>,
        %get3A_729 = vector.shape_cast %get3A_728 : vector<1x1x16xf32> to vector<16xf32>
        %get3A_730 = arith.constant 0 : i32
        %get3A_731 = arith.index_cast %get3A_730 : i32 to index
        %get3A_732 = arith.index_cast %add3A_615 : i32 to index
        %get3A_733 = arith.constant 64 : index
        %get3A_734 = tpu.vector_load %arg15[%get3A_731, %get3A_732, %get3A_733] {strides = array<i32>} : memref<3x80x128xf32, #tpu.memory_space<vmem>>, vector<1x1x16xf32>,
        %get3A_735 = vector.shape_cast %get3A_734 : vector<1x1x16xf32> to vector<16xf32>
        %mul3A_736 = arith.constant 2.000000e-01 : f32
        %mul3A_737 = vector.broadcast %mul3A_736 : f32 to vector<16xf32>
        %mul3A_738 = arith.mulf %mul3A_737, %get3A_723 : vector<16xf32>
        %max3A_739 = arith.maximumf %get3A_723, %mul3A_738 : vector<16xf32>
        %mul3A_740 = arith.mulf %max3A_739, %get3A_16 : vector<16xf32>
        %mul3A_741 = arith.mulf %get3A_729, %get3A_735 : vector<16xf32>
        %add3A_742 = arith.addf %add3A_716, %mul3A_740 : vector<16xf32>
        %add3A_743 = arith.addf %add3A_717, %mul3A_741 : vector<16xf32>
        %get3A_744 = arith.constant 0 : i32
        %get3A_745 = arith.index_cast %get3A_744 : i32 to index
        %get3A_746 = arith.index_cast %add3A_615 : i32 to index
        %get3A_747 = arith.constant 80 : index
        %get3A_748 = tpu.vector_load %arg13[%get3A_745, %get3A_746, %get3A_747] {strides = array<i32>} : memref<3x80x128xf32, #tpu.memory_space<vmem>>, vector<1x1x16xf32>,
        %get3A_749 = vector.shape_cast %get3A_748 : vector<1x1x16xf32> to vector<16xf32>
        %get3A_750 = arith.constant 0 : i32
        %get3A_751 = arith.index_cast %get3A_750 : i32 to index
        %get3A_752 = arith.index_cast %add3A_615 : i32 to index
        %get3A_753 = arith.constant 80 : index
        %get3A_754 = tpu.vector_load %arg14[%get3A_751, %get3A_752, %get3A_753] {strides = array<i32>} : memref<3x80x128xf32, #tpu.memory_space<vmem>>, vector<1x1x16xf32>,
        %get3A_755 = vector.shape_cast %get3A_754 : vector<1x1x16xf32> to vector<16xf32>
        %get3A_756 = arith.constant 0 : i32
        %get3A_757 = arith.index_cast %get3A_756 : i32 to index
        %get3A_758 = arith.index_cast %add3A_615 : i32 to index
        %get3A_759 = arith.constant 80 : index
        %get3A_760 = tpu.vector_load %arg15[%get3A_757, %get3A_758, %get3A_759] {strides = array<i32>} : memref<3x80x128xf32, #tpu.memory_space<vmem>>, vector<1x1x16xf32>,
        %get3A_761 = vector.shape_cast %get3A_760 : vector<1x1x16xf32> to vector<16xf32>
        %mul3A_762 = arith.constant 2.000000e-01 : f32
        %mul3A_763 = vector.broadcast %mul3A_762 : f32 to vector<16xf32>
        %mul3A_764 = arith.mulf %mul3A_763, %get3A_749 : vector<16xf32>
        %max3A_765 = arith.maximumf %get3A_749, %mul3A_764 : vector<16xf32>
        %mul3A_766 = arith.mulf %max3A_765, %get3A_19 : vector<16xf32>
        %mul3A_767 = arith.mulf %get3A_755, %get3A_761 : vector<16xf32>
        %add3A_768 = arith.addf %add3A_742, %mul3A_766 : vector<16xf32>
        %add3A_769 = arith.addf %add3A_743, %mul3A_767 : vector<16xf32>
        %get3A_770 = arith.constant 0 : i32
        %get3A_771 = arith.index_cast %get3A_770 : i32 to index
        %get3A_772 = arith.index_cast %add3A_615 : i32 to index
        %get3A_773 = arith.constant 96 : index
        %get3A_774 = tpu.vector_load %arg13[%get3A_771, %get3A_772, %get3A_773] {strides = array<i32>} : memref<3x80x128xf32, #tpu.memory_space<vmem>>, vector<1x1x16xf32>,
        %get3A_775 = vector.shape_cast %get3A_774 : vector<1x1x16xf32> to vector<16xf32>
        %get3A_776 = arith.constant 0 : i32
        %get3A_777 = arith.index_cast %get3A_776 : i32 to index
        %get3A_778 = arith.index_cast %add3A_615 : i32 to index
        %get3A_779 = arith.constant 96 : index
        %get3A_780 = tpu.vector_load %arg14[%get3A_777, %get3A_778, %get3A_779] {strides = array<i32>} : memref<3x80x128xf32, #tpu.memory_space<vmem>>, vector<1x1x16xf32>,
        %get3A_781 = vector.shape_cast %get3A_780 : vector<1x1x16xf32> to vector<16xf32>
        %get3A_782 = arith.constant 0 : i32
        %get3A_783 = arith.index_cast %get3A_782 : i32 to index
        %get3A_784 = arith.index_cast %add3A_615 : i32 to index
        %get3A_785 = arith.constant 96 : index
        %get3A_786 = tpu.vector_load %arg15[%get3A_783, %get3A_784, %get3A_785] {strides = array<i32>} : memref<3x80x128xf32, #tpu.memory_space<vmem>>, vector<1x1x16xf32>,
        %get3A_787 = vector.shape_cast %get3A_786 : vector<1x1x16xf32> to vector<16xf32>
        %mul3A_788 = arith.constant 2.000000e-01 : f32
        %mul3A_789 = vector.broadcast %mul3A_788 : f32 to vector<16xf32>
        %mul3A_790 = arith.mulf %mul3A_789, %get3A_775 : vector<16xf32>
        %max3A_791 = arith.maximumf %get3A_775, %mul3A_790 : vector<16xf32>
        %mul3A_792 = arith.mulf %max3A_791, %get3A_22 : vector<16xf32>
        %mul3A_793 = arith.mulf %get3A_781, %get3A_787 : vector<16xf32>
        %add3A_794 = arith.addf %add3A_768, %mul3A_792 : vector<16xf32>
        %add3A_795 = arith.addf %add3A_769, %mul3A_793 : vector<16xf32>
        %get3A_796 = arith.constant 0 : i32
        %get3A_797 = arith.index_cast %get3A_796 : i32 to index
        %get3A_798 = arith.index_cast %add3A_615 : i32 to index
        %get3A_799 = arith.constant 112 : index
        %get3A_800 = tpu.vector_load %arg13[%get3A_797, %get3A_798, %get3A_799] {strides = array<i32>} : memref<3x80x128xf32, #tpu.memory_space<vmem>>, vector<1x1x16xf32>,
        %get3A_801 = vector.shape_cast %get3A_800 : vector<1x1x16xf32> to vector<16xf32>
        %get3A_802 = arith.constant 0 : i32
        %get3A_803 = arith.index_cast %get3A_802 : i32 to index
        %get3A_804 = arith.index_cast %add3A_615 : i32 to index
        %get3A_805 = arith.constant 112 : index
        %get3A_806 = tpu.vector_load %arg14[%get3A_803, %get3A_804, %get3A_805] {strides = array<i32>} : memref<3x80x128xf32, #tpu.memory_space<vmem>>, vector<1x1x16xf32>,
        %get3A_807 = vector.shape_cast %get3A_806 : vector<1x1x16xf32> to vector<16xf32>
        %get3A_808 = arith.constant 0 : i32
        %get3A_809 = arith.index_cast %get3A_808 : i32 to index
        %get3A_810 = arith.index_cast %add3A_615 : i32 to index
        %get3A_811 = arith.constant 112 : index
        %get3A_812 = tpu.vector_load %arg15[%get3A_809, %get3A_810, %get3A_811] {strides = array<i32>} : memref<3x80x128xf32, #tpu.memory_space<vmem>>, vector<1x1x16xf32>,
        %get3A_813 = vector.shape_cast %get3A_812 : vector<1x1x16xf32> to vector<16xf32>
        %mul3A_814 = arith.constant 2.000000e-01 : f32
        %mul3A_815 = vector.broadcast %mul3A_814 : f32 to vector<16xf32>
        %mul3A_816 = arith.mulf %mul3A_815, %get3A_801 : vector<16xf32>
        %max3A_817 = arith.maximumf %get3A_801, %mul3A_816 : vector<16xf32>
        %mul3A_818 = arith.mulf %max3A_817, %get3A_25 : vector<16xf32>
        %mul3A_819 = arith.mulf %get3A_807, %get3A_813 : vector<16xf32>
        %add3A_820 = arith.addf %add3A_794, %mul3A_818 : vector<16xf32>
        %add3A_821 = arith.addf %add3A_795, %mul3A_819 : vector<16xf32>
        %lt3A_822 = arith.constant 0 : i32
        %lt3A_823 = vector.broadcast %lt3A_822 : i32 to vector<16xi32>
        %lt3A_824 = arith.cmpi slt, %xor3A_33, %lt3A_823 : vector<16xi32>
        %add3A_825 = arith.constant 16 : i32
        %add3A_826 = vector.broadcast %add3A_825 : i32 to vector<16xi32>
        %add3A_827 = arith.addi %xor3A_33, %add3A_826 : vector<16xi32>
        %select_n3A_828 = arith.select %lt3A_824, %add3A_827, %xor3A_33 : vector<16xi1>, vector<16xi32>
        %broadcast_in_dim3A_829 = vector.shape_cast %select_n3A_828 : vector<16xi32> to vector<16x1xi32>
        %gather3A_830 = vector.shape_cast %broadcast_in_dim3A_829 : vector<16x1xi32> to vector<16xi32>
        %gather3A_831 = tpu.dynamic_gather %add3A_820[%gather3A_830] in [0] : vector<16xf32>, vector<16xi32> -> vector<16xf32>
        %add3A_832 = arith.addf %add3A_820, %gather3A_831 : vector<16xf32>
        %lt3A_833 = arith.constant 0 : i32
        %lt3A_834 = vector.broadcast %lt3A_833 : i32 to vector<16xi32>
        %lt3A_835 = arith.cmpi slt, %xor3A_33, %lt3A_834 : vector<16xi32>
        %add3A_836 = arith.constant 16 : i32
        %add3A_837 = vector.broadcast %add3A_836 : i32 to vector<16xi32>
        %add3A_838 = arith.addi %xor3A_33, %add3A_837 : vector<16xi32>
        %select_n3A_839 = arith.select %lt3A_835, %add3A_838, %xor3A_33 : vector<16xi1>, vector<16xi32>
        %broadcast_in_dim3A_840 = vector.shape_cast %select_n3A_839 : vector<16xi32> to vector<16x1xi32>
        %gather3A_841 = vector.shape_cast %broadcast_in_dim3A_840 : vector<16x1xi32> to vector<16xi32>
        %gather3A_842 = tpu.dynamic_gather %add3A_821[%gather3A_841] in [0] : vector<16xf32>, vector<16xi32> -> vector<16xf32>
        %add3A_843 = arith.addf %add3A_821, %gather3A_842 : vector<16xf32>
        %select_n3A_844 = arith.select %lt3A_31, %add3A_832, %add3A_843 : vector<16xi1>, vector<16xf32>
        %lt3A_845 = arith.constant 0 : i32
        %lt3A_846 = vector.broadcast %lt3A_845 : i32 to vector<16xi32>
        %lt3A_847 = arith.cmpi slt, %xor3A_36, %lt3A_846 : vector<16xi32>
        %add3A_848 = arith.constant 16 : i32
        %add3A_849 = vector.broadcast %add3A_848 : i32 to vector<16xi32>
        %add3A_850 = arith.addi %xor3A_36, %add3A_849 : vector<16xi32>
        %select_n3A_851 = arith.select %lt3A_847, %add3A_850, %xor3A_36 : vector<16xi1>, vector<16xi32>
        %broadcast_in_dim3A_852 = vector.shape_cast %select_n3A_851 : vector<16xi32> to vector<16x1xi32>
        %gather3A_853 = vector.shape_cast %broadcast_in_dim3A_852 : vector<16x1xi32> to vector<16xi32>
        %gather3A_854 = tpu.dynamic_gather %select_n3A_844[%gather3A_853] in [0] : vector<16xf32>, vector<16xi32> -> vector<16xf32>
        %add3A_855 = arith.addf %select_n3A_844, %gather3A_854 : vector<16xf32>
        %lt3A_856 = arith.constant 0 : i32
        %lt3A_857 = vector.broadcast %lt3A_856 : i32 to vector<16xi32>
        %lt3A_858 = arith.cmpi slt, %xor3A_39, %lt3A_857 : vector<16xi32>
        %add3A_859 = arith.constant 16 : i32
        %add3A_860 = vector.broadcast %add3A_859 : i32 to vector<16xi32>
        %add3A_861 = arith.addi %xor3A_39, %add3A_860 : vector<16xi32>
        %select_n3A_862 = arith.select %lt3A_858, %add3A_861, %xor3A_39 : vector<16xi1>, vector<16xi32>
        %broadcast_in_dim3A_863 = vector.shape_cast %select_n3A_862 : vector<16xi32> to vector<16x1xi32>
        %gather3A_864 = vector.shape_cast %broadcast_in_dim3A_863 : vector<16x1xi32> to vector<16xi32>
        %gather3A_865 = tpu.dynamic_gather %add3A_855[%gather3A_864] in [0] : vector<16xf32>, vector<16xi32> -> vector<16xf32>
        %add3A_866 = arith.addf %add3A_855, %gather3A_865 : vector<16xf32>
        %lt3A_867 = arith.constant 0 : i32
        %lt3A_868 = vector.broadcast %lt3A_867 : i32 to vector<16xi32>
        %lt3A_869 = arith.cmpi slt, %xor3A_42, %lt3A_868 : vector<16xi32>
        %add3A_870 = arith.constant 16 : i32
        %add3A_871 = vector.broadcast %add3A_870 : i32 to vector<16xi32>
        %add3A_872 = arith.addi %xor3A_42, %add3A_871 : vector<16xi32>
        %select_n3A_873 = arith.select %lt3A_869, %add3A_872, %xor3A_42 : vector<16xi1>, vector<16xi32>
        %broadcast_in_dim3A_874 = vector.shape_cast %select_n3A_873 : vector<16xi32> to vector<16x1xi32>
        %gather3A_875 = vector.shape_cast %broadcast_in_dim3A_874 : vector<16x1xi32> to vector<16xi32>
        %gather3A_876 = tpu.dynamic_gather %add3A_866[%gather3A_875] in [0] : vector<16xf32>, vector<16xi32> -> vector<16xf32>
        %add3A_877 = arith.addf %add3A_866, %gather3A_876 : vector<16xf32>
        %lt3A_878 = arith.constant 0 : i32
        %lt3A_879 = vector.broadcast %lt3A_878 : i32 to vector<16xi32>
        %lt3A_880 = arith.cmpi slt, %and3A_46, %lt3A_879 : vector<16xi32>
        %add3A_881 = arith.constant 16 : i32
        %add3A_882 = vector.broadcast %add3A_881 : i32 to vector<16xi32>
        %add3A_883 = arith.addi %and3A_46, %add3A_882 : vector<16xi32>
        %select_n3A_884 = arith.select %lt3A_880, %add3A_883, %and3A_46 : vector<16xi1>, vector<16xi32>
        %broadcast_in_dim3A_885 = vector.shape_cast %select_n3A_884 : vector<16xi32> to vector<16x1xi32>
        %gather3A_886 = vector.shape_cast %broadcast_in_dim3A_885 : vector<16x1xi32> to vector<16xi32>
        %gather3A_887 = tpu.dynamic_gather %add3A_877[%gather3A_886] in [0] : vector<16xf32>, vector<16xi32> -> vector<16xf32>
        %lt3A_888 = arith.constant 0 : i32
        %lt3A_889 = vector.broadcast %lt3A_888 : i32 to vector<16xi32>
        %lt3A_890 = arith.cmpi slt, %or3A_44, %lt3A_889 : vector<16xi32>
        %add3A_891 = arith.constant 16 : i32
        %add3A_892 = vector.broadcast %add3A_891 : i32 to vector<16xi32>
        %add3A_893 = arith.addi %or3A_44, %add3A_892 : vector<16xi32>
        %select_n3A_894 = arith.select %lt3A_890, %add3A_893, %or3A_44 : vector<16xi1>, vector<16xi32>
        %broadcast_in_dim3A_895 = vector.shape_cast %select_n3A_894 : vector<16xi32> to vector<16x1xi32>
        %gather3A_896 = vector.shape_cast %broadcast_in_dim3A_895 : vector<16x1xi32> to vector<16xi32>
        %gather3A_897 = tpu.dynamic_gather %add3A_877[%gather3A_896] in [0] : vector<16xf32>, vector<16xi32> -> vector<16xf32>
        %eq3A_898 = vector.broadcast %add3A_612 : i32 to vector<16xi32>
        %eq3A_899 = arith.cmpi eq, %iota3A, %eq3A_898 : vector<16xi32>
        %select_n3A_900 = arith.select %eq3A_899, %gather3A_887, %select_n3A_607 : vector<16xi1>, vector<16xf32>
        %select_n3A_901 = arith.select %eq3A_899, %gather3A_897, %select_n3A_608 : vector<16xi1>, vector<16xf32>
        scf.yield %select_n3A_900, %select_n3A_901 : vector<16xf32>, vector<16xf32>
      }
      %scan3A_299 = arith.constant 8 : i32
      %add3A_300 = arith.addf %scan3A_298#0, %get3A_28 : vector<16xf32>
      %neg3A = arith.constant 0.000000e+00 : f32
      %neg3A_301 = vector.broadcast %neg3A : f32 to vector<16xf32>
      %neg3A_302 = arith.subf %neg3A_301, %add3A_300 : vector<16xf32>
      %exp3A = math.exp %neg3A_302 : vector<16xf32>
      %add3A_303 = arith.constant 1.000000e+00 : f32
      %add3A_304 = vector.broadcast %add3A_303 : f32 to vector<16xf32>
      %add3A_305 = arith.addf %add3A_304, %exp3A : vector<16xf32>
      %div3A = arith.constant 1.000000e+00 : f32
      %div3A_306 = vector.broadcast %div3A : f32 to vector<16xf32>
      %div3A_307 = arith.divf %div3A_306, %add3A_305 : vector<16xf32>
      %mul3A_308 = arith.mulf %div3A_307, %scan3A_298#1 : vector<16xf32>
      %mul3A_309 = arith.constant 16 : i32
      %mul3A_310 = arith.muli %scan3A_292, %mul3A_309 : i32
      %swap3A = arith.constant 0 : i32
      %swap3A_311 = arith.index_cast %swap3A : i32 to index
      %swap3A_312 = arith.index_cast %mul3A_310 : i32 to index
      %swap3A_313 = tpu.vector_load %arg18[%swap3A_311, %swap3A_312] {strides = array<i32>} : memref<3x80xf32, #tpu.memory_space<vmem>>, vector<1x16xf32>,
      %swap3A_314 = vector.shape_cast %swap3A_313 : vector<1x16xf32> to vector<16xf32>
      %swap3A_315 = vector.shape_cast %mul3A_308 : vector<16xf32> to vector<1x16xf32>
      tpu.vector_store %arg18[%swap3A_311, %swap3A_312], %swap3A_315 {strides = array<i32>} : memref<3x80xf32, #tpu.memory_space<vmem>>, vector<1x16xf32>,
      %scan3A_316 = arith.constant 0 : i32
      scf.yield %scan3A_316 : i32
    }
    %scan3A_218 = arith.constant 5 : i32
    %dma_start3A_219 = arith.constant 0 : i32
    %dma_start3A_220 = arith.constant 0 : i32
    %dma_start3A_221 = tpu.memref_slice %arg18[%dma_start3A_219, %dma_start3A_220] : memref<3x80xf32, #tpu.memory_space<vmem>> -> memref<1x80xf32, #tpu.memory_space<vmem>>
    %dma_start3A_222 = tpu.memref_squeeze %dma_start3A_221 : memref<1x80xf32, #tpu.memory_space<vmem>> -> memref<80xf32, #tpu.memory_space<vmem>>
    %dma_start3A_223 = tpu.memref_slice %arg10[%add3A_202] : memref<320000xf32, #tpu.memory_space<hbm>> -> memref<80xf32, #tpu.memory_space<hbm>>
    %dma_start3A_224 = tpu.memref_slice %arg10[%add3A_202] : memref<320000xf32, #tpu.memory_space<hbm>> -> memref<80xf32, #tpu.memory_space<hbm>>
    %dma_start3A_225 = arith.constant 0 : i32
    %dma_start3A_226 = tpu.memref_slice %arg18[%dma_start3A_219, %dma_start3A_225] : memref<3x80xf32, #tpu.memory_space<vmem>> -> memref<1x80xf32, #tpu.memory_space<vmem>>
    %dma_start3A_227 = tpu.memref_squeeze %dma_start3A_226 : memref<1x80xf32, #tpu.memory_space<vmem>> -> memref<80xf32, #tpu.memory_space<vmem>>
    tpu.enqueue_dma source(%dma_start3A_227 : memref<80xf32, #tpu.memory_space<vmem>>) target(%dma_start3A_224 : memref<80xf32, #tpu.memory_space<hbm>>) target_semaphore(%arg25 : memref<!tpu.dma_semaphore, #tpu.memory_space<semaphore_mem>>)
    %dma_wait3A_228 = arith.constant 1 : i32
    %dma_wait3A_229 = arith.constant 0 : i32
    %dma_wait3A_230 = arith.constant 0 : i32
    %dma_wait3A_231 = tpu.memref_slice %arg13[%dma_wait3A_228, %dma_wait3A_229, %dma_wait3A_230] : memref<3x80x128xf32, #tpu.memory_space<vmem>> -> memref<1x80x128xf32, #tpu.memory_space<vmem>>
    %dma_wait3A_232 = tpu.memref_squeeze %dma_wait3A_231 : memref<1x80x128xf32, #tpu.memory_space<vmem>> -> memref<80x128xf32, #tpu.memory_space<vmem>>
    %dma_wait3A_233 = arith.constant 0 : i32
    %dma_wait3A_234 = tpu.memref_slice %arg12[%dma_wait3A_233] : memref<10000xi32, #tpu.memory_space<vmem>> -> memref<80xi32, #tpu.memory_space<vmem>>
    %dma_wait3A_235 = arith.constant 0 : i32
    %dma_wait3A_236 = arith.constant 0 : i32
    %dma_wait3A_237 = tpu.memref_slice %arg5[%dma_wait3A_235, %dma_wait3A_236] : memref<10000x128xf32, #tpu.memory_space<hbm>> -> memref<10000x128xf32, #tpu.memory_space<hbm>>
    tpu.wait_indirect_dma semaphore(%arg23 : memref<!tpu.dma_semaphore, #tpu.memory_space<semaphore_mem>>) src(%dma_wait3A_237 : memref<10000x128xf32, #tpu.memory_space<hbm>>) dst(%dma_wait3A_232 : memref<80x128xf32, #tpu.memory_space<vmem>>)
    %add3A_238 = arith.constant 9920 : i32
    %add3A_239 = arith.addi %mul3A_2, %add3A_238 : i32
    %dma_wait3A_240 = arith.constant 1 : i32
    %dma_wait3A_241 = arith.constant 0 : i32
    %dma_wait3A_242 = tpu.memref_slice %arg18[%dma_wait3A_240, %dma_wait3A_241] : memref<3x80xf32, #tpu.memory_space<vmem>> -> memref<1x80xf32, #tpu.memory_space<vmem>>
    %dma_wait3A_243 = tpu.memref_squeeze %dma_wait3A_242 : memref<1x80xf32, #tpu.memory_space<vmem>> -> memref<80xf32, #tpu.memory_space<vmem>>
    %dma_wait3A_244 = tpu.memref_slice %arg10[%mul3A_2] : memref<320000xf32, #tpu.memory_space<hbm>> -> memref<80xf32, #tpu.memory_space<hbm>>
    %dma_wait3A_245 = tpu.memref_slice %arg10[%mul3A_2] : memref<320000xf32, #tpu.memory_space<hbm>> -> memref<80xf32, #tpu.memory_space<hbm>>
    %dma_wait3A_246 = arith.constant 0 : i32
    %dma_wait3A_247 = tpu.memref_slice %arg18[%dma_wait3A_240, %dma_wait3A_246] : memref<3x80xf32, #tpu.memory_space<vmem>> -> memref<1x80xf32, #tpu.memory_space<vmem>>
    %dma_wait3A_248 = tpu.memref_squeeze %dma_wait3A_247 : memref<1x80xf32, #tpu.memory_space<vmem>> -> memref<80xf32, #tpu.memory_space<vmem>>
    tpu.wait_dma2 semaphore(%arg26 : memref<!tpu.dma_semaphore, #tpu.memory_space<semaphore_mem>>) src(%dma_wait3A_248 : memref<80xf32, #tpu.memory_space<vmem>>) dst(%dma_wait3A_245 : memref<80xf32, #tpu.memory_space<hbm>>)
    %scan3A_249 = arith.constant 0 : i32
    %scan3A_250 = arith.constant 0 : i32
    %scan3A_251 = arith.constant 5 : i32
    %scan3A_252 = arith.addi %scan3A_250, %scan3A_251 : i32
    %scan3A_253 = arith.constant 1 : i32
    %scan3A_254 = scf.for %scan3A_292 = %scan3A_250 to %scan3A_252 step %scan3A_253 iter_args(%scan3A_293 = %scan3A_249) -> (i32)  : i32 {
      %scan3A_294 = arith.constant 0 : i32
      %scan3A_295 = arith.constant 8 : i32
      %scan3A_296 = arith.addi %scan3A_294, %scan3A_295 : i32
      %scan3A_297 = arith.constant 1 : i32
      %scan3A_298:2 = scf.for %scan3A_317 = %scan3A_294 to %scan3A_296 step %scan3A_297 iter_args(%scan3A_318 = %broadcast_in_dim3A_29, %scan3A_319 = %broadcast_in_dim3A_29) -> (vector<16xf32>, vector<16xf32>)  : i32 {
        %mul3A_320 = arith.constant 2 : i32
        %mul3A_321 = arith.muli %scan3A_317, %mul3A_320 : i32
        %add3A_322 = arith.constant 0 : i32
        %add3A_323 = arith.addi %mul3A_321, %add3A_322 : i32
        %mul3A_324 = arith.constant 16 : i32
        %mul3A_325 = arith.muli %scan3A_292, %mul3A_324 : i32
        %add3A_326 = arith.addi %mul3A_325, %add3A_323 : i32
        %get3A_327 = arith.constant 1 : i32
        %get3A_328 = arith.index_cast %get3A_327 : i32 to index
        %get3A_329 = arith.index_cast %add3A_326 : i32 to index
        %get3A_330 = arith.constant 0 : index
        %get3A_331 = tpu.vector_load %arg13[%get3A_328, %get3A_329, %get3A_330] {strides = array<i32>} : memref<3x80x128xf32, #tpu.memory_space<vmem>>, vector<1x1x16xf32>,
        %get3A_332 = vector.shape_cast %get3A_331 : vector<1x1x16xf32> to vector<16xf32>
        %get3A_333 = arith.constant 1 : i32
        %get3A_334 = arith.index_cast %get3A_333 : i32 to index
        %get3A_335 = arith.index_cast %add3A_326 : i32 to index
        %get3A_336 = arith.constant 0 : index
        %get3A_337 = tpu.vector_load %arg14[%get3A_334, %get3A_335, %get3A_336] {strides = array<i32>} : memref<3x80x128xf32, #tpu.memory_space<vmem>>, vector<1x1x16xf32>,
        %get3A_338 = vector.shape_cast %get3A_337 : vector<1x1x16xf32> to vector<16xf32>
        %get3A_339 = arith.constant 1 : i32
        %get3A_340 = arith.index_cast %get3A_339 : i32 to index
        %get3A_341 = arith.index_cast %add3A_326 : i32 to index
        %get3A_342 = arith.constant 0 : index
        %get3A_343 = tpu.vector_load %arg15[%get3A_340, %get3A_341, %get3A_342] {strides = array<i32>} : memref<3x80x128xf32, #tpu.memory_space<vmem>>, vector<1x1x16xf32>,
        %get3A_344 = vector.shape_cast %get3A_343 : vector<1x1x16xf32> to vector<16xf32>
        %mul3A_345 = arith.constant 2.000000e-01 : f32
        %mul3A_346 = vector.broadcast %mul3A_345 : f32 to vector<16xf32>
        %mul3A_347 = arith.mulf %mul3A_346, %get3A_332 : vector<16xf32>
        %max3A = arith.maximumf %get3A_332, %mul3A_347 : vector<16xf32>
        %mul3A_348 = arith.mulf %max3A, %get3A_4 : vector<16xf32>
        %mul3A_349 = arith.mulf %get3A_338, %get3A_344 : vector<16xf32>
        %get3A_350 = arith.constant 1 : i32
        %get3A_351 = arith.index_cast %get3A_350 : i32 to index
        %get3A_352 = arith.index_cast %add3A_326 : i32 to index
        %get3A_353 = arith.constant 16 : index
        %get3A_354 = tpu.vector_load %arg13[%get3A_351, %get3A_352, %get3A_353] {strides = array<i32>} : memref<3x80x128xf32, #tpu.memory_space<vmem>>, vector<1x1x16xf32>,
        %get3A_355 = vector.shape_cast %get3A_354 : vector<1x1x16xf32> to vector<16xf32>
        %get3A_356 = arith.constant 1 : i32
        %get3A_357 = arith.index_cast %get3A_356 : i32 to index
        %get3A_358 = arith.index_cast %add3A_326 : i32 to index
        %get3A_359 = arith.constant 16 : index
        %get3A_360 = tpu.vector_load %arg14[%get3A_357, %get3A_358, %get3A_359] {strides = array<i32>} : memref<3x80x128xf32, #tpu.memory_space<vmem>>, vector<1x1x16xf32>,
        %get3A_361 = vector.shape_cast %get3A_360 : vector<1x1x16xf32> to vector<16xf32>
        %get3A_362 = arith.constant 1 : i32
        %get3A_363 = arith.index_cast %get3A_362 : i32 to index
        %get3A_364 = arith.index_cast %add3A_326 : i32 to index
        %get3A_365 = arith.constant 16 : index
        %get3A_366 = tpu.vector_load %arg15[%get3A_363, %get3A_364, %get3A_365] {strides = array<i32>} : memref<3x80x128xf32, #tpu.memory_space<vmem>>, vector<1x1x16xf32>,
        %get3A_367 = vector.shape_cast %get3A_366 : vector<1x1x16xf32> to vector<16xf32>
        %mul3A_368 = arith.constant 2.000000e-01 : f32
        %mul3A_369 = vector.broadcast %mul3A_368 : f32 to vector<16xf32>
        %mul3A_370 = arith.mulf %mul3A_369, %get3A_355 : vector<16xf32>
        %max3A_371 = arith.maximumf %get3A_355, %mul3A_370 : vector<16xf32>
        %mul3A_372 = arith.mulf %max3A_371, %get3A_7 : vector<16xf32>
        %mul3A_373 = arith.mulf %get3A_361, %get3A_367 : vector<16xf32>
        %add3A_374 = arith.addf %mul3A_348, %mul3A_372 : vector<16xf32>
        %add3A_375 = arith.addf %mul3A_349, %mul3A_373 : vector<16xf32>
        %get3A_376 = arith.constant 1 : i32
        %get3A_377 = arith.index_cast %get3A_376 : i32 to index
        %get3A_378 = arith.index_cast %add3A_326 : i32 to index
        %get3A_379 = arith.constant 32 : index
        %get3A_380 = tpu.vector_load %arg13[%get3A_377, %get3A_378, %get3A_379] {strides = array<i32>} : memref<3x80x128xf32, #tpu.memory_space<vmem>>, vector<1x1x16xf32>,
        %get3A_381 = vector.shape_cast %get3A_380 : vector<1x1x16xf32> to vector<16xf32>
        %get3A_382 = arith.constant 1 : i32
        %get3A_383 = arith.index_cast %get3A_382 : i32 to index
        %get3A_384 = arith.index_cast %add3A_326 : i32 to index
        %get3A_385 = arith.constant 32 : index
        %get3A_386 = tpu.vector_load %arg14[%get3A_383, %get3A_384, %get3A_385] {strides = array<i32>} : memref<3x80x128xf32, #tpu.memory_space<vmem>>, vector<1x1x16xf32>,
        %get3A_387 = vector.shape_cast %get3A_386 : vector<1x1x16xf32> to vector<16xf32>
        %get3A_388 = arith.constant 1 : i32
        %get3A_389 = arith.index_cast %get3A_388 : i32 to index
        %get3A_390 = arith.index_cast %add3A_326 : i32 to index
        %get3A_391 = arith.constant 32 : index
        %get3A_392 = tpu.vector_load %arg15[%get3A_389, %get3A_390, %get3A_391] {strides = array<i32>} : memref<3x80x128xf32, #tpu.memory_space<vmem>>, vector<1x1x16xf32>,
        %get3A_393 = vector.shape_cast %get3A_392 : vector<1x1x16xf32> to vector<16xf32>
        %mul3A_394 = arith.constant 2.000000e-01 : f32
        %mul3A_395 = vector.broadcast %mul3A_394 : f32 to vector<16xf32>
        %mul3A_396 = arith.mulf %mul3A_395, %get3A_381 : vector<16xf32>
        %max3A_397 = arith.maximumf %get3A_381, %mul3A_396 : vector<16xf32>
        %mul3A_398 = arith.mulf %max3A_397, %get3A_10 : vector<16xf32>
        %mul3A_399 = arith.mulf %get3A_387, %get3A_393 : vector<16xf32>
        %add3A_400 = arith.addf %add3A_374, %mul3A_398 : vector<16xf32>
        %add3A_401 = arith.addf %add3A_375, %mul3A_399 : vector<16xf32>
        %get3A_402 = arith.constant 1 : i32
        %get3A_403 = arith.index_cast %get3A_402 : i32 to index
        %get3A_404 = arith.index_cast %add3A_326 : i32 to index
        %get3A_405 = arith.constant 48 : index
        %get3A_406 = tpu.vector_load %arg13[%get3A_403, %get3A_404, %get3A_405] {strides = array<i32>} : memref<3x80x128xf32, #tpu.memory_space<vmem>>, vector<1x1x16xf32>,
        %get3A_407 = vector.shape_cast %get3A_406 : vector<1x1x16xf32> to vector<16xf32>
        %get3A_408 = arith.constant 1 : i32
        %get3A_409 = arith.index_cast %get3A_408 : i32 to index
        %get3A_410 = arith.index_cast %add3A_326 : i32 to index
        %get3A_411 = arith.constant 48 : index
        %get3A_412 = tpu.vector_load %arg14[%get3A_409, %get3A_410, %get3A_411] {strides = array<i32>} : memref<3x80x128xf32, #tpu.memory_space<vmem>>, vector<1x1x16xf32>,
        %get3A_413 = vector.shape_cast %get3A_412 : vector<1x1x16xf32> to vector<16xf32>
        %get3A_414 = arith.constant 1 : i32
        %get3A_415 = arith.index_cast %get3A_414 : i32 to index
        %get3A_416 = arith.index_cast %add3A_326 : i32 to index
        %get3A_417 = arith.constant 48 : index
        %get3A_418 = tpu.vector_load %arg15[%get3A_415, %get3A_416, %get3A_417] {strides = array<i32>} : memref<3x80x128xf32, #tpu.memory_space<vmem>>, vector<1x1x16xf32>,
        %get3A_419 = vector.shape_cast %get3A_418 : vector<1x1x16xf32> to vector<16xf32>
        %mul3A_420 = arith.constant 2.000000e-01 : f32
        %mul3A_421 = vector.broadcast %mul3A_420 : f32 to vector<16xf32>
        %mul3A_422 = arith.mulf %mul3A_421, %get3A_407 : vector<16xf32>
        %max3A_423 = arith.maximumf %get3A_407, %mul3A_422 : vector<16xf32>
        %mul3A_424 = arith.mulf %max3A_423, %get3A_13 : vector<16xf32>
        %mul3A_425 = arith.mulf %get3A_413, %get3A_419 : vector<16xf32>
        %add3A_426 = arith.addf %add3A_400, %mul3A_424 : vector<16xf32>
        %add3A_427 = arith.addf %add3A_401, %mul3A_425 : vector<16xf32>
        %get3A_428 = arith.constant 1 : i32
        %get3A_429 = arith.index_cast %get3A_428 : i32 to index
        %get3A_430 = arith.index_cast %add3A_326 : i32 to index
        %get3A_431 = arith.constant 64 : index
        %get3A_432 = tpu.vector_load %arg13[%get3A_429, %get3A_430, %get3A_431] {strides = array<i32>} : memref<3x80x128xf32, #tpu.memory_space<vmem>>, vector<1x1x16xf32>,
        %get3A_433 = vector.shape_cast %get3A_432 : vector<1x1x16xf32> to vector<16xf32>
        %get3A_434 = arith.constant 1 : i32
        %get3A_435 = arith.index_cast %get3A_434 : i32 to index
        %get3A_436 = arith.index_cast %add3A_326 : i32 to index
        %get3A_437 = arith.constant 64 : index
        %get3A_438 = tpu.vector_load %arg14[%get3A_435, %get3A_436, %get3A_437] {strides = array<i32>} : memref<3x80x128xf32, #tpu.memory_space<vmem>>, vector<1x1x16xf32>,
        %get3A_439 = vector.shape_cast %get3A_438 : vector<1x1x16xf32> to vector<16xf32>
        %get3A_440 = arith.constant 1 : i32
        %get3A_441 = arith.index_cast %get3A_440 : i32 to index
        %get3A_442 = arith.index_cast %add3A_326 : i32 to index
        %get3A_443 = arith.constant 64 : index
        %get3A_444 = tpu.vector_load %arg15[%get3A_441, %get3A_442, %get3A_443] {strides = array<i32>} : memref<3x80x128xf32, #tpu.memory_space<vmem>>, vector<1x1x16xf32>,
        %get3A_445 = vector.shape_cast %get3A_444 : vector<1x1x16xf32> to vector<16xf32>
        %mul3A_446 = arith.constant 2.000000e-01 : f32
        %mul3A_447 = vector.broadcast %mul3A_446 : f32 to vector<16xf32>
        %mul3A_448 = arith.mulf %mul3A_447, %get3A_433 : vector<16xf32>
        %max3A_449 = arith.maximumf %get3A_433, %mul3A_448 : vector<16xf32>
        %mul3A_450 = arith.mulf %max3A_449, %get3A_16 : vector<16xf32>
        %mul3A_451 = arith.mulf %get3A_439, %get3A_445 : vector<16xf32>
        %add3A_452 = arith.addf %add3A_426, %mul3A_450 : vector<16xf32>
        %add3A_453 = arith.addf %add3A_427, %mul3A_451 : vector<16xf32>
        %get3A_454 = arith.constant 1 : i32
        %get3A_455 = arith.index_cast %get3A_454 : i32 to index
        %get3A_456 = arith.index_cast %add3A_326 : i32 to index
        %get3A_457 = arith.constant 80 : index
        %get3A_458 = tpu.vector_load %arg13[%get3A_455, %get3A_456, %get3A_457] {strides = array<i32>} : memref<3x80x128xf32, #tpu.memory_space<vmem>>, vector<1x1x16xf32>,
        %get3A_459 = vector.shape_cast %get3A_458 : vector<1x1x16xf32> to vector<16xf32>
        %get3A_460 = arith.constant 1 : i32
        %get3A_461 = arith.index_cast %get3A_460 : i32 to index
        %get3A_462 = arith.index_cast %add3A_326 : i32 to index
        %get3A_463 = arith.constant 80 : index
        %get3A_464 = tpu.vector_load %arg14[%get3A_461, %get3A_462, %get3A_463] {strides = array<i32>} : memref<3x80x128xf32, #tpu.memory_space<vmem>>, vector<1x1x16xf32>,
        %get3A_465 = vector.shape_cast %get3A_464 : vector<1x1x16xf32> to vector<16xf32>
        %get3A_466 = arith.constant 1 : i32
        %get3A_467 = arith.index_cast %get3A_466 : i32 to index
        %get3A_468 = arith.index_cast %add3A_326 : i32 to index
        %get3A_469 = arith.constant 80 : index
        %get3A_470 = tpu.vector_load %arg15[%get3A_467, %get3A_468, %get3A_469] {strides = array<i32>} : memref<3x80x128xf32, #tpu.memory_space<vmem>>, vector<1x1x16xf32>,
        %get3A_471 = vector.shape_cast %get3A_470 : vector<1x1x16xf32> to vector<16xf32>
        %mul3A_472 = arith.constant 2.000000e-01 : f32
        %mul3A_473 = vector.broadcast %mul3A_472 : f32 to vector<16xf32>
        %mul3A_474 = arith.mulf %mul3A_473, %get3A_459 : vector<16xf32>
        %max3A_475 = arith.maximumf %get3A_459, %mul3A_474 : vector<16xf32>
        %mul3A_476 = arith.mulf %max3A_475, %get3A_19 : vector<16xf32>
        %mul3A_477 = arith.mulf %get3A_465, %get3A_471 : vector<16xf32>
        %add3A_478 = arith.addf %add3A_452, %mul3A_476 : vector<16xf32>
        %add3A_479 = arith.addf %add3A_453, %mul3A_477 : vector<16xf32>
        %get3A_480 = arith.constant 1 : i32
        %get3A_481 = arith.index_cast %get3A_480 : i32 to index
        %get3A_482 = arith.index_cast %add3A_326 : i32 to index
        %get3A_483 = arith.constant 96 : index
        %get3A_484 = tpu.vector_load %arg13[%get3A_481, %get3A_482, %get3A_483] {strides = array<i32>} : memref<3x80x128xf32, #tpu.memory_space<vmem>>, vector<1x1x16xf32>,
        %get3A_485 = vector.shape_cast %get3A_484 : vector<1x1x16xf32> to vector<16xf32>
        %get3A_486 = arith.constant 1 : i32
        %get3A_487 = arith.index_cast %get3A_486 : i32 to index
        %get3A_488 = arith.index_cast %add3A_326 : i32 to index
        %get3A_489 = arith.constant 96 : index
        %get3A_490 = tpu.vector_load %arg14[%get3A_487, %get3A_488, %get3A_489] {strides = array<i32>} : memref<3x80x128xf32, #tpu.memory_space<vmem>>, vector<1x1x16xf32>,
        %get3A_491 = vector.shape_cast %get3A_490 : vector<1x1x16xf32> to vector<16xf32>
        %get3A_492 = arith.constant 1 : i32
        %get3A_493 = arith.index_cast %get3A_492 : i32 to index
        %get3A_494 = arith.index_cast %add3A_326 : i32 to index
        %get3A_495 = arith.constant 96 : index
        %get3A_496 = tpu.vector_load %arg15[%get3A_493, %get3A_494, %get3A_495] {strides = array<i32>} : memref<3x80x128xf32, #tpu.memory_space<vmem>>, vector<1x1x16xf32>,
        %get3A_497 = vector.shape_cast %get3A_496 : vector<1x1x16xf32> to vector<16xf32>
        %mul3A_498 = arith.constant 2.000000e-01 : f32
        %mul3A_499 = vector.broadcast %mul3A_498 : f32 to vector<16xf32>
        %mul3A_500 = arith.mulf %mul3A_499, %get3A_485 : vector<16xf32>
        %max3A_501 = arith.maximumf %get3A_485, %mul3A_500 : vector<16xf32>
        %mul3A_502 = arith.mulf %max3A_501, %get3A_22 : vector<16xf32>
        %mul3A_503 = arith.mulf %get3A_491, %get3A_497 : vector<16xf32>
        %add3A_504 = arith.addf %add3A_478, %mul3A_502 : vector<16xf32>
        %add3A_505 = arith.addf %add3A_479, %mul3A_503 : vector<16xf32>
        %get3A_506 = arith.constant 1 : i32
        %get3A_507 = arith.index_cast %get3A_506 : i32 to index
        %get3A_508 = arith.index_cast %add3A_326 : i32 to index
        %get3A_509 = arith.constant 112 : index
        %get3A_510 = tpu.vector_load %arg13[%get3A_507, %get3A_508, %get3A_509] {strides = array<i32>} : memref<3x80x128xf32, #tpu.memory_space<vmem>>, vector<1x1x16xf32>,
        %get3A_511 = vector.shape_cast %get3A_510 : vector<1x1x16xf32> to vector<16xf32>
        %get3A_512 = arith.constant 1 : i32
        %get3A_513 = arith.index_cast %get3A_512 : i32 to index
        %get3A_514 = arith.index_cast %add3A_326 : i32 to index
        %get3A_515 = arith.constant 112 : index
        %get3A_516 = tpu.vector_load %arg14[%get3A_513, %get3A_514, %get3A_515] {strides = array<i32>} : memref<3x80x128xf32, #tpu.memory_space<vmem>>, vector<1x1x16xf32>,
        %get3A_517 = vector.shape_cast %get3A_516 : vector<1x1x16xf32> to vector<16xf32>
        %get3A_518 = arith.constant 1 : i32
        %get3A_519 = arith.index_cast %get3A_518 : i32 to index
        %get3A_520 = arith.index_cast %add3A_326 : i32 to index
        %get3A_521 = arith.constant 112 : index
        %get3A_522 = tpu.vector_load %arg15[%get3A_519, %get3A_520, %get3A_521] {strides = array<i32>} : memref<3x80x128xf32, #tpu.memory_space<vmem>>, vector<1x1x16xf32>,
        %get3A_523 = vector.shape_cast %get3A_522 : vector<1x1x16xf32> to vector<16xf32>
        %mul3A_524 = arith.constant 2.000000e-01 : f32
        %mul3A_525 = vector.broadcast %mul3A_524 : f32 to vector<16xf32>
        %mul3A_526 = arith.mulf %mul3A_525, %get3A_511 : vector<16xf32>
        %max3A_527 = arith.maximumf %get3A_511, %mul3A_526 : vector<16xf32>
        %mul3A_528 = arith.mulf %max3A_527, %get3A_25 : vector<16xf32>
        %mul3A_529 = arith.mulf %get3A_517, %get3A_523 : vector<16xf32>
        %add3A_530 = arith.addf %add3A_504, %mul3A_528 : vector<16xf32>
        %add3A_531 = arith.addf %add3A_505, %mul3A_529 : vector<16xf32>
        %lt3A_532 = arith.constant 0 : i32
        %lt3A_533 = vector.broadcast %lt3A_532 : i32 to vector<16xi32>
        %lt3A_534 = arith.cmpi slt, %xor3A_33, %lt3A_533 : vector<16xi32>
        %add3A_535 = arith.constant 16 : i32
        %add3A_536 = vector.broadcast %add3A_535 : i32 to vector<16xi32>
        %add3A_537 = arith.addi %xor3A_33, %add3A_536 : vector<16xi32>
        %select_n3A = arith.select %lt3A_534, %add3A_537, %xor3A_33 : vector<16xi1>, vector<16xi32>
        %broadcast_in_dim3A_538 = vector.shape_cast %select_n3A : vector<16xi32> to vector<16x1xi32>
        %gather3A = vector.shape_cast %broadcast_in_dim3A_538 : vector<16x1xi32> to vector<16xi32>
        %gather3A_539 = tpu.dynamic_gather %add3A_530[%gather3A] in [0] : vector<16xf32>, vector<16xi32> -> vector<16xf32>
        %add3A_540 = arith.addf %add3A_530, %gather3A_539 : vector<16xf32>
        %lt3A_541 = arith.constant 0 : i32
        %lt3A_542 = vector.broadcast %lt3A_541 : i32 to vector<16xi32>
        %lt3A_543 = arith.cmpi slt, %xor3A_33, %lt3A_542 : vector<16xi32>
        %add3A_544 = arith.constant 16 : i32
        %add3A_545 = vector.broadcast %add3A_544 : i32 to vector<16xi32>
        %add3A_546 = arith.addi %xor3A_33, %add3A_545 : vector<16xi32>
        %select_n3A_547 = arith.select %lt3A_543, %add3A_546, %xor3A_33 : vector<16xi1>, vector<16xi32>
        %broadcast_in_dim3A_548 = vector.shape_cast %select_n3A_547 : vector<16xi32> to vector<16x1xi32>
        %gather3A_549 = vector.shape_cast %broadcast_in_dim3A_548 : vector<16x1xi32> to vector<16xi32>
        %gather3A_550 = tpu.dynamic_gather %add3A_531[%gather3A_549] in [0] : vector<16xf32>, vector<16xi32> -> vector<16xf32>
        %add3A_551 = arith.addf %add3A_531, %gather3A_550 : vector<16xf32>
        %select_n3A_552 = arith.select %lt3A_31, %add3A_540, %add3A_551 : vector<16xi1>, vector<16xf32>
        %lt3A_553 = arith.constant 0 : i32
        %lt3A_554 = vector.broadcast %lt3A_553 : i32 to vector<16xi32>
        %lt3A_555 = arith.cmpi slt, %xor3A_36, %lt3A_554 : vector<16xi32>
        %add3A_556 = arith.constant 16 : i32
        %add3A_557 = vector.broadcast %add3A_556 : i32 to vector<16xi32>
        %add3A_558 = arith.addi %xor3A_36, %add3A_557 : vector<16xi32>
        %select_n3A_559 = arith.select %lt3A_555, %add3A_558, %xor3A_36 : vector<16xi1>, vector<16xi32>
        %broadcast_in_dim3A_560 = vector.shape_cast %select_n3A_559 : vector<16xi32> to vector<16x1xi32>
        %gather3A_561 = vector.shape_cast %broadcast_in_dim3A_560 : vector<16x1xi32> to vector<16xi32>
        %gather3A_562 = tpu.dynamic_gather %select_n3A_552[%gather3A_561] in [0] : vector<16xf32>, vector<16xi32> -> vector<16xf32>
        %add3A_563 = arith.addf %select_n3A_552, %gather3A_562 : vector<16xf32>
        %lt3A_564 = arith.constant 0 : i32
        %lt3A_565 = vector.broadcast %lt3A_564 : i32 to vector<16xi32>
        %lt3A_566 = arith.cmpi slt, %xor3A_39, %lt3A_565 : vector<16xi32>
        %add3A_567 = arith.constant 16 : i32
        %add3A_568 = vector.broadcast %add3A_567 : i32 to vector<16xi32>
        %add3A_569 = arith.addi %xor3A_39, %add3A_568 : vector<16xi32>
        %select_n3A_570 = arith.select %lt3A_566, %add3A_569, %xor3A_39 : vector<16xi1>, vector<16xi32>
        %broadcast_in_dim3A_571 = vector.shape_cast %select_n3A_570 : vector<16xi32> to vector<16x1xi32>
        %gather3A_572 = vector.shape_cast %broadcast_in_dim3A_571 : vector<16x1xi32> to vector<16xi32>
        %gather3A_573 = tpu.dynamic_gather %add3A_563[%gather3A_572] in [0] : vector<16xf32>, vector<16xi32> -> vector<16xf32>
        %add3A_574 = arith.addf %add3A_563, %gather3A_573 : vector<16xf32>
        %lt3A_575 = arith.constant 0 : i32
        %lt3A_576 = vector.broadcast %lt3A_575 : i32 to vector<16xi32>
        %lt3A_577 = arith.cmpi slt, %xor3A_42, %lt3A_576 : vector<16xi32>
        %add3A_578 = arith.constant 16 : i32
        %add3A_579 = vector.broadcast %add3A_578 : i32 to vector<16xi32>
        %add3A_580 = arith.addi %xor3A_42, %add3A_579 : vector<16xi32>
        %select_n3A_581 = arith.select %lt3A_577, %add3A_580, %xor3A_42 : vector<16xi1>, vector<16xi32>
        %broadcast_in_dim3A_582 = vector.shape_cast %select_n3A_581 : vector<16xi32> to vector<16x1xi32>
        %gather3A_583 = vector.shape_cast %broadcast_in_dim3A_582 : vector<16x1xi32> to vector<16xi32>
        %gather3A_584 = tpu.dynamic_gather %add3A_574[%gather3A_583] in [0] : vector<16xf32>, vector<16xi32> -> vector<16xf32>
        %add3A_585 = arith.addf %add3A_574, %gather3A_584 : vector<16xf32>
        %lt3A_586 = arith.constant 0 : i32
        %lt3A_587 = vector.broadcast %lt3A_586 : i32 to vector<16xi32>
        %lt3A_588 = arith.cmpi slt, %and3A_46, %lt3A_587 : vector<16xi32>
        %add3A_589 = arith.constant 16 : i32
        %add3A_590 = vector.broadcast %add3A_589 : i32 to vector<16xi32>
        %add3A_591 = arith.addi %and3A_46, %add3A_590 : vector<16xi32>
        %select_n3A_592 = arith.select %lt3A_588, %add3A_591, %and3A_46 : vector<16xi1>, vector<16xi32>
        %broadcast_in_dim3A_593 = vector.shape_cast %select_n3A_592 : vector<16xi32> to vector<16x1xi32>
        %gather3A_594 = vector.shape_cast %broadcast_in_dim3A_593 : vector<16x1xi32> to vector<16xi32>
        %gather3A_595 = tpu.dynamic_gather %add3A_585[%gather3A_594] in [0] : vector<16xf32>, vector<16xi32> -> vector<16xf32>
        %lt3A_596 = arith.constant 0 : i32
        %lt3A_597 = vector.broadcast %lt3A_596 : i32 to vector<16xi32>
        %lt3A_598 = arith.cmpi slt, %or3A_44, %lt3A_597 : vector<16xi32>
        %add3A_599 = arith.constant 16 : i32
        %add3A_600 = vector.broadcast %add3A_599 : i32 to vector<16xi32>
        %add3A_601 = arith.addi %or3A_44, %add3A_600 : vector<16xi32>
        %select_n3A_602 = arith.select %lt3A_598, %add3A_601, %or3A_44 : vector<16xi1>, vector<16xi32>
        %broadcast_in_dim3A_603 = vector.shape_cast %select_n3A_602 : vector<16xi32> to vector<16x1xi32>
        %gather3A_604 = vector.shape_cast %broadcast_in_dim3A_603 : vector<16x1xi32> to vector<16xi32>
        %gather3A_605 = tpu.dynamic_gather %add3A_585[%gather3A_604] in [0] : vector<16xf32>, vector<16xi32> -> vector<16xf32>
        %eq3A = vector.broadcast %add3A_323 : i32 to vector<16xi32>
        %eq3A_606 = arith.cmpi eq, %iota3A, %eq3A : vector<16xi32>
        %select_n3A_607 = arith.select %eq3A_606, %gather3A_595, %scan3A_318 : vector<16xi1>, vector<16xf32>
        %select_n3A_608 = arith.select %eq3A_606, %gather3A_605, %scan3A_319 : vector<16xi1>, vector<16xf32>
        %mul3A_609 = arith.constant 2 : i32
        %mul3A_610 = arith.muli %scan3A_317, %mul3A_609 : i32
        %add3A_611 = arith.constant 1 : i32
        %add3A_612 = arith.addi %mul3A_610, %add3A_611 : i32
        %mul3A_613 = arith.constant 16 : i32
        %mul3A_614 = arith.muli %scan3A_292, %mul3A_613 : i32
        %add3A_615 = arith.addi %mul3A_614, %add3A_612 : i32
        %get3A_616 = arith.constant 1 : i32
        %get3A_617 = arith.index_cast %get3A_616 : i32 to index
        %get3A_618 = arith.index_cast %add3A_615 : i32 to index
        %get3A_619 = arith.constant 0 : index
        %get3A_620 = tpu.vector_load %arg13[%get3A_617, %get3A_618, %get3A_619] {strides = array<i32>} : memref<3x80x128xf32, #tpu.memory_space<vmem>>, vector<1x1x16xf32>,
        %get3A_621 = vector.shape_cast %get3A_620 : vector<1x1x16xf32> to vector<16xf32>
        %get3A_622 = arith.constant 1 : i32
        %get3A_623 = arith.index_cast %get3A_622 : i32 to index
        %get3A_624 = arith.index_cast %add3A_615 : i32 to index
        %get3A_625 = arith.constant 0 : index
        %get3A_626 = tpu.vector_load %arg14[%get3A_623, %get3A_624, %get3A_625] {strides = array<i32>} : memref<3x80x128xf32, #tpu.memory_space<vmem>>, vector<1x1x16xf32>,
        %get3A_627 = vector.shape_cast %get3A_626 : vector<1x1x16xf32> to vector<16xf32>
        %get3A_628 = arith.constant 1 : i32
        %get3A_629 = arith.index_cast %get3A_628 : i32 to index
        %get3A_630 = arith.index_cast %add3A_615 : i32 to index
        %get3A_631 = arith.constant 0 : index
        %get3A_632 = tpu.vector_load %arg15[%get3A_629, %get3A_630, %get3A_631] {strides = array<i32>} : memref<3x80x128xf32, #tpu.memory_space<vmem>>, vector<1x1x16xf32>,
        %get3A_633 = vector.shape_cast %get3A_632 : vector<1x1x16xf32> to vector<16xf32>
        %mul3A_634 = arith.constant 2.000000e-01 : f32
        %mul3A_635 = vector.broadcast %mul3A_634 : f32 to vector<16xf32>
        %mul3A_636 = arith.mulf %mul3A_635, %get3A_621 : vector<16xf32>
        %max3A_637 = arith.maximumf %get3A_621, %mul3A_636 : vector<16xf32>
        %mul3A_638 = arith.mulf %max3A_637, %get3A_4 : vector<16xf32>
        %mul3A_639 = arith.mulf %get3A_627, %get3A_633 : vector<16xf32>
        %get3A_640 = arith.constant 1 : i32
        %get3A_641 = arith.index_cast %get3A_640 : i32 to index
        %get3A_642 = arith.index_cast %add3A_615 : i32 to index
        %get3A_643 = arith.constant 16 : index
        %get3A_644 = tpu.vector_load %arg13[%get3A_641, %get3A_642, %get3A_643] {strides = array<i32>} : memref<3x80x128xf32, #tpu.memory_space<vmem>>, vector<1x1x16xf32>,
        %get3A_645 = vector.shape_cast %get3A_644 : vector<1x1x16xf32> to vector<16xf32>
        %get3A_646 = arith.constant 1 : i32
        %get3A_647 = arith.index_cast %get3A_646 : i32 to index
        %get3A_648 = arith.index_cast %add3A_615 : i32 to index
        %get3A_649 = arith.constant 16 : index
        %get3A_650 = tpu.vector_load %arg14[%get3A_647, %get3A_648, %get3A_649] {strides = array<i32>} : memref<3x80x128xf32, #tpu.memory_space<vmem>>, vector<1x1x16xf32>,
        %get3A_651 = vector.shape_cast %get3A_650 : vector<1x1x16xf32> to vector<16xf32>
        %get3A_652 = arith.constant 1 : i32
        %get3A_653 = arith.index_cast %get3A_652 : i32 to index
        %get3A_654 = arith.index_cast %add3A_615 : i32 to index
        %get3A_655 = arith.constant 16 : index
        %get3A_656 = tpu.vector_load %arg15[%get3A_653, %get3A_654, %get3A_655] {strides = array<i32>} : memref<3x80x128xf32, #tpu.memory_space<vmem>>, vector<1x1x16xf32>,
        %get3A_657 = vector.shape_cast %get3A_656 : vector<1x1x16xf32> to vector<16xf32>
        %mul3A_658 = arith.constant 2.000000e-01 : f32
        %mul3A_659 = vector.broadcast %mul3A_658 : f32 to vector<16xf32>
        %mul3A_660 = arith.mulf %mul3A_659, %get3A_645 : vector<16xf32>
        %max3A_661 = arith.maximumf %get3A_645, %mul3A_660 : vector<16xf32>
        %mul3A_662 = arith.mulf %max3A_661, %get3A_7 : vector<16xf32>
        %mul3A_663 = arith.mulf %get3A_651, %get3A_657 : vector<16xf32>
        %add3A_664 = arith.addf %mul3A_638, %mul3A_662 : vector<16xf32>
        %add3A_665 = arith.addf %mul3A_639, %mul3A_663 : vector<16xf32>
        %get3A_666 = arith.constant 1 : i32
        %get3A_667 = arith.index_cast %get3A_666 : i32 to index
        %get3A_668 = arith.index_cast %add3A_615 : i32 to index
        %get3A_669 = arith.constant 32 : index
        %get3A_670 = tpu.vector_load %arg13[%get3A_667, %get3A_668, %get3A_669] {strides = array<i32>} : memref<3x80x128xf32, #tpu.memory_space<vmem>>, vector<1x1x16xf32>,
        %get3A_671 = vector.shape_cast %get3A_670 : vector<1x1x16xf32> to vector<16xf32>
        %get3A_672 = arith.constant 1 : i32
        %get3A_673 = arith.index_cast %get3A_672 : i32 to index
        %get3A_674 = arith.index_cast %add3A_615 : i32 to index
        %get3A_675 = arith.constant 32 : index
        %get3A_676 = tpu.vector_load %arg14[%get3A_673, %get3A_674, %get3A_675] {strides = array<i32>} : memref<3x80x128xf32, #tpu.memory_space<vmem>>, vector<1x1x16xf32>,
        %get3A_677 = vector.shape_cast %get3A_676 : vector<1x1x16xf32> to vector<16xf32>
        %get3A_678 = arith.constant 1 : i32
        %get3A_679 = arith.index_cast %get3A_678 : i32 to index
        %get3A_680 = arith.index_cast %add3A_615 : i32 to index
        %get3A_681 = arith.constant 32 : index
        %get3A_682 = tpu.vector_load %arg15[%get3A_679, %get3A_680, %get3A_681] {strides = array<i32>} : memref<3x80x128xf32, #tpu.memory_space<vmem>>, vector<1x1x16xf32>,
        %get3A_683 = vector.shape_cast %get3A_682 : vector<1x1x16xf32> to vector<16xf32>
        %mul3A_684 = arith.constant 2.000000e-01 : f32
        %mul3A_685 = vector.broadcast %mul3A_684 : f32 to vector<16xf32>
        %mul3A_686 = arith.mulf %mul3A_685, %get3A_671 : vector<16xf32>
        %max3A_687 = arith.maximumf %get3A_671, %mul3A_686 : vector<16xf32>
        %mul3A_688 = arith.mulf %max3A_687, %get3A_10 : vector<16xf32>
        %mul3A_689 = arith.mulf %get3A_677, %get3A_683 : vector<16xf32>
        %add3A_690 = arith.addf %add3A_664, %mul3A_688 : vector<16xf32>
        %add3A_691 = arith.addf %add3A_665, %mul3A_689 : vector<16xf32>
        %get3A_692 = arith.constant 1 : i32
        %get3A_693 = arith.index_cast %get3A_692 : i32 to index
        %get3A_694 = arith.index_cast %add3A_615 : i32 to index
        %get3A_695 = arith.constant 48 : index
        %get3A_696 = tpu.vector_load %arg13[%get3A_693, %get3A_694, %get3A_695] {strides = array<i32>} : memref<3x80x128xf32, #tpu.memory_space<vmem>>, vector<1x1x16xf32>,
        %get3A_697 = vector.shape_cast %get3A_696 : vector<1x1x16xf32> to vector<16xf32>
        %get3A_698 = arith.constant 1 : i32
        %get3A_699 = arith.index_cast %get3A_698 : i32 to index
        %get3A_700 = arith.index_cast %add3A_615 : i32 to index
        %get3A_701 = arith.constant 48 : index
        %get3A_702 = tpu.vector_load %arg14[%get3A_699, %get3A_700, %get3A_701] {strides = array<i32>} : memref<3x80x128xf32, #tpu.memory_space<vmem>>, vector<1x1x16xf32>,
        %get3A_703 = vector.shape_cast %get3A_702 : vector<1x1x16xf32> to vector<16xf32>
        %get3A_704 = arith.constant 1 : i32
        %get3A_705 = arith.index_cast %get3A_704 : i32 to index
        %get3A_706 = arith.index_cast %add3A_615 : i32 to index
        %get3A_707 = arith.constant 48 : index
        %get3A_708 = tpu.vector_load %arg15[%get3A_705, %get3A_706, %get3A_707] {strides = array<i32>} : memref<3x80x128xf32, #tpu.memory_space<vmem>>, vector<1x1x16xf32>,
        %get3A_709 = vector.shape_cast %get3A_708 : vector<1x1x16xf32> to vector<16xf32>
        %mul3A_710 = arith.constant 2.000000e-01 : f32
        %mul3A_711 = vector.broadcast %mul3A_710 : f32 to vector<16xf32>
        %mul3A_712 = arith.mulf %mul3A_711, %get3A_697 : vector<16xf32>
        %max3A_713 = arith.maximumf %get3A_697, %mul3A_712 : vector<16xf32>
        %mul3A_714 = arith.mulf %max3A_713, %get3A_13 : vector<16xf32>
        %mul3A_715 = arith.mulf %get3A_703, %get3A_709 : vector<16xf32>
        %add3A_716 = arith.addf %add3A_690, %mul3A_714 : vector<16xf32>
        %add3A_717 = arith.addf %add3A_691, %mul3A_715 : vector<16xf32>
        %get3A_718 = arith.constant 1 : i32
        %get3A_719 = arith.index_cast %get3A_718 : i32 to index
        %get3A_720 = arith.index_cast %add3A_615 : i32 to index
        %get3A_721 = arith.constant 64 : index
        %get3A_722 = tpu.vector_load %arg13[%get3A_719, %get3A_720, %get3A_721] {strides = array<i32>} : memref<3x80x128xf32, #tpu.memory_space<vmem>>, vector<1x1x16xf32>,
        %get3A_723 = vector.shape_cast %get3A_722 : vector<1x1x16xf32> to vector<16xf32>
        %get3A_724 = arith.constant 1 : i32
        %get3A_725 = arith.index_cast %get3A_724 : i32 to index
        %get3A_726 = arith.index_cast %add3A_615 : i32 to index
        %get3A_727 = arith.constant 64 : index
        %get3A_728 = tpu.vector_load %arg14[%get3A_725, %get3A_726, %get3A_727] {strides = array<i32>} : memref<3x80x128xf32, #tpu.memory_space<vmem>>, vector<1x1x16xf32>,
        %get3A_729 = vector.shape_cast %get3A_728 : vector<1x1x16xf32> to vector<16xf32>
        %get3A_730 = arith.constant 1 : i32
        %get3A_731 = arith.index_cast %get3A_730 : i32 to index
        %get3A_732 = arith.index_cast %add3A_615 : i32 to index
        %get3A_733 = arith.constant 64 : index
        %get3A_734 = tpu.vector_load %arg15[%get3A_731, %get3A_732, %get3A_733] {strides = array<i32>} : memref<3x80x128xf32, #tpu.memory_space<vmem>>, vector<1x1x16xf32>,
        %get3A_735 = vector.shape_cast %get3A_734 : vector<1x1x16xf32> to vector<16xf32>
        %mul3A_736 = arith.constant 2.000000e-01 : f32
        %mul3A_737 = vector.broadcast %mul3A_736 : f32 to vector<16xf32>
        %mul3A_738 = arith.mulf %mul3A_737, %get3A_723 : vector<16xf32>
        %max3A_739 = arith.maximumf %get3A_723, %mul3A_738 : vector<16xf32>
        %mul3A_740 = arith.mulf %max3A_739, %get3A_16 : vector<16xf32>
        %mul3A_741 = arith.mulf %get3A_729, %get3A_735 : vector<16xf32>
        %add3A_742 = arith.addf %add3A_716, %mul3A_740 : vector<16xf32>
        %add3A_743 = arith.addf %add3A_717, %mul3A_741 : vector<16xf32>
        %get3A_744 = arith.constant 1 : i32
        %get3A_745 = arith.index_cast %get3A_744 : i32 to index
        %get3A_746 = arith.index_cast %add3A_615 : i32 to index
        %get3A_747 = arith.constant 80 : index
        %get3A_748 = tpu.vector_load %arg13[%get3A_745, %get3A_746, %get3A_747] {strides = array<i32>} : memref<3x80x128xf32, #tpu.memory_space<vmem>>, vector<1x1x16xf32>,
        %get3A_749 = vector.shape_cast %get3A_748 : vector<1x1x16xf32> to vector<16xf32>
        %get3A_750 = arith.constant 1 : i32
        %get3A_751 = arith.index_cast %get3A_750 : i32 to index
        %get3A_752 = arith.index_cast %add3A_615 : i32 to index
        %get3A_753 = arith.constant 80 : index
        %get3A_754 = tpu.vector_load %arg14[%get3A_751, %get3A_752, %get3A_753] {strides = array<i32>} : memref<3x80x128xf32, #tpu.memory_space<vmem>>, vector<1x1x16xf32>,
        %get3A_755 = vector.shape_cast %get3A_754 : vector<1x1x16xf32> to vector<16xf32>
        %get3A_756 = arith.constant 1 : i32
        %get3A_757 = arith.index_cast %get3A_756 : i32 to index
        %get3A_758 = arith.index_cast %add3A_615 : i32 to index
        %get3A_759 = arith.constant 80 : index
        %get3A_760 = tpu.vector_load %arg15[%get3A_757, %get3A_758, %get3A_759] {strides = array<i32>} : memref<3x80x128xf32, #tpu.memory_space<vmem>>, vector<1x1x16xf32>,
        %get3A_761 = vector.shape_cast %get3A_760 : vector<1x1x16xf32> to vector<16xf32>
        %mul3A_762 = arith.constant 2.000000e-01 : f32
        %mul3A_763 = vector.broadcast %mul3A_762 : f32 to vector<16xf32>
        %mul3A_764 = arith.mulf %mul3A_763, %get3A_749 : vector<16xf32>
        %max3A_765 = arith.maximumf %get3A_749, %mul3A_764 : vector<16xf32>
        %mul3A_766 = arith.mulf %max3A_765, %get3A_19 : vector<16xf32>
        %mul3A_767 = arith.mulf %get3A_755, %get3A_761 : vector<16xf32>
        %add3A_768 = arith.addf %add3A_742, %mul3A_766 : vector<16xf32>
        %add3A_769 = arith.addf %add3A_743, %mul3A_767 : vector<16xf32>
        %get3A_770 = arith.constant 1 : i32
        %get3A_771 = arith.index_cast %get3A_770 : i32 to index
        %get3A_772 = arith.index_cast %add3A_615 : i32 to index
        %get3A_773 = arith.constant 96 : index
        %get3A_774 = tpu.vector_load %arg13[%get3A_771, %get3A_772, %get3A_773] {strides = array<i32>} : memref<3x80x128xf32, #tpu.memory_space<vmem>>, vector<1x1x16xf32>,
        %get3A_775 = vector.shape_cast %get3A_774 : vector<1x1x16xf32> to vector<16xf32>
        %get3A_776 = arith.constant 1 : i32
        %get3A_777 = arith.index_cast %get3A_776 : i32 to index
        %get3A_778 = arith.index_cast %add3A_615 : i32 to index
        %get3A_779 = arith.constant 96 : index
        %get3A_780 = tpu.vector_load %arg14[%get3A_777, %get3A_778, %get3A_779] {strides = array<i32>} : memref<3x80x128xf32, #tpu.memory_space<vmem>>, vector<1x1x16xf32>,
        %get3A_781 = vector.shape_cast %get3A_780 : vector<1x1x16xf32> to vector<16xf32>
        %get3A_782 = arith.constant 1 : i32
        %get3A_783 = arith.index_cast %get3A_782 : i32 to index
        %get3A_784 = arith.index_cast %add3A_615 : i32 to index
        %get3A_785 = arith.constant 96 : index
        %get3A_786 = tpu.vector_load %arg15[%get3A_783, %get3A_784, %get3A_785] {strides = array<i32>} : memref<3x80x128xf32, #tpu.memory_space<vmem>>, vector<1x1x16xf32>,
        %get3A_787 = vector.shape_cast %get3A_786 : vector<1x1x16xf32> to vector<16xf32>
        %mul3A_788 = arith.constant 2.000000e-01 : f32
        %mul3A_789 = vector.broadcast %mul3A_788 : f32 to vector<16xf32>
        %mul3A_790 = arith.mulf %mul3A_789, %get3A_775 : vector<16xf32>
        %max3A_791 = arith.maximumf %get3A_775, %mul3A_790 : vector<16xf32>
        %mul3A_792 = arith.mulf %max3A_791, %get3A_22 : vector<16xf32>
        %mul3A_793 = arith.mulf %get3A_781, %get3A_787 : vector<16xf32>
        %add3A_794 = arith.addf %add3A_768, %mul3A_792 : vector<16xf32>
        %add3A_795 = arith.addf %add3A_769, %mul3A_793 : vector<16xf32>
        %get3A_796 = arith.constant 1 : i32
        %get3A_797 = arith.index_cast %get3A_796 : i32 to index
        %get3A_798 = arith.index_cast %add3A_615 : i32 to index
        %get3A_799 = arith.constant 112 : index
        %get3A_800 = tpu.vector_load %arg13[%get3A_797, %get3A_798, %get3A_799] {strides = array<i32>} : memref<3x80x128xf32, #tpu.memory_space<vmem>>, vector<1x1x16xf32>,
        %get3A_801 = vector.shape_cast %get3A_800 : vector<1x1x16xf32> to vector<16xf32>
        %get3A_802 = arith.constant 1 : i32
        %get3A_803 = arith.index_cast %get3A_802 : i32 to index
        %get3A_804 = arith.index_cast %add3A_615 : i32 to index
        %get3A_805 = arith.constant 112 : index
        %get3A_806 = tpu.vector_load %arg14[%get3A_803, %get3A_804, %get3A_805] {strides = array<i32>} : memref<3x80x128xf32, #tpu.memory_space<vmem>>, vector<1x1x16xf32>,
        %get3A_807 = vector.shape_cast %get3A_806 : vector<1x1x16xf32> to vector<16xf32>
        %get3A_808 = arith.constant 1 : i32
        %get3A_809 = arith.index_cast %get3A_808 : i32 to index
        %get3A_810 = arith.index_cast %add3A_615 : i32 to index
        %get3A_811 = arith.constant 112 : index
        %get3A_812 = tpu.vector_load %arg15[%get3A_809, %get3A_810, %get3A_811] {strides = array<i32>} : memref<3x80x128xf32, #tpu.memory_space<vmem>>, vector<1x1x16xf32>,
        %get3A_813 = vector.shape_cast %get3A_812 : vector<1x1x16xf32> to vector<16xf32>
        %mul3A_814 = arith.constant 2.000000e-01 : f32
        %mul3A_815 = vector.broadcast %mul3A_814 : f32 to vector<16xf32>
        %mul3A_816 = arith.mulf %mul3A_815, %get3A_801 : vector<16xf32>
        %max3A_817 = arith.maximumf %get3A_801, %mul3A_816 : vector<16xf32>
        %mul3A_818 = arith.mulf %max3A_817, %get3A_25 : vector<16xf32>
        %mul3A_819 = arith.mulf %get3A_807, %get3A_813 : vector<16xf32>
        %add3A_820 = arith.addf %add3A_794, %mul3A_818 : vector<16xf32>
        %add3A_821 = arith.addf %add3A_795, %mul3A_819 : vector<16xf32>
        %lt3A_822 = arith.constant 0 : i32
        %lt3A_823 = vector.broadcast %lt3A_822 : i32 to vector<16xi32>
        %lt3A_824 = arith.cmpi slt, %xor3A_33, %lt3A_823 : vector<16xi32>
        %add3A_825 = arith.constant 16 : i32
        %add3A_826 = vector.broadcast %add3A_825 : i32 to vector<16xi32>
        %add3A_827 = arith.addi %xor3A_33, %add3A_826 : vector<16xi32>
        %select_n3A_828 = arith.select %lt3A_824, %add3A_827, %xor3A_33 : vector<16xi1>, vector<16xi32>
        %broadcast_in_dim3A_829 = vector.shape_cast %select_n3A_828 : vector<16xi32> to vector<16x1xi32>
        %gather3A_830 = vector.shape_cast %broadcast_in_dim3A_829 : vector<16x1xi32> to vector<16xi32>
        %gather3A_831 = tpu.dynamic_gather %add3A_820[%gather3A_830] in [0] : vector<16xf32>, vector<16xi32> -> vector<16xf32>
        %add3A_832 = arith.addf %add3A_820, %gather3A_831 : vector<16xf32>
        %lt3A_833 = arith.constant 0 : i32
        %lt3A_834 = vector.broadcast %lt3A_833 : i32 to vector<16xi32>
        %lt3A_835 = arith.cmpi slt, %xor3A_33, %lt3A_834 : vector<16xi32>
        %add3A_836 = arith.constant 16 : i32
        %add3A_837 = vector.broadcast %add3A_836 : i32 to vector<16xi32>
        %add3A_838 = arith.addi %xor3A_33, %add3A_837 : vector<16xi32>
        %select_n3A_839 = arith.select %lt3A_835, %add3A_838, %xor3A_33 : vector<16xi1>, vector<16xi32>
        %broadcast_in_dim3A_840 = vector.shape_cast %select_n3A_839 : vector<16xi32> to vector<16x1xi32>
        %gather3A_841 = vector.shape_cast %broadcast_in_dim3A_840 : vector<16x1xi32> to vector<16xi32>
        %gather3A_842 = tpu.dynamic_gather %add3A_821[%gather3A_841] in [0] : vector<16xf32>, vector<16xi32> -> vector<16xf32>
        %add3A_843 = arith.addf %add3A_821, %gather3A_842 : vector<16xf32>
        %select_n3A_844 = arith.select %lt3A_31, %add3A_832, %add3A_843 : vector<16xi1>, vector<16xf32>
        %lt3A_845 = arith.constant 0 : i32
        %lt3A_846 = vector.broadcast %lt3A_845 : i32 to vector<16xi32>
        %lt3A_847 = arith.cmpi slt, %xor3A_36, %lt3A_846 : vector<16xi32>
        %add3A_848 = arith.constant 16 : i32
        %add3A_849 = vector.broadcast %add3A_848 : i32 to vector<16xi32>
        %add3A_850 = arith.addi %xor3A_36, %add3A_849 : vector<16xi32>
        %select_n3A_851 = arith.select %lt3A_847, %add3A_850, %xor3A_36 : vector<16xi1>, vector<16xi32>
        %broadcast_in_dim3A_852 = vector.shape_cast %select_n3A_851 : vector<16xi32> to vector<16x1xi32>
        %gather3A_853 = vector.shape_cast %broadcast_in_dim3A_852 : vector<16x1xi32> to vector<16xi32>
        %gather3A_854 = tpu.dynamic_gather %select_n3A_844[%gather3A_853] in [0] : vector<16xf32>, vector<16xi32> -> vector<16xf32>
        %add3A_855 = arith.addf %select_n3A_844, %gather3A_854 : vector<16xf32>
        %lt3A_856 = arith.constant 0 : i32
        %lt3A_857 = vector.broadcast %lt3A_856 : i32 to vector<16xi32>
        %lt3A_858 = arith.cmpi slt, %xor3A_39, %lt3A_857 : vector<16xi32>
        %add3A_859 = arith.constant 16 : i32
        %add3A_860 = vector.broadcast %add3A_859 : i32 to vector<16xi32>
        %add3A_861 = arith.addi %xor3A_39, %add3A_860 : vector<16xi32>
        %select_n3A_862 = arith.select %lt3A_858, %add3A_861, %xor3A_39 : vector<16xi1>, vector<16xi32>
        %broadcast_in_dim3A_863 = vector.shape_cast %select_n3A_862 : vector<16xi32> to vector<16x1xi32>
        %gather3A_864 = vector.shape_cast %broadcast_in_dim3A_863 : vector<16x1xi32> to vector<16xi32>
        %gather3A_865 = tpu.dynamic_gather %add3A_855[%gather3A_864] in [0] : vector<16xf32>, vector<16xi32> -> vector<16xf32>
        %add3A_866 = arith.addf %add3A_855, %gather3A_865 : vector<16xf32>
        %lt3A_867 = arith.constant 0 : i32
        %lt3A_868 = vector.broadcast %lt3A_867 : i32 to vector<16xi32>
        %lt3A_869 = arith.cmpi slt, %xor3A_42, %lt3A_868 : vector<16xi32>
        %add3A_870 = arith.constant 16 : i32
        %add3A_871 = vector.broadcast %add3A_870 : i32 to vector<16xi32>
        %add3A_872 = arith.addi %xor3A_42, %add3A_871 : vector<16xi32>
        %select_n3A_873 = arith.select %lt3A_869, %add3A_872, %xor3A_42 : vector<16xi1>, vector<16xi32>
        %broadcast_in_dim3A_874 = vector.shape_cast %select_n3A_873 : vector<16xi32> to vector<16x1xi32>
        %gather3A_875 = vector.shape_cast %broadcast_in_dim3A_874 : vector<16x1xi32> to vector<16xi32>
        %gather3A_876 = tpu.dynamic_gather %add3A_866[%gather3A_875] in [0] : vector<16xf32>, vector<16xi32> -> vector<16xf32>
        %add3A_877 = arith.addf %add3A_866, %gather3A_876 : vector<16xf32>
        %lt3A_878 = arith.constant 0 : i32
        %lt3A_879 = vector.broadcast %lt3A_878 : i32 to vector<16xi32>
        %lt3A_880 = arith.cmpi slt, %and3A_46, %lt3A_879 : vector<16xi32>
        %add3A_881 = arith.constant 16 : i32
        %add3A_882 = vector.broadcast %add3A_881 : i32 to vector<16xi32>
        %add3A_883 = arith.addi %and3A_46, %add3A_882 : vector<16xi32>
        %select_n3A_884 = arith.select %lt3A_880, %add3A_883, %and3A_46 : vector<16xi1>, vector<16xi32>
        %broadcast_in_dim3A_885 = vector.shape_cast %select_n3A_884 : vector<16xi32> to vector<16x1xi32>
        %gather3A_886 = vector.shape_cast %broadcast_in_dim3A_885 : vector<16x1xi32> to vector<16xi32>
        %gather3A_887 = tpu.dynamic_gather %add3A_877[%gather3A_886] in [0] : vector<16xf32>, vector<16xi32> -> vector<16xf32>
        %lt3A_888 = arith.constant 0 : i32
        %lt3A_889 = vector.broadcast %lt3A_888 : i32 to vector<16xi32>
        %lt3A_890 = arith.cmpi slt, %or3A_44, %lt3A_889 : vector<16xi32>
        %add3A_891 = arith.constant 16 : i32
        %add3A_892 = vector.broadcast %add3A_891 : i32 to vector<16xi32>
        %add3A_893 = arith.addi %or3A_44, %add3A_892 : vector<16xi32>
        %select_n3A_894 = arith.select %lt3A_890, %add3A_893, %or3A_44 : vector<16xi1>, vector<16xi32>
        %broadcast_in_dim3A_895 = vector.shape_cast %select_n3A_894 : vector<16xi32> to vector<16x1xi32>
        %gather3A_896 = vector.shape_cast %broadcast_in_dim3A_895 : vector<16x1xi32> to vector<16xi32>
        %gather3A_897 = tpu.dynamic_gather %add3A_877[%gather3A_896] in [0] : vector<16xf32>, vector<16xi32> -> vector<16xf32>
        %eq3A_898 = vector.broadcast %add3A_612 : i32 to vector<16xi32>
        %eq3A_899 = arith.cmpi eq, %iota3A, %eq3A_898 : vector<16xi32>
        %select_n3A_900 = arith.select %eq3A_899, %gather3A_887, %select_n3A_607 : vector<16xi1>, vector<16xf32>
        %select_n3A_901 = arith.select %eq3A_899, %gather3A_897, %select_n3A_608 : vector<16xi1>, vector<16xf32>
        scf.yield %select_n3A_900, %select_n3A_901 : vector<16xf32>, vector<16xf32>
      }
      %scan3A_299 = arith.constant 8 : i32
      %add3A_300 = arith.addf %scan3A_298#0, %get3A_28 : vector<16xf32>
      %neg3A = arith.constant 0.000000e+00 : f32
      %neg3A_301 = vector.broadcast %neg3A : f32 to vector<16xf32>
      %neg3A_302 = arith.subf %neg3A_301, %add3A_300 : vector<16xf32>
      %exp3A = math.exp %neg3A_302 : vector<16xf32>
      %add3A_303 = arith.constant 1.000000e+00 : f32
      %add3A_304 = vector.broadcast %add3A_303 : f32 to vector<16xf32>
      %add3A_305 = arith.addf %add3A_304, %exp3A : vector<16xf32>
      %div3A = arith.constant 1.000000e+00 : f32
      %div3A_306 = vector.broadcast %div3A : f32 to vector<16xf32>
      %div3A_307 = arith.divf %div3A_306, %add3A_305 : vector<16xf32>
      %mul3A_308 = arith.mulf %div3A_307, %scan3A_298#1 : vector<16xf32>
      %mul3A_309 = arith.constant 16 : i32
      %mul3A_310 = arith.muli %scan3A_292, %mul3A_309 : i32
      %swap3A = arith.constant 1 : i32
      %swap3A_311 = arith.index_cast %swap3A : i32 to index
      %swap3A_312 = arith.index_cast %mul3A_310 : i32 to index
      %swap3A_313 = tpu.vector_load %arg18[%swap3A_311, %swap3A_312] {strides = array<i32>} : memref<3x80xf32, #tpu.memory_space<vmem>>, vector<1x16xf32>,
      %swap3A_314 = vector.shape_cast %swap3A_313 : vector<1x16xf32> to vector<16xf32>
      %swap3A_315 = vector.shape_cast %mul3A_308 : vector<16xf32> to vector<1x16xf32>
      tpu.vector_store %arg18[%swap3A_311, %swap3A_312], %swap3A_315 {strides = array<i32>} : memref<3x80xf32, #tpu.memory_space<vmem>>, vector<1x16xf32>,
      %scan3A_316 = arith.constant 0 : i32
      scf.yield %scan3A_316 : i32
    }
    %scan3A_255 = arith.constant 5 : i32
    %dma_start3A_256 = arith.constant 1 : i32
    %dma_start3A_257 = arith.constant 0 : i32
    %dma_start3A_258 = tpu.memref_slice %arg18[%dma_start3A_256, %dma_start3A_257] : memref<3x80xf32, #tpu.memory_space<vmem>> -> memref<1x80xf32, #tpu.memory_space<vmem>>
    %dma_start3A_259 = tpu.memref_squeeze %dma_start3A_258 : memref<1x80xf32, #tpu.memory_space<vmem>> -> memref<80xf32, #tpu.memory_space<vmem>>
    %dma_start3A_260 = tpu.memref_slice %arg10[%add3A_239] : memref<320000xf32, #tpu.memory_space<hbm>> -> memref<80xf32, #tpu.memory_space<hbm>>
    %dma_start3A_261 = tpu.memref_slice %arg10[%add3A_239] : memref<320000xf32, #tpu.memory_space<hbm>> -> memref<80xf32, #tpu.memory_space<hbm>>
    %dma_start3A_262 = arith.constant 0 : i32
    %dma_start3A_263 = tpu.memref_slice %arg18[%dma_start3A_256, %dma_start3A_262] : memref<3x80xf32, #tpu.memory_space<vmem>> -> memref<1x80xf32, #tpu.memory_space<vmem>>
    %dma_start3A_264 = tpu.memref_squeeze %dma_start3A_263 : memref<1x80xf32, #tpu.memory_space<vmem>> -> memref<80xf32, #tpu.memory_space<vmem>>
    tpu.enqueue_dma source(%dma_start3A_264 : memref<80xf32, #tpu.memory_space<vmem>>) target(%dma_start3A_261 : memref<80xf32, #tpu.memory_space<hbm>>) target_semaphore(%arg26 : memref<!tpu.dma_semaphore, #tpu.memory_space<semaphore_mem>>)
    %dma_wait3A_265 = arith.constant 2 : i32
    %dma_wait3A_266 = arith.constant 0 : i32
    %dma_wait3A_267 = tpu.memref_slice %arg18[%dma_wait3A_265, %dma_wait3A_266] : memref<3x80xf32, #tpu.memory_space<vmem>> -> memref<1x80xf32, #tpu.memory_space<vmem>>
    %dma_wait3A_268 = tpu.memref_squeeze %dma_wait3A_267 : memref<1x80xf32, #tpu.memory_space<vmem>> -> memref<80xf32, #tpu.memory_space<vmem>>
    %dma_wait3A_269 = tpu.memref_slice %arg10[%mul3A_2] : memref<320000xf32, #tpu.memory_space<hbm>> -> memref<80xf32, #tpu.memory_space<hbm>>
    %dma_wait3A_270 = tpu.memref_slice %arg10[%mul3A_2] : memref<320000xf32, #tpu.memory_space<hbm>> -> memref<80xf32, #tpu.memory_space<hbm>>
    %dma_wait3A_271 = arith.constant 0 : i32
    %dma_wait3A_272 = tpu.memref_slice %arg18[%dma_wait3A_265, %dma_wait3A_271] : memref<3x80xf32, #tpu.memory_space<vmem>> -> memref<1x80xf32, #tpu.memory_space<vmem>>
    %dma_wait3A_273 = tpu.memref_squeeze %dma_wait3A_272 : memref<1x80xf32, #tpu.memory_space<vmem>> -> memref<80xf32, #tpu.memory_space<vmem>>
    tpu.wait_dma2 semaphore(%arg27 : memref<!tpu.dma_semaphore, #tpu.memory_space<semaphore_mem>>) src(%dma_wait3A_273 : memref<80xf32, #tpu.memory_space<vmem>>) dst(%dma_wait3A_270 : memref<80xf32, #tpu.memory_space<hbm>>)
    %dma_wait3A_274 = arith.constant 0 : i32
    %dma_wait3A_275 = arith.constant 0 : i32
    %dma_wait3A_276 = tpu.memref_slice %arg18[%dma_wait3A_274, %dma_wait3A_275] : memref<3x80xf32, #tpu.memory_space<vmem>> -> memref<1x80xf32, #tpu.memory_space<vmem>>
    %dma_wait3A_277 = tpu.memref_squeeze %dma_wait3A_276 : memref<1x80xf32, #tpu.memory_space<vmem>> -> memref<80xf32, #tpu.memory_space<vmem>>
    %dma_wait3A_278 = tpu.memref_slice %arg10[%mul3A_2] : memref<320000xf32, #tpu.memory_space<hbm>> -> memref<80xf32, #tpu.memory_space<hbm>>
    %dma_wait3A_279 = tpu.memref_slice %arg10[%mul3A_2] : memref<320000xf32, #tpu.memory_space<hbm>> -> memref<80xf32, #tpu.memory_space<hbm>>
    %dma_wait3A_280 = arith.constant 0 : i32
    %dma_wait3A_281 = tpu.memref_slice %arg18[%dma_wait3A_274, %dma_wait3A_280] : memref<3x80xf32, #tpu.memory_space<vmem>> -> memref<1x80xf32, #tpu.memory_space<vmem>>
    %dma_wait3A_282 = tpu.memref_squeeze %dma_wait3A_281 : memref<1x80xf32, #tpu.memory_space<vmem>> -> memref<80xf32, #tpu.memory_space<vmem>>
    tpu.wait_dma2 semaphore(%arg25 : memref<!tpu.dma_semaphore, #tpu.memory_space<semaphore_mem>>) src(%dma_wait3A_282 : memref<80xf32, #tpu.memory_space<vmem>>) dst(%dma_wait3A_279 : memref<80xf32, #tpu.memory_space<hbm>>)
    %dma_wait3A_283 = arith.constant 1 : i32
    %dma_wait3A_284 = arith.constant 0 : i32
    %dma_wait3A_285 = tpu.memref_slice %arg18[%dma_wait3A_283, %dma_wait3A_284] : memref<3x80xf32, #tpu.memory_space<vmem>> -> memref<1x80xf32, #tpu.memory_space<vmem>>
    %dma_wait3A_286 = tpu.memref_squeeze %dma_wait3A_285 : memref<1x80xf32, #tpu.memory_space<vmem>> -> memref<80xf32, #tpu.memory_space<vmem>>
    %dma_wait3A_287 = tpu.memref_slice %arg10[%mul3A_2] : memref<320000xf32, #tpu.memory_space<hbm>> -> memref<80xf32, #tpu.memory_space<hbm>>
    %dma_wait3A_288 = tpu.memref_slice %arg10[%mul3A_2] : memref<320000xf32, #tpu.memory_space<hbm>> -> memref<80xf32, #tpu.memory_space<hbm>>
    %dma_wait3A_289 = arith.constant 0 : i32
    %dma_wait3A_290 = tpu.memref_slice %arg18[%dma_wait3A_283, %dma_wait3A_289] : memref<3x80xf32, #tpu.memory_space<vmem>> -> memref<1x80xf32, #tpu.memory_space<vmem>>
    %dma_wait3A_291 = tpu.memref_squeeze %dma_wait3A_290 : memref<1x80xf32, #tpu.memory_space<vmem>> -> memref<80xf32, #tpu.memory_space<vmem>>
    tpu.wait_dma2 semaphore(%arg26 : memref<!tpu.dma_semaphore, #tpu.memory_space<semaphore_mem>>) src(%dma_wait3A_291 : memref<80xf32, #tpu.memory_space<vmem>>) dst(%dma_wait3A_288 : memref<80xf32, #tpu.memory_space<hbm>>)
    return
  }
}

module attributes {stable_mosaic.version = 14 : i64} {
  func.func @_tab_body(%arg0: i32, %arg1: memref<1000x128xf32, #tpu.memory_space<vmem>>, %arg2: memref<1000x128xf32, #tpu.memory_space<vmem>>, %arg3: memref<1x128xf32, #tpu.memory_space<vmem>>, %arg4: memref<384x128xf32, #tpu.memory_space<vmem>>, %arg5: memref<1x128xf32, #tpu.memory_space<vmem>>, %arg6: memref<1000x128xf32, #tpu.memory_space<vmem>>, %arg7: memref<1000x128xf32, #tpu.memory_space<vmem>>, %arg8: memref<1000x128xf32, #tpu.memory_space<vmem>>, %arg9: memref<1000x128xf32, #tpu.memory_space<vmem>>) attributes {dimension_semantics = [#tpu.dimension_semantics<arbitrary>], iteration_bounds = array<i64: 10>, scalar_prefetch = 0 : i64, scratch_operands = 0 : i64, tpu.core_type = #tpu.core_type<tc>, window_params = [{transform_indices = @transform_0, window_bounds = array<i64: 1000, 128>}, {transform_indices = @transform_1, window_bounds = array<i64: 1000, 128>}, {pipeline_mode = #tpu.pipeline_mode<synchronous>, transform_indices = @transform_2, window_bounds = array<i64: 1, 128>}, {pipeline_mode = #tpu.pipeline_mode<synchronous>, transform_indices = @transform_3, window_bounds = array<i64: 384, 128>}, {pipeline_mode = #tpu.pipeline_mode<synchronous>, transform_indices = @transform_4, window_bounds = array<i64: 1, 128>}, {transform_indices = @transform_5, window_bounds = array<i64: 1000, 128>}, {transform_indices = @transform_6, window_bounds = array<i64: 1000, 128>}, {transform_indices = @transform_7, window_bounds = array<i64: 1000, 128>}, {transform_indices = @transform_8, window_bounds = array<i64: 1000, 128>}]} {
    %get3A = arith.constant 0 : index
    %get3A_0 = arith.constant 0 : index
    %get3A_1 = vector.load %arg4[%get3A, %get3A_0] : memref<384x128xf32, #tpu.memory_space<vmem>>, vector<128x128xf32>
    %get3A_2 = arith.constant 128 : index
    %get3A_3 = arith.constant 0 : index
    %get3A_4 = vector.load %arg4[%get3A_2, %get3A_3] : memref<384x128xf32, #tpu.memory_space<vmem>>, vector<128x128xf32>
    %get3A_5 = arith.constant 256 : index
    %get3A_6 = arith.constant 0 : index
    %get3A_7 = vector.load %arg4[%get3A_5, %get3A_6] : memref<384x128xf32, #tpu.memory_space<vmem>>, vector<128x128xf32>
    %get3A_8 = arith.constant 0 : index
    %get3A_9 = arith.constant 0 : index
    %get3A_10 = vector.load %arg3[%get3A_8, %get3A_9] : memref<1x128xf32, #tpu.memory_space<vmem>>, vector<1x128xf32>
    %dot_general3A = arith.constant dense<0.000000e+00> : vector<1x128xf32>
    %dot_general3A_11 = tpu.matmul %get3A_10, %get3A_7, %dot_general3A {dimension_numbers = #tpu.dot_dimension_numbers<[1], [0], [0], [1], [0, 0, 1, 1], [], []>, transpose_lhs_hint = false} : vector<1x128xf32>, vector<128x128xf32>, vector<1x128xf32> -> vector<1x128xf32>
    %get3A_12 = arith.constant 0 : index
    %get3A_13 = arith.constant 0 : index
    %get3A_14 = vector.load %arg5[%get3A_12, %get3A_13] : memref<1x128xf32, #tpu.memory_space<vmem>>, vector<1x128xf32>
    %add3A = arith.addf %dot_general3A_11, %get3A_14 : vector<1x128xf32>
    %get3A_15 = arith.constant 0 : index
    %get3A_16 = arith.constant 0 : index
    %get3A_17 = vector.load %arg1[%get3A_15, %get3A_16] : memref<1000x128xf32, #tpu.memory_space<vmem>>, vector<1000x128xf32>
    %get3A_18 = arith.constant 0 : index
    %get3A_19 = arith.constant 0 : index
    %get3A_20 = vector.load %arg2[%get3A_18, %get3A_19] : memref<1000x128xf32, #tpu.memory_space<vmem>>, vector<1000x128xf32>
    %dot_general3A_21 = arith.constant dense<0.000000e+00> : vector<1000x128xf32>
    %dot_general3A_22 = tpu.matmul %get3A_17, %get3A_1, %dot_general3A_21 {dimension_numbers = #tpu.dot_dimension_numbers<[1], [0], [0], [1], [0, 0, 1, 1], [], []>, transpose_lhs_hint = false} : vector<1000x128xf32>, vector<128x128xf32>, vector<1000x128xf32> -> vector<1000x128xf32>
    %add3A_23 = vector.broadcast %add3A : vector<1x128xf32> to vector<1000x128xf32>
    %add3A_24 = arith.addf %dot_general3A_22, %add3A_23 : vector<1000x128xf32>
    %swap3A = arith.constant 0 : index
    %swap3A_25 = arith.constant 0 : index
    %swap3A_26 = vector.load %arg6[%swap3A, %swap3A_25] : memref<1000x128xf32, #tpu.memory_space<vmem>>, vector<1000x128xf32>
    tpu.vector_store %arg6[%swap3A, %swap3A_25], %add3A_24 {strides = array<i32>} : memref<1000x128xf32, #tpu.memory_space<vmem>>, vector<1000x128xf32>,
    %dot_general3A_27 = arith.constant dense<0.000000e+00> : vector<1000x128xf32>
    %dot_general3A_28 = tpu.matmul %get3A_20, %get3A_4, %dot_general3A_27 {dimension_numbers = #tpu.dot_dimension_numbers<[1], [0], [0], [1], [0, 0, 1, 1], [], []>, transpose_lhs_hint = false} : vector<1000x128xf32>, vector<128x128xf32>, vector<1000x128xf32> -> vector<1000x128xf32>
    %swap3A_29 = arith.constant 0 : index
    %swap3A_30 = arith.constant 0 : index
    %swap3A_31 = vector.load %arg7[%swap3A_29, %swap3A_30] : memref<1000x128xf32, #tpu.memory_space<vmem>>, vector<1000x128xf32>
    tpu.vector_store %arg7[%swap3A_29, %swap3A_30], %dot_general3A_28 {strides = array<i32>} : memref<1000x128xf32, #tpu.memory_space<vmem>>, vector<1000x128xf32>,
    %mul3A = vector.broadcast %get3A_10 : vector<1x128xf32> to vector<1000x128xf32>
    %mul3A_32 = arith.mulf %get3A_17, %mul3A : vector<1000x128xf32>
    %swap3A_33 = arith.constant 0 : index
    %swap3A_34 = arith.constant 0 : index
    %swap3A_35 = vector.load %arg8[%swap3A_33, %swap3A_34] : memref<1000x128xf32, #tpu.memory_space<vmem>>, vector<1000x128xf32>
    tpu.vector_store %arg8[%swap3A_33, %swap3A_34], %mul3A_32 {strides = array<i32>} : memref<1000x128xf32, #tpu.memory_space<vmem>>, vector<1000x128xf32>,
    %swap3A_36 = arith.constant 0 : index
    %swap3A_37 = arith.constant 0 : index
    %swap3A_38 = vector.load %arg9[%swap3A_36, %swap3A_37] : memref<1000x128xf32, #tpu.memory_space<vmem>>, vector<1000x128xf32>
    tpu.vector_store %arg9[%swap3A_36, %swap3A_37], %get3A_20 {strides = array<i32>} : memref<1000x128xf32, #tpu.memory_space<vmem>>, vector<1000x128xf32>,
    return
  }
  func.func @transform_0(%arg0: i32) -> (i32, i32) {
    %c0_i32 = arith.constant 0 : i32
    %c0_i32_0 = arith.constant 0 : i32
    return %arg0, %c0_i32 : i32, i32
  }
  func.func @transform_1(%arg0: i32) -> (i32, i32) {
    %c0_i32 = arith.constant 0 : i32
    %c0_i32_0 = arith.constant 0 : i32
    return %arg0, %c0_i32 : i32, i32
  }
  func.func @transform_2(%arg0: i32) -> (i32, i32) {
    %c0_i32 = arith.constant 0 : i32
    %c0_i32_0 = arith.constant 0 : i32
    %c0_i32_1 = arith.constant 0 : i32
    return %c0_i32, %c0_i32_0 : i32, i32
  }
  func.func @transform_3(%arg0: i32) -> (i32, i32) {
    %c0_i32 = arith.constant 0 : i32
    %c0_i32_0 = arith.constant 0 : i32
    %c0_i32_1 = arith.constant 0 : i32
    return %c0_i32, %c0_i32_0 : i32, i32
  }
  func.func @transform_4(%arg0: i32) -> (i32, i32) {
    %c0_i32 = arith.constant 0 : i32
    %c0_i32_0 = arith.constant 0 : i32
    %c0_i32_1 = arith.constant 0 : i32
    return %c0_i32, %c0_i32_0 : i32, i32
  }
  func.func @transform_5(%arg0: i32) -> (i32, i32) {
    %c0_i32 = arith.constant 0 : i32
    %c0_i32_0 = arith.constant 0 : i32
    return %arg0, %c0_i32 : i32, i32
  }
  func.func @transform_6(%arg0: i32) -> (i32, i32) {
    %c0_i32 = arith.constant 0 : i32
    %c0_i32_0 = arith.constant 0 : i32
    return %arg0, %c0_i32 : i32, i32
  }
  func.func @transform_7(%arg0: i32) -> (i32, i32) {
    %c0_i32 = arith.constant 0 : i32
    %c0_i32_0 = arith.constant 0 : i32
    return %arg0, %c0_i32 : i32, i32
  }
  func.func @transform_8(%arg0: i32) -> (i32, i32) {
    %c0_i32 = arith.constant 0 : i32
    %c0_i32_0 = arith.constant 0 : i32
    return %arg0, %c0_i32 : i32, i32
  }
}

</mosaic_0001>

<sc_bundles>
// kernel: kernel.4.cloned.1.call-start
scs
__scs_entry_jumppad:
0x0: {  	(pc) =	sbr.rel $0x88, $3  }
0x1: {  	(tag) =	ssettag $0x0;
	lr =	simm.s32 $0x1  }
0x2: {  	[smem:$0x3F99] =	sst lr;
	_ =	strace $0xD0000000  }
0x3: {  	_ = 	snop  }
0x4: {  	_ = 	snop  }
0x5: {  	_ = 	snop  }
0x6: {  	_ = 	snop  }
0x7: {  	_ = 	snop  }
__scs_overlays_trampoline_lowered:
0x8: {  	[smem:$0x3FA8] =	sst s0  }
0x9: {  	[smem:$0x3FA9] =	sst s1  }
0xa: {  	[smem:$0x3FAA] =	sst s2  }
0xb: {  	[smem:$0x3FAB] =	sst s3  }
0xc: {  	[smem:$0x3FAC] =	sst s4  }
0xd: {  	[smem:$0x3FAD] =	sst s5  }
0xe: {  	[smem:$0x3FAE] =	sst s6  }
0xf: {  	[smem:$0x3FAF] =	sst s7  }
0x10: {  	[smem:$0x3FB0] =	sst s8  }
0x11: {  	[smem:$0x3FB1] =	sst s9;
	s0 =	simm.s32 @!p0 $0x0  }
0x12: {  	s1 =	sld [smem:$0x3F97];
	s0 =	simm.s32 @p0 $0x1  }
0x13: {  	[smem:$0x3FB2] =	sst s0;
	s0 =	simm.s32 @!p1 $0x0  }
0x14: {  	s2 =	sld [smem:$0x3F96];
	s0 =	simm.s32 @p1 $0x1  }
0x15: {  	[smem:$0x3FB3] =	sst s0;
	s0 =	simm.s32 @!p2 $0x0  }
0x16: {  	s3 =	sld [smem:$0x3FDB];
	s0 =	simm.s32 @p2 $0x1  }
0x17: {  	s4 =	simm.s32 $0x1BF5;
	[smem:$0x3FB5] =	sst s0  }
0x18: {  	s0 =	sld [smem:$0x3F98];
	_ =	swait.ge [sflag:s4], $0x0  }
0x19: {  	s7 =	sld [smem:$0x3F99]  }
0x1a: {  	s8 =	sadd.s32 $0xFFFFE003, lr  }
0x1b: {  	s9 =	sadd.s32 $0xFFFFFEF7, lr;
	s5 =	simm.s32 $0xFFFFFFFF;
	p2 =	slt.u32 s8, $0xFFFFF086  }
0x1c: {  	p1 =	slt.u32 s9, $0xF7A;
	s5 =	simm.s32 @!p2 $0x0  }
0x1d: {  	s5 =	simm.s32 @p1 $0x1;
	p0 =	seq.s32 s7, s2  }
0x1e: {  	s7 =	smul.u32 @!p0 $0xF7A, s2;
	p2 =	seq.s32 @!p0 s5, $0x0  }
0x1f: {  	s9 =	smul.u32 $0xF7A, s1;
	s8 =	simm.s32 @!p0 $0x1BF5;
	p2 =	por !p2, p0  }
0x20: {  	[sflag:s8] =	ssyncset.s32 @!p0 $0xFFFFF086;
	s6 =	sadd.s32 @!p0 s3, s7;
	s7 =	simm.s32 @!p0 $0x108  }
0x21: {  	s3 =	sadd.s32 s3, s9;
	s6 =	sadd.s32 @!p0 $0x88, s6;
	s7 =	simm.s32 @p2 $0x1082  }
0x22: {  	[simem:s7], [sflag:s8] =	dma.local @!p0 [hbm:s6], $0xF7A  }
0x23: {  	s9 =	sor.u32 $0xD0000000, s2;
	s6 =	simm.s32 $0x108;
	_ =	swait.ge @!p0 [sflag:s8], $0x0  }
0x24: {  	s3 =	sadd.s32 $0x88, s3;
	s6 =	simm.s32 @!p1 $0x1082;
	[sflag:s4] =	ssyncset.s32 $0xFFFFF086  }
0x25: {  	[simem:s6], [sflag:s4] =	dma.local [hbm:s3], $0xF7A  }
0x26: {  	[smem:$0x3F99] =	sst s1;
	(tag) =	ssettag s2;
	_ =	strace s9  }
0x27: {  	s1 =	sld [smem:$0x3FA9]  }
0x28: {  	s2 =	sld [smem:$0x3FAA]  }
0x29: {  	s4 =	sld [smem:$0x3FAC]  }
0x2a: {  	p0 =	seq.s32 s5, $0x0;
	s5 =	sld [smem:$0x3FAD]  }
0x2b: {  	s6 =	sld [smem:$0x3FAE]  }
0x2c: {  	s7 =	sld [smem:$0x3FAF]  }
0x2d: {  	s3 =	simm.s32 $0x108;
	s8 =	sld [smem:$0x3FB0]  }
0x2e: {  	s3 =	simm.s32 @!p0 $0x1082;
	s9 =	sld [smem:$0x3FB1]  }
0x2f: {  	lr =	sadd.s32 s0, s3;
	s0 =	sld [smem:$0x3FA8]  }
0x30: {  	s3 =	sld [smem:$0x3FAB]  }
0x31: {  	[smem:$0x3FB4] =	sst s10  }
0x32: {  	s10 =	sld [smem:$0x3FB2];
	_ =	sdelay $0x3  }
0x33: {  	p0 =	seq.s32 s10, $0x1;
	s10 =	sld [smem:$0x3FB4];
	_ =	sdelay $0x3  }
0x34: {  	[smem:$0x3FB4] =	sst s10  }
0x35: {  	s10 =	sld [smem:$0x3FB3];
	_ =	sdelay $0x3  }
0x36: {  	p1 =	seq.s32 s10, $0x1;
	s10 =	sld [smem:$0x3FB4];
	_ =	sdelay $0x3  }
0x37: {  	[smem:$0x3FB4] =	sst s10  }
0x38: {  	s10 =	sld [smem:$0x3FB5]  }
0x39: {  	_ = 	snop;
	(pc) =	sbr.ind lr, $3  }
0x3a: {  	_ = 	snop  }
0x3b: {  	_ = 	snop  }
0x3c: {  	p2 =	seq.s32 s10, $0x1;
	s10 =	sld [smem:$0x3FB4]  }
0x3d: {  	_ =	shalt  }
0x3e: {  	_ =	shalt  }
0x3f: {  	_ =	shalt  }
0x40: {  	_ =	shalt  }
0x41: {  	_ =	shalt  }
0x42: {  	_ =	shalt  }
0x43: {  	_ =	shalt  }
0x44: {  	_ =	shalt  }
0x45: {  	_ =	shalt  }
0x46: {  	_ =	shalt  }
0x47: {  	_ =	shalt  }
0x48: {  	_ =	shalt  }
0x49: {  	_ =	shalt  }
0x4a: {  	_ =	shalt  }
0x4b: {  	_ =	shalt  }
0x4c: {  	_ =	shalt  }
0x4d: {  	_ =	shalt  }
0x4e: {  	_ =	shalt  }
0x4f: {  	_ =	shalt  }
0x50: {  	_ =	shalt  }
0x51: {  	_ =	shalt  }
0x52: {  	_ =	shalt  }
0x53: {  	_ =	shalt  }
0x54: {  	_ =	shalt  }
0x55: {  	_ =	shalt  }
0x56: {  	_ =	shalt  }
0x57: {  	_ =	shalt  }
0x58: {  	_ =	shalt  }
0x59: {  	_ =	shalt  }
0x5a: {  	_ =	shalt  }
0x5b: {  	_ =	shalt  }
0x5c: {  	_ =	shalt  }
0x5d: {  	_ =	shalt  }
0x5e: {  	_ =	shalt  }
0x5f: {  	_ =	shalt  }
0x60: {  	_ =	shalt  }
0x61: {  	_ =	shalt  }
0x62: {  	_ =	shalt  }
0x63: {  	_ =	shalt  }
0x64: {  	_ =	shalt  }
0x65: {  	_ =	shalt  }
0x66: {  	_ =	shalt  }
0x67: {  	_ =	shalt  }
0x68: {  	_ =	shalt  }
0x69: {  	_ =	shalt  }
0x6a: {  	_ =	shalt  }
0x6b: {  	_ =	shalt  }
0x6c: {  	_ =	shalt  }
0x6d: {  	_ =	shalt  }
0x6e: {  	_ =	shalt  }
0x6f: {  	_ =	shalt  }
0x70: {  	_ =	shalt  }
0x71: {  	_ =	shalt  }
0x72: {  	_ =	shalt  }
0x73: {  	_ =	shalt  }
0x74: {  	_ =	shalt  }
0x75: {  	_ =	shalt  }
0x76: {  	_ =	shalt  }
0x77: {  	_ =	shalt  }
0x78: {  	_ =	shalt  }
0x79: {  	_ =	shalt  }
0x7a: {  	_ =	shalt  }
0x7b: {  	_ =	shalt  }
0x7c: {  	_ =	shalt  }
0x7d: {  	_ =	shalt  }
0x7e: {  	_ =	shalt  }
0x7f: {  	_ =	shalt  }
0x80: {  	_ =	shalt  }
0x81: {  	_ =	shalt  }
0x82: {  	_ =	shalt  }
0x83: {  	_ =	shalt  }
0x84: {  	_ =	shalt  }
0x85: {  	_ =	shalt  }
0x86: {  	_ =	shalt  }
0x87: {  	_ =	shalt  }
.Lfunc_end0:
.L_simem_size_0:
called_computation_lowered:
.L_overlay_start_0:
0x88: {  	s2 =	sld [smem:$0x3FD9]  }
0x89: {  	s3 =	sld [smem:$0x3FFE];
	_ =	sdelay $0x1  }
0x8a: {  	s1 =	srdreg.scid  }
0x8b: {  	s0 =	sand.u32 $0x1, s1  }
0x8c: {  	s17 =	sshll.u32 s0, $0xA;
	s2 =	sadd.s32 s3, s2  }
0x8d: {  	s2 =	sadd.s32 s2, s17  }
0x8e: {  	[smem:$0x3FC0] =	sst s2  }
0x8f: {  	_ = 	snop  }
0x90: {  	s2 =	sld [smem:$0x3FC3]  }
0x91: {  	s18 =	sld [smem:$0x3FD0];
	(tm) =	ssettm $0x1  }
0x92: {  	s4 =	sld [smem:$0x3FFB];
	_ =	sdelay $0x3  }
0x93: {  	_ =	strace s4  }
0x94: {  	s4 =	sld [smem:$0x3FFC];
	_ =	sdelay $0x3  }
0x95: {  	_ =	strace s4  }
0x96: {  	s4 =	sld [smem:$0x3FFD];
	_ =	sdelay $0x3  }
0x97: {  	_ =	strace s4  }
0x98: {  	_ =	strace $0x8FFFFFFF  }
0x99: {  	s19 =	sld [smem:$0x3FDB];
	_ =	sdelay $0x1  }
0x9a: {  	s5 =	simm.s32 $_scs_section_size  }
0x9b: {  	s6 =	simm.s32 $_size__tile_overlayer_lowered;
	s7 =	simm.s32 $_tile_overlayer_lowered  }
0x9c: {  	s22 =	simm.s32 $0x1BFF;
	s21 =	sshll.u32 s7, $0x1;
	s4 =	sadd.s32 s5, s19  }
0x9d: {  	s8 =	simm.s32 $0x0;
	s20 =	sshll.u32 s6, $0x1;
	s6 =	sadd.s32 s21, s4  }
0x9e: {  	[timem:s8], [sflag:s22] =	dma.local [hbm:s6], s20  }
0x9f: {  	_ =	swait.ge [sflag:s22], s20  }
0xa0: {  	s5 =	ssub.s32 $0x0, s20;
	[sflag:s22] =	ssyncset.done $0x0  }
0xa1: {  	[sflag:s22] =	ssyncadd.s32 s5;
	_ =	sdelay $0x1  }
0xa2: {  	s23 =	simm.s32 $0x1B8B  }
0xa3: {  	_ =	swait.ge [sflag:s23], $0x1  }
0xa4: {  	[sflag:s23] =	ssyncset.done $0x0  }
0xa5: {  	s25 =	simm.s32 $0x1B8E;
	s24 =	sld [smem:$0x3FFE];
	[sflag:s23] =	ssyncadd.s32 $0xFFFFFFFF  }
0xa6: {  	s26 =	simm.s32 $execute0_lowered;
	[smem:$0x3FD2] =	sst s25  }
0xa7: {  	s6 =	sshll.u32 s26, $0x1;
	_ =	strace $0x80000046;
	[dreg:$0x1] =	wrdreg $0xFFFFFFFF  }
0xa8: {  	s28 =	simm.s32 $_size_execute0_lowered;
	s4 =	sadd.s32 s4, s6;
	[dreg:$0x0] =	wrdreg $0x0  }
0xa9: {  	s6 =	sshll.u32 s28, $0x1;
	[dreg:$0x2] =	wrdreg s4  }
0xaa: {  	[dreg:$0x3] =	wrdreg s6  }
0xab: {  	[dreg:$0x4] =	wrdreg $0xC0  }
0xac: {  	_ =	task [dreg:s8], $0x5FFFF  }
0xad: {  	[dreg:$0x1] =	wrdreg $0xFFFFFFFF  }
0xae: {  	[dreg:$0x0] =	wrdreg $0x60  }
0xaf: {  	[dreg:$0x2] =	wrdreg s24  }
0xb0: {  	[dreg:$0x3] =	wrdreg s2  }
0xb1: {  	[dreg:$0x4] =	wrdreg s18  }
0xb2: {  	[dreg:$0x5] =	wrdreg $0x9  }
0xb3: {  	_ =	task.clear_ibuf [dreg:s8], $0x6FFFF;
	_ =	strace $0x90000046  }
0xb4: {  	s29 =	simm.s32 $0x9;
	_ =	strace $0x80000048  }
0xb5: {  	_ =	swait.ge [sflag:s29], $0x1  }
0xb6: {  	[sflag:s29] =	ssyncadd.s32 $0xFFFFFFFF  }
0xb7: {  	_ =	strace $0x90000048  }
0xb8: {  	_ =	sfence  }
0xb9: {  	s30 =	sld [smem:$0x0];
	_ =	sdelay $0x2  }
0xba: {  	s31 =	sshll.u32 s1, $0xD;
	s1 =	sshrl.u32 s1, $0x2  }
0xbb: {  	s3 =	sand.u32 $0x4000, s31;
	s1 =	sadd.s32 s1, s30  }
0xbc: {  	s0 =	sor.u32 s3, s0;
	s1 =	sshll.u32 s1, $0x11  }
0xbd: {  	s0 =	sor.u32 s1, s0  }
0xbe: {  	s0 =	sadd.s32 $0x8F2B, s0  }
0xbf: {  	[sflag:s0] =	ssyncadd.remote.s32 $0x1  }
0xc0: {  	_ =	sfence.sel $0xFFFF  }
0xc1: {  	[dreg:$0x0] =	wrdreg $0xFFFFFFFF;
	(pc) =	sbr.abs _section_cstart, $3  }
0xc2: {  	[dreg:$0x1] =	wrdreg $0xFFFFFFFF  }
0xc3: {  	_ =	task.clear_ibuf [dreg:s8], $0x2FFFF;
	_ =	strace $0x9FFFFFFF  }
0xc4: {  	(tm) =	ssettm $0x7FFFFFFF  }
0xc5: {  	_ =	shalt  }
tec
execute0_lowered:
.L_overlay_start_1:
0x0: {  	(tag) =	ssettag $0x1  }
0x1: {  	s0 =	srdreg.scid;
	s1 =	rddreg [dreg:$0x0]  }
0x2: {  	s2 =	stileid.u32;
	s3 =	rddreg [dreg:$0x2]  }
0x3: {  	s5 =	simm.s32 $0x0;
	v0 =	vimm.s32 $0xFEDCBA98;
	v1 =	vimm.s32 $0x76543210;
	s19 =	simm.s32 $0x50;
	s31 =	simm.s32 $0x4F00  }
0x4: {  	v2 =	vimm.s32 $0xBA98FEDC;
	v3 =	vimm.s32 $0x32107654;
	s0 =	sand.u32 $0x1, s0;
	s2 =	sshll.u32 s2, $0x1;
	[smem:$0x7FF] =	sst s5  }
0x5: {  	v4 =	vimm.s32 $0xDCFE98BA;
	v5 =	vimm.s32 $0x54761032;
	s6 =	sadd.s32 $0x14800, s1;
	s2 =	sor.u32 s0, s2;
	s0 =	ssub.s32 $0x2, s0  }
0x6: {  	v6 =	vimm.s32 $0xEFCDAB89;
	v7 =	vimm.s32 $0x67452301;
	s7 =	sadd.s32 $0x3BA00, s1;
	v0 =	vunpack.c.l.s4.s8 v0;
	s4 =	smul.u32 $0x2710, s2;
	s26 =	sshrl.u32 s0, $0x1  }
0x7: {  	s8 =	sadd.s32 $0x62C00, s1;
	s9 =	sadd.s32 $0x89E00, s1;
	v1 =	vunpack.c.l.s4.s8 v1;
	v2 =	vunpack.c.l.s4.s8 v2;
	v3 =	vunpack.c.l.s4.s8 v3;
	s0 =	ssub.s32 s0, s26  }
0x8: {  	v4 =	vunpack.c.l.s4.s8 v4;
	v5 =	vunpack.c.l.s4.s8 v5;
	v6 =	vunpack.c.l.s4.s8 v6;
	_ =	strace $0x80000047;
	s2 =	sshrl.u32 s4, $0x3;
	s0 =	smax.u32 s0, $0x1  }
0x9: {  	v7 =	vunpack.c.l.s4.s8 v7;
	v0 =	vunpack.c.0.s8.s32 v0;
	v2 =	vunpack.c.0.s8.s32 v2;
	s10 =	sadd.s32 s2, s1;
	s1 =	sadd.s32 $0xB1000, s1;
	[dreg:$0x9] =	wrdreg s0  }
0xa: {  	s22 =	simm.s32 $0x7700;
	v3 =	vunpack.c.0.s8.s32 v3;
	v4 =	vunpack.c.0.s8.s32 v4;
	v5 =	vunpack.c.0.s8.s32 v5;
	[dreg:$0x4] =	wrdreg s1;
	s11 =	sadd.s32 $0xAA00, s10  }
0xb: {  	v1 =	vunpack.c.0.s8.s32 v1;
	v6 =	vunpack.c.0.s8.s32 v6;
	v7 =	vunpack.c.0.s8.s32 v7;
	s2 =	sadd.s32 s3, s2;
	s10 =	sadd.s32 $0xC00, s10;
	[dreg:$0x5] =	wrdreg s11  }
0xc: {  	s29 =	simm.s32 $0x1;
	v2 =	vcombine.low v3, v2;
	v0 =	vand.u32 $0xF, v0;
	v3 =	vcombine.low v5, v4;
	s28 =	sadd.s32 $0x4CE, s2;
	[dreg:$0x6] =	wrdreg s10  }
0xd: {  	s30 =	simm.s32 $0x2;
	vm0 =	vmmov $0xff;
	v4 =	vcombine.low v7, v6;
	v0 =	vcombine.low v0, v1;
	s2 =	sadd.s32 $0x4D8, s2;
	[dreg:$0x7] =	wrdreg s28  }
0xe: {  	s17 =	simm.s32 $0x3;
	s26 =	simm.s32 $0x5;
	v1 =	vand.u32 $0xF, v2;
	v2 =	vand.u32 $0xF, v3;
	v3 =	vlaneseq.u32;
	[dreg:$0x8] =	wrdreg s2  }
0xf: {  	v4 =	vand.u32 $0xF, v4;
	s2 =	simm.s32 $0x4;
	s11 =	simm.s32 $0x6;
	v5 =	vand.u32 $0x7, v3;
	v6 =	vor.u32 $0x8, v3;
	s10 =	simm.s32 $0x0  }
.LBB2_1:
0x10: {  	[dreg:$0xa] =	wrdreg s10  }
0x11: {  	s0 =	rddreg [dreg:$0x1];
	s1 =	simm.s32 $0x1B700;
	s13 =	simm.s32 $0xA  }
0x12: {  	[tilespmem:s1], [sflag:$0xA] =	stream.linear.gather [hbm4b:s0+s5], $0x80, $0x38;
	[tilespmem:$0x1BA00] =	vst v63  }
0x13: {  	_ =	swait.ge [sflag:s13], $0x80  }
0x14: {  	[sflag:s13] =	ssyncset.done $0x0  }
0x15: {  	s15 =	simm.s32 $0x1B780;
	s14 =	rddreg [dreg:$0x4];
	[sflag:s13] =	ssyncadd.s32 $0xFFFFFF80  }
0x16: {  	[tilespmem:s15], [sflag:$0xA] =	stream.linear.gather [hbm4b:s14+s5], $0x80, $0x38;
	[tilespmem:$0x1BA00] =	vst v63  }
0x17: {  	_ =	swait.ge [sflag:s13], $0x80  }
0x18: {  	[sflag:s13] =	ssyncset.done $0x0  }
0x19: {  	s16 =	rddreg [dreg:$0x5];
	[sflag:s13] =	ssyncadd.s32 $0xFFFFFF80  }
0x1a: {  	[tilespmem:s5], [sflag:$0xA] =	stream.linear.gather [hbm4b:s16+s5], $0x2710, $0x38;
	[tilespmem:$0x1BA00] =	vst v63  }
0x1b: {  	_ =	swait.ge [sflag:s13], $0x2710  }
0x1c: {  	[sflag:s13] =	ssyncset.done $0x0  }
0x1d: {  	s20 =	simm.s32 $0x2780;
	s18 =	rddreg [dreg:$0x6];
	[sflag:s13] =	ssyncadd.s32 $0xFFFFD8F0  }
0x1e: {  	[tilespmem:s20], [sflag:$0xA] =	stream.linear.gather [hbm4b:s18+s5], $0x2710, $0x38;
	[tilespmem:$0x1BA00] =	vst v63  }
0x1f: {  	_ =	swait.ge [sflag:s13], $0x2710  }
0x20: {  	[sflag:s13] =	ssyncset.done $0x0  }
0x21: {  	[sflag:s13] =	ssyncadd.s32 $0xFFFFD8F0  }
0x22: {  	v7 =	vld [tilespmem:$0x1B700]  }
0x23: {  	v8 =	vld [tilespmem:$0x1B710]  }
0x24: {  	v9 =	vld [tilespmem:$0x1B720]  }
0x25: {  	v10 =	vld [tilespmem:$0x1B730]  }
0x26: {  	v11 =	vld [tilespmem:$0x1B740]  }
0x27: {  	v12 =	vld [tilespmem:$0x1B750]  }
0x28: {  	v13 =	vld [tilespmem:$0x1B760]  }
0x29: {  	v14 =	vld [tilespmem:$0x1B770]  }
0x2a: {  	v15 =	vld [tilespmem:$0x1B780];
	[tilespmem:s31], [sflag:$0x1] =	stream.indirect.gather [hbm4b:s6+s19], $0x80, s5, s19, $0xb8  }
0x2b: {  	s21 =	simm.s32 $0xC700  }
0x2c: {  	[tilespmem:s21], [sflag:$0x1] =	stream.indirect.gather [hbm4b:s8+s19], $0x80, s5, s19, $0xb8;
	[tilespmem:$0x1BA00] =	vst v63  }
0x2d: {  	s23 =	simm.s32 $0x13F00  }
0x2e: {  	[tilespmem:s23], [sflag:$0x1] =	stream.indirect.gather [hbm4b:s9+s19], $0x80, s20, s19, $0xb8;
	[tilespmem:$0x1BA00] =	vst v63  }
0x2f: {  	_ = 	snop  }
0x30: {  	[tilespmem:s22], [sflag:$0x2] =	stream.indirect.gather [hbm4b:s6+s19], $0x80, s19, s19, $0xb8;
	[tilespmem:$0x1BA00] =	vst v63  }
0x31: {  	s24 =	simm.s32 $0xEF00  }
0x32: {  	[tilespmem:s24], [sflag:$0x2] =	stream.indirect.gather [hbm4b:s8+s19], $0x80, s19, s19, $0xb8;
	[tilespmem:$0x1BA00] =	vst v63  }
0x33: {  	s25 =	simm.s32 $0x27D0;
	s28 =	simm.s32 $0x16700  }
0x34: {  	[tilespmem:s28], [sflag:$0x2] =	stream.indirect.gather [hbm4b:s9+s19], $0x80, s25, s19, $0xb8;
	[tilespmem:$0x1BA00] =	vst v63  }
0x35: {  	_ =	swait.ge [sflag:s29], $0x2800  }
0x36: {  	[sflag:s29] =	ssyncset.done $0x0  }
0x37: {  	[sflag:s29] =	ssyncadd.s32 $0xFFFFD800  }
0x38: {  	_ =	swait.ge [sflag:s29], $0x2800  }
0x39: {  	[sflag:s29] =	ssyncset.done $0x0  }
0x3a: {  	[sflag:s29] =	ssyncadd.s32 $0xFFFFD800  }
0x3b: {  	_ =	swait.ge [sflag:s29], $0x2800  }
0x3c: {  	[sflag:s29] =	ssyncset.done $0x0  }
0x3d: {  	s21 =	simm.s32 $0x0;
	[sflag:s29] =	ssyncadd.s32 $0xFFFFD800  }
0x3e: {  	[tilespmem:s31], [sflag:$0x4] =	stream.indirect.gather.add.f32 [hbm:s7], $0x80, s20, s19, $0xb8;
	[tilespmem:$0x1BA00] =	vst v63  }
.LBB2_2:
0x3f: {  	_ =	swait.ge [sflag:s30], $0x2800  }
0x40: {  	[sflag:s30] =	ssyncset.done $0x0  }
0x41: {  	[sflag:s30] =	ssyncadd.s32 $0xFFFFD800  }
0x42: {  	_ =	swait.ge [sflag:s30], $0x2800  }
0x43: {  	[sflag:s30] =	ssyncset.done $0x0  }
0x44: {  	[sflag:s30] =	ssyncadd.s32 $0xFFFFD800  }
0x45: {  	s14 =	smul.u32 $0xF0, s21;
	_ =	swait.ge [sflag:s30], $0x2800  }
0x46: {  	[sflag:s30] =	ssyncset.done $0x0  }
0x47: {  	s0 =	sadd.s32 $0x27D0, s14;
	[sflag:s30] =	ssyncadd.s32 $0xFFFFD800  }
0x48: {  	[tilespmem:s22], [sflag:$0x5] =	stream.indirect.gather.add.f32 [hbm:s7], $0x80, s0, s19, $0xb8;
	[tilespmem:$0x1BA00] =	vst v63  }
0x49: {  	s24 =	simm.s32 $0x9F00;
	s13 =	sadd.s32 $0xA0, s14  }
0x4a: {  	[tilespmem:s24], [sflag:$0x3] =	stream.indirect.gather [hbm4b:s6+s19], $0x80, s13, s19, $0xb8;
	[tilespmem:$0x1BA00] =	vst v63  }
0x4b: {  	s25 =	simm.s32 $0x11700  }
0x4c: {  	[tilespmem:s25], [sflag:$0x3] =	stream.indirect.gather [hbm4b:s8+s19], $0x80, s13, s19, $0xb8;
	[tilespmem:$0x1BA00] =	vst v63  }
0x4d: {  	s28 =	simm.s32 $0x18F00;
	s18 =	sadd.s32 $0x2820, s14  }
0x4e: {  	[tilespmem:s28], [sflag:$0x3] =	stream.indirect.gather [hbm4b:s9+s19], $0x80, s18, s19, $0xb8;
	[tilespmem:$0x1BA00] =	vst v63  }
0x4f: {  	_ =	swait.ge [sflag:s2], $0x2800  }
0x50: {  	p0 =	seq.s32 s21, $0x0;
	[sflag:s2] =	ssyncset.done $0x0  }
0x51: {  	s0 =	simm.s32 @!p0 $0x7;
	[sflag:s2] =	ssyncadd.s32 $0xFFFFD800  }
0x52: {  	s10 =	simm.s32 $0x13F80;
	s31 =	simm.s32 $0x4F80;
	_ =	swait.ge @!p0 [sflag:s0], $0x50  }
0x53: {  	s16 =	sadd.s32 $0x50, s14;
	s1 =	sadd.s32 s4, s14;
	[sflag:s0] =	ssyncset.done @!p0 $0x0  }
0x54: {  	s22 =	simm.s32 $0xC780;
	[sflag:s0] =	ssyncadd.s32 @!p0 $0xFFFFFFB0;
	s0 =	simm.s32 $0x0  }
.LBB2_3:
0x55: {  	v19 =	vld [tilespmem:s22+$0xFFFFFF90]  }
0x56: {  	v17 =	vld [tilespmem:s31+$0x50]  }
0x57: {  	v16 =	vld [tilespmem:s22+$0xFFFFFFB0]  }
0x58: {  	v18 =	vld [tilespmem:s10+$0xFFFFFFB0]  }
0x59: {  	v21 =	vld [tilespmem:s22+$0x40]  }
0x5a: {  	v22 =	vld [tilespmem:s22+$0x30]  }
0x5b: {  	v23 =	vld [tilespmem:s10+$0x40]  }
0x5c: {  	v25 =	vld [tilespmem:s31+$0x30]  }
0x5d: {  	v26 =	vld [tilespmem:s31+$0xFFFFFFB0]  }
0x5e: {  	v24 =	vld [tilespmem:s10+$0x30]  }
0x5f: {  	v20 =	vld [tilespmem:s22+$0x20]  }
0x60: {  	v27 =	vld [tilespmem:s10+$0x20]  }
0x61: {  	v28 =	vld [tilespmem:s10+$0x10]  }
0x62: {  	v29 =	vld [tilespmem:s10+$0x0]  }
0x63: {  	v30 =	vld [tilespmem:s22+$0x10]  }
0x64: {  	v31 =	vld [tilespmem:s31+$0xFFFFFFA0]  }
0x65: {  	v32 =	vld [tilespmem:s22+$0x0]  }
0x66: {  	v33 =	vld [tilespmem:s22+$0xFFFFFFA0]  }
0x67: {  	v34 =	vld [tilespmem:s31+$0x20]  }
0x68: {  	v35 =	vld [tilespmem:s10+$0xFFFFFFA0]  }
0x69: {  	v36 =	vld [tilespmem:s22+$0xFFFFFF80]  }
0x6a: {  	v37 =	vld [tilespmem:s31+$0x0]  }
0x6b: {  	v38 =	vld [tilespmem:s10+$0xFFFFFF80]  }
0x6c: {  	v41 =	vld [tilespmem:s31+$0x10]  }
0x6d: {  	v47 =	vld [tilespmem:s10+$0x70]  }
0x6e: {  	v45 =	vld [tilespmem:s31+$0xFFFFFFC0]  }
0x6f: {  	v49 =	vld [tilespmem:s22+$0x70];
	v43 =	vmul.f32 $2.000000030e-01, v17;
	v18 =	vmul.f32 v18, v16  }
0x70: {  	v39 =	vld [tilespmem:s31+$0xFFFFFF90];
	v44 =	vmul.f32 v27, v20;
	v27 =	vmul.f32 v28, v30  }
0x71: {  	v40 =	vld [tilespmem:s31+$0xFFFFFF80];
	v28 =	vmul.f32 v29, v32;
	v29 =	vmul.f32 $2.000000030e-01, v34  }
0x72: {  	v63 =	vld [tilespmem:s31+$0xFFFFFFD0];
	v20 =	vmul.f32 v35, v33;
	v60 =	vmul.f32 $2.000000030e-01, v26  }
0x73: {  	v56 =	vld [tilespmem:s31+$0xFFFFFFE0];
	v62 =	vmul.f32 $2.000000030e-01, v37;
	v57 =	vmul.f32 $2.000000030e-01, v41  }
0x74: {  	v42 =	vld [tilespmem:s10+$0xFFFFFF90];
	v48 =	vmul.f32 $2.000000030e-01, v45;
	v32 =	vmul.f32 v47, v49;
	v17 =	vmax.f32 v17, v43  }
0x75: {  	v59 =	vld [tilespmem:s22+$0xFFFFFFC0];
	v43 =	vmul.f32 v24, v22;
	v46 =	vadd.f32 v27, v28;
	v28 =	vmul.f32 $2.000000030e-01, v25  }
0x76: {  	v61 =	vld [tilespmem:s22+$0xFFFFFFD0];
	v29 =	vmax.f32 v34, v29;
	v22 =	vmul.f32 v23, v21;
	v21 =	vmul.f32 $2.000000030e-01, v39  }
0x77: {  	v58 =	vld [tilespmem:s10+$0xFFFFFFE0];
	v23 =	vmax.f32 v26, v60;
	v27 =	vmul.f32 v38, v36;
	v26 =	vmul.f32 $2.000000030e-01, v40  }
0x78: {  	v30 =	vld [tilespmem:s10+$0xFFFFFFC0];
	v60 =	vmul.f32 $2.000000030e-01, v56;
	v37 =	vmax.f32 v37, v62;
	v62 =	vmul.f32 $2.000000030e-01, v63  }
0x79: {  	v52 =	vld [tilespmem:s22+$0x60];
	v16 =	vimm.f32 $0.0e+00;
	v24 =	vmul.f32 v29, v9;
	v38 =	vmul.f32 v23, v10  }
0x7a: {  	v29 =	vld [tilespmem:s10+$0xFFFFFFD0];
	v51 =	vmul.f32 v37, v7;
	v25 =	vmax.f32 v25, v28;
	v21 =	vmax.f32 v39, v21  }
0x7b: {  	v28 =	vld [tilespmem:s31+$0x40];
	v39 =	vmax.f32 v41, v57;
	v23 =	vmul.f32 v25, v10;
	v25 =	vmul.f32 $2.000000030e-01, v31  }
0x7c: {  	v40 =	vmax.f32 v40, v26;
	v21 =	vmul.f32 v21, v8;
	v41 =	vmul.f32 v39, v8;
	v39 =	vld [tilespmem:s31+$0xFFFFFFF0]  }
0x7d: {  	v40 =	vmul.f32 v40, v7;
	v31 =	vmax.f32 v31, v25;
	v25 =	vmul.f32 v30, v59;
	v30 =	vld [tilespmem:s22+$0xFFFFFFE0]  }
0x7e: {  	v46 =	vadd.f32 v44, v46;
	v50 =	vmax.f32 v56, v60;
	v59 =	vmul.f32 v31, v9;
	v31 =	vld [tilespmem:s31+$0x70]  }
0x7f: {  	v63 =	vmax.f32 v63, v62;
	v21 =	vadd.f32 v21, v40;
	v26 =	vmul.f32 v29, v61;
	v61 =	vld [tilespmem:s10+$0x60]  }
0x80: {  	v35 =	vld [tilespmem:s10+$0xFFFFFFF0];
	v44 =	vmul.f32 v42, v19;
	v33 =	vmul.f32 v50, v13;
	v29 =	vmax.f32 v45, v48  }
0x81: {  	v37 =	vld [tilespmem:s22+$0xFFFFFFF0];
	v40 =	vmul.f32 v63, v12;
	v34 =	vmul.f32 v29, v11;
	v19 =	vadd.f32 v59, v21  }
0x82: {  	v42 =	vld [tilespmem:s10+$0x50];
	v36 =	vmul.f32 $2.000000030e-01, v28;
	v29 =	vmul.f32 v58, v30;
	v30 =	vadd.f32 v43, v46  }
0x83: {  	s28 =	simm.s32 $0x2;
	s15 =	sadd.s32 $0x100, s22;
	v45 =	vmul.f32 $2.000000030e-01, v39;
	v46 =	vadd.f32 v41, v51;
	v43 =	vld [tilespmem:s22+$0x50];
	v47 =	vadd.f32 v38, v19  }
0x84: {  	s12 =	smov.u32 s10;
	s23 =	smov.u32 s31;
	s25 =	simm.s32 $0x0;
	v41 =	vld [tilespmem:s31+$0x60];
	v19 =	vimm.f32 $0.0e+00;
	v38 =	vmul.f32 v61, v52;
	v48 =	vmul.f32 $2.000000030e-01, v31  }
.LBB2_4:
0x85: {  	v21 =	vld [tilespmem:s15+$0xFFFFFF90];
	p1 =	sne.s32 s28, $0xE;
	v27 =	vadd.f32 v44, v27;
	v39 =	vmax.f32 v39, v45;
	v24 =	vadd.f32 v24, v46;
	s12 =	sadd.s32 $0x100, s12;
	s23 =	sadd.s32 $0x100, s23  }
0x86: {  	s20 =	smov.u32 s28;
	s28 =	sadd.s32 $0x2, s28;
	v44 =	vld [tilespmem:s23+$0x50];
	v34 =	vadd.f32 v34, v47;
	v39 =	vmul.f32 v39, v14;
	v31 =	vmax.f32 v31, v48  }
0x87: {  	v22 =	vadd.f32 v22, v30;
	v45 =	vld [tilespmem:s15+$0xFFFFFFB0];
	v20 =	vadd.f32 v20, v27;
	v27 =	vmul.f32 v35, v37  }
0x88: {  	v28 =	vmax.f32 v28, v36;
	v30 =	vld [tilespmem:s12+$0xFFFFFFB0];
	v34 =	vadd.f32 v40, v34;
	v35 =	vmul.f32 v42, v43  }
0x89: {  	v36 =	vld [tilespmem:s15+$0x40];
	v18 =	vadd.f32 v18, v20;
	v20 =	vmul.f32 v28, v11;
	v28 =	vmul.f32 $2.000000030e-01, v41  }
0x8a: {  	v37 =	vld [tilespmem:s15+$0x30];
	v33 =	vadd.f32 v33, v34;
	v22 =	vadd.f32 v35, v22  }
0x8b: {  	v23 =	vadd.f32 v23, v24;
	v34 =	vld [tilespmem:s12+$0x40];
	v25 =	vadd.f32 v25, v18;
	v24 =	vmax.f32 v41, v28  }
0x8c: {  	v35 =	vmul.f32 $2.000000030e-01, v44;
	v28 =	vld [tilespmem:s23+$0x30];
	v33 =	vadd.f32 v39, v33;
	v22 =	vadd.f32 v38, v22  }
0x8d: {  	v20 =	vadd.f32 v20, v23;
	v23 =	vmul.f32 v17, v12;
	v38 =	vld [tilespmem:s23+$0xFFFFFFB0];
	v18 =	vmul.f32 v30, v45  }
0x8e: {  	v17 =	vmax.f32 v44, v35;
	v25 =	vadd.f32 v26, v25;
	v30 =	vld [tilespmem:s12+$0x30];
	v22 =	vadd.f32 v32, v22  }
0x8f: {  	v20 =	vadd.f32 v23, v20;
	v23 =	vmul.f32 v24, v13;
	v32 =	vperm.xlane v33, v0;
	v26 =	vld [tilespmem:s15+$0x20]  }
0x90: {  	v25 =	vadd.f32 v29, v25;
	v24 =	vld [tilespmem:s12+$0x20];
	v29 =	vperm.xlane v22, v0  }
0x91: {  	v20 =	vadd.f32 v23, v20;
	v23 =	vmul.f32 v31, v14;
	v32 =	vadd.f32 v33, v32;
	v35 =	vld [tilespmem:s12+$0x10]  }
0x92: {  	v25 =	vadd.f32 v27, v25;
	v31 =	vld [tilespmem:s12+$0x0];
	v22 =	vadd.f32 v29, v22  }
0x93: {  	v20 =	vadd.f32 v23, v20;
	v27 =	vld [tilespmem:s15+$0x10]  }
0x94: {  	v23 =	vperm.xlane v25, v0;
	v29 =	vld [tilespmem:s23+$0xFFFFFFA0]  }
0x95: {  	v33 =	vld [tilespmem:s15+$0x0];
	v24 =	vmul.f32 v24, v26;
	v26 =	vperm.xlane v20, v0  }
0x96: {  	v23 =	vadd.f32 v23, v25;
	v39 =	vld [tilespmem:s15+$0xFFFFFFA0]  }
0x97: {  	v25 =	vld [tilespmem:s23+$0x20];
	v20 =	vadd.f32 v20, v26  }
0x98: {  	v23 =	vsel vm0, v32, v23;
	v26 =	vld [tilespmem:s12+$0xFFFFFFA0];
	v27 =	vmul.f32 v35, v27  }
0x99: {  	v35 =	vperm.xlane v23, v1;
	v32 =	vld [tilespmem:s15+$0xFFFFFF80];
	v20 =	vsel vm0, v20, v22  }
0x9a: {  	v40 =	vld [tilespmem:s23+$0x0];
	v22 =	vmul.f32 v31, v33;
	v31 =	vperm.xlane v20, v1  }
0x9b: {  	v23 =	vadd.f32 v23, v35;
	v33 =	vld [tilespmem:s12+$0xFFFFFF80]  }
0x9c: {  	v35 =	vld [tilespmem:s23+$0xFFFFFF90];
	v22 =	vadd.f32 v27, v22;
	v27 =	vmul.f32 $2.000000030e-01, v25;
	v31 =	vadd.f32 v20, v31  }
0x9d: {  	v41 =	vld [tilespmem:s23+$0xFFFFFF80];
	v20 =	vmul.f32 v26, v39;
	v26 =	vmul.f32 $2.000000030e-01, v38  }
0x9e: {  	v30 =	vmul.f32 v30, v37;
	v39 =	vld [tilespmem:s23+$0x10];
	v25 =	vmax.f32 v25, v27;
	v27 =	vperm.xlane v31, v2  }
0x9f: {  	v44 =	vmul.f32 $2.000000030e-01, v28;
	v43 =	vadd.f32 v24, v22;
	v42 =	vld [tilespmem:s12+$0xFFFFFF90];
	v37 =	vmul.f32 $2.000000030e-01, v40  }
0xa0: {  	v22 =	vmul.f32 v34, v36;
	v24 =	vmul.f32 v25, v9;
	v47 =	vld [tilespmem:s12+$0x70];
	v25 =	vadd.f32 v31, v27  }
0xa1: {  	v36 =	vperm.xlane v23, v2;
	v26 =	vmax.f32 v38, v26;
	v31 =	vmul.f32 $2.000000030e-01, v35;
	v34 =	vld [tilespmem:s12+$0xFFFFFFC0]  }
0xa2: {  	v28 =	vmax.f32 v28, v44;
	v27 =	vmul.f32 v33, v32;
	v33 =	vmax.f32 v40, v37;
	v32 =	vld [tilespmem:s15+$0xFFFFFFC0]  }
0xa3: {  	v38 =	vmul.f32 v26, v10;
	v31 =	vmax.f32 v35, v31;
	v26 =	vld [tilespmem:s15+$0xFFFFFFD0];
	v35 =	vadd.f32 v23, v36  }
0xa4: {  	v30 =	vadd.f32 v30, v43;
	v23 =	vmul.f32 v28, v10;
	v28 =	vperm.xlane v25, v4;
	v36 =	vld [tilespmem:s23+$0xFFFFFFC0]  }
0xa5: {  	v44 =	vmov s25;
	v40 =	vmul.f32 $2.000000030e-01, v29;
	v37 =	vmul.f32 $2.000000030e-01, v41;
	v43 =	vld [tilespmem:s12+$0xFFFFFFD0]  }
0xa6: {  	v46 =	vmul.f32 $2.000000030e-01, v39;
	v48 =	vperm.xlane v35, v4;
	v49 =	vadd.f32 v25, v28;
	v45 =	vld [tilespmem:s23+$0xFFFFFFD0]  }
0xa7: {  	vm1 =	veq.s32 v44, v3;
	v29 =	vmax.f32 v29, v40;
	v25 =	vmul.f32 v34, v32;
	v28 =	vld [tilespmem:s23+$0x40]  }
0xa8: {  	v40 =	vmul.f32 v29, v9;
	v32 =	vmul.f32 v31, v8;
	v35 =	vadd.f32 v35, v48;
	v29 =	vld [tilespmem:s23+$0xFFFFFFE0]  }
0xa9: {  	v34 =	vmax.f32 v39, v46;
	v46 =	vperm.xlane v49, v5;
	v31 =	vmul.f32 $2.000000030e-01, v36;
	v44 =	vld [tilespmem:s12+$0xFFFFFFE0]  }
0xaa: {  	s24 =	sadd.s32 $0x1, s25;
	s25 =	smov.u32 s20;
	v37 =	vmax.f32 v41, v37;
	v39 =	vperm.xlane v35, v6;
	v26 =	vmul.f32 v43, v26;
	v41 =	vld [tilespmem:s15+$0xFFFFFFE0]  }
0xab: {  	v48 =	vmov s24;
	v43 =	vmul.f32 v34, v8;
	v36 =	vmax.f32 v36, v31;
	v31 =	vld [tilespmem:s23+$0x70]  }
0xac: {  	v16 =	vsel vm1, v39, v16;
	v34 =	vmul.f32 v36, v11;
	v50 =	vld [tilespmem:s15+$0x70];
	v36 =	vperm.xlane v49, v6  }
0xad: {  	vm2 =	veq.s32 v48, v3;
	v52 =	vperm.xlane v35, v5;
	v49 =	vmul.f32 $2.000000030e-01, v29;
	v51 =	vld [tilespmem:s12+$0x60]  }
0xae: {  	v35 =	vmul.f32 v37, v7;
	v37 =	vmul.f32 $2.000000030e-01, v45;
	v39 =	vld [tilespmem:s23+$0xFFFFFFF0];
	v16 =	vsel vm2, v36, v16  }
0xaf: {  	v36 =	vmul.f32 $2.000000030e-01, v28;
	v48 =	vmax.f32 v29, v49;
	v49 =	vmul.f32 v33, v7;
	v53 =	vld [tilespmem:s15+$0x60]  }
.Ltmp0:
0xb0: {  	v32 =	vadd.f32 v32, v35;
	v19 =	vsel vm1, v52, v19;
	v29 =	vmul.f32 v44, v41;
	v35 =	vld [tilespmem:s12+$0xFFFFFFF0];
	(pc) =	sbr.rel @p1 .LBB2_4-.Ltmp0, $4  }
0xb1: {  	v19 =	vsel vm2, v46, v19;
	v41 =	vmax.f32 v45, v37;
	v33 =	vmul.f32 v48, v13;
	v37 =	vld [tilespmem:s15+$0xFFFFFFF0]  }
0xb2: {  	v44 =	vmul.f32 v42, v21;
	v21 =	vadd.f32 v40, v32;
	v40 =	vmul.f32 v41, v12;
	v42 =	vld [tilespmem:s12+$0x50]  }
0xb3: {  	v46 =	vadd.f32 v43, v49;
	v32 =	vmul.f32 v47, v50;
	v45 =	vmul.f32 $2.000000030e-01, v39;
	v43 =	vld [tilespmem:s15+$0x50]  }
0xb4: {  	v48 =	vmul.f32 $2.000000030e-01, v31;
	v47 =	vadd.f32 v38, v21;
	s15 =	sadd.s32 $0x100, s15;
	v41 =	vld [tilespmem:s23+$0x60];
	v38 =	vmul.f32 v51, v53  }
0xb5: {  	v21 =	vadd.f32 v44, v27;
	_ =	sdelay $0x1  }
0xb6: {  	v20 =	vadd.f32 v20, v21  }
0xb7: {  	v45 =	vmax.f32 v39, v45;
	v24 =	vadd.f32 v24, v46;
	v28 =	vmax.f32 v28, v36  }
0xb8: {  	v22 =	vadd.f32 v22, v30;
	v17 =	vmul.f32 v17, v12;
	v18 =	vadd.f32 v18, v20  }
0xb9: {  	v47 =	vadd.f32 v34, v47;
	v28 =	vmul.f32 v28, v11;
	v23 =	vadd.f32 v23, v24  }
0xba: {  	v49 =	vmax.f32 v31, v48;
	v50 =	vmul.f32 $2.000000030e-01, v41;
	v18 =	vadd.f32 v25, v18  }
0xbb: {  	v53 =	vmul.f32 v35, v37;
	v51 =	vmul.f32 v42, v43;
	v23 =	vadd.f32 v28, v23  }
0xbc: {  	v27 =	vadd.f32 v40, v47;
	v24 =	vmax.f32 v41, v50;
	v18 =	vadd.f32 v26, v18  }
0xbd: {  	v22 =	vadd.f32 v51, v22;
	v17 =	vadd.f32 v17, v23;
	v52 =	vmul.f32 v24, v13  }
0xbe: {  	v21 =	vmul.f32 v45, v14;
	v54 =	vadd.f32 v33, v27;
	v18 =	vadd.f32 v29, v18  }
0xbf: {  	v20 =	vmul.f32 v49, v14;
	v22 =	vadd.f32 v38, v22;
	v17 =	vadd.f32 v52, v17  }
0xc0: {  	v21 =	vadd.f32 v21, v54;
	v18 =	vadd.f32 v53, v18  }
0xc1: {  	v22 =	vadd.f32 v32, v22;
	v17 =	vadd.f32 v20, v17  }
0xc2: {  	v55 =	vperm.xlane v21, v0;
	v56 =	vperm.xlane v18, v0  }
0xc3: {  	v57 =	vperm.xlane v22, v0;
	v58 =	vperm.xlane v17, v0  }
0xc4: {  	v20 =	vadd.f32 v21, v55;
	v18 =	vadd.f32 v56, v18  }
0xc5: {  	v59 =	vadd.f32 v57, v22;
	v17 =	vadd.f32 v17, v58  }
0xc6: {  	v18 =	vsel vm0, v20, v18  }
0xc7: {  	v17 =	vsel vm0, v17, v59;
	v20 =	vperm.xlane v18, v1  }
0xc8: {  	v21 =	vperm.xlane v17, v1  }
0xc9: {  	v18 =	vadd.f32 v18, v20  }
0xca: {  	v17 =	vadd.f32 v17, v21  }
0xcb: {  	v20 =	vperm.xlane v18, v2  }
0xcc: {  	v21 =	vperm.xlane v17, v2  }
0xcd: {  	v18 =	vadd.f32 v18, v20  }
0xce: {  	v17 =	vadd.f32 v17, v21  }
0xcf: {  	v20 =	vperm.xlane v18, v4  }
0xd0: {  	v21 =	vperm.xlane v17, v4  }
0xd1: {  	v18 =	vadd.f32 v18, v20  }
0xd2: {  	v17 =	vadd.f32 v17, v21  }
0xd3: {  	v60 =	vmov s25;
	s12 =	sadd.s32 $0x1, s25;
	v61 =	vperm.xlane v18, v5  }
0xd4: {  	vm1 =	veq.s32 v60, v3;
	v63 =	vmov s12;
	v62 =	vperm.xlane v17, v5  }
0xd5: {  	vm2 =	veq.s32 v63, v3;
	v19 =	vsel vm1, v61, v19  }
0xd6: {  	v19 =	vsel vm2, v62, v19  }
0xd7: {  	v19 =	vadd.f32 v19, v15;
	_ =	sdelay $0x1  }
0xd8: {  	v19 =	vsub.f32 $0.0e+00, v19;
	_ =	sdelay $0x1  }
0xd9: {  	v19 =	vmul.f32 $1.442695020e+00, v19;
	_ =	sdelay $0x1  }
0xda: {  	(erf) = vpow2.f32 v19;
	_ =	sdelay $0x8  }
0xdb: {  	v19 =	vpop (erf)  }
0xdc: {  	v19 =	vadd.f32 $1.000000000e+00, v19;
	_ =	sdelay $0x1  }
0xdd: {  	(erf) = vrcp.f32 v19;
	_ =	sdelay $0x4  }
0xde: {  	v17 =	vperm.xlane v17, v6  }
0xdf: {  	s28 =	sshll.u32 s0, $0x4;
	s0 =	sadd.s32 $0x1, s0;
	v18 =	vperm.xlane v18, v6  }
0xe0: {  	p1 =	sne.s32 s0, $0x5  }
.Ltmp1:
0xe1: {  	v16 =	vsel vm1, v18, v16;
	(pc) =	sbr.rel @p1 .LBB2_3-.Ltmp1, $4  }
0xe2: {  	v16 =	vsel vm2, v17, v16;
	v17 =	vpop (erf)  }
0xe3: {  	v16 =	vmul.f32 v17, v16  }
0xe4: {  	s12 =	sand.u32 $0x3FFFFFF0, s28  }
0xe5: {  	s10 =	sadd.s32 $0x800, s10;
	s22 =	sadd.s32 $0x800, s22;
	s31 =	sadd.s32 $0x800, s31;
	[tilespmem:s12+$0x1B800] =	vst v16  }
0xe6: {  	s0 =	sshrl.u32 s1, $0x3  }
0xe7: {  	s22 =	simm.s32 $0x1B800;
	s0 =	sadd.s32 s3, s0  }
0xe8: {  	[hbm4b:s0+s5] =	stream.linear.scatter [tilespmem:s22], [sflag:$0x7], $0x50, $0x38;
	[tilespmem:$0x1BA00] =	vst v63  }
0xe9: {  	_ =	swait.ge [sflag:s17], $0x2800  }
0xea: {  	[sflag:s17] =	ssyncset.done $0x0  }
0xeb: {  	[sflag:s17] =	ssyncadd.s32 $0xFFFFD800  }
0xec: {  	_ =	swait.ge [sflag:s17], $0x2800  }
0xed: {  	[sflag:s17] =	ssyncset.done $0x0  }
0xee: {  	[sflag:s17] =	ssyncadd.s32 $0xFFFFD800  }
0xef: {  	_ =	swait.ge [sflag:s17], $0x2800  }
0xf0: {  	[sflag:s17] =	ssyncset.done $0x0  }
0xf1: {  	s23 =	simm.s32 $0x9F00;
	[sflag:s17] =	ssyncadd.s32 $0xFFFFD800  }
0xf2: {  	[tilespmem:s23], [sflag:$0x6] =	stream.indirect.gather.add.f32 [hbm:s7], $0x80, s18, s19, $0xb8;
	[tilespmem:$0x1BA00] =	vst v63  }
0xf3: {  	s24 =	sadd.s32 $0xF0, s14;
	s31 =	simm.s32 $0x4F00  }
0xf4: {  	[tilespmem:s31], [sflag:$0x1] =	stream.indirect.gather [hbm4b:s6+s19], $0x80, s24, s19, $0xb8;
	[tilespmem:$0x1BA00] =	vst v63  }
0xf5: {  	s25 =	simm.s32 $0xC700  }
0xf6: {  	[tilespmem:s25], [sflag:$0x1] =	stream.indirect.gather [hbm4b:s8+s19], $0x80, s24, s19, $0xb8;
	[tilespmem:$0x1BA00] =	vst v63  }
0xf7: {  	s28 =	simm.s32 $0x13F00;
	s18 =	sadd.s32 $0x2870, s14  }
0xf8: {  	[tilespmem:s28], [sflag:$0x1] =	stream.indirect.gather [hbm4b:s9+s19], $0x80, s18, s19, $0xb8;
	[tilespmem:$0x1BA00] =	vst v63  }
0xf9: {  	_ =	swait.ge [sflag:s26], $0x2800  }
0xfa: {  	[sflag:s26] =	ssyncset.done $0x0  }
0xfb: {  	s0 =	simm.s32 @!p0 $0x8;
	[sflag:s26] =	ssyncadd.s32 $0xFFFFD800  }
0xfc: {  	s1 =	sadd.s32 s4, s16;
	_ =	swait.ge @!p0 [sflag:s0], $0x50  }
0xfd: {  	s12 =	simm.s32 $0x77F0;
	s16 =	simm.s32 $0xEFF0;
	[sflag:s0] =	ssyncset.done @!p0 $0x0  }
0xfe: {  	s22 =	simm.s32 $0x167F0;
	[sflag:s0] =	ssyncadd.s32 @!p0 $0xFFFFFFB0;
	s0 =	simm.s32 $0x0  }
.LBB2_7:
0xff: {  	v19 =	vld [tilespmem:s16+$0xFFFFFF20]  }
0x100: {  	v17 =	vld [tilespmem:s12+$0xFFFFFFE0]  }
0x101: {  	v16 =	vld [tilespmem:s16+$0xFFFFFF40]  }
0x102: {  	v18 =	vld [tilespmem:s22+$0xFFFFFF40]  }
0x103: {  	v21 =	vld [tilespmem:s16+$0xFFFFFFD0]  }
0x104: {  	v22 =	vld [tilespmem:s16+$0xFFFFFFC0]  }
0x105: {  	v23 =	vld [tilespmem:s22+$0xFFFFFFD0]  }
0x106: {  	v25 =	vld [tilespmem:s12+$0xFFFFFFC0]  }
0x107: {  	v26 =	vld [tilespmem:s12+$0xFFFFFF40]  }
0x108: {  	v24 =	vld [tilespmem:s22+$0xFFFFFFC0]  }
0x109: {  	v20 =	vld [tilespmem:s16+$0xFFFFFFB0]  }
0x10a: {  	v27 =	vld [tilespmem:s22+$0xFFFFFFB0]  }
0x10b: {  	v28 =	vld [tilespmem:s22+$0xFFFFFFA0]  }
0x10c: {  	v29 =	vld [tilespmem:s22+$0xFFFFFF90]  }
0x10d: {  	v30 =	vld [tilespmem:s16+$0xFFFFFFA0]  }
0x10e: {  	v31 =	vld [tilespmem:s12+$0xFFFFFF30]  }
0x10f: {  	v32 =	vld [tilespmem:s16+$0xFFFFFF90]  }
0x110: {  	v33 =	vld [tilespmem:s16+$0xFFFFFF30]  }
0x111: {  	v34 =	vld [tilespmem:s12+$0xFFFFFFB0]  }
0x112: {  	v35 =	vld [tilespmem:s22+$0xFFFFFF30]  }
0x113: {  	v36 =	vld [tilespmem:s16+$0xFFFFFF10]  }
0x114: {  	v37 =	vld [tilespmem:s12+$0xFFFFFF90]  }
0x115: {  	v38 =	vld [tilespmem:s22+$0xFFFFFF10]  }
0x116: {  	v41 =	vld [tilespmem:s12+$0xFFFFFFA0]  }
0x117: {  	v47 =	vld [tilespmem:s22+$0x0]  }
0x118: {  	v45 =	vld [tilespmem:s12+$0xFFFFFF50]  }
0x119: {  	v49 =	vld [tilespmem:s16+$0x0];
	v43 =	vmul.f32 $2.000000030e-01, v17;
	v18 =	vmul.f32 v18, v16  }
0x11a: {  	v39 =	vld [tilespmem:s12+$0xFFFFFF20];
	v44 =	vmul.f32 v27, v20;
	v27 =	vmul.f32 v28, v30  }
0x11b: {  	v40 =	vld [tilespmem:s12+$0xFFFFFF10];
	v28 =	vmul.f32 v29, v32;
	v29 =	vmul.f32 $2.000000030e-01, v34  }
0x11c: {  	v63 =	vld [tilespmem:s12+$0xFFFFFF60];
	v20 =	vmul.f32 v35, v33;
	v60 =	vmul.f32 $2.000000030e-01, v26  }
0x11d: {  	v56 =	vld [tilespmem:s12+$0xFFFFFF70];
	v62 =	vmul.f32 $2.000000030e-01, v37;
	v57 =	vmul.f32 $2.000000030e-01, v41  }
0x11e: {  	v42 =	vld [tilespmem:s22+$0xFFFFFF20];
	v48 =	vmul.f32 $2.000000030e-01, v45;
	v32 =	vmul.f32 v47, v49;
	v17 =	vmax.f32 v17, v43  }
0x11f: {  	v59 =	vld [tilespmem:s16+$0xFFFFFF50];
	v43 =	vmul.f32 v24, v22;
	v46 =	vadd.f32 v27, v28;
	v28 =	vmul.f32 $2.000000030e-01, v25  }
0x120: {  	v61 =	vld [tilespmem:s16+$0xFFFFFF60];
	v29 =	vmax.f32 v34, v29;
	v22 =	vmul.f32 v23, v21;
	v21 =	vmul.f32 $2.000000030e-01, v39  }
0x121: {  	v58 =	vld [tilespmem:s22+$0xFFFFFF70];
	v23 =	vmax.f32 v26, v60;
	v27 =	vmul.f32 v38, v36;
	v26 =	vmul.f32 $2.000000030e-01, v40  }
0x122: {  	v30 =	vld [tilespmem:s22+$0xFFFFFF50];
	v60 =	vmul.f32 $2.000000030e-01, v56;
	v37 =	vmax.f32 v37, v62;
	v62 =	vmul.f32 $2.000000030e-01, v63  }
0x123: {  	v52 =	vld [tilespmem:s16+$0xFFFFFFF0];
	v16 =	vimm.f32 $0.0e+00;
	v24 =	vmul.f32 v29, v9;
	v38 =	vmul.f32 v23, v10  }
0x124: {  	v29 =	vld [tilespmem:s22+$0xFFFFFF60];
	v51 =	vmul.f32 v37, v7;
	v25 =	vmax.f32 v25, v28;
	v21 =	vmax.f32 v39, v21  }
0x125: {  	v28 =	vld [tilespmem:s12+$0xFFFFFFD0];
	v39 =	vmax.f32 v41, v57;
	v23 =	vmul.f32 v25, v10;
	v25 =	vmul.f32 $2.000000030e-01, v31  }
0x126: {  	v40 =	vmax.f32 v40, v26;
	v21 =	vmul.f32 v21, v8;
	v41 =	vmul.f32 v39, v8;
	v39 =	vld [tilespmem:s12+$0xFFFFFF80]  }
0x127: {  	v40 =	vmul.f32 v40, v7;
	v31 =	vmax.f32 v31, v25;
	v25 =	vmul.f32 v30, v59;
	v30 =	vld [tilespmem:s16+$0xFFFFFF70]  }
0x128: {  	v46 =	vadd.f32 v44, v46;
	v50 =	vmax.f32 v56, v60;
	v59 =	vmul.f32 v31, v9;
	v31 =	vld [tilespmem:s12+$0x0]  }
0x129: {  	v63 =	vmax.f32 v63, v62;
	v21 =	vadd.f32 v21, v40;
	v26 =	vmul.f32 v29, v61;
	v61 =	vld [tilespmem:s22+$0xFFFFFFF0]  }
0x12a: {  	v35 =	vld [tilespmem:s22+$0xFFFFFF80];
	v44 =	vmul.f32 v42, v19;
	v33 =	vmul.f32 v50, v13;
	v29 =	vmax.f32 v45, v48  }
0x12b: {  	v37 =	vld [tilespmem:s16+$0xFFFFFF80];
	v40 =	vmul.f32 v63, v12;
	v34 =	vmul.f32 v29, v11;
	v19 =	vadd.f32 v59, v21  }
0x12c: {  	v42 =	vld [tilespmem:s22+$0xFFFFFFE0];
	v36 =	vmul.f32 $2.000000030e-01, v28;
	v29 =	vmul.f32 v58, v30;
	v30 =	vadd.f32 v43, v46  }
0x12d: {  	s25 =	simm.s32 $0x2;
	s15 =	sadd.s32 $0x100, s16;
	v45 =	vmul.f32 $2.000000030e-01, v39;
	v46 =	vadd.f32 v41, v51;
	v43 =	vld [tilespmem:s16+$0xFFFFFFE0];
	v47 =	vadd.f32 v38, v19  }
0x12e: {  	s10 =	smov.u32 s12;
	s28 =	smov.u32 s22;
	s23 =	simm.s32 $0x0;
	v41 =	vld [tilespmem:s12+$0xFFFFFFF0];
	v19 =	vimm.f32 $0.0e+00;
	v38 =	vmul.f32 v61, v52;
	v48 =	vmul.f32 $2.000000030e-01, v31  }
.LBB2_8:
0x12f: {  	v21 =	vld [tilespmem:s15+$0xFFFFFF20];
	p1 =	sne.s32 s25, $0xE;
	v27 =	vadd.f32 v44, v27;
	v39 =	vmax.f32 v39, v45;
	v24 =	vadd.f32 v24, v46;
	s10 =	sadd.s32 $0x100, s10;
	s28 =	sadd.s32 $0x100, s28  }
0x130: {  	s20 =	smov.u32 s25;
	s25 =	sadd.s32 $0x2, s25;
	v44 =	vld [tilespmem:s10+$0xFFFFFFE0];
	v34 =	vadd.f32 v34, v47;
	v39 =	vmul.f32 v39, v14;
	v31 =	vmax.f32 v31, v48  }
0x131: {  	v22 =	vadd.f32 v22, v30;
	v45 =	vld [tilespmem:s15+$0xFFFFFF40];
	v20 =	vadd.f32 v20, v27;
	v27 =	vmul.f32 v35, v37  }
0x132: {  	v28 =	vmax.f32 v28, v36;
	v30 =	vld [tilespmem:s28+$0xFFFFFF40];
	v34 =	vadd.f32 v40, v34;
	v35 =	vmul.f32 v42, v43  }
0x133: {  	v36 =	vld [tilespmem:s15+$0xFFFFFFD0];
	v18 =	vadd.f32 v18, v20;
	v20 =	vmul.f32 v28, v11;
	v28 =	vmul.f32 $2.000000030e-01, v41  }
0x134: {  	v37 =	vld [tilespmem:s15+$0xFFFFFFC0];
	v33 =	vadd.f32 v33, v34;
	v22 =	vadd.f32 v35, v22  }
0x135: {  	v23 =	vadd.f32 v23, v24;
	v34 =	vld [tilespmem:s28+$0xFFFFFFD0];
	v25 =	vadd.f32 v25, v18;
	v24 =	vmax.f32 v41, v28  }
0x136: {  	v35 =	vmul.f32 $2.000000030e-01, v44;
	v28 =	vld [tilespmem:s10+$0xFFFFFFC0];
	v33 =	vadd.f32 v39, v33;
	v22 =	vadd.f32 v38, v22  }
0x137: {  	v20 =	vadd.f32 v20, v23;
	v23 =	vmul.f32 v17, v12;
	v38 =	vld [tilespmem:s10+$0xFFFFFF40];
	v18 =	vmul.f32 v30, v45  }
0x138: {  	v17 =	vmax.f32 v44, v35;
	v25 =	vadd.f32 v26, v25;
	v30 =	vld [tilespmem:s28+$0xFFFFFFC0];
	v22 =	vadd.f32 v32, v22  }
0x139: {  	v20 =	vadd.f32 v23, v20;
	v23 =	vmul.f32 v24, v13;
	v32 =	vperm.xlane v33, v0;
	v26 =	vld [tilespmem:s15+$0xFFFFFFB0]  }
0x13a: {  	v25 =	vadd.f32 v29, v25;
	v24 =	vld [tilespmem:s28+$0xFFFFFFB0];
	v29 =	vperm.xlane v22, v0  }
0x13b: {  	v20 =	vadd.f32 v23, v20;
	v23 =	vmul.f32 v31, v14;
	v32 =	vadd.f32 v33, v32;
	v35 =	vld [tilespmem:s28+$0xFFFFFFA0]  }
0x13c: {  	v25 =	vadd.f32 v27, v25;
	v31 =	vld [tilespmem:s28+$0xFFFFFF90];
	v22 =	vadd.f32 v29, v22  }
0x13d: {  	v20 =	vadd.f32 v23, v20;
	v27 =	vld [tilespmem:s15+$0xFFFFFFA0]  }
0x13e: {  	v23 =	vperm.xlane v25, v0;
	v29 =	vld [tilespmem:s10+$0xFFFFFF30]  }
0x13f: {  	v33 =	vld [tilespmem:s15+$0xFFFFFF90];
	v24 =	vmul.f32 v24, v26;
	v26 =	vperm.xlane v20, v0  }
0x140: {  	v23 =	vadd.f32 v23, v25;
	v39 =	vld [tilespmem:s15+$0xFFFFFF30]  }
0x141: {  	v25 =	vld [tilespmem:s10+$0xFFFFFFB0];
	v20 =	vadd.f32 v20, v26  }
0x142: {  	v23 =	vsel vm0, v32, v23;
	v26 =	vld [tilespmem:s28+$0xFFFFFF30];
	v27 =	vmul.f32 v35, v27  }
0x143: {  	v35 =	vperm.xlane v23, v1;
	v32 =	vld [tilespmem:s15+$0xFFFFFF10];
	v20 =	vsel vm0, v20, v22  }
0x144: {  	v40 =	vld [tilespmem:s10+$0xFFFFFF90];
	v22 =	vmul.f32 v31, v33;
	v31 =	vperm.xlane v20, v1  }
0x145: {  	v23 =	vadd.f32 v23, v35;
	v33 =	vld [tilespmem:s28+$0xFFFFFF10]  }
0x146: {  	v35 =	vld [tilespmem:s10+$0xFFFFFF20];
	v22 =	vadd.f32 v27, v22;
	v27 =	vmul.f32 $2.000000030e-01, v25;
	v31 =	vadd.f32 v20, v31  }
0x147: {  	v41 =	vld [tilespmem:s10+$0xFFFFFF10];
	v20 =	vmul.f32 v26, v39;
	v26 =	vmul.f32 $2.000000030e-01, v38  }
0x148: {  	v30 =	vmul.f32 v30, v37;
	v39 =	vld [tilespmem:s10+$0xFFFFFFA0];
	v25 =	vmax.f32 v25, v27;
	v27 =	vperm.xlane v31, v2  }
0x149: {  	v44 =	vmul.f32 $2.000000030e-01, v28;
	v43 =	vadd.f32 v24, v22;
	v42 =	vld [tilespmem:s28+$0xFFFFFF20];
	v37 =	vmul.f32 $2.000000030e-01, v40  }
0x14a: {  	v22 =	vmul.f32 v34, v36;
	v24 =	vmul.f32 v25, v9;
	v47 =	vld [tilespmem:s28+$0x0];
	v25 =	vadd.f32 v31, v27  }
0x14b: {  	v36 =	vperm.xlane v23, v2;
	v26 =	vmax.f32 v38, v26;
	v31 =	vmul.f32 $2.000000030e-01, v35;
	v34 =	vld [tilespmem:s28+$0xFFFFFF50]  }
0x14c: {  	v28 =	vmax.f32 v28, v44;
	v27 =	vmul.f32 v33, v32;
	v33 =	vmax.f32 v40, v37;
	v32 =	vld [tilespmem:s15+$0xFFFFFF50]  }
0x14d: {  	v38 =	vmul.f32 v26, v10;
	v31 =	vmax.f32 v35, v31;
	v26 =	vld [tilespmem:s15+$0xFFFFFF60];
	v35 =	vadd.f32 v23, v36  }
0x14e: {  	v30 =	vadd.f32 v30, v43;
	v23 =	vmul.f32 v28, v10;
	v28 =	vperm.xlane v25, v4;
	v36 =	vld [tilespmem:s10+$0xFFFFFF50]  }
0x14f: {  	v44 =	vmov s23;
	v40 =	vmul.f32 $2.000000030e-01, v29;
	v37 =	vmul.f32 $2.000000030e-01, v41;
	v43 =	vld [tilespmem:s28+$0xFFFFFF60]  }
0x150: {  	v46 =	vmul.f32 $2.000000030e-01, v39;
	v48 =	vperm.xlane v35, v4;
	v49 =	vadd.f32 v25, v28;
	v45 =	vld [tilespmem:s10+$0xFFFFFF60]  }
0x151: {  	vm1 =	veq.s32 v44, v3;
	v29 =	vmax.f32 v29, v40;
	v25 =	vmul.f32 v34, v32;
	v28 =	vld [tilespmem:s10+$0xFFFFFFD0]  }
0x152: {  	v40 =	vmul.f32 v29, v9;
	v32 =	vmul.f32 v31, v8;
	v35 =	vadd.f32 v35, v48;
	v29 =	vld [tilespmem:s10+$0xFFFFFF70]  }
0x153: {  	v34 =	vmax.f32 v39, v46;
	v46 =	vperm.xlane v49, v5;
	v31 =	vmul.f32 $2.000000030e-01, v36;
	v44 =	vld [tilespmem:s28+$0xFFFFFF70]  }
0x154: {  	s24 =	sadd.s32 $0x1, s23;
	s23 =	smov.u32 s20;
	v37 =	vmax.f32 v41, v37;
	v39 =	vperm.xlane v35, v6;
	v26 =	vmul.f32 v43, v26;
	v41 =	vld [tilespmem:s15+$0xFFFFFF70]  }
0x155: {  	v48 =	vmov s24;
	v43 =	vmul.f32 v34, v8;
	v36 =	vmax.f32 v36, v31;
	v31 =	vld [tilespmem:s10+$0x0]  }
0x156: {  	v16 =	vsel vm1, v39, v16;
	v34 =	vmul.f32 v36, v11;
	v50 =	vld [tilespmem:s15+$0x0];
	v36 =	vperm.xlane v49, v6  }
0x157: {  	vm2 =	veq.s32 v48, v3;
	v52 =	vperm.xlane v35, v5;
	v49 =	vmul.f32 $2.000000030e-01, v29;
	v51 =	vld [tilespmem:s28+$0xFFFFFFF0]  }
0x158: {  	v35 =	vmul.f32 v37, v7;
	v37 =	vmul.f32 $2.000000030e-01, v45;
	v39 =	vld [tilespmem:s10+$0xFFFFFF80];
	v16 =	vsel vm2, v36, v16  }
0x159: {  	v36 =	vmul.f32 $2.000000030e-01, v28;
	v48 =	vmax.f32 v29, v49;
	v49 =	vmul.f32 v33, v7;
	v53 =	vld [tilespmem:s15+$0xFFFFFFF0]  }
.Ltmp2:
0x15a: {  	v32 =	vadd.f32 v32, v35;
	v19 =	vsel vm1, v52, v19;
	v29 =	vmul.f32 v44, v41;
	v35 =	vld [tilespmem:s28+$0xFFFFFF80];
	(pc) =	sbr.rel @p1 .LBB2_8-.Ltmp2, $4  }
0x15b: {  	v19 =	vsel vm2, v46, v19;
	v41 =	vmax.f32 v45, v37;
	v33 =	vmul.f32 v48, v13;
	v37 =	vld [tilespmem:s15+$0xFFFFFF80]  }
0x15c: {  	v44 =	vmul.f32 v42, v21;
	v21 =	vadd.f32 v40, v32;
	v40 =	vmul.f32 v41, v12;
	v42 =	vld [tilespmem:s28+$0xFFFFFFE0]  }
0x15d: {  	v46 =	vadd.f32 v43, v49;
	v32 =	vmul.f32 v47, v50;
	v45 =	vmul.f32 $2.000000030e-01, v39;
	v43 =	vld [tilespmem:s15+$0xFFFFFFE0]  }
0x15e: {  	v48 =	vmul.f32 $2.000000030e-01, v31;
	v47 =	vadd.f32 v38, v21;
	s15 =	sadd.s32 $0x100, s15;
	v41 =	vld [tilespmem:s10+$0xFFFFFFF0];
	v38 =	vmul.f32 v51, v53  }
0x15f: {  	v21 =	vadd.f32 v44, v27;
	_ =	sdelay $0x1  }
0x160: {  	v20 =	vadd.f32 v20, v21  }
0x161: {  	v45 =	vmax.f32 v39, v45;
	v24 =	vadd.f32 v24, v46;
	v28 =	vmax.f32 v28, v36  }
0x162: {  	v22 =	vadd.f32 v22, v30;
	v17 =	vmul.f32 v17, v12;
	v18 =	vadd.f32 v18, v20  }
0x163: {  	v47 =	vadd.f32 v34, v47;
	v28 =	vmul.f32 v28, v11;
	v23 =	vadd.f32 v23, v24  }
0x164: {  	v49 =	vmax.f32 v31, v48;
	v50 =	vmul.f32 $2.000000030e-01, v41;
	v18 =	vadd.f32 v25, v18  }
0x165: {  	v53 =	vmul.f32 v35, v37;
	v51 =	vmul.f32 v42, v43;
	v23 =	vadd.f32 v28, v23  }
0x166: {  	v27 =	vadd.f32 v40, v47;
	v24 =	vmax.f32 v41, v50;
	v18 =	vadd.f32 v26, v18  }
0x167: {  	v22 =	vadd.f32 v51, v22;
	v17 =	vadd.f32 v17, v23;
	v52 =	vmul.f32 v24, v13  }
0x168: {  	v21 =	vmul.f32 v45, v14;
	v54 =	vadd.f32 v33, v27;
	v18 =	vadd.f32 v29, v18  }
0x169: {  	v20 =	vmul.f32 v49, v14;
	v22 =	vadd.f32 v38, v22;
	v17 =	vadd.f32 v52, v17  }
0x16a: {  	v21 =	vadd.f32 v21, v54;
	v18 =	vadd.f32 v53, v18  }
0x16b: {  	v22 =	vadd.f32 v32, v22;
	v17 =	vadd.f32 v20, v17  }
0x16c: {  	v55 =	vperm.xlane v21, v0;
	v56 =	vperm.xlane v18, v0  }
0x16d: {  	v57 =	vperm.xlane v22, v0;
	v58 =	vperm.xlane v17, v0  }
0x16e: {  	v20 =	vadd.f32 v21, v55;
	v18 =	vadd.f32 v56, v18  }
0x16f: {  	v59 =	vadd.f32 v57, v22;
	v17 =	vadd.f32 v17, v58  }
0x170: {  	v18 =	vsel vm0, v20, v18  }
0x171: {  	v17 =	vsel vm0, v17, v59;
	v20 =	vperm.xlane v18, v1  }
0x172: {  	v21 =	vperm.xlane v17, v1  }
0x173: {  	v18 =	vadd.f32 v18, v20  }
0x174: {  	v17 =	vadd.f32 v17, v21  }
0x175: {  	v20 =	vperm.xlane v18, v2  }
0x176: {  	v21 =	vperm.xlane v17, v2  }
0x177: {  	v18 =	vadd.f32 v18, v20  }
0x178: {  	v17 =	vadd.f32 v17, v21  }
0x179: {  	v20 =	vperm.xlane v18, v4  }
0x17a: {  	v21 =	vperm.xlane v17, v4  }
0x17b: {  	v18 =	vadd.f32 v18, v20  }
0x17c: {  	v17 =	vadd.f32 v17, v21  }
0x17d: {  	v60 =	vmov s23;
	s10 =	sadd.s32 $0x1, s23;
	v61 =	vperm.xlane v18, v5  }
0x17e: {  	vm1 =	veq.s32 v60, v3;
	v63 =	vmov s10;
	v62 =	vperm.xlane v17, v5  }
0x17f: {  	vm2 =	veq.s32 v63, v3;
	v19 =	vsel vm1, v61, v19  }
0x180: {  	v19 =	vsel vm2, v62, v19  }
0x181: {  	v19 =	vadd.f32 v19, v15;
	_ =	sdelay $0x1  }
0x182: {  	v19 =	vsub.f32 $0.0e+00, v19;
	_ =	sdelay $0x1  }
0x183: {  	v19 =	vmul.f32 $1.442695020e+00, v19;
	_ =	sdelay $0x1  }
0x184: {  	(erf) = vpow2.f32 v19;
	_ =	sdelay $0x8  }
0x185: {  	v19 =	vpop (erf)  }
0x186: {  	v19 =	vadd.f32 $1.000000000e+00, v19;
	_ =	sdelay $0x1  }
0x187: {  	(erf) = vrcp.f32 v19;
	_ =	sdelay $0x4  }
0x188: {  	v17 =	vperm.xlane v17, v6  }
0x189: {  	s28 =	sshll.u32 s0, $0x4;
	s0 =	sadd.s32 $0x1, s0;
	v18 =	vperm.xlane v18, v6  }
0x18a: {  	p1 =	sne.s32 s0, $0x5  }
.Ltmp3:
0x18b: {  	v16 =	vsel vm1, v18, v16;
	(pc) =	sbr.rel @p1 .LBB2_7-.Ltmp3, $4  }
0x18c: {  	v16 =	vsel vm2, v17, v16;
	v17 =	vpop (erf)  }
0x18d: {  	v16 =	vmul.f32 v17, v16  }
0x18e: {  	s10 =	sand.u32 $0x3FFFFFF0, s28  }
0x18f: {  	s12 =	sadd.s32 $0x800, s12;
	s16 =	sadd.s32 $0x800, s16;
	s22 =	sadd.s32 $0x800, s22;
	[tilespmem:s10+$0x1B880] =	vst v16  }
0x190: {  	s0 =	sshrl.u32 s1, $0x3  }
0x191: {  	s22 =	simm.s32 $0x1B880;
	s0 =	sadd.s32 s3, s0  }
0x192: {  	[hbm4b:s0+s5] =	stream.linear.scatter [tilespmem:s22], [sflag:$0x8], $0x50, $0x38;
	[tilespmem:$0x1BA00] =	vst v63  }
0x193: {  	_ =	swait.ge [sflag:s29], $0x2800  }
0x194: {  	[sflag:s29] =	ssyncset.done $0x0  }
0x195: {  	[sflag:s29] =	ssyncadd.s32 $0xFFFFD800  }
0x196: {  	_ =	swait.ge [sflag:s29], $0x2800  }
0x197: {  	[sflag:s29] =	ssyncset.done $0x0  }
0x198: {  	[sflag:s29] =	ssyncadd.s32 $0xFFFFD800  }
0x199: {  	_ =	swait.ge [sflag:s29], $0x2800  }
0x19a: {  	[sflag:s29] =	ssyncset.done $0x0  }
0x19b: {  	[sflag:s29] =	ssyncadd.s32 $0xFFFFD800  }
0x19c: {  	[tilespmem:s31], [sflag:$0x4] =	stream.indirect.gather.add.f32 [hbm:s7], $0x80, s18, s19, $0xb8;
	[tilespmem:$0x1BA00] =	vst v63  }
0x19d: {  	s23 =	sadd.s32 $0x140, s14;
	s22 =	simm.s32 $0x7700  }
0x19e: {  	[tilespmem:s22], [sflag:$0x2] =	stream.indirect.gather [hbm4b:s6+s19], $0x80, s23, s19, $0xb8;
	[tilespmem:$0x1BA00] =	vst v63  }
0x19f: {  	s24 =	simm.s32 $0xEF00  }
0x1a0: {  	[tilespmem:s24], [sflag:$0x2] =	stream.indirect.gather [hbm4b:s8+s19], $0x80, s23, s19, $0xb8;
	[tilespmem:$0x1BA00] =	vst v63  }
0x1a1: {  	s25 =	sadd.s32 $0x28C0, s14;
	s28 =	simm.s32 $0x16700  }
0x1a2: {  	[tilespmem:s28], [sflag:$0x2] =	stream.indirect.gather [hbm4b:s9+s19], $0x80, s25, s19, $0xb8;
	[tilespmem:$0x1BA00] =	vst v63  }
0x1a3: {  	_ =	swait.ge [sflag:s11], $0x2800  }
0x1a4: {  	[sflag:s11] =	ssyncset.done $0x0  }
0x1a5: {  	s0 =	simm.s32 @!p0 $0x9;
	[sflag:s11] =	ssyncadd.s32 $0xFFFFD800  }
0x1a6: {  	s13 =	sadd.s32 s4, s13;
	_ =	swait.ge @!p0 [sflag:s0], $0x50  }
0x1a7: {  	s1 =	simm.s32 $0x0;
	s14 =	simm.s32 $0x13F00;
	[sflag:s0] =	ssyncset.done @!p0 $0x0  }
0x1a8: {  	s12 =	simm.s32 $0x4F00;
	[sflag:s0] =	ssyncadd.s32 @!p0 $0xFFFFFFB0;
	s0 =	simm.s32 $0xC700  }
.LBB2_11:
0x1a9: {  	v18 =	vmov s12;
	_ =	sdelay $0x2  }
0x1aa: {  	v17 =	vmov s14  }
0x1ab: {  	v19 =	vmov s0;
	s16 =	simm.s32 $0x0  }
0x1ac: {  	v20 =	vld.idx.msk [tilespmem:v18+s16+$0x50F0 ss:$0x1], $0xffff  }
0x1ad: {  	v21 =	vld.idx.msk [tilespmem:v18+s16+$0x50E0 ss:$0x1], $0xffff  }
0x1ae: {  	v22 =	vld.idx.msk [tilespmem:v18+s16+$0x50D0 ss:$0x1], $0xffff  }
0x1af: {  	v28 =	vld.idx.msk [tilespmem:v17+s16+$0x5040 ss:$0x1], $0xffff  }
0x1b0: {  	v29 =	vld.idx.msk [tilespmem:v19+s16+$0x5040 ss:$0x1], $0xffff  }
0x1b1: {  	v30 =	vld.idx.msk [tilespmem:v19+s16+$0x5090 ss:$0x1], $0xffff  }
0x1b2: {  	v25 =	vld.idx.msk [tilespmem:v17+s16+$0x5030 ss:$0x1], $0xffff  }
0x1b3: {  	v31 =	vld.idx.msk [tilespmem:v19+s16+$0x5030 ss:$0x1], $0xffff  }
0x1b4: {  	v32 =	vld.idx.msk [tilespmem:v17+s16+$0x5090 ss:$0x1], $0xffff  }
0x1b5: {  	v26 =	vld.idx.msk [tilespmem:v18+s16+$0x5030 ss:$0x1], $0xffff  }
0x1b6: {  	v33 =	vld.idx.msk [tilespmem:v18+s16+$0x5020 ss:$0x1], $0xffff  }
0x1b7: {  	v27 =	vld.idx.msk [tilespmem:v19+s16+$0x5010 ss:$0x1], $0xffff  }
0x1b8: {  	v34 =	vld.idx.msk [tilespmem:v18+s16+$0x50A0 ss:$0x1], $0xffff  }
0x1b9: {  	v35 =	vld.idx.msk [tilespmem:v17+s16+$0x5010 ss:$0x1], $0xffff  }
0x1ba: {  	v36 =	vld.idx.msk [tilespmem:v18+s16+$0x5090 ss:$0x1], $0xffff  }
0x1bb: {  	v37 =	vld.idx.msk [tilespmem:v18+s16+$0x5080 ss:$0x1], $0xffff  }
0x1bc: {  	v38 =	vld.idx.msk [tilespmem:v18+s16+$0x5010 ss:$0x1], $0xffff  }
0x1bd: {  	v39 =	vld.idx.msk [tilespmem:v18+s16+$0x5000 ss:$0x1], $0xffff  }
0x1be: {  	v40 =	vld.idx.msk [tilespmem:v17+s16+$0x5080 ss:$0x1], $0xffff  }
0x1bf: {  	v41 =	vld.idx.msk [tilespmem:v19+s16+$0x5080 ss:$0x1], $0xffff  }
0x1c0: {  	v44 =	vld.idx.msk [tilespmem:v19+s16+$0x50A0 ss:$0x1], $0xffff;
	v42 =	vmul.f32 $2.000000030e-01, v20;
	v43 =	vmul.f32 $2.000000030e-01, v21  }
0x1c1: {  	v47 =	vld.idx.msk [tilespmem:v17+s16+$0x50A0 ss:$0x1], $0xffff;
	v45 =	vmul.f32 $2.000000030e-01, v22;
	v46 =	vmul.f32 $2.000000030e-01, v26  }
0x1c2: {  	v48 =	vld.idx.msk [tilespmem:v19+s16+$0x50B0 ss:$0x1], $0xffff;
	v53 =	vmul.f32 $2.000000030e-01, v34;
	v27 =	vmul.f32 v35, v27  }
0x1c3: {  	v58 =	vld.idx.msk [tilespmem:v17+s16+$0x50B0 ss:$0x1], $0xffff;
	v25 =	vmul.f32 v25, v31;
	v54 =	vmul.f32 $2.000000030e-01, v33  }
0x1c4: {  	v60 =	vld.idx.msk [tilespmem:v19+s16+$0x50D0 ss:$0x1], $0xffff;
	v55 =	vmul.f32 $2.000000030e-01, v37;
	v56 =	vmul.f32 $2.000000030e-01, v38  }
0x1c5: {  	v61 =	vld.idx.msk [tilespmem:v17+s16+$0x50C0 ss:$0x1], $0xffff;
	v28 =	vmul.f32 v28, v29;
	v57 =	vmul.f32 $2.000000030e-01, v36  }
0x1c6: {  	v63 =	vld.idx.msk [tilespmem:v17+s16+$0x50D0 ss:$0x1], $0xffff;
	v30 =	vmul.f32 v32, v30;
	v40 =	vmul.f32 v40, v41  }
0x1c7: {  	v16 =	vimm.f32 $0.0e+00;
	v52 =	vld.idx.msk [tilespmem:v19+s16+$0x50E0 ss:$0x1], $0xffff;
	v59 =	vmul.f32 $2.000000030e-01, v39;
	v44 =	vmul.f32 v47, v44  }
0x1c8: {  	v50 =	vld.idx.msk [tilespmem:v17+s16+$0x50F0 ss:$0x1], $0xffff;
	v32 =	vmul.f32 v58, v48;
	v21 =	vmax.f32 v21, v43;
	v46 =	vmax.f32 v26, v46  }
0x1c9: {  	v35 =	vld.idx.msk [tilespmem:v18+s16+$0x50B0 ss:$0x1], $0xffff;
	v31 =	vmax.f32 v22, v45;
	v22 =	vmax.f32 v20, v42;
	v34 =	vmax.f32 v34, v53  }
0x1ca: {  	v29 =	vld.idx.msk [tilespmem:v19+s16+$0x50C0 ss:$0x1], $0xffff;
	v33 =	vmax.f32 v33, v54;
	v37 =	vmax.f32 v37, v55;
	v36 =	vmax.f32 v36, v57  }
0x1cb: {  	v30 =	vadd.f32 v30, v40;
	v53 =	vld.idx.msk [tilespmem:v17+s16+$0x50E0 ss:$0x1], $0xffff;
	v26 =	vmul.f32 v21, v13;
	v46 =	vmul.f32 v46, v10  }
0x1cc: {  	v38 =	vmax.f32 v38, v56;
	v57 =	vld.idx.msk [tilespmem:v18+s16+$0x5060 ss:$0x1], $0xffff;
	v49 =	vmul.f32 v31, v12;
	v34 =	vmul.f32 v34, v9  }
0x1cd: {  	s10 =	simm.s32 $0x0;
	v39 =	vmax.f32 v39, v59;
	v21 =	vld.idx.msk [tilespmem:v18+s16+$0x5040 ss:$0x1], $0xffff;
	v37 =	vmul.f32 v37, v7;
	v36 =	vmul.f32 v36, v8  }
0x1ce: {  	v20 =	vmov s10;
	v31 =	vld.idx.msk [tilespmem:v18+s16+$0x50C0 ss:$0x1], $0xffff;
	v38 =	vmul.f32 v38, v8;
	v39 =	vmul.f32 v39, v7  }
0x1cf: {  	v41 =	vld.idx.msk [tilespmem:v18+s16+$0x5050 ss:$0x1], $0xffff;
	v33 =	vmul.f32 v33, v9;
	v30 =	vadd.f32 v44, v30;
	v62 =	vmul.f32 $2.000000030e-01, v35  }
0x1d0: {  	v55 =	vld.idx.msk [tilespmem:v19+s16+$0x50F0 ss:$0x1], $0xffff;
	v36 =	vadd.f32 v36, v37;
	v29 =	vmul.f32 v61, v29;
	v38 =	vadd.f32 v38, v39  }
0x1d1: {  	v23 =	vld.idx.msk [tilespmem:v19+s16+$0x5050 ss:$0x1], $0xffff;
	v30 =	vadd.f32 v32, v30;
	v35 =	vmax.f32 v35, v62;
	v61 =	vmul.f32 v53, v52  }
0x1d2: {  	v24 =	vld.idx.msk [tilespmem:v17+s16+$0x5000 ss:$0x1], $0xffff;
	v34 =	vadd.f32 v34, v36;
	v62 =	vmul.f32 $2.000000030e-01, v57;
	v51 =	vmul.f32 $2.000000030e-01, v21  }
0x1d3: {  	v58 =	vld.idx.msk [tilespmem:v17+s16+$0x5050 ss:$0x1], $0xffff;
	v33 =	vadd.f32 v33, v38;
	v54 =	vmul.f32 $2.000000030e-01, v31;
	v35 =	vmul.f32 v35, v10  }
0x1d4: {  	v37 =	vld.idx.msk [tilespmem:v19+s16+$0x5060 ss:$0x1], $0xffff;
	v29 =	vadd.f32 v29, v30;
	v30 =	vmul.f32 v63, v60;
	v60 =	vmul.f32 $2.000000030e-01, v41  }
0x1d5: {  	v39 =	vld.idx.msk [tilespmem:v19+s16+$0x5070 ss:$0x1], $0xffff;
	v63 =	vmul.f32 v50, v55;
	v42 =	vmax.f32 v21, v51;
	v31 =	vmax.f32 v31, v54  }
0x1d6: {  	v36 =	vld.idx.msk [tilespmem:v19+s16+$0x5000 ss:$0x1], $0xffff;
	v59 =	vadd.f32 v35, v34;
	v29 =	vadd.f32 v30, v29;
	v31 =	vmul.f32 v31, v11  }
0x1d7: {  	s18 =	simm.s32 $0x1;
	v38 =	vld.idx.msk [tilespmem:v17+s16+$0x5020 ss:$0x1], $0xffff;
	v33 =	vadd.f32 v46, v33;
	v32 =	vmax.f32 v57, v62;
	v56 =	vmul.f32 v42, v11  }
0x1d8: {  	v21 =	vmov s18;
	v35 =	vld.idx.msk [tilespmem:v19+s16+$0x5020 ss:$0x1], $0xffff;
	v43 =	vadd.f32 v61, v29;
	v42 =	vadd.f32 v31, v59  }
0x1d9: {  	v30 =	vmax.f32 v41, v60;
	v34 =	vld.idx.msk [tilespmem:v18+s16+$0x5070 ss:$0x1], $0xffff;
	v31 =	vadd.f32 v56, v33;
	v33 =	vmul.f32 v58, v23  }
0x1da: {  	s15 =	simm.s32 $0x400;
	v41 =	vld.idx.msk [tilespmem:v17+s16+$0x5060 ss:$0x1], $0xffff;
	v23 =	vimm.f32 $0.0e+00;
	v40 =	vadd.f32 v63, v43;
	v29 =	vadd.f32 v49, v42  }
.LBB2_12:
0x1db: {  	s10 =	smov.u32 s15  }
0x1dc: {  	v24 =	vmul.f32 v24, v36;
	v36 =	vld.idx.msk [tilespmem:v17+s16+$0x5070 ss:$0x1], $0xffff;
	s16 =	sshra.s32 s15, $0x2;
	v22 =	vmul.f32 v22, v14;
	s18 =	sadd.s32 $0x2, s18;
	s10 =	sadd.s32 $0x400, s15  }
0x1dd: {  	p0 =	sne.s32 s15, $0x1C00;
	v35 =	vmul.f32 v38, v35;
	s20 =	sadd.s32 $0xFFFFFFFF, s18;
	v26 =	vadd.f32 v26, v29;
	v38 =	vperm.xlane v40, v0;
	v42 =	vld.idx.msk [tilespmem:v18+s16+$0x50F0 ss:$0x1], $0xffff  }
0x1de: {  	v43 =	vmov s20;
	v24 =	vadd.f32 v27, v24;
	v27 =	vmul.f32 $2.000000030e-01, v34;
	v44 =	vld.idx.msk [tilespmem:v18+s16+$0x50E0 ss:$0x1], $0xffff  }
0x1df: {  	v45 =	vmov s18;
	v22 =	vadd.f32 v22, v26;
	v26 =	vadd.f32 v38, v40;
	v29 =	vld.idx.msk [tilespmem:v19+s16+$0x5050 ss:$0x1], $0xffff  }
0x1e0: {  	v24 =	vadd.f32 v35, v24;
	v35 =	vmul.f32 v41, v37;
	v27 =	vmax.f32 v34, v27;
	v38 =	vld.idx.msk [tilespmem:v18+s16+$0x50D0 ss:$0x1], $0xffff  }
0x1e1: {  	v37 =	vperm.xlane v22, v0;
	v34 =	vld.idx.msk [tilespmem:v17+s16+$0x5040 ss:$0x1], $0xffff  }
0x1e2: {  	v24 =	vadd.f32 v25, v24;
	v25 =	vmul.f32 v36, v39;
	v40 =	vld.idx.msk [tilespmem:v19+s16+$0x5040 ss:$0x1], $0xffff  }
0x1e3: {  	v39 =	vmul.f32 $2.000000030e-01, v42;
	v37 =	vadd.f32 v22, v37;
	v36 =	vld.idx.msk [tilespmem:v19+s16+$0x5090 ss:$0x1], $0xffff  }
0x1e4: {  	v46 =	vmul.f32 $2.000000030e-01, v44;
	v24 =	vadd.f32 v28, v24;
	v41 =	vld.idx.msk [tilespmem:v17+s16+$0x5030 ss:$0x1], $0xffff  }
0x1e5: {  	v22 =	vmax.f32 v42, v39;
	v26 =	vsel vm0, v37, v26;
	v28 =	vld.idx.msk [tilespmem:v19+s16+$0x5030 ss:$0x1], $0xffff  }
0x1e6: {  	v39 =	vmul.f32 $2.000000030e-01, v38;
	v24 =	vadd.f32 v33, v24;
	v33 =	vperm.xlane v26, v1;
	v37 =	vld.idx.msk [tilespmem:v17+s16+$0x5090 ss:$0x1], $0xffff  }
0x1e7: {  	v44 =	vmax.f32 v44, v46;
	v42 =	vld.idx.msk [tilespmem:v18+s16+$0x5030 ss:$0x1], $0xffff  }
0x1e8: {  	v38 =	vmax.f32 v38, v39;
	v24 =	vadd.f32 v35, v24;
	v26 =	vadd.f32 v26, v33;
	v46 =	vld.idx.msk [tilespmem:v18+s16+$0x5020 ss:$0x1], $0xffff  }
0x1e9: {  	v30 =	vmul.f32 v30, v12;
	v33 =	vld.idx.msk [tilespmem:v19+s16+$0x5010 ss:$0x1], $0xffff  }
0x1ea: {  	v25 =	vadd.f32 v25, v24;
	v39 =	vperm.xlane v26, v2;
	v35 =	vld.idx.msk [tilespmem:v18+s16+$0x50A0 ss:$0x1], $0xffff  }
0x1eb: {  	v30 =	vadd.f32 v30, v31;
	v31 =	vmul.f32 v32, v13;
	v47 =	vld.idx.msk [tilespmem:v17+s16+$0x5010 ss:$0x1], $0xffff  }
0x1ec: {  	v32 =	vperm.xlane v25, v0;
	v26 =	vadd.f32 v26, v39;
	v24 =	vld.idx.msk [tilespmem:v17+s16+$0x5000 ss:$0x1], $0xffff  }
0x1ed: {  	v30 =	vadd.f32 v31, v30;
	v27 =	vmul.f32 v27, v14;
	v39 =	vld.idx.msk [tilespmem:v18+s16+$0x5090 ss:$0x1], $0xffff  }
0x1ee: {  	v32 =	vadd.f32 v32, v25;
	v25 =	vperm.xlane v26, v4;
	v31 =	vld.idx.msk [tilespmem:v18+s16+$0x5080 ss:$0x1], $0xffff  }
0x1ef: {  	v30 =	vadd.f32 v27, v30;
	v49 =	vmul.f32 $2.000000030e-01, v42;
	v48 =	vld.idx.msk [tilespmem:v18+s16+$0x5010 ss:$0x1], $0xffff  }
0x1f0: {  	v51 =	vmul.f32 $2.000000030e-01, v35;
	v52 =	vadd.f32 v26, v25;
	v50 =	vld.idx.msk [tilespmem:v18+s16+$0x5000 ss:$0x1], $0xffff  }
0x1f1: {  	v26 =	vmul.f32 v44, v13;
	v27 =	vmul.f32 v47, v33;
	v33 =	vmax.f32 v42, v49;
	v42 =	vld.idx.msk [tilespmem:v17+s16+$0x5080 ss:$0x1], $0xffff  }
0x1f2: {  	v25 =	vmul.f32 v41, v28;
	v28 =	vmax.f32 v35, v51;
	v35 =	vperm.xlane v30, v0;
	v41 =	vld.idx.msk [tilespmem:v19+s16+$0x5080 ss:$0x1], $0xffff  }
0x1f3: {  	vm1 =	veq.s32 v21, v3;
	v21 =	vmovc v45;
	v44 =	vmul.f32 $2.000000030e-01, v46;
	v33 =	vmul.f32 v33, v10;
	v47 =	vld.idx.msk [tilespmem:v19+s16+$0x50A0 ss:$0x1], $0xffff  }
0x1f4: {  	v51 =	vmul.f32 v38, v12;
	v45 =	vmul.f32 $2.000000030e-01, v31;
	v30 =	vadd.f32 v30, v35;
	v49 =	vld.idx.msk [tilespmem:v17+s16+$0x50A0 ss:$0x1], $0xffff  }
0x1f5: {  	vm2 =	veq.s32 v20, v3;
	v20 =	vmovc v43;
	v38 =	vmul.f32 v28, v9;
	v35 =	vmul.f32 $2.000000030e-01, v48;
	v53 =	vld.idx.msk [tilespmem:v18+s16+$0x50B0 ss:$0x1], $0xffff  }
0x1f6: {  	v28 =	vmul.f32 v34, v40;
	v30 =	vsel vm0, v30, v32;
	v32 =	vperm.xlane v52, v6;
	v43 =	vld.idx.msk [tilespmem:v18+s16+$0x5040 ss:$0x1], $0xffff  }
0x1f7: {  	v36 =	vmul.f32 v37, v36;
	v34 =	vmax.f32 v46, v44;
	v40 =	vmul.f32 $2.000000030e-01, v39;
	v37 =	vld.idx.msk [tilespmem:v19+s16+$0x50B0 ss:$0x1], $0xffff  }
0x1f8: {  	v31 =	vmax.f32 v31, v45;
	v44 =	vperm.xlane v30, v1;
	v41 =	vmul.f32 v42, v41;
	v42 =	vld.idx.msk [tilespmem:v18+s16+$0x50C0 ss:$0x1], $0xffff  }
0x1f9: {  	v34 =	vmul.f32 v34, v9;
	v39 =	vmax.f32 v39, v40;
	v45 =	vmul.f32 $2.000000030e-01, v50;
	v40 =	vld.idx.msk [tilespmem:v19+s16+$0x50C0 ss:$0x1], $0xffff  }
0x1fa: {  	v31 =	vmul.f32 v31, v7;
	v30 =	vadd.f32 v30, v44;
	v36 =	vadd.f32 v36, v41;
	v41 =	vld.idx.msk [tilespmem:v17+s16+$0x50B0 ss:$0x1], $0xffff  }
0x1fb: {  	v39 =	vmul.f32 v39, v8;
	v35 =	vmax.f32 v48, v35;
	v46 =	vmul.f32 $2.000000030e-01, v53;
	v44 =	vld.idx.msk [tilespmem:v18+s16+$0x5050 ss:$0x1], $0xffff  }
0x1fc: {  	v45 =	vmax.f32 v50, v45;
	v54 =	vperm.xlane v30, v2;
	v48 =	vmul.f32 $2.000000030e-01, v43;
	v50 =	vld.idx.msk [tilespmem:v19+s16+$0x50D0 ss:$0x1], $0xffff  }
0x1fd: {  	v31 =	vadd.f32 v39, v31;
	v39 =	vmul.f32 v49, v47;
	v46 =	vmax.f32 v53, v46;
	v47 =	vld.idx.msk [tilespmem:v17+s16+$0x50C0 ss:$0x1], $0xffff  }
0x1fe: {  	v30 =	vadd.f32 v30, v54;
	v43 =	vmax.f32 v43, v48;
	v48 =	vmul.f32 $2.000000030e-01, v42;
	v49 =	vld.idx.msk [tilespmem:v17+s16+$0x50D0 ss:$0x1], $0xffff  }
0x1ff: {  	v35 =	vmul.f32 v35, v8;
	v31 =	vadd.f32 v38, v31;
	v43 =	vmul.f32 v43, v11;
	v53 =	vld.idx.msk [tilespmem:v19+s16+$0x50E0 ss:$0x1], $0xffff  }
0x200: {  	v36 =	vadd.f32 v39, v36;
	v38 =	vmul.f32 v46, v10;
	v46 =	vperm.xlane v30, v4;
	v39 =	vld.idx.msk [tilespmem:v17+s16+$0x50E0 ss:$0x1], $0xffff  }
0x201: {  	v45 =	vmul.f32 v45, v7;
	v37 =	vmul.f32 v41, v37;
	v41 =	vmax.f32 v42, v48;
	v42 =	vld.idx.msk [tilespmem:v19+s16+$0x50F0 ss:$0x1], $0xffff  }
0x202: {  	v31 =	vadd.f32 v38, v31;
	v41 =	vmul.f32 v41, v11;
	v30 =	vadd.f32 v30, v46;
	v48 =	vld.idx.msk [tilespmem:v17+s16+$0x50F0 ss:$0x1], $0xffff  }
0x203: {  	v37 =	vadd.f32 v37, v36;
	v38 =	vmul.f32 v47, v40;
	v40 =	vperm.xlane v52, v5;
	v46 =	vld.idx.msk [tilespmem:v18+s16+$0x5060 ss:$0x1], $0xffff  }
0x204: {  	v45 =	vadd.f32 v35, v45;
	v52 =	vmul.f32 $2.000000030e-01, v44;
	v54 =	vperm.xlane v30, v5;
	v47 =	vld.idx.msk [tilespmem:v17+s16+$0x5050 ss:$0x1], $0xffff  }
0x205: {  	v49 =	vmul.f32 v49, v50;
	v50 =	vperm.xlane v30, v6;
	v37 =	vadd.f32 v38, v37;
	v36 =	vld.idx.msk [tilespmem:v19+s16+$0x5000 ss:$0x1], $0xffff  }
0x206: {  	v34 =	vadd.f32 v34, v45;
	v30 =	vmax.f32 v44, v52;
	v16 =	vsel vm2, v54, v16;
	v35 =	vld.idx.msk [tilespmem:v19+s16+$0x5020 ss:$0x1], $0xffff  }
.Ltmp4:
0x207: {  	v39 =	vmul.f32 v39, v53;
	v23 =	vsel vm2, v50, v23;
	v44 =	vadd.f32 v49, v37;
	v38 =	vld.idx.msk [tilespmem:v17+s16+$0x5020 ss:$0x1], $0xffff;
	(pc) =	sbr.rel @p0 .LBB2_12-.Ltmp4, $4  }
0x208: {  	v33 =	vadd.f32 v33, v34;
	v16 =	vsel vm1, v40, v16;
	v42 =	vmul.f32 v48, v42;
	v34 =	vld.idx.msk [tilespmem:v18+s16+$0x5070 ss:$0x1], $0xffff  }
0x209: {  	v45 =	vadd.f32 v41, v31;
	v40 =	vmul.f32 $2.000000030e-01, v46;
	v44 =	vadd.f32 v39, v44;
	v37 =	vld.idx.msk [tilespmem:v19+s16+$0x5060 ss:$0x1], $0xffff  }
0x20a: {  	v31 =	vadd.f32 v43, v33;
	v23 =	vsel vm1, v32, v23;
	v33 =	vmul.f32 v47, v29;
	v41 =	vld.idx.msk [tilespmem:v17+s16+$0x5060 ss:$0x1], $0xffff  }
0x20b: {  	s15 =	smov.u32 s10;
	v29 =	vadd.f32 v51, v45;
	v32 =	vmax.f32 v46, v40;
	v40 =	vadd.f32 v42, v44;
	v39 =	vld.idx.msk [tilespmem:v19+s16+$0x5070 ss:$0x1], $0xffff  }
0x20c: {  	v18 =	vmul.f32 v24, v36;
	_ =	sdelay $0x1  }
0x20d: {  	v19 =	vmul.f32 v38, v35;
	v18 =	vadd.f32 v27, v18;
	_ =	sdelay $0x1  }
0x20e: {  	v18 =	vadd.f32 v19, v18;
	_ =	sdelay $0x1  }
0x20f: {  	v18 =	vadd.f32 v25, v18  }
0x210: {  	v17 =	vld.idx.msk [tilespmem:v17+s16+$0x5070 ss:$0x1], $0xffff  }
0x211: {  	v50 =	vmul.f32 v30, v12;
	v51 =	vmul.f32 $2.000000030e-01, v34;
	v18 =	vadd.f32 v28, v18  }
0x212: {  	v53 =	vmul.f32 v32, v13;
	v52 =	vmul.f32 v41, v37  }
0x213: {  	v24 =	vmax.f32 v34, v51;
	v19 =	vadd.f32 v50, v31;
	v18 =	vadd.f32 v33, v18  }
0x214: {  	v24 =	vmul.f32 v24, v14  }
0x215: {  	v17 =	vmul.f32 v17, v39;
	v19 =	vadd.f32 v53, v19;
	v18 =	vadd.f32 v52, v18  }
0x216: {  	v22 =	vmul.f32 v22, v14;
	v54 =	vadd.f32 v26, v29  }
0x217: {  	v55 =	vadd.f32 v24, v19;
	v17 =	vadd.f32 v17, v18  }
0x218: {  	v56 =	vadd.f32 v22, v54  }
0x219: {  	v24 =	vperm.xlane v55, v0;
	v57 =	vperm.xlane v17, v0  }
0x21a: {  	v58 =	vperm.xlane v40, v0;
	v59 =	vperm.xlane v56, v0  }
0x21b: {  	v18 =	vadd.f32 v55, v24;
	v17 =	vadd.f32 v57, v17  }
0x21c: {  	v60 =	vadd.f32 v58, v40;
	v19 =	vadd.f32 v56, v59  }
0x21d: {  	v17 =	vsel vm0, v18, v17  }
0x21e: {  	v61 =	vsel vm0, v19, v60;
	v62 =	vperm.xlane v17, v1  }
0x21f: {  	v22 =	vperm.xlane v61, v1  }
0x220: {  	v17 =	vadd.f32 v17, v62  }
0x221: {  	v18 =	vadd.f32 v61, v22  }
0x222: {  	v19 =	vperm.xlane v17, v2  }
0x223: {  	v22 =	vperm.xlane v18, v2  }
0x224: {  	v17 =	vadd.f32 v17, v19  }
0x225: {  	v18 =	vadd.f32 v18, v22  }
0x226: {  	v19 =	vperm.xlane v17, v4  }
0x227: {  	v22 =	vperm.xlane v18, v4  }
0x228: {  	v17 =	vadd.f32 v17, v19  }
0x229: {  	v18 =	vadd.f32 v18, v22  }
0x22a: {  	v19 =	vperm.xlane v17, v5  }
0x22b: {  	vm1 =	veq.s32 v20, v3;
	v63 =	vperm.xlane v18, v5  }
0x22c: {  	vm2 =	veq.s32 v21, v3;
	v16 =	vsel vm1, v19, v16  }
0x22d: {  	v16 =	vsel vm2, v63, v16  }
0x22e: {  	v16 =	vadd.f32 v16, v15;
	_ =	sdelay $0x1  }
0x22f: {  	v16 =	vsub.f32 $0.0e+00, v16;
	_ =	sdelay $0x1  }
0x230: {  	v16 =	vmul.f32 $1.442695020e+00, v16;
	_ =	sdelay $0x1  }
0x231: {  	(erf) = vpow2.f32 v16;
	_ =	sdelay $0x8  }
0x232: {  	v16 =	vpop (erf)  }
0x233: {  	v16 =	vadd.f32 $1.000000000e+00, v16;
	_ =	sdelay $0x1  }
0x234: {  	(erf) = vrcp.f32 v16;
	_ =	sdelay $0x4  }
0x235: {  	v16 =	vperm.xlane v17, v6;
	v17 =	vperm.xlane v18, v6  }
0x236: {  	s10 =	sshll.u32 s1, $0x4;
	s1 =	sadd.s32 $0x1, s1  }
0x237: {  	p0 =	sne.s32 s1, $0x5  }
.Ltmp5:
0x238: {  	v16 =	vsel vm1, v16, v23;
	(pc) =	sbr.rel @p0 .LBB2_11-.Ltmp5, $4  }
0x239: {  	v16 =	vsel vm2, v17, v16;
	v17 =	vpop (erf)  }
0x23a: {  	v16 =	vmul.f32 v17, v16  }
0x23b: {  	s10 =	sand.u32 $0x3FFFFFF0, s10  }
0x23c: {  	s14 =	sadd.s32 $0x800, s14;
	s0 =	sadd.s32 $0x800, s0;
	s12 =	sadd.s32 $0x800, s12;
	[tilespmem:s10+$0x1B900] =	vst v16  }
0x23d: {  	s21 =	sadd.s32 $0x1, s21  }
0x23e: {  	p0 =	sne.s32 s21, $0x29  }
.Ltmp6:
0x23f: {  	_ = 	snop;
	(pc) =	sbr.rel @p0 .LBB2_2-.Ltmp6, $4  }
0x240: {  	_ = 	snop  }
0x241: {  	s0 =	sshrl.u32 s13, $0x3  }
0x242: {  	s1 =	simm.s32 $0x1B900;
	s0 =	sadd.s32 s3, s0  }
0x243: {  	[hbm4b:s0+s5] =	stream.linear.scatter [tilespmem:s1], [sflag:$0x9], $0x50, $0x38;
	[tilespmem:$0x1BA00] =	vst v63  }
0x244: {  	_ =	swait.ge [sflag:s30], $0x2800  }
0x245: {  	[sflag:s30] =	ssyncset.done $0x0  }
0x246: {  	[sflag:s30] =	ssyncadd.s32 $0xFFFFD800  }
0x247: {  	_ =	swait.ge [sflag:s30], $0x2800  }
0x248: {  	[sflag:s30] =	ssyncset.done $0x0  }
0x249: {  	[sflag:s30] =	ssyncadd.s32 $0xFFFFD800  }
0x24a: {  	_ =	swait.ge [sflag:s30], $0x2800  }
0x24b: {  	[sflag:s30] =	ssyncset.done $0x0  }
0x24c: {  	s0 =	simm.s32 $0x4E40;
	[sflag:s30] =	ssyncadd.s32 $0xFFFFD800  }
0x24d: {  	[tilespmem:s22], [sflag:$0x5] =	stream.indirect.gather.add.f32 [hbm:s7], $0x80, s0, s19, $0xb8;
	[tilespmem:$0x1BA00] =	vst v63  }
0x24e: {  	_ =	swait.ge [sflag:s2], $0x2800  }
0x24f: {  	[sflag:s2] =	ssyncset.done $0x0  }
0x250: {  	s28 =	simm.s32 $0x7;
	[sflag:s2] =	ssyncadd.s32 $0xFFFFD800  }
0x251: {  	_ =	swait.ge [sflag:s28], $0x50  }
0x252: {  	s1 =	simm.s32 $0x13F80;
	s12 =	simm.s32 $0xC780;
	[sflag:s28] =	ssyncset.done $0x0  }
0x253: {  	s13 =	simm.s32 $0x4F80;
	s0 =	simm.s32 $0x0;
	[sflag:s28] =	ssyncadd.s32 $0xFFFFFFB0  }
.LBB2_16:
0x254: {  	v19 =	vld [tilespmem:s12+$0xFFFFFF90]  }
0x255: {  	v17 =	vld [tilespmem:s13+$0x50]  }
0x256: {  	v16 =	vld [tilespmem:s12+$0xFFFFFFB0]  }
0x257: {  	v18 =	vld [tilespmem:s1+$0xFFFFFFB0]  }
0x258: {  	v21 =	vld [tilespmem:s12+$0x40]  }
0x259: {  	v22 =	vld [tilespmem:s12+$0x30]  }
0x25a: {  	v23 =	vld [tilespmem:s1+$0x40]  }
0x25b: {  	v25 =	vld [tilespmem:s13+$0x30]  }
0x25c: {  	v26 =	vld [tilespmem:s13+$0xFFFFFFB0]  }
0x25d: {  	v24 =	vld [tilespmem:s1+$0x30]  }
0x25e: {  	v20 =	vld [tilespmem:s12+$0x20]  }
0x25f: {  	v27 =	vld [tilespmem:s1+$0x20]  }
0x260: {  	v28 =	vld [tilespmem:s1+$0x10]  }
0x261: {  	v29 =	vld [tilespmem:s1+$0x0]  }
0x262: {  	v30 =	vld [tilespmem:s12+$0x10]  }
0x263: {  	v31 =	vld [tilespmem:s13+$0xFFFFFFA0]  }
0x264: {  	v32 =	vld [tilespmem:s12+$0x0]  }
0x265: {  	v33 =	vld [tilespmem:s12+$0xFFFFFFA0]  }
0x266: {  	v34 =	vld [tilespmem:s13+$0x20]  }
0x267: {  	v35 =	vld [tilespmem:s1+$0xFFFFFFA0]  }
0x268: {  	v36 =	vld [tilespmem:s12+$0xFFFFFF80]  }
0x269: {  	v37 =	vld [tilespmem:s13+$0x0]  }
0x26a: {  	v38 =	vld [tilespmem:s1+$0xFFFFFF80]  }
0x26b: {  	v41 =	vld [tilespmem:s13+$0x10]  }
0x26c: {  	v47 =	vld [tilespmem:s1+$0x70]  }
0x26d: {  	v45 =	vld [tilespmem:s13+$0xFFFFFFC0]  }
0x26e: {  	v49 =	vld [tilespmem:s12+$0x70];
	v43 =	vmul.f32 $2.000000030e-01, v17;
	v18 =	vmul.f32 v18, v16  }
0x26f: {  	v39 =	vld [tilespmem:s13+$0xFFFFFF90];
	v44 =	vmul.f32 v27, v20;
	v27 =	vmul.f32 v28, v30  }
0x270: {  	v40 =	vld [tilespmem:s13+$0xFFFFFF80];
	v28 =	vmul.f32 v29, v32;
	v29 =	vmul.f32 $2.000000030e-01, v34  }
0x271: {  	v63 =	vld [tilespmem:s13+$0xFFFFFFD0];
	v20 =	vmul.f32 v35, v33;
	v60 =	vmul.f32 $2.000000030e-01, v26  }
0x272: {  	v56 =	vld [tilespmem:s13+$0xFFFFFFE0];
	v62 =	vmul.f32 $2.000000030e-01, v37;
	v57 =	vmul.f32 $2.000000030e-01, v41  }
0x273: {  	v42 =	vld [tilespmem:s1+$0xFFFFFF90];
	v48 =	vmul.f32 $2.000000030e-01, v45;
	v32 =	vmul.f32 v47, v49;
	v17 =	vmax.f32 v17, v43  }
0x274: {  	v59 =	vld [tilespmem:s12+$0xFFFFFFC0];
	v43 =	vmul.f32 v24, v22;
	v46 =	vadd.f32 v27, v28;
	v28 =	vmul.f32 $2.000000030e-01, v25  }
0x275: {  	v61 =	vld [tilespmem:s12+$0xFFFFFFD0];
	v29 =	vmax.f32 v34, v29;
	v22 =	vmul.f32 v23, v21;
	v21 =	vmul.f32 $2.000000030e-01, v39  }
0x276: {  	v58 =	vld [tilespmem:s1+$0xFFFFFFE0];
	v23 =	vmax.f32 v26, v60;
	v27 =	vmul.f32 v38, v36;
	v26 =	vmul.f32 $2.000000030e-01, v40  }
0x277: {  	v30 =	vld [tilespmem:s1+$0xFFFFFFC0];
	v60 =	vmul.f32 $2.000000030e-01, v56;
	v37 =	vmax.f32 v37, v62;
	v62 =	vmul.f32 $2.000000030e-01, v63  }
0x278: {  	v52 =	vld [tilespmem:s12+$0x60];
	v16 =	vimm.f32 $0.0e+00;
	v24 =	vmul.f32 v29, v9;
	v38 =	vmul.f32 v23, v10  }
0x279: {  	v29 =	vld [tilespmem:s1+$0xFFFFFFD0];
	v51 =	vmul.f32 v37, v7;
	v25 =	vmax.f32 v25, v28;
	v21 =	vmax.f32 v39, v21  }
0x27a: {  	v28 =	vld [tilespmem:s13+$0x40];
	v39 =	vmax.f32 v41, v57;
	v23 =	vmul.f32 v25, v10;
	v25 =	vmul.f32 $2.000000030e-01, v31  }
0x27b: {  	v40 =	vmax.f32 v40, v26;
	v21 =	vmul.f32 v21, v8;
	v41 =	vmul.f32 v39, v8;
	v39 =	vld [tilespmem:s13+$0xFFFFFFF0]  }
0x27c: {  	v40 =	vmul.f32 v40, v7;
	v31 =	vmax.f32 v31, v25;
	v25 =	vmul.f32 v30, v59;
	v30 =	vld [tilespmem:s12+$0xFFFFFFE0]  }
0x27d: {  	v46 =	vadd.f32 v44, v46;
	v50 =	vmax.f32 v56, v60;
	v59 =	vmul.f32 v31, v9;
	v31 =	vld [tilespmem:s13+$0x70]  }
0x27e: {  	v63 =	vmax.f32 v63, v62;
	v21 =	vadd.f32 v21, v40;
	v26 =	vmul.f32 v29, v61;
	v61 =	vld [tilespmem:s1+$0x60]  }
0x27f: {  	v35 =	vld [tilespmem:s1+$0xFFFFFFF0];
	v44 =	vmul.f32 v42, v19;
	v33 =	vmul.f32 v50, v13;
	v29 =	vmax.f32 v45, v48  }
0x280: {  	v37 =	vld [tilespmem:s12+$0xFFFFFFF0];
	v40 =	vmul.f32 v63, v12;
	v34 =	vmul.f32 v29, v11;
	v19 =	vadd.f32 v59, v21  }
0x281: {  	v42 =	vld [tilespmem:s1+$0x50];
	v36 =	vmul.f32 $2.000000030e-01, v28;
	v29 =	vmul.f32 v58, v30;
	v30 =	vadd.f32 v43, v46  }
0x282: {  	s16 =	simm.s32 $0x2;
	s15 =	sadd.s32 $0x100, s12;
	v45 =	vmul.f32 $2.000000030e-01, v39;
	v46 =	vadd.f32 v41, v51;
	v43 =	vld [tilespmem:s12+$0x50];
	v47 =	vadd.f32 v38, v19  }
0x283: {  	s10 =	smov.u32 s1;
	s18 =	smov.u32 s13;
	s14 =	simm.s32 $0x0;
	v41 =	vld [tilespmem:s13+$0x60];
	v19 =	vimm.f32 $0.0e+00;
	v38 =	vmul.f32 v61, v52;
	v48 =	vmul.f32 $2.000000030e-01, v31  }
.LBB2_17:
0x284: {  	v21 =	vld [tilespmem:s15+$0xFFFFFF90];
	p0 =	sne.s32 s16, $0xE;
	v27 =	vadd.f32 v44, v27;
	v39 =	vmax.f32 v39, v45;
	v24 =	vadd.f32 v24, v46;
	s10 =	sadd.s32 $0x100, s10;
	s18 =	sadd.s32 $0x100, s18  }
0x285: {  	s20 =	smov.u32 s16;
	s16 =	sadd.s32 $0x2, s16;
	v44 =	vld [tilespmem:s18+$0x50];
	v34 =	vadd.f32 v34, v47;
	v39 =	vmul.f32 v39, v14;
	v31 =	vmax.f32 v31, v48  }
0x286: {  	v22 =	vadd.f32 v22, v30;
	v45 =	vld [tilespmem:s15+$0xFFFFFFB0];
	v20 =	vadd.f32 v20, v27;
	v27 =	vmul.f32 v35, v37  }
0x287: {  	v28 =	vmax.f32 v28, v36;
	v30 =	vld [tilespmem:s10+$0xFFFFFFB0];
	v34 =	vadd.f32 v40, v34;
	v35 =	vmul.f32 v42, v43  }
0x288: {  	v36 =	vld [tilespmem:s15+$0x40];
	v18 =	vadd.f32 v18, v20;
	v20 =	vmul.f32 v28, v11;
	v28 =	vmul.f32 $2.000000030e-01, v41  }
0x289: {  	v37 =	vld [tilespmem:s15+$0x30];
	v33 =	vadd.f32 v33, v34;
	v22 =	vadd.f32 v35, v22  }
0x28a: {  	v23 =	vadd.f32 v23, v24;
	v34 =	vld [tilespmem:s10+$0x40];
	v25 =	vadd.f32 v25, v18;
	v24 =	vmax.f32 v41, v28  }
0x28b: {  	v35 =	vmul.f32 $2.000000030e-01, v44;
	v28 =	vld [tilespmem:s18+$0x30];
	v33 =	vadd.f32 v39, v33;
	v22 =	vadd.f32 v38, v22  }
0x28c: {  	v20 =	vadd.f32 v20, v23;
	v23 =	vmul.f32 v17, v12;
	v38 =	vld [tilespmem:s18+$0xFFFFFFB0];
	v18 =	vmul.f32 v30, v45  }
0x28d: {  	v17 =	vmax.f32 v44, v35;
	v25 =	vadd.f32 v26, v25;
	v30 =	vld [tilespmem:s10+$0x30];
	v22 =	vadd.f32 v32, v22  }
0x28e: {  	v20 =	vadd.f32 v23, v20;
	v23 =	vmul.f32 v24, v13;
	v32 =	vperm.xlane v33, v0;
	v26 =	vld [tilespmem:s15+$0x20]  }
0x28f: {  	v25 =	vadd.f32 v29, v25;
	v24 =	vld [tilespmem:s10+$0x20];
	v29 =	vperm.xlane v22, v0  }
0x290: {  	v20 =	vadd.f32 v23, v20;
	v23 =	vmul.f32 v31, v14;
	v32 =	vadd.f32 v33, v32;
	v35 =	vld [tilespmem:s10+$0x10]  }
0x291: {  	v25 =	vadd.f32 v27, v25;
	v31 =	vld [tilespmem:s10+$0x0];
	v22 =	vadd.f32 v29, v22  }
0x292: {  	v20 =	vadd.f32 v23, v20;
	v27 =	vld [tilespmem:s15+$0x10]  }
0x293: {  	v23 =	vperm.xlane v25, v0;
	v29 =	vld [tilespmem:s18+$0xFFFFFFA0]  }
0x294: {  	v33 =	vld [tilespmem:s15+$0x0];
	v24 =	vmul.f32 v24, v26;
	v26 =	vperm.xlane v20, v0  }
0x295: {  	v23 =	vadd.f32 v23, v25;
	v39 =	vld [tilespmem:s15+$0xFFFFFFA0]  }
0x296: {  	v25 =	vld [tilespmem:s18+$0x20];
	v20 =	vadd.f32 v20, v26  }
0x297: {  	v23 =	vsel vm0, v32, v23;
	v26 =	vld [tilespmem:s10+$0xFFFFFFA0];
	v27 =	vmul.f32 v35, v27  }
0x298: {  	v35 =	vperm.xlane v23, v1;
	v32 =	vld [tilespmem:s15+$0xFFFFFF80];
	v20 =	vsel vm0, v20, v22  }
0x299: {  	v40 =	vld [tilespmem:s18+$0x0];
	v22 =	vmul.f32 v31, v33;
	v31 =	vperm.xlane v20, v1  }
0x29a: {  	v23 =	vadd.f32 v23, v35;
	v33 =	vld [tilespmem:s10+$0xFFFFFF80]  }
0x29b: {  	v35 =	vld [tilespmem:s18+$0xFFFFFF90];
	v22 =	vadd.f32 v27, v22;
	v27 =	vmul.f32 $2.000000030e-01, v25;
	v31 =	vadd.f32 v20, v31  }
0x29c: {  	v41 =	vld [tilespmem:s18+$0xFFFFFF80];
	v20 =	vmul.f32 v26, v39;
	v26 =	vmul.f32 $2.000000030e-01, v38  }
0x29d: {  	v30 =	vmul.f32 v30, v37;
	v39 =	vld [tilespmem:s18+$0x10];
	v25 =	vmax.f32 v25, v27;
	v27 =	vperm.xlane v31, v2  }
0x29e: {  	v44 =	vmul.f32 $2.000000030e-01, v28;
	v43 =	vadd.f32 v24, v22;
	v42 =	vld [tilespmem:s10+$0xFFFFFF90];
	v37 =	vmul.f32 $2.000000030e-01, v40  }
0x29f: {  	v22 =	vmul.f32 v34, v36;
	v24 =	vmul.f32 v25, v9;
	v47 =	vld [tilespmem:s10+$0x70];
	v25 =	vadd.f32 v31, v27  }
0x2a0: {  	v36 =	vperm.xlane v23, v2;
	v26 =	vmax.f32 v38, v26;
	v31 =	vmul.f32 $2.000000030e-01, v35;
	v34 =	vld [tilespmem:s10+$0xFFFFFFC0]  }
0x2a1: {  	v28 =	vmax.f32 v28, v44;
	v27 =	vmul.f32 v33, v32;
	v33 =	vmax.f32 v40, v37;
	v32 =	vld [tilespmem:s15+$0xFFFFFFC0]  }
0x2a2: {  	v38 =	vmul.f32 v26, v10;
	v31 =	vmax.f32 v35, v31;
	v26 =	vld [tilespmem:s15+$0xFFFFFFD0];
	v35 =	vadd.f32 v23, v36  }
0x2a3: {  	v30 =	vadd.f32 v30, v43;
	v23 =	vmul.f32 v28, v10;
	v28 =	vperm.xlane v25, v4;
	v36 =	vld [tilespmem:s18+$0xFFFFFFC0]  }
0x2a4: {  	v44 =	vmov s14;
	v40 =	vmul.f32 $2.000000030e-01, v29;
	v37 =	vmul.f32 $2.000000030e-01, v41;
	v43 =	vld [tilespmem:s10+$0xFFFFFFD0]  }
0x2a5: {  	v46 =	vmul.f32 $2.000000030e-01, v39;
	v48 =	vperm.xlane v35, v4;
	v49 =	vadd.f32 v25, v28;
	v45 =	vld [tilespmem:s18+$0xFFFFFFD0]  }
0x2a6: {  	vm1 =	veq.s32 v44, v3;
	v29 =	vmax.f32 v29, v40;
	v25 =	vmul.f32 v34, v32;
	v28 =	vld [tilespmem:s18+$0x40]  }
0x2a7: {  	v40 =	vmul.f32 v29, v9;
	v32 =	vmul.f32 v31, v8;
	v35 =	vadd.f32 v35, v48;
	v29 =	vld [tilespmem:s18+$0xFFFFFFE0]  }
0x2a8: {  	v34 =	vmax.f32 v39, v46;
	v46 =	vperm.xlane v49, v5;
	v31 =	vmul.f32 $2.000000030e-01, v36;
	v44 =	vld [tilespmem:s10+$0xFFFFFFE0]  }
0x2a9: {  	s21 =	sadd.s32 $0x1, s14;
	s14 =	smov.u32 s20;
	v37 =	vmax.f32 v41, v37;
	v39 =	vperm.xlane v35, v6;
	v26 =	vmul.f32 v43, v26;
	v41 =	vld [tilespmem:s15+$0xFFFFFFE0]  }
0x2aa: {  	v48 =	vmov s21;
	v43 =	vmul.f32 v34, v8;
	v36 =	vmax.f32 v36, v31;
	v31 =	vld [tilespmem:s18+$0x70]  }
0x2ab: {  	v16 =	vsel vm1, v39, v16;
	v34 =	vmul.f32 v36, v11;
	v50 =	vld [tilespmem:s15+$0x70];
	v36 =	vperm.xlane v49, v6  }
0x2ac: {  	vm2 =	veq.s32 v48, v3;
	v52 =	vperm.xlane v35, v5;
	v49 =	vmul.f32 $2.000000030e-01, v29;
	v51 =	vld [tilespmem:s10+$0x60]  }
0x2ad: {  	v35 =	vmul.f32 v37, v7;
	v37 =	vmul.f32 $2.000000030e-01, v45;
	v39 =	vld [tilespmem:s18+$0xFFFFFFF0];
	v16 =	vsel vm2, v36, v16  }
0x2ae: {  	v36 =	vmul.f32 $2.000000030e-01, v28;
	v48 =	vmax.f32 v29, v49;
	v49 =	vmul.f32 v33, v7;
	v53 =	vld [tilespmem:s15+$0x60]  }
.Ltmp7:
0x2af: {  	v32 =	vadd.f32 v32, v35;
	v19 =	vsel vm1, v52, v19;
	v29 =	vmul.f32 v44, v41;
	v35 =	vld [tilespmem:s10+$0xFFFFFFF0];
	(pc) =	sbr.rel @p0 .LBB2_17-.Ltmp7, $4  }
0x2b0: {  	v19 =	vsel vm2, v46, v19;
	v41 =	vmax.f32 v45, v37;
	v33 =	vmul.f32 v48, v13;
	v37 =	vld [tilespmem:s15+$0xFFFFFFF0]  }
0x2b1: {  	v44 =	vmul.f32 v42, v21;
	v21 =	vadd.f32 v40, v32;
	v40 =	vmul.f32 v41, v12;
	v42 =	vld [tilespmem:s10+$0x50]  }
0x2b2: {  	v46 =	vadd.f32 v43, v49;
	v32 =	vmul.f32 v47, v50;
	v45 =	vmul.f32 $2.000000030e-01, v39;
	v43 =	vld [tilespmem:s15+$0x50]  }
0x2b3: {  	v48 =	vmul.f32 $2.000000030e-01, v31;
	v47 =	vadd.f32 v38, v21;
	s15 =	sadd.s32 $0x100, s15;
	v41 =	vld [tilespmem:s18+$0x60];
	v38 =	vmul.f32 v51, v53  }
0x2b4: {  	v21 =	vadd.f32 v44, v27;
	_ =	sdelay $0x1  }
0x2b5: {  	v20 =	vadd.f32 v20, v21  }
0x2b6: {  	v45 =	vmax.f32 v39, v45;
	v24 =	vadd.f32 v24, v46;
	v28 =	vmax.f32 v28, v36  }
0x2b7: {  	v22 =	vadd.f32 v22, v30;
	v17 =	vmul.f32 v17, v12;
	v18 =	vadd.f32 v18, v20  }
0x2b8: {  	v47 =	vadd.f32 v34, v47;
	v28 =	vmul.f32 v28, v11;
	v23 =	vadd.f32 v23, v24  }
0x2b9: {  	v49 =	vmax.f32 v31, v48;
	v50 =	vmul.f32 $2.000000030e-01, v41;
	v18 =	vadd.f32 v25, v18  }
0x2ba: {  	v53 =	vmul.f32 v35, v37;
	v51 =	vmul.f32 v42, v43;
	v23 =	vadd.f32 v28, v23  }
0x2bb: {  	v27 =	vadd.f32 v40, v47;
	v24 =	vmax.f32 v41, v50;
	v18 =	vadd.f32 v26, v18  }
0x2bc: {  	v22 =	vadd.f32 v51, v22;
	v17 =	vadd.f32 v17, v23;
	v52 =	vmul.f32 v24, v13  }
0x2bd: {  	v21 =	vmul.f32 v45, v14;
	v54 =	vadd.f32 v33, v27;
	v18 =	vadd.f32 v29, v18  }
0x2be: {  	v20 =	vmul.f32 v49, v14;
	v22 =	vadd.f32 v38, v22;
	v17 =	vadd.f32 v52, v17  }
0x2bf: {  	v21 =	vadd.f32 v21, v54;
	v18 =	vadd.f32 v53, v18  }
0x2c0: {  	v22 =	vadd.f32 v32, v22;
	v17 =	vadd.f32 v20, v17  }
0x2c1: {  	v55 =	vperm.xlane v21, v0;
	v56 =	vperm.xlane v18, v0  }
0x2c2: {  	v57 =	vperm.xlane v22, v0;
	v58 =	vperm.xlane v17, v0  }
0x2c3: {  	v20 =	vadd.f32 v21, v55;
	v18 =	vadd.f32 v56, v18  }
0x2c4: {  	v59 =	vadd.f32 v57, v22;
	v17 =	vadd.f32 v17, v58  }
0x2c5: {  	v18 =	vsel vm0, v20, v18  }
0x2c6: {  	v17 =	vsel vm0, v17, v59;
	v20 =	vperm.xlane v18, v1  }
0x2c7: {  	v21 =	vperm.xlane v17, v1  }
0x2c8: {  	v18 =	vadd.f32 v18, v20  }
0x2c9: {  	v17 =	vadd.f32 v17, v21  }
0x2ca: {  	v20 =	vperm.xlane v18, v2  }
0x2cb: {  	v21 =	vperm.xlane v17, v2  }
0x2cc: {  	v18 =	vadd.f32 v18, v20  }
0x2cd: {  	v17 =	vadd.f32 v17, v21  }
0x2ce: {  	v20 =	vperm.xlane v18, v4  }
0x2cf: {  	v21 =	vperm.xlane v17, v4  }
0x2d0: {  	v18 =	vadd.f32 v18, v20  }
0x2d1: {  	v17 =	vadd.f32 v17, v21  }
0x2d2: {  	v60 =	vmov s14;
	s10 =	sadd.s32 $0x1, s14;
	v61 =	vperm.xlane v18, v5  }
0x2d3: {  	vm1 =	veq.s32 v60, v3;
	v63 =	vmov s10;
	v62 =	vperm.xlane v17, v5  }
0x2d4: {  	vm2 =	veq.s32 v63, v3;
	v19 =	vsel vm1, v61, v19  }
0x2d5: {  	v19 =	vsel vm2, v62, v19  }
0x2d6: {  	v19 =	vadd.f32 v19, v15;
	_ =	sdelay $0x1  }
0x2d7: {  	v19 =	vsub.f32 $0.0e+00, v19;
	_ =	sdelay $0x1  }
0x2d8: {  	v19 =	vmul.f32 $1.442695020e+00, v19;
	_ =	sdelay $0x1  }
0x2d9: {  	(erf) = vpow2.f32 v19;
	_ =	sdelay $0x8  }
0x2da: {  	v19 =	vpop (erf)  }
0x2db: {  	v19 =	vadd.f32 $1.000000000e+00, v19;
	_ =	sdelay $0x1  }
0x2dc: {  	(erf) = vrcp.f32 v19;
	_ =	sdelay $0x4  }
0x2dd: {  	v17 =	vperm.xlane v17, v6  }
0x2de: {  	s28 =	sshll.u32 s0, $0x4;
	s0 =	sadd.s32 $0x1, s0;
	v18 =	vperm.xlane v18, v6  }
0x2df: {  	p0 =	sne.s32 s0, $0x5  }
.Ltmp8:
0x2e0: {  	v16 =	vsel vm1, v18, v16;
	(pc) =	sbr.rel @p0 .LBB2_16-.Ltmp8, $4  }
0x2e1: {  	v16 =	vsel vm2, v17, v16;
	v17 =	vpop (erf)  }
0x2e2: {  	v16 =	vmul.f32 v17, v16  }
0x2e3: {  	s10 =	sand.u32 $0x3FFFFFF0, s28  }
0x2e4: {  	s1 =	sadd.s32 $0x800, s1;
	s12 =	sadd.s32 $0x800, s12;
	s13 =	sadd.s32 $0x800, s13;
	[tilespmem:s10+$0x1B800] =	vst v16  }
0x2e5: {  	s13 =	simm.s32 $0x0;
	s0 =	rddreg [dreg:$0x7];
	s1 =	simm.s32 $0x1B800  }
0x2e6: {  	[hbm4b:s0+s13] =	stream.linear.scatter [tilespmem:s1], [sflag:$0x7], $0x50, $0x38;
	[tilespmem:$0x1BA00] =	vst v63  }
0x2e7: {  	_ =	swait.ge [sflag:s26], $0x2800  }
0x2e8: {  	[sflag:s26] =	ssyncset.done $0x0  }
0x2e9: {  	s28 =	simm.s32 $0x8;
	[sflag:s26] =	ssyncadd.s32 $0xFFFFD800  }
0x2ea: {  	_ =	swait.ge [sflag:s28], $0x50  }
0x2eb: {  	s12 =	simm.s32 $0x167F0;
	[sflag:s28] =	ssyncset.done $0x0  }
0x2ec: {  	s0 =	simm.s32 $0x77F0;
	s1 =	simm.s32 $0xEFF0;
	[sflag:s28] =	ssyncadd.s32 $0xFFFFFFB0  }
.LBB2_20:
0x2ed: {  	v19 =	vld [tilespmem:s1+$0xFFFFFF20]  }
0x2ee: {  	v17 =	vld [tilespmem:s0+$0xFFFFFFE0]  }
0x2ef: {  	v16 =	vld [tilespmem:s1+$0xFFFFFF40]  }
0x2f0: {  	v18 =	vld [tilespmem:s12+$0xFFFFFF40]  }
0x2f1: {  	v21 =	vld [tilespmem:s1+$0xFFFFFFD0]  }
0x2f2: {  	v22 =	vld [tilespmem:s1+$0xFFFFFFC0]  }
0x2f3: {  	v23 =	vld [tilespmem:s12+$0xFFFFFFD0]  }
0x2f4: {  	v25 =	vld [tilespmem:s0+$0xFFFFFFC0]  }
0x2f5: {  	v26 =	vld [tilespmem:s0+$0xFFFFFF40]  }
0x2f6: {  	v24 =	vld [tilespmem:s12+$0xFFFFFFC0]  }
0x2f7: {  	v20 =	vld [tilespmem:s1+$0xFFFFFFB0]  }
0x2f8: {  	v27 =	vld [tilespmem:s12+$0xFFFFFFB0]  }
0x2f9: {  	v28 =	vld [tilespmem:s12+$0xFFFFFFA0]  }
0x2fa: {  	v29 =	vld [tilespmem:s12+$0xFFFFFF90]  }
0x2fb: {  	v30 =	vld [tilespmem:s1+$0xFFFFFFA0]  }
0x2fc: {  	v31 =	vld [tilespmem:s0+$0xFFFFFF30]  }
0x2fd: {  	v32 =	vld [tilespmem:s1+$0xFFFFFF90]  }
0x2fe: {  	v33 =	vld [tilespmem:s1+$0xFFFFFF30]  }
0x2ff: {  	v34 =	vld [tilespmem:s0+$0xFFFFFFB0]  }
0x300: {  	v35 =	vld [tilespmem:s12+$0xFFFFFF30]  }
0x301: {  	v36 =	vld [tilespmem:s1+$0xFFFFFF10]  }
0x302: {  	v37 =	vld [tilespmem:s0+$0xFFFFFF90]  }
0x303: {  	v38 =	vld [tilespmem:s12+$0xFFFFFF10]  }
0x304: {  	v41 =	vld [tilespmem:s0+$0xFFFFFFA0]  }
0x305: {  	v47 =	vld [tilespmem:s12+$0x0]  }
0x306: {  	v45 =	vld [tilespmem:s0+$0xFFFFFF50]  }
0x307: {  	v49 =	vld [tilespmem:s1+$0x0];
	v43 =	vmul.f32 $2.000000030e-01, v17;
	v18 =	vmul.f32 v18, v16  }
0x308: {  	v39 =	vld [tilespmem:s0+$0xFFFFFF20];
	v44 =	vmul.f32 v27, v20;
	v27 =	vmul.f32 v28, v30  }
0x309: {  	v40 =	vld [tilespmem:s0+$0xFFFFFF10];
	v28 =	vmul.f32 v29, v32;
	v29 =	vmul.f32 $2.000000030e-01, v34  }
0x30a: {  	v63 =	vld [tilespmem:s0+$0xFFFFFF60];
	v20 =	vmul.f32 v35, v33;
	v60 =	vmul.f32 $2.000000030e-01, v26  }
0x30b: {  	v56 =	vld [tilespmem:s0+$0xFFFFFF70];
	v62 =	vmul.f32 $2.000000030e-01, v37;
	v57 =	vmul.f32 $2.000000030e-01, v41  }
0x30c: {  	v42 =	vld [tilespmem:s12+$0xFFFFFF20];
	v48 =	vmul.f32 $2.000000030e-01, v45;
	v32 =	vmul.f32 v47, v49;
	v17 =	vmax.f32 v17, v43  }
0x30d: {  	v59 =	vld [tilespmem:s1+$0xFFFFFF50];
	v43 =	vmul.f32 v24, v22;
	v46 =	vadd.f32 v27, v28;
	v28 =	vmul.f32 $2.000000030e-01, v25  }
0x30e: {  	v61 =	vld [tilespmem:s1+$0xFFFFFF60];
	v29 =	vmax.f32 v34, v29;
	v22 =	vmul.f32 v23, v21;
	v21 =	vmul.f32 $2.000000030e-01, v39  }
0x30f: {  	v58 =	vld [tilespmem:s12+$0xFFFFFF70];
	v23 =	vmax.f32 v26, v60;
	v27 =	vmul.f32 v38, v36;
	v26 =	vmul.f32 $2.000000030e-01, v40  }
0x310: {  	v30 =	vld [tilespmem:s12+$0xFFFFFF50];
	v60 =	vmul.f32 $2.000000030e-01, v56;
	v37 =	vmax.f32 v37, v62;
	v62 =	vmul.f32 $2.000000030e-01, v63  }
0x311: {  	v52 =	vld [tilespmem:s1+$0xFFFFFFF0];
	v16 =	vimm.f32 $0.0e+00;
	v24 =	vmul.f32 v29, v9;
	v38 =	vmul.f32 v23, v10  }
0x312: {  	v29 =	vld [tilespmem:s12+$0xFFFFFF60];
	v51 =	vmul.f32 v37, v7;
	v25 =	vmax.f32 v25, v28;
	v21 =	vmax.f32 v39, v21  }
0x313: {  	v28 =	vld [tilespmem:s0+$0xFFFFFFD0];
	v39 =	vmax.f32 v41, v57;
	v23 =	vmul.f32 v25, v10;
	v25 =	vmul.f32 $2.000000030e-01, v31  }
0x314: {  	v40 =	vmax.f32 v40, v26;
	v21 =	vmul.f32 v21, v8;
	v41 =	vmul.f32 v39, v8;
	v39 =	vld [tilespmem:s0+$0xFFFFFF80]  }
0x315: {  	v40 =	vmul.f32 v40, v7;
	v31 =	vmax.f32 v31, v25;
	v25 =	vmul.f32 v30, v59;
	v30 =	vld [tilespmem:s1+$0xFFFFFF70]  }
0x316: {  	v46 =	vadd.f32 v44, v46;
	v50 =	vmax.f32 v56, v60;
	v59 =	vmul.f32 v31, v9;
	v31 =	vld [tilespmem:s0+$0x0]  }
0x317: {  	v63 =	vmax.f32 v63, v62;
	v21 =	vadd.f32 v21, v40;
	v26 =	vmul.f32 v29, v61;
	v61 =	vld [tilespmem:s12+$0xFFFFFFF0]  }
0x318: {  	v35 =	vld [tilespmem:s12+$0xFFFFFF80];
	v44 =	vmul.f32 v42, v19;
	v33 =	vmul.f32 v50, v13;
	v29 =	vmax.f32 v45, v48  }
0x319: {  	v37 =	vld [tilespmem:s1+$0xFFFFFF80];
	v40 =	vmul.f32 v63, v12;
	v34 =	vmul.f32 v29, v11;
	v19 =	vadd.f32 v59, v21  }
0x31a: {  	v42 =	vld [tilespmem:s12+$0xFFFFFFE0];
	v36 =	vmul.f32 $2.000000030e-01, v28;
	v29 =	vmul.f32 v58, v30;
	v30 =	vadd.f32 v43, v46  }
0x31b: {  	s16 =	simm.s32 $0x2;
	s15 =	sadd.s32 $0x100, s1;
	v45 =	vmul.f32 $2.000000030e-01, v39;
	v46 =	vadd.f32 v41, v51;
	v43 =	vld [tilespmem:s1+$0xFFFFFFE0];
	v47 =	vadd.f32 v38, v19  }
0x31c: {  	s10 =	smov.u32 s0;
	s18 =	smov.u32 s12;
	s14 =	simm.s32 $0x0;
	v41 =	vld [tilespmem:s0+$0xFFFFFFF0];
	v19 =	vimm.f32 $0.0e+00;
	v38 =	vmul.f32 v61, v52;
	v48 =	vmul.f32 $2.000000030e-01, v31  }
.LBB2_21:
0x31d: {  	v21 =	vld [tilespmem:s15+$0xFFFFFF20];
	p0 =	sne.s32 s16, $0xE;
	v27 =	vadd.f32 v44, v27;
	v39 =	vmax.f32 v39, v45;
	v24 =	vadd.f32 v24, v46;
	s10 =	sadd.s32 $0x100, s10;
	s18 =	sadd.s32 $0x100, s18  }
0x31e: {  	s20 =	smov.u32 s16;
	s16 =	sadd.s32 $0x2, s16;
	v44 =	vld [tilespmem:s10+$0xFFFFFFE0];
	v34 =	vadd.f32 v34, v47;
	v39 =	vmul.f32 v39, v14;
	v31 =	vmax.f32 v31, v48  }
0x31f: {  	v22 =	vadd.f32 v22, v30;
	v45 =	vld [tilespmem:s15+$0xFFFFFF40];
	v20 =	vadd.f32 v20, v27;
	v27 =	vmul.f32 v35, v37  }
0x320: {  	v28 =	vmax.f32 v28, v36;
	v30 =	vld [tilespmem:s18+$0xFFFFFF40];
	v34 =	vadd.f32 v40, v34;
	v35 =	vmul.f32 v42, v43  }
0x321: {  	v36 =	vld [tilespmem:s15+$0xFFFFFFD0];
	v18 =	vadd.f32 v18, v20;
	v20 =	vmul.f32 v28, v11;
	v28 =	vmul.f32 $2.000000030e-01, v41  }
0x322: {  	v37 =	vld [tilespmem:s15+$0xFFFFFFC0];
	v33 =	vadd.f32 v33, v34;
	v22 =	vadd.f32 v35, v22  }
0x323: {  	v23 =	vadd.f32 v23, v24;
	v34 =	vld [tilespmem:s18+$0xFFFFFFD0];
	v25 =	vadd.f32 v25, v18;
	v24 =	vmax.f32 v41, v28  }
0x324: {  	v35 =	vmul.f32 $2.000000030e-01, v44;
	v28 =	vld [tilespmem:s10+$0xFFFFFFC0];
	v33 =	vadd.f32 v39, v33;
	v22 =	vadd.f32 v38, v22  }
0x325: {  	v20 =	vadd.f32 v20, v23;
	v23 =	vmul.f32 v17, v12;
	v38 =	vld [tilespmem:s10+$0xFFFFFF40];
	v18 =	vmul.f32 v30, v45  }
0x326: {  	v17 =	vmax.f32 v44, v35;
	v25 =	vadd.f32 v26, v25;
	v30 =	vld [tilespmem:s18+$0xFFFFFFC0];
	v22 =	vadd.f32 v32, v22  }
0x327: {  	v20 =	vadd.f32 v23, v20;
	v23 =	vmul.f32 v24, v13;
	v32 =	vperm.xlane v33, v0;
	v26 =	vld [tilespmem:s15+$0xFFFFFFB0]  }
0x328: {  	v25 =	vadd.f32 v29, v25;
	v24 =	vld [tilespmem:s18+$0xFFFFFFB0];
	v29 =	vperm.xlane v22, v0  }
0x329: {  	v20 =	vadd.f32 v23, v20;
	v23 =	vmul.f32 v31, v14;
	v32 =	vadd.f32 v33, v32;
	v35 =	vld [tilespmem:s18+$0xFFFFFFA0]  }
0x32a: {  	v25 =	vadd.f32 v27, v25;
	v31 =	vld [tilespmem:s18+$0xFFFFFF90];
	v22 =	vadd.f32 v29, v22  }
0x32b: {  	v20 =	vadd.f32 v23, v20;
	v27 =	vld [tilespmem:s15+$0xFFFFFFA0]  }
0x32c: {  	v23 =	vperm.xlane v25, v0;
	v29 =	vld [tilespmem:s10+$0xFFFFFF30]  }
0x32d: {  	v33 =	vld [tilespmem:s15+$0xFFFFFF90];
	v24 =	vmul.f32 v24, v26;
	v26 =	vperm.xlane v20, v0  }
0x32e: {  	v23 =	vadd.f32 v23, v25;
	v39 =	vld [tilespmem:s15+$0xFFFFFF30]  }
0x32f: {  	v25 =	vld [tilespmem:s10+$0xFFFFFFB0];
	v20 =	vadd.f32 v20, v26  }
0x330: {  	v23 =	vsel vm0, v32, v23;
	v26 =	vld [tilespmem:s18+$0xFFFFFF30];
	v27 =	vmul.f32 v35, v27  }
0x331: {  	v35 =	vperm.xlane v23, v1;
	v32 =	vld [tilespmem:s15+$0xFFFFFF10];
	v20 =	vsel vm0, v20, v22  }
0x332: {  	v40 =	vld [tilespmem:s10+$0xFFFFFF90];
	v22 =	vmul.f32 v31, v33;
	v31 =	vperm.xlane v20, v1  }
0x333: {  	v23 =	vadd.f32 v23, v35;
	v33 =	vld [tilespmem:s18+$0xFFFFFF10]  }
0x334: {  	v35 =	vld [tilespmem:s10+$0xFFFFFF20];
	v22 =	vadd.f32 v27, v22;
	v27 =	vmul.f32 $2.000000030e-01, v25;
	v31 =	vadd.f32 v20, v31  }
0x335: {  	v41 =	vld [tilespmem:s10+$0xFFFFFF10];
	v20 =	vmul.f32 v26, v39;
	v26 =	vmul.f32 $2.000000030e-01, v38  }
0x336: {  	v30 =	vmul.f32 v30, v37;
	v39 =	vld [tilespmem:s10+$0xFFFFFFA0];
	v25 =	vmax.f32 v25, v27;
	v27 =	vperm.xlane v31, v2  }
0x337: {  	v44 =	vmul.f32 $2.000000030e-01, v28;
	v43 =	vadd.f32 v24, v22;
	v42 =	vld [tilespmem:s18+$0xFFFFFF20];
	v37 =	vmul.f32 $2.000000030e-01, v40  }
0x338: {  	v22 =	vmul.f32 v34, v36;
	v24 =	vmul.f32 v25, v9;
	v47 =	vld [tilespmem:s18+$0x0];
	v25 =	vadd.f32 v31, v27  }
0x339: {  	v36 =	vperm.xlane v23, v2;
	v26 =	vmax.f32 v38, v26;
	v31 =	vmul.f32 $2.000000030e-01, v35;
	v34 =	vld [tilespmem:s18+$0xFFFFFF50]  }
0x33a: {  	v28 =	vmax.f32 v28, v44;
	v27 =	vmul.f32 v33, v32;
	v33 =	vmax.f32 v40, v37;
	v32 =	vld [tilespmem:s15+$0xFFFFFF50]  }
0x33b: {  	v38 =	vmul.f32 v26, v10;
	v31 =	vmax.f32 v35, v31;
	v26 =	vld [tilespmem:s15+$0xFFFFFF60];
	v35 =	vadd.f32 v23, v36  }
0x33c: {  	v30 =	vadd.f32 v30, v43;
	v23 =	vmul.f32 v28, v10;
	v28 =	vperm.xlane v25, v4;
	v36 =	vld [tilespmem:s10+$0xFFFFFF50]  }
0x33d: {  	v44 =	vmov s14;
	v40 =	vmul.f32 $2.000000030e-01, v29;
	v37 =	vmul.f32 $2.000000030e-01, v41;
	v43 =	vld [tilespmem:s18+$0xFFFFFF60]  }
0x33e: {  	v46 =	vmul.f32 $2.000000030e-01, v39;
	v48 =	vperm.xlane v35, v4;
	v49 =	vadd.f32 v25, v28;
	v45 =	vld [tilespmem:s10+$0xFFFFFF60]  }
0x33f: {  	vm1 =	veq.s32 v44, v3;
	v29 =	vmax.f32 v29, v40;
	v25 =	vmul.f32 v34, v32;
	v28 =	vld [tilespmem:s10+$0xFFFFFFD0]  }
0x340: {  	v40 =	vmul.f32 v29, v9;
	v32 =	vmul.f32 v31, v8;
	v35 =	vadd.f32 v35, v48;
	v29 =	vld [tilespmem:s10+$0xFFFFFF70]  }
0x341: {  	v34 =	vmax.f32 v39, v46;
	v46 =	vperm.xlane v49, v5;
	v31 =	vmul.f32 $2.000000030e-01, v36;
	v44 =	vld [tilespmem:s18+$0xFFFFFF70]  }
0x342: {  	s21 =	sadd.s32 $0x1, s14;
	s14 =	smov.u32 s20;
	v37 =	vmax.f32 v41, v37;
	v39 =	vperm.xlane v35, v6;
	v26 =	vmul.f32 v43, v26;
	v41 =	vld [tilespmem:s15+$0xFFFFFF70]  }
0x343: {  	v48 =	vmov s21;
	v43 =	vmul.f32 v34, v8;
	v36 =	vmax.f32 v36, v31;
	v31 =	vld [tilespmem:s10+$0x0]  }
0x344: {  	v16 =	vsel vm1, v39, v16;
	v34 =	vmul.f32 v36, v11;
	v50 =	vld [tilespmem:s15+$0x0];
	v36 =	vperm.xlane v49, v6  }
0x345: {  	vm2 =	veq.s32 v48, v3;
	v52 =	vperm.xlane v35, v5;
	v49 =	vmul.f32 $2.000000030e-01, v29;
	v51 =	vld [tilespmem:s18+$0xFFFFFFF0]  }
0x346: {  	v35 =	vmul.f32 v37, v7;
	v37 =	vmul.f32 $2.000000030e-01, v45;
	v39 =	vld [tilespmem:s10+$0xFFFFFF80];
	v16 =	vsel vm2, v36, v16  }
0x347: {  	v36 =	vmul.f32 $2.000000030e-01, v28;
	v48 =	vmax.f32 v29, v49;
	v49 =	vmul.f32 v33, v7;
	v53 =	vld [tilespmem:s15+$0xFFFFFFF0]  }
.Ltmp9:
0x348: {  	v32 =	vadd.f32 v32, v35;
	v19 =	vsel vm1, v52, v19;
	v29 =	vmul.f32 v44, v41;
	v35 =	vld [tilespmem:s18+$0xFFFFFF80];
	(pc) =	sbr.rel @p0 .LBB2_21-.Ltmp9, $4  }
0x349: {  	v19 =	vsel vm2, v46, v19;
	v41 =	vmax.f32 v45, v37;
	v33 =	vmul.f32 v48, v13;
	v37 =	vld [tilespmem:s15+$0xFFFFFF80]  }
0x34a: {  	v44 =	vmul.f32 v42, v21;
	v21 =	vadd.f32 v40, v32;
	v40 =	vmul.f32 v41, v12;
	v42 =	vld [tilespmem:s18+$0xFFFFFFE0]  }
0x34b: {  	v46 =	vadd.f32 v43, v49;
	v32 =	vmul.f32 v47, v50;
	v45 =	vmul.f32 $2.000000030e-01, v39;
	v43 =	vld [tilespmem:s15+$0xFFFFFFE0]  }
0x34c: {  	v48 =	vmul.f32 $2.000000030e-01, v31;
	v47 =	vadd.f32 v38, v21;
	s15 =	sadd.s32 $0x100, s15;
	v41 =	vld [tilespmem:s10+$0xFFFFFFF0];
	v38 =	vmul.f32 v51, v53  }
0x34d: {  	v21 =	vadd.f32 v44, v27;
	_ =	sdelay $0x1  }
0x34e: {  	v20 =	vadd.f32 v20, v21  }
0x34f: {  	v45 =	vmax.f32 v39, v45;
	v24 =	vadd.f32 v24, v46;
	v28 =	vmax.f32 v28, v36  }
0x350: {  	v22 =	vadd.f32 v22, v30;
	v17 =	vmul.f32 v17, v12;
	v18 =	vadd.f32 v18, v20  }
0x351: {  	v47 =	vadd.f32 v34, v47;
	v28 =	vmul.f32 v28, v11;
	v23 =	vadd.f32 v23, v24  }
0x352: {  	v49 =	vmax.f32 v31, v48;
	v50 =	vmul.f32 $2.000000030e-01, v41;
	v18 =	vadd.f32 v25, v18  }
0x353: {  	v53 =	vmul.f32 v35, v37;
	v51 =	vmul.f32 v42, v43;
	v23 =	vadd.f32 v28, v23  }
0x354: {  	v27 =	vadd.f32 v40, v47;
	v24 =	vmax.f32 v41, v50;
	v18 =	vadd.f32 v26, v18  }
0x355: {  	v22 =	vadd.f32 v51, v22;
	v17 =	vadd.f32 v17, v23;
	v52 =	vmul.f32 v24, v13  }
0x356: {  	v21 =	vmul.f32 v45, v14;
	v54 =	vadd.f32 v33, v27;
	v18 =	vadd.f32 v29, v18  }
0x357: {  	v20 =	vmul.f32 v49, v14;
	v22 =	vadd.f32 v38, v22;
	v17 =	vadd.f32 v52, v17  }
0x358: {  	v21 =	vadd.f32 v21, v54;
	v18 =	vadd.f32 v53, v18  }
0x359: {  	v22 =	vadd.f32 v32, v22;
	v17 =	vadd.f32 v20, v17  }
0x35a: {  	v55 =	vperm.xlane v21, v0;
	v56 =	vperm.xlane v18, v0  }
0x35b: {  	v57 =	vperm.xlane v22, v0;
	v58 =	vperm.xlane v17, v0  }
0x35c: {  	v20 =	vadd.f32 v21, v55;
	v18 =	vadd.f32 v56, v18  }
0x35d: {  	v59 =	vadd.f32 v57, v22;
	v17 =	vadd.f32 v17, v58  }
0x35e: {  	v18 =	vsel vm0, v20, v18  }
0x35f: {  	v17 =	vsel vm0, v17, v59;
	v20 =	vperm.xlane v18, v1  }
0x360: {  	v21 =	vperm.xlane v17, v1  }
0x361: {  	v18 =	vadd.f32 v18, v20  }
0x362: {  	v17 =	vadd.f32 v17, v21  }
0x363: {  	v20 =	vperm.xlane v18, v2  }
0x364: {  	v21 =	vperm.xlane v17, v2  }
0x365: {  	v18 =	vadd.f32 v18, v20  }
0x366: {  	v17 =	vadd.f32 v17, v21  }
0x367: {  	v20 =	vperm.xlane v18, v4  }
0x368: {  	v21 =	vperm.xlane v17, v4  }
0x369: {  	v18 =	vadd.f32 v18, v20  }
0x36a: {  	v17 =	vadd.f32 v17, v21  }
0x36b: {  	v60 =	vmov s14;
	s10 =	sadd.s32 $0x1, s14;
	v61 =	vperm.xlane v18, v5  }
0x36c: {  	vm1 =	veq.s32 v60, v3;
	v63 =	vmov s10;
	v62 =	vperm.xlane v17, v5  }
0x36d: {  	vm2 =	veq.s32 v63, v3;
	v19 =	vsel vm1, v61, v19  }
0x36e: {  	v19 =	vsel vm2, v62, v19  }
0x36f: {  	v19 =	vadd.f32 v19, v15;
	_ =	sdelay $0x1  }
0x370: {  	v19 =	vsub.f32 $0.0e+00, v19;
	_ =	sdelay $0x1  }
0x371: {  	v19 =	vmul.f32 $1.442695020e+00, v19;
	_ =	sdelay $0x1  }
0x372: {  	(erf) = vpow2.f32 v19;
	_ =	sdelay $0x8  }
0x373: {  	v19 =	vpop (erf)  }
0x374: {  	v19 =	vadd.f32 $1.000000000e+00, v19;
	_ =	sdelay $0x1  }
0x375: {  	(erf) = vrcp.f32 v19;
	_ =	sdelay $0x4  }
0x376: {  	v17 =	vperm.xlane v17, v6  }
0x377: {  	s28 =	sshll.u32 s13, $0x4;
	s13 =	sadd.s32 $0x1, s13;
	v18 =	vperm.xlane v18, v6  }
0x378: {  	p0 =	sne.s32 s13, $0x5  }
.Ltmp10:
0x379: {  	v16 =	vsel vm1, v18, v16;
	(pc) =	sbr.rel @p0 .LBB2_20-.Ltmp10, $4  }
0x37a: {  	v16 =	vsel vm2, v17, v16;
	v17 =	vpop (erf)  }
0x37b: {  	v16 =	vmul.f32 v17, v16  }
0x37c: {  	s10 =	sand.u32 $0x3FFFFFF0, s28  }
0x37d: {  	s0 =	sadd.s32 $0x800, s0;
	s1 =	sadd.s32 $0x800, s1;
	s12 =	sadd.s32 $0x800, s12;
	[tilespmem:s10+$0x1B880] =	vst v16  }
0x37e: {  	s0 =	rddreg [dreg:$0x8];
	s1 =	simm.s32 $0x1B880;
	s23 =	simm.s32 $0x9  }
0x37f: {  	[hbm4b:s0+s5] =	stream.linear.scatter [tilespmem:s1], [sflag:$0x8], $0x50, $0x38;
	[tilespmem:$0x1BA00] =	vst v63  }
0x380: {  	_ =	swait.ge [sflag:s23], $0x50  }
0x381: {  	[sflag:s23] =	ssyncset.done $0x0  }
0x382: {  	s24 =	simm.s32 $0x7;
	[sflag:s23] =	ssyncadd.s32 $0xFFFFFFB0  }
0x383: {  	_ =	swait.ge [sflag:s24], $0x50  }
0x384: {  	[sflag:s24] =	ssyncset.done $0x0  }
0x385: {  	s25 =	simm.s32 $0x8;
	[sflag:s24] =	ssyncadd.s32 $0xFFFFFFB0  }
0x386: {  	_ =	swait.ge [sflag:s25], $0x50  }
0x387: {  	s10 =	rddreg [dreg:$0xa]  }
0x388: {  	s28 =	rddreg [dreg:$0x9];
	s10 =	sadd.s32 $0x1, s10  }
0x389: {  	p0 =	sne.s32 s10, s28  }
.Ltmp11:
0x38a: {  	_ = 	snop;
	(pc) =	sbr.rel @p0 .LBB2_1-.Ltmp11, $3  }
0x38b: {  	_ =	sdelay $0x1  }
0x38c: {  	[sflag:s25] =	ssyncset.done $0x0  }
0x38d: {  	[sflag:s25] =	ssyncadd.s32 $0xFFFFFFB0  }
0x38e: {  	_ =	sfence.sel $0x180000  }
0x38f: {  	[bflag:$0x0] =	sbarrier.arrive $0xFFFF  }
0x390: {  	_ =	strace $0x90000047  }
0x391: {  	s0 =	stileid.u32;
	[bflag:$0x2] =	sbarrier.arrive $0xFFFF  }
0x392: {  	p0 =	sne.s32 s0, $0x0;
	s0 =	rddreg [dreg:$0x3]  }
0x393: {  	s0 =	sadd.s32 @!p0 $0x100000, s0  }
0x394: {  	[sflag:s0] =	ssyncadd.tile.s32 @!p0 $0x1;
	_ =	shalt  }
.Lfunc_end2:
_tile_overlayer_lowered:
.L_overlay_start_2:
0x395: {  	(tag) =	ssettag $0x2  }
0x396: {  	s0 =	rddreg [dreg:$0x0];
	s2 =	stileid.u32  }
0x397: {  	s1 =	rddreg [dreg:$0x1];
	p0 =	sne.s32 s2, $0x0  }
0x398: {  	s3 =	rddreg [dreg:$0x2];
	[bflag:$0x3] =	sbarrier.arrive $0xFFFF;
	s2 =	simm.s32 @!p0 $0x1C0A  }
0x399: {  	[timem:s3], [sflag:s2] =	dma.local @!p0 [hbm:s0], s1  }
0x39a: {  	s0 =	simm.s32 @!p0 $0xA  }
0x39b: {  	_ =	swait.ge @!p0 [sflag:s0], s1  }
0x39c: {  	s1 =	ssub.s32 @!p0 $0x0, s1;
	[sflag:s0] =	ssyncset.done @!p0 $0x0  }
0x39d: {  	[sflag:s0] =	ssyncadd.s32 @!p0 s1  }
0x39e: {  	[bflag:$0x3] =	sbarrier.arrive $0xFFFF  }
0x39f: {  	_ =	shalt  }

</sc_bundles>
